<compile_context>
chip_gen: v7x
topology: tpu7x:2x2x1
jax: 0.10.2.dev20260603
libtpu: 0.0.44.dev20260713+nightly
codegen_flags: <defaults>
</compile_context>

<pallas_src>
import functools

import jax
import jax.numpy as jnp
from jax import lax
from jax.experimental import pallas as pl
from jax.experimental.pallas import tpu as pltpu
from jax.experimental.pallas import tpu_sc as plsc

_B, _T, _F = 32, 2048, 768
_ROWS = _B * _T
_NC, _NS = 2, 16
_NW = _NC * _NS
_RW = _ROWS // _NW
_GU = 16
_GM = 16
_NV = _RW // 16
_NBU = _RW // _GU + 1
_NBM = _RW // _GM + 1
_KU = 6
_LAG = 4
_KM = 16
_BIG = 2**30

_mesh = plsc.VectorSubcoreMesh(core_axis_name="c", subcore_axis_name="s")


def _sc_body(x_hbm, mask_hbm, emb_hbm, out_hbm,
             mvec, idx1u, idx1m, idxu2, idxm2, embbuf, buf,
             gsem, ssem, msem):
    wid = lax.axis_index("s") * _NC + lax.axis_index("c")
    base = wid * _RW
    iota16 = lax.iota(jnp.int32, 16)

    pltpu.sync_copy(mask_hbm.at[pl.ds(base, _RW)], mvec)

    pltpu.sync_copy(emb_hbm, embbuf)

    def cstep(k, carry):
        off_u, off_m = carry
        mv = mvec[pl.ds(k * 16, 16)]
        m = mv != 0
        bin_m = jnp.where(m, jnp.int32(1), jnp.int32(0))
        c_m = plsc.cumsum(bin_m)
        c_u = (iota16 + 1) - c_m
        rid = base + k * 16 + iota16
        plsc.store_scatter(idx1m, [off_m + c_m - 1], rid, mask=m)
        plsc.store_scatter(idx1u, [off_u + c_u - 1], rid, mask=~m)
        nm = jnp.max(c_m)
        return (off_u + (16 - nm), off_m + nm)

    n_u, n_m = lax.fori_loop(0, _NV, cstep, (jnp.int32(0), jnp.int32(0)))

    first_u = jnp.min(jnp.where(iota16 == 0, idx1u[pl.ds(0, 16)], _BIG))
    first_u = jnp.where(n_u > 0, first_u, base)
    first_m = jnp.min(jnp.where(iota16 == 0, idx1m[pl.ds(0, 16)], _BIG))
    first_m = jnp.where(n_m > 0, first_m, base)
    idx1u[pl.ds(n_u, 16)] = jnp.full((16,), 0, jnp.int32) + first_u
    idx1m[pl.ds(n_m, 16)] = jnp.full((16,), 0, jnp.int32) + first_m

    def r2d(j, _):
        idxu2[j, :] = idx1u[pl.ds(j * _GU, 16)]
        idxm2[j, :] = idx1m[pl.ds(j * _GM, 16)]
        return 0

    lax.fori_loop(0, _NBU, r2d, 0)

    nb_u = (n_u + _GU - 1) // _GU
    nb_m = (n_m + _GM - 1) // _GM

    n_outm = (nb_m + _KM - 1) // _KM

    def mouter(o, _):
        for b in range(_KM):
            i = o * _KM + b

            @pl.when(i < nb_m)
            def _():
                @pl.when(i >= _KM)
                def _():
                    pltpu.make_async_copy(
                        embbuf, out_hbm.at[idxm2.at[0]], msem.at[b]
                    ).wait()

                pltpu.async_copy(embbuf, out_hbm.at[idxm2.at[i]], msem.at[b])
        return 0

    lax.fori_loop(0, n_outm, mouter, 0)

    tot = nb_u + _LAG
    n_out = (tot + _KU - 1) // _KU

    def uouter(o, _):
        for b in range(_KU):
            i = o * _KU + b
            j = i - _LAG
            sj = (b - _LAG) % _KU

            @pl.when((j >= 0) & (j < nb_u))
            def _():
                pltpu.make_async_copy(
                    x_hbm.at[idxu2.at[j]], buf.at[sj], gsem.at[sj]
                ).wait()
                pltpu.async_copy(
                    buf.at[sj], out_hbm.at[idxu2.at[j]], ssem.at[sj]
                )

            @pl.when(i < nb_u)
            def _():
                @pl.when(i >= _KU)
                def _():
                    pltpu.make_async_copy(
                        buf.at[b], out_hbm.at[idxu2.at[0]], ssem.at[b]
                    ).wait()

                pltpu.async_copy(x_hbm.at[idxu2.at[i]], buf.at[b], gsem.at[b])
        return 0

    lax.fori_loop(0, n_out, uouter, 0)

    for b in range(_KU):
        @pl.when(b < nb_u)
        def _():
            pltpu.make_async_copy(
                buf.at[b], out_hbm.at[idxu2.at[0]], ssem.at[b]
            ).wait()

    for b in range(_KM):
        @pl.when(b < nb_m)
        def _():
            pltpu.make_async_copy(
                embbuf, out_hbm.at[idxm2.at[0]], msem.at[b]
            ).wait()


@functools.partial(jax.jit)
def _sc_call(x2, mask_i32, emb2):
    return pl.kernel(
        _sc_body,
        out_type=jax.ShapeDtypeStruct((_ROWS, _F), jnp.float32),
        mesh=_mesh,
        compiler_params=pltpu.CompilerParams(needs_layout_passes=False),
        scratch_types=[
            pltpu.VMEM((_RW,), jnp.int32),
            pltpu.VMEM((_RW + _GU,), jnp.int32),
            pltpu.VMEM((_RW + _GM,), jnp.int32),
            pltpu.VMEM((_NBU, _GU), jnp.int32),
            pltpu.VMEM((_NBM, _GM), jnp.int32),
            pltpu.VMEM((_GM, _F), jnp.float32),
            pltpu.VMEM((_KU, _GU, _F), jnp.float32),
            pltpu.SemaphoreType.DMA((_KU,)),
            pltpu.SemaphoreType.DMA((_KU,)),
            pltpu.SemaphoreType.DMA((_KM,)),
        ],
    )(x2, mask_i32, emb2)


def kernel(x, mask, mask_emb):
    x2 = x.reshape(_ROWS, _F)
    mask_i32 = mask.reshape(_ROWS).astype(jnp.int32)
    emb2 = jnp.broadcast_to(mask_emb[None, :], (_GM, _F))
    out = _sc_call(x2, mask_i32, emb2)
    return out.reshape(_B, _T, _F)

# --- scband reference (transcript-rebuilt; emitter-appended) ---
"""Pipeline reference for scband-w2-v2-feature-masker-28956669509847 (READ-ONLY COPY).

The authoritative reference and input builder live on the scoring server;
editing this copy changes nothing except your own understanding.
"""

import jax, jax.numpy as jnp
import numpy as np


def setup_inputs(seed: int = 0) -> dict:
    key = jax.random.key(seed)
    k1, k2, k3 = jax.random.split(key, 3)
    x = jax.random.normal(k1, (32, 2048, 768), dtype=jnp.float32)
    mask = jax.random.randint(k2, (32, 2048), 0, 2).astype(jnp.bool_)
    # learned parameter: mask embedding, initialized uniform like nn.Parameter(...).uniform_()
    mask_emb = jax.random.uniform(k3, (768,), dtype=jnp.float32)
    return {"x": x, "mask": mask, "mask_emb": mask_emb}


def reference(x, mask, mask_emb):
    # torch: x[mask] = self.mask_emb  (masked scatter-overwrite of rows)
    # jax equivalent: broadcast mask over feature dim, overwrite masked rows with mask_emb
    out = jnp.where(mask[..., None], mask_emb, x)
    return out

if __name__ == "__main__":
    import jax
    _d = setup_inputs()
    print(jax.jit(kernel)(*tuple(_d.values())))

</pallas_src>

<mosaic_0001>
#map = affine_map<(d0, d1) -> (0, 0)>
#map1 = affine_map<(d0, d1) -> (0)>
module attributes {stable_mosaic.version = 14 : i64} {
  func.func @_sc_body(%arg0: i32, %arg1: i32, %arg2: memref<65536x768xf32, #tpu.memory_space<hbm>>, %arg3: memref<65536xi32, #tpu.memory_space<hbm>>, %arg4: memref<16x768xf32, #tpu.memory_space<hbm>>, %arg5: memref<65536x768xf32, #tpu.memory_space<hbm>>, %arg6: memref<2048xi32, #tpu.memory_space<vmem>>, %arg7: memref<2064xi32, #tpu.memory_space<vmem>>, %arg8: memref<2064xi32, #tpu.memory_space<vmem>>, %arg9: memref<129x16xi32, #tpu.memory_space<vmem>>, %arg10: memref<129x16xi32, #tpu.memory_space<vmem>>, %arg11: memref<16x768xf32, #tpu.memory_space<vmem>>, %arg12: memref<6x16x768xf32, #tpu.memory_space<vmem>>, %arg13: memref<6x!tpu.dma_semaphore, #tpu.memory_space<semaphore_mem>>, %arg14: memref<6x!tpu.dma_semaphore, #tpu.memory_space<semaphore_mem>>, %arg15: memref<16x!tpu.dma_semaphore, #tpu.memory_space<semaphore_mem>>) attributes {dimension_semantics = [#tpu.dimension_semantics<core_parallel>, #tpu.dimension_semantics<subcore_parallel>], iteration_bounds = array<i64: 2, 16>, scalar_prefetch = 0 : i64, scratch_operands = 10 : i64, tpu.core_type = #tpu.core_type<sc_vector_subcore>, window_params = [{transform_indices = #map}, {transform_indices = #map1}, {transform_indices = #map}, {transform_indices = #map}]} {
    %mul3A = arith.constant 2 : i32
    %mul3A_0 = arith.muli %arg1, %mul3A : i32
    %add3A = arith.addi %mul3A_0, %arg0 : i32
    %mul3A_1 = arith.constant 2048 : i32
    %mul3A_2 = arith.muli %add3A, %mul3A_1 : i32
    %iota3A = tpu.iota {dimensions = array<i32: 0>} : vector<16xi32>
    "tpu.region"() ({
      %run_scoped3A = tpu.sem_alloc : memref<!tpu.dma_semaphore, #tpu.memory_space<semaphore_mem>>
      %dma_start3A = tpu.memref_slice %arg3[%mul3A_2] : memref<65536xi32, #tpu.memory_space<hbm>> -> memref<2048xi32, #tpu.memory_space<hbm>>
      %dma_start3A_298 = tpu.memref_slice %arg3[%mul3A_2] : memref<65536xi32, #tpu.memory_space<hbm>> -> memref<2048xi32, #tpu.memory_space<hbm>>
      tpu.enqueue_dma source(%dma_start3A_298 : memref<2048xi32, #tpu.memory_space<hbm>>) target(%arg6 : memref<2048xi32, #tpu.memory_space<vmem>>) target_semaphore(%run_scoped3A : memref<!tpu.dma_semaphore, #tpu.memory_space<semaphore_mem>>)
      %dma_wait3A = tpu.memref_slice %arg3[%mul3A_2] : memref<65536xi32, #tpu.memory_space<hbm>> -> memref<2048xi32, #tpu.memory_space<hbm>>
      %dma_wait3A_299 = tpu.memref_slice %arg3[%mul3A_2] : memref<65536xi32, #tpu.memory_space<hbm>> -> memref<2048xi32, #tpu.memory_space<hbm>>
      tpu.wait_dma2 semaphore(%run_scoped3A : memref<!tpu.dma_semaphore, #tpu.memory_space<semaphore_mem>>) src(%dma_wait3A_299 : memref<2048xi32, #tpu.memory_space<hbm>>) dst(%arg6 : memref<2048xi32, #tpu.memory_space<vmem>>)
      tpu.yield
    }) : () -> ()
    "tpu.region"() ({
      %run_scoped3A = tpu.sem_alloc : memref<!tpu.dma_semaphore, #tpu.memory_space<semaphore_mem>>
      tpu.enqueue_dma source(%arg4 : memref<16x768xf32, #tpu.memory_space<hbm>>) target(%arg11 : memref<16x768xf32, #tpu.memory_space<vmem>>) target_semaphore(%run_scoped3A : memref<!tpu.dma_semaphore, #tpu.memory_space<semaphore_mem>>)
      tpu.wait_dma2 semaphore(%run_scoped3A : memref<!tpu.dma_semaphore, #tpu.memory_space<semaphore_mem>>) src(%arg4 : memref<16x768xf32, #tpu.memory_space<hbm>>) dst(%arg11 : memref<16x768xf32, #tpu.memory_space<vmem>>)
      tpu.yield
    }) : () -> ()
    %scan3A = arith.constant 0 : i32
    %scan3A_3 = arith.constant 0 : i32
    %scan3A_4 = arith.constant 0 : i32
    %scan3A_5 = arith.constant 128 : i32
    %scan3A_6 = arith.addi %scan3A_4, %scan3A_5 : i32
    %scan3A_7 = arith.constant 1 : i32
    %scan3A_8:2 = scf.for %scan3A_298 = %scan3A_4 to %scan3A_6 step %scan3A_7 iter_args(%scan3A_299 = %scan3A, %scan3A_300 = %scan3A_3) -> (i32, i32)  : i32 {
      %mul3A_301 = arith.constant 16 : i32
      %mul3A_302 = arith.muli %scan3A_298, %mul3A_301 : i32
      %get3A_303 = arith.index_cast %mul3A_302 : i32 to index
      %get3A_304 = tpu.vector_load %arg6[%get3A_303] {strides = array<i32>} : memref<2048xi32, #tpu.memory_space<vmem>>, vector<16xi32>,
      %ne3A_305 = arith.constant 0 : i32
      %ne3A_306 = vector.broadcast %ne3A_305 : i32 to vector<16xi32>
      %ne3A_307 = arith.cmpi ne, %get3A_304, %ne3A_306 : vector<16xi32>
      %jit3A_308 = arith.constant 1 : i32
      %jit3A_309 = arith.constant 0 : i32
      %broadcast_in_dim3A_310 = vector.broadcast %jit3A_308 : i32 to vector<16xi32>
      %broadcast_in_dim3A_311 = vector.broadcast %jit3A_309 : i32 to vector<16xi32>
      %select_n3A_312 = arith.select %ne3A_307, %broadcast_in_dim3A_310, %broadcast_in_dim3A_311 : vector<16xi1>, vector<16xi32>
      %broadcast_in_dim3A_313 = arith.constant true
      %broadcast_in_dim3A_314 = vector.broadcast %broadcast_in_dim3A_313 : i1 to vector<16xi1>
      %masked_cumsum3A = tpu.scan <sum>, %select_n3A_312 masked %broadcast_in_dim3A_314 : vector<16xi32>, vector<16xi1> -> vector<16xi32>
      %add3A_315 = arith.constant 1 : i32
      %add3A_316 = vector.broadcast %add3A_315 : i32 to vector<16xi32>
      %add3A_317 = arith.addi %iota3A, %add3A_316 : vector<16xi32>
      %sub3A_318 = arith.subi %add3A_317, %masked_cumsum3A : vector<16xi32>
      %mul3A_319 = arith.constant 16 : i32
      %mul3A_320 = arith.muli %scan3A_298, %mul3A_319 : i32
      %add3A_321 = arith.addi %mul3A_2, %mul3A_320 : i32
      %add3A_322 = vector.broadcast %add3A_321 : i32 to vector<16xi32>
      %add3A_323 = arith.addi %add3A_322, %iota3A : vector<16xi32>
      %add3A_324 = vector.broadcast %scan3A_300 : i32 to vector<16xi32>
      %add3A_325 = arith.addi %add3A_324, %masked_cumsum3A : vector<16xi32>
      %sub3A_326 = arith.constant 1 : i32
      %sub3A_327 = vector.broadcast %sub3A_326 : i32 to vector<16xi32>
      %sub3A_328 = arith.subi %add3A_325, %sub3A_327 : vector<16xi32>
      tpu.vector_store_idx %arg8[%sub3A_328], %add3A_323 masked %ne3A_307 : memref<2064xi32, #tpu.memory_space<vmem>>[vector<16xi32>], vector<16xi32>, vector<16xi1>
      %add3A_329 = vector.broadcast %scan3A_299 : i32 to vector<16xi32>
      %add3A_330 = arith.addi %add3A_329, %sub3A_318 : vector<16xi32>
      %sub3A_331 = arith.constant 1 : i32
      %sub3A_332 = vector.broadcast %sub3A_331 : i32 to vector<16xi32>
      %sub3A_333 = arith.subi %add3A_330, %sub3A_332 : vector<16xi32>
      %not3A = arith.constant dense<true> : vector<16xi1>
      %not3A_334 = arith.xori %ne3A_307, %not3A : vector<16xi1>
      tpu.vector_store_idx %arg7[%sub3A_333], %add3A_323 masked %not3A_334 : memref<2064xi32, #tpu.memory_space<vmem>>[vector<16xi32>], vector<16xi32>, vector<16xi1>
      %reduce_max3A = arith.constant true
      %reduce_max3A_335 = vector.broadcast %reduce_max3A : i1 to vector<16xi1>
      %reduce_max3A_336 = arith.constant -2147483648 : i32
      %reduce_max3A_337 = vector.broadcast %reduce_max3A_336 : i32 to vector<16xi32>
      %reduce_max3A_338 = arith.xori %masked_cumsum3A, %reduce_max3A_337 : vector<16xi32>
      %reduce_max3A_339 = tpu.scan <max>, %reduce_max3A_338 masked %reduce_max3A_335 : vector<16xi32>, vector<16xi1> -> vector<16xi32>
      %reduce_max3A_340 = arith.xori %reduce_max3A_339, %reduce_max3A_337 : vector<16xi32>
      %reduce_max3A_341 = vector.extract %reduce_max3A_340[15] : i32 from vector<16xi32>
      %sub3A_342 = arith.constant 16 : i32
      %sub3A_343 = arith.subi %sub3A_342, %reduce_max3A_341 : i32
      %add3A_344 = arith.addi %scan3A_299, %sub3A_343 : i32
      %add3A_345 = arith.addi %scan3A_300, %reduce_max3A_341 : i32
      scf.yield %add3A_344, %add3A_345 : i32, i32
    }
    %scan3A_9 = arith.constant 128 : i32
    %eq3A = arith.constant 0 : i32
    %eq3A_10 = vector.broadcast %eq3A : i32 to vector<16xi32>
    %eq3A_11 = arith.cmpi eq, %iota3A, %eq3A_10 : vector<16xi32>
    %get3A = arith.constant 0 : index
    %get3A_12 = tpu.vector_load %arg7[%get3A] {strides = array<i32>} : memref<2064xi32, #tpu.memory_space<vmem>>, vector<16xi32>,
    %jit3A = arith.constant 1073741824 : i32
    %broadcast_in_dim3A = vector.broadcast %jit3A : i32 to vector<16xi32>
    %select_n3A = arith.select %eq3A_11, %get3A_12, %broadcast_in_dim3A : vector<16xi1>, vector<16xi32>
    %reduce_min3A = arith.constant true
    %reduce_min3A_13 = vector.broadcast %reduce_min3A : i1 to vector<16xi1>
    %reduce_min3A_14 = arith.constant -2147483648 : i32
    %reduce_min3A_15 = vector.broadcast %reduce_min3A_14 : i32 to vector<16xi32>
    %reduce_min3A_16 = arith.xori %select_n3A, %reduce_min3A_15 : vector<16xi32>
    %reduce_min3A_17 = tpu.scan <min>, %reduce_min3A_16 masked %reduce_min3A_13 : vector<16xi32>, vector<16xi1> -> vector<16xi32>
    %reduce_min3A_18 = arith.xori %reduce_min3A_17, %reduce_min3A_15 : vector<16xi32>
    %reduce_min3A_19 = vector.extract %reduce_min3A_18[15] : i32 from vector<16xi32>
    %gt3A = arith.constant 0 : i32
    %gt3A_20 = arith.cmpi sgt, %scan3A_8#0, %gt3A : i32
    %select_n3A_21 = arith.select %gt3A_20, %reduce_min3A_19, %mul3A_2 : i32
    %eq3A_22 = arith.constant 0 : i32
    %eq3A_23 = vector.broadcast %eq3A_22 : i32 to vector<16xi32>
    %eq3A_24 = arith.cmpi eq, %iota3A, %eq3A_23 : vector<16xi32>
    %get3A_25 = arith.constant 0 : index
    %get3A_26 = tpu.vector_load %arg8[%get3A_25] {strides = array<i32>} : memref<2064xi32, #tpu.memory_space<vmem>>, vector<16xi32>,
    %jit3A_27 = arith.constant 1073741824 : i32
    %broadcast_in_dim3A_28 = vector.broadcast %jit3A_27 : i32 to vector<16xi32>
    %select_n3A_29 = arith.select %eq3A_24, %get3A_26, %broadcast_in_dim3A_28 : vector<16xi1>, vector<16xi32>
    %reduce_min3A_30 = arith.constant true
    %reduce_min3A_31 = vector.broadcast %reduce_min3A_30 : i1 to vector<16xi1>
    %reduce_min3A_32 = arith.constant -2147483648 : i32
    %reduce_min3A_33 = vector.broadcast %reduce_min3A_32 : i32 to vector<16xi32>
    %reduce_min3A_34 = arith.xori %select_n3A_29, %reduce_min3A_33 : vector<16xi32>
    %reduce_min3A_35 = tpu.scan <min>, %reduce_min3A_34 masked %reduce_min3A_31 : vector<16xi32>, vector<16xi1> -> vector<16xi32>
    %reduce_min3A_36 = arith.xori %reduce_min3A_35, %reduce_min3A_33 : vector<16xi32>
    %reduce_min3A_37 = vector.extract %reduce_min3A_36[15] : i32 from vector<16xi32>
    %gt3A_38 = arith.constant 0 : i32
    %gt3A_39 = arith.cmpi sgt, %scan3A_8#1, %gt3A_38 : i32
    %select_n3A_40 = arith.select %gt3A_39, %reduce_min3A_37, %mul3A_2 : i32
    %broadcast_in_dim3A_41 = arith.constant 0 : i32
    %broadcast_in_dim3A_42 = vector.broadcast %broadcast_in_dim3A_41 : i32 to vector<16xi32>
    %add3A_43 = vector.broadcast %select_n3A_21 : i32 to vector<16xi32>
    %add3A_44 = arith.addi %broadcast_in_dim3A_42, %add3A_43 : vector<16xi32>
    %swap3A = arith.index_cast %scan3A_8#0 : i32 to index
    %swap3A_45 = tpu.vector_load %arg7[%swap3A] {strides = array<i32>} : memref<2064xi32, #tpu.memory_space<vmem>>, vector<16xi32>,
    tpu.vector_store %arg7[%swap3A], %add3A_44 {strides = array<i32>} : memref<2064xi32, #tpu.memory_space<vmem>>, vector<16xi32>,
    %broadcast_in_dim3A_46 = arith.constant 0 : i32
    %broadcast_in_dim3A_47 = vector.broadcast %broadcast_in_dim3A_46 : i32 to vector<16xi32>
    %add3A_48 = vector.broadcast %select_n3A_40 : i32 to vector<16xi32>
    %add3A_49 = arith.addi %broadcast_in_dim3A_47, %add3A_48 : vector<16xi32>
    %swap3A_50 = arith.index_cast %scan3A_8#1 : i32 to index
    %swap3A_51 = tpu.vector_load %arg8[%swap3A_50] {strides = array<i32>} : memref<2064xi32, #tpu.memory_space<vmem>>, vector<16xi32>,
    tpu.vector_store %arg8[%swap3A_50], %add3A_49 {strides = array<i32>} : memref<2064xi32, #tpu.memory_space<vmem>>, vector<16xi32>,
    %scan3A_52 = arith.constant 0 : i32
    %scan3A_53 = arith.constant 0 : i32
    %scan3A_54 = arith.constant 129 : i32
    %scan3A_55 = arith.addi %scan3A_53, %scan3A_54 : i32
    %scan3A_56 = arith.constant 1 : i32
    %scan3A_57 = scf.for %scan3A_298 = %scan3A_53 to %scan3A_55 step %scan3A_56 iter_args(%scan3A_299 = %scan3A_52) -> (i32)  : i32 {
      %mul3A_300 = arith.constant 16 : i32
      %mul3A_301 = arith.muli %scan3A_298, %mul3A_300 : i32
      %get3A_302 = arith.index_cast %mul3A_301 : i32 to index
      %get3A_303 = tpu.vector_load %arg7[%get3A_302] {strides = array<i32>} : memref<2064xi32, #tpu.memory_space<vmem>>, vector<16xi32>,
      %swap3A_304 = arith.index_cast %scan3A_298 : i32 to index
      %swap3A_305 = arith.constant 0 : index
      %swap3A_306 = tpu.vector_load %arg9[%swap3A_304, %swap3A_305] {strides = array<i32>} : memref<129x16xi32, #tpu.memory_space<vmem>>, vector<16xi32>,
      tpu.vector_store %arg9[%swap3A_304, %swap3A_305], %get3A_303 {strides = array<i32>} : memref<129x16xi32, #tpu.memory_space<vmem>>, vector<16xi32>,
      %mul3A_307 = arith.constant 16 : i32
      %mul3A_308 = arith.muli %scan3A_298, %mul3A_307 : i32
      %get3A_309 = arith.index_cast %mul3A_308 : i32 to index
      %get3A_310 = tpu.vector_load %arg8[%get3A_309] {strides = array<i32>} : memref<2064xi32, #tpu.memory_space<vmem>>, vector<16xi32>,
      %swap3A_311 = arith.index_cast %scan3A_298 : i32 to index
      %swap3A_312 = arith.constant 0 : index
      %swap3A_313 = tpu.vector_load %arg10[%swap3A_311, %swap3A_312] {strides = array<i32>} : memref<129x16xi32, #tpu.memory_space<vmem>>, vector<16xi32>,
      tpu.vector_store %arg10[%swap3A_311, %swap3A_312], %get3A_310 {strides = array<i32>} : memref<129x16xi32, #tpu.memory_space<vmem>>, vector<16xi32>,
      %scan3A_314 = arith.constant 0 : i32
      scf.yield %scan3A_314 : i32
    }
    %scan3A_58 = arith.constant 129 : i32
    %add3A_59 = arith.constant 16 : i32
    %add3A_60 = arith.addi %scan3A_8#0, %add3A_59 : i32
    %sub3A = arith.constant 1 : i32
    %sub3A_61 = arith.subi %add3A_60, %sub3A : i32
    %jit3A_62 = arith.constant 16 : i32
    %div3A = arith.divsi %sub3A_61, %jit3A_62 : i32
    %sign3A = arith.constant 0 : i32
    %sign3A_63 = arith.cmpi sgt, %sub3A_61, %sign3A : i32
    %sign3A_64 = arith.extui %sign3A_63 : i1 to i32
    %sign3A_65 = arith.constant 0 : i32
    %sign3A_66 = arith.cmpi slt, %sub3A_61, %sign3A_65 : i32
    %sign3A_67 = arith.extui %sign3A_66 : i1 to i32
    %sign3A_68 = arith.subi %sign3A_64, %sign3A_67 : i32
    %sign3A_69 = arith.constant 0 : i32
    %sign3A_70 = arith.cmpi sgt, %jit3A_62, %sign3A_69 : i32
    %sign3A_71 = arith.extui %sign3A_70 : i1 to i32
    %sign3A_72 = arith.constant 0 : i32
    %sign3A_73 = arith.cmpi slt, %jit3A_62, %sign3A_72 : i32
    %sign3A_74 = arith.extui %sign3A_73 : i1 to i32
    %sign3A_75 = arith.subi %sign3A_71, %sign3A_74 : i32
    %ne3A = arith.cmpi ne, %sign3A_68, %sign3A_75 : i32
    %rem3A = arith.remsi %sub3A_61, %jit3A_62 : i32
    %ne3A_76 = arith.constant 0 : i32
    %ne3A_77 = arith.cmpi ne, %rem3A, %ne3A_76 : i32
    %and3A = arith.andi %ne3A, %ne3A_77 : i1
    %sub3A_78 = arith.constant 1 : i32
    %sub3A_79 = arith.subi %div3A, %sub3A_78 : i32
    %select_n3A_80 = arith.select %and3A, %sub3A_79, %div3A : i32
    %add3A_81 = arith.constant 16 : i32
    %add3A_82 = arith.addi %scan3A_8#1, %add3A_81 : i32
    %sub3A_83 = arith.constant 1 : i32
    %sub3A_84 = arith.subi %add3A_82, %sub3A_83 : i32
    %jit3A_85 = arith.constant 16 : i32
    %div3A_86 = arith.divsi %sub3A_84, %jit3A_85 : i32
    %sign3A_87 = arith.constant 0 : i32
    %sign3A_88 = arith.cmpi sgt, %sub3A_84, %sign3A_87 : i32
    %sign3A_89 = arith.extui %sign3A_88 : i1 to i32
    %sign3A_90 = arith.constant 0 : i32
    %sign3A_91 = arith.cmpi slt, %sub3A_84, %sign3A_90 : i32
    %sign3A_92 = arith.extui %sign3A_91 : i1 to i32
    %sign3A_93 = arith.subi %sign3A_89, %sign3A_92 : i32
    %sign3A_94 = arith.constant 0 : i32
    %sign3A_95 = arith.cmpi sgt, %jit3A_85, %sign3A_94 : i32
    %sign3A_96 = arith.extui %sign3A_95 : i1 to i32
    %sign3A_97 = arith.constant 0 : i32
    %sign3A_98 = arith.cmpi slt, %jit3A_85, %sign3A_97 : i32
    %sign3A_99 = arith.extui %sign3A_98 : i1 to i32
    %sign3A_100 = arith.subi %sign3A_96, %sign3A_99 : i32
    %ne3A_101 = arith.cmpi ne, %sign3A_93, %sign3A_100 : i32
    %rem3A_102 = arith.remsi %sub3A_84, %jit3A_85 : i32
    %ne3A_103 = arith.constant 0 : i32
    %ne3A_104 = arith.cmpi ne, %rem3A_102, %ne3A_103 : i32
    %and3A_105 = arith.andi %ne3A_101, %ne3A_104 : i1
    %sub3A_106 = arith.constant 1 : i32
    %sub3A_107 = arith.subi %div3A_86, %sub3A_106 : i32
    %select_n3A_108 = arith.select %and3A_105, %sub3A_107, %div3A_86 : i32
    %add3A_109 = arith.constant 16 : i32
    %add3A_110 = arith.addi %select_n3A_108, %add3A_109 : i32
    %sub3A_111 = arith.constant 1 : i32
    %sub3A_112 = arith.subi %add3A_110, %sub3A_111 : i32
    %jit3A_113 = arith.constant 16 : i32
    %div3A_114 = arith.divsi %sub3A_112, %jit3A_113 : i32
    %sign3A_115 = arith.constant 0 : i32
    %sign3A_116 = arith.cmpi sgt, %sub3A_112, %sign3A_115 : i32
    %sign3A_117 = arith.extui %sign3A_116 : i1 to i32
    %sign3A_118 = arith.constant 0 : i32
    %sign3A_119 = arith.cmpi slt, %sub3A_112, %sign3A_118 : i32
    %sign3A_120 = arith.extui %sign3A_119 : i1 to i32
    %sign3A_121 = arith.subi %sign3A_117, %sign3A_120 : i32
    %sign3A_122 = arith.constant 0 : i32
    %sign3A_123 = arith.cmpi sgt, %jit3A_113, %sign3A_122 : i32
    %sign3A_124 = arith.extui %sign3A_123 : i1 to i32
    %sign3A_125 = arith.constant 0 : i32
    %sign3A_126 = arith.cmpi slt, %jit3A_113, %sign3A_125 : i32
    %sign3A_127 = arith.extui %sign3A_126 : i1 to i32
    %sign3A_128 = arith.subi %sign3A_124, %sign3A_127 : i32
    %ne3A_129 = arith.cmpi ne, %sign3A_121, %sign3A_128 : i32
    %rem3A_130 = arith.remsi %sub3A_112, %jit3A_113 : i32
    %ne3A_131 = arith.constant 0 : i32
    %ne3A_132 = arith.cmpi ne, %rem3A_130, %ne3A_131 : i32
    %and3A_133 = arith.andi %ne3A_129, %ne3A_132 : i1
    %sub3A_134 = arith.constant 1 : i32
    %sub3A_135 = arith.subi %div3A_114, %sub3A_134 : i32
    %select_n3A_136 = arith.select %and3A_133, %sub3A_135, %div3A_114 : i32
    %while3A = arith.constant 0 : i32
    %while3A_137 = arith.constant 0 : i32
    %while3A_138 = arith.subi %select_n3A_136, %while3A : i32
    %while3A_139 = arith.addi %while3A, %while3A_138 : i32
    %while3A_140 = arith.constant 1 : i32
    %while3A_141 = arith.divsi %while3A_138, %while3A_140 : i32
    %while3A_142 = arith.muli %while3A_141, %while3A_140 : i32
    %while3A_143 = arith.addi %while3A, %while3A_142 : i32
    %while3A_144 = arith.constant 1 : i32
    %while3A_145 = scf.for %while3A_298 = %while3A to %while3A_143 step %while3A_144 iter_args(%while3A_299 = %while3A_137) -> (i32)  : i32 {
      %mul3A_300 = arith.constant 16 : i32
      %mul3A_301 = arith.muli %while3A_298, %mul3A_300 : i32
      %add3A_302 = arith.constant 0 : i32
      %add3A_303 = arith.addi %mul3A_301, %add3A_302 : i32
      %lt3A = arith.cmpi slt, %add3A_303, %select_n3A_108 : i32
      %convert_element_type3A_304 = arith.extui %lt3A : i1 to i32
      %cond3A_305 = arith.constant 0 : i32
      %cond3A_306 = arith.cmpi ne, %convert_element_type3A_304, %cond3A_305 : i32
      scf.if %cond3A_306 {
        %ge3A = arith.constant 16 : i32
        %ge3A_428 = arith.cmpi sge, %add3A_303, %ge3A : i32
        %convert_element_type3A_429 = arith.extui %ge3A_428 : i1 to i32
        %cond3A_430 = arith.constant 0 : i32
        %cond3A_431 = arith.cmpi ne, %convert_element_type3A_429, %cond3A_430 : i32
        scf.if %cond3A_431 {
          %dma_wait3A = arith.constant 0 : i32
          %dma_wait3A_440 = arith.constant 0 : i32
          %dma_wait3A_441 = arith.constant 0 : i32
          %dma_wait3A_442 = tpu.memref_slice %arg10[%dma_wait3A, %dma_wait3A_441] : memref<129x16xi32, #tpu.memory_space<vmem>> -> memref<1x16xi32, #tpu.memory_space<vmem>>
          %dma_wait3A_443 = tpu.memref_squeeze %dma_wait3A_442 : memref<1x16xi32, #tpu.memory_space<vmem>> -> memref<16xi32, #tpu.memory_space<vmem>>
          %dma_wait3A_444 = arith.constant 0 : i32
          %dma_wait3A_445 = arith.constant 0 : i32
          %dma_wait3A_446 = tpu.memref_slice %arg5[%dma_wait3A_444, %dma_wait3A_445] : memref<65536x768xf32, #tpu.memory_space<hbm>> -> memref<65536x768xf32, #tpu.memory_space<hbm>>
          %dma_wait3A_447 = tpu.memref_slice %arg15[%dma_wait3A_440] : memref<16x!tpu.dma_semaphore, #tpu.memory_space<semaphore_mem>> -> memref<1x!tpu.dma_semaphore, #tpu.memory_space<semaphore_mem>>
          %dma_wait3A_448 = tpu.memref_squeeze %dma_wait3A_447 : memref<1x!tpu.dma_semaphore, #tpu.memory_space<semaphore_mem>> -> memref<!tpu.dma_semaphore, #tpu.memory_space<semaphore_mem>>
          tpu.wait_indirect_dma semaphore(%dma_wait3A_448 : memref<!tpu.dma_semaphore, #tpu.memory_space<semaphore_mem>>) src(%arg11 : memref<16x768xf32, #tpu.memory_space<vmem>>) dst(%dma_wait3A_446 : memref<65536x768xf32, #tpu.memory_space<hbm>>)
        } else {
        }
        %dma_start3A = arith.constant 0 : i32
        %dma_start3A_432 = arith.constant 0 : i32
        %dma_start3A_433 = tpu.memref_slice %arg10[%add3A_303, %dma_start3A_432] : memref<129x16xi32, #tpu.memory_space<vmem>> -> memref<1x16xi32, #tpu.memory_space<vmem>>
        %dma_start3A_434 = tpu.memref_squeeze %dma_start3A_433 : memref<1x16xi32, #tpu.memory_space<vmem>> -> memref<16xi32, #tpu.memory_space<vmem>>
        %dma_start3A_435 = arith.constant 0 : i32
        %dma_start3A_436 = arith.constant 0 : i32
        %dma_start3A_437 = tpu.memref_slice %arg5[%dma_start3A_435, %dma_start3A_436] : memref<65536x768xf32, #tpu.memory_space<hbm>> -> memref<65536x768xf32, #tpu.memory_space<hbm>>
        %dma_start3A_438 = tpu.memref_slice %arg15[%dma_start3A] : memref<16x!tpu.dma_semaphore, #tpu.memory_space<semaphore_mem>> -> memref<1x!tpu.dma_semaphore, #tpu.memory_space<semaphore_mem>>
        %dma_start3A_439 = tpu.memref_squeeze %dma_start3A_438 : memref<1x!tpu.dma_semaphore, #tpu.memory_space<semaphore_mem>> -> memref<!tpu.dma_semaphore, #tpu.memory_space<semaphore_mem>>
        tpu.enqueue_indirect_dma source(%arg11 : memref<16x768xf32, #tpu.memory_space<vmem>>) target(%dma_start3A_437 : memref<65536x768xf32, #tpu.memory_space<hbm>>) offsets(%dma_start3A_434 : memref<16xi32, #tpu.memory_space<vmem>>) semaphore(%dma_start3A_439 : memref<!tpu.dma_semaphore, #tpu.memory_space<semaphore_mem>>)
      } else {
      }
      %mul3A_307 = arith.constant 16 : i32
      %mul3A_308 = arith.muli %while3A_298, %mul3A_307 : i32
      %add3A_309 = arith.constant 1 : i32
      %add3A_310 = arith.addi %mul3A_308, %add3A_309 : i32
      %lt3A_311 = arith.cmpi slt, %add3A_310, %select_n3A_108 : i32
      %convert_element_type3A_312 = arith.extui %lt3A_311 : i1 to i32
      %cond3A_313 = arith.constant 0 : i32
      %cond3A_314 = arith.cmpi ne, %convert_element_type3A_312, %cond3A_313 : i32
      scf.if %cond3A_314 {
        %ge3A = arith.constant 16 : i32
        %ge3A_428 = arith.cmpi sge, %add3A_310, %ge3A : i32
        %convert_element_type3A_429 = arith.extui %ge3A_428 : i1 to i32
        %cond3A_430 = arith.constant 0 : i32
        %cond3A_431 = arith.cmpi ne, %convert_element_type3A_429, %cond3A_430 : i32
        scf.if %cond3A_431 {
          %dma_wait3A = arith.constant 0 : i32
          %dma_wait3A_440 = arith.constant 1 : i32
          %dma_wait3A_441 = arith.constant 0 : i32
          %dma_wait3A_442 = tpu.memref_slice %arg10[%dma_wait3A, %dma_wait3A_441] : memref<129x16xi32, #tpu.memory_space<vmem>> -> memref<1x16xi32, #tpu.memory_space<vmem>>
          %dma_wait3A_443 = tpu.memref_squeeze %dma_wait3A_442 : memref<1x16xi32, #tpu.memory_space<vmem>> -> memref<16xi32, #tpu.memory_space<vmem>>
          %dma_wait3A_444 = arith.constant 0 : i32
          %dma_wait3A_445 = arith.constant 0 : i32
          %dma_wait3A_446 = tpu.memref_slice %arg5[%dma_wait3A_444, %dma_wait3A_445] : memref<65536x768xf32, #tpu.memory_space<hbm>> -> memref<65536x768xf32, #tpu.memory_space<hbm>>
          %dma_wait3A_447 = tpu.memref_slice %arg15[%dma_wait3A_440] : memref<16x!tpu.dma_semaphore, #tpu.memory_space<semaphore_mem>> -> memref<1x!tpu.dma_semaphore, #tpu.memory_space<semaphore_mem>>
          %dma_wait3A_448 = tpu.memref_squeeze %dma_wait3A_447 : memref<1x!tpu.dma_semaphore, #tpu.memory_space<semaphore_mem>> -> memref<!tpu.dma_semaphore, #tpu.memory_space<semaphore_mem>>
          tpu.wait_indirect_dma semaphore(%dma_wait3A_448 : memref<!tpu.dma_semaphore, #tpu.memory_space<semaphore_mem>>) src(%arg11 : memref<16x768xf32, #tpu.memory_space<vmem>>) dst(%dma_wait3A_446 : memref<65536x768xf32, #tpu.memory_space<hbm>>)
        } else {
        }
        %dma_start3A = arith.constant 1 : i32
        %dma_start3A_432 = arith.constant 0 : i32
        %dma_start3A_433 = tpu.memref_slice %arg10[%add3A_310, %dma_start3A_432] : memref<129x16xi32, #tpu.memory_space<vmem>> -> memref<1x16xi32, #tpu.memory_space<vmem>>
        %dma_start3A_434 = tpu.memref_squeeze %dma_start3A_433 : memref<1x16xi32, #tpu.memory_space<vmem>> -> memref<16xi32, #tpu.memory_space<vmem>>
        %dma_start3A_435 = arith.constant 0 : i32
        %dma_start3A_436 = arith.constant 0 : i32
        %dma_start3A_437 = tpu.memref_slice %arg5[%dma_start3A_435, %dma_start3A_436] : memref<65536x768xf32, #tpu.memory_space<hbm>> -> memref<65536x768xf32, #tpu.memory_space<hbm>>
        %dma_start3A_438 = tpu.memref_slice %arg15[%dma_start3A] : memref<16x!tpu.dma_semaphore, #tpu.memory_space<semaphore_mem>> -> memref<1x!tpu.dma_semaphore, #tpu.memory_space<semaphore_mem>>
        %dma_start3A_439 = tpu.memref_squeeze %dma_start3A_438 : memref<1x!tpu.dma_semaphore, #tpu.memory_space<semaphore_mem>> -> memref<!tpu.dma_semaphore, #tpu.memory_space<semaphore_mem>>
        tpu.enqueue_indirect_dma source(%arg11 : memref<16x768xf32, #tpu.memory_space<vmem>>) target(%dma_start3A_437 : memref<65536x768xf32, #tpu.memory_space<hbm>>) offsets(%dma_start3A_434 : memref<16xi32, #tpu.memory_space<vmem>>) semaphore(%dma_start3A_439 : memref<!tpu.dma_semaphore, #tpu.memory_space<semaphore_mem>>)
      } else {
      }
      %mul3A_315 = arith.constant 16 : i32
      %mul3A_316 = arith.muli %while3A_298, %mul3A_315 : i32
      %add3A_317 = arith.constant 2 : i32
      %add3A_318 = arith.addi %mul3A_316, %add3A_317 : i32
      %lt3A_319 = arith.cmpi slt, %add3A_318, %select_n3A_108 : i32
      %convert_element_type3A_320 = arith.extui %lt3A_319 : i1 to i32
      %cond3A_321 = arith.constant 0 : i32
      %cond3A_322 = arith.cmpi ne, %convert_element_type3A_320, %cond3A_321 : i32
      scf.if %cond3A_322 {
        %ge3A = arith.constant 16 : i32
        %ge3A_428 = arith.cmpi sge, %add3A_318, %ge3A : i32
        %convert_element_type3A_429 = arith.extui %ge3A_428 : i1 to i32
        %cond3A_430 = arith.constant 0 : i32
        %cond3A_431 = arith.cmpi ne, %convert_element_type3A_429, %cond3A_430 : i32
        scf.if %cond3A_431 {
          %dma_wait3A = arith.constant 0 : i32
          %dma_wait3A_440 = arith.constant 2 : i32
          %dma_wait3A_441 = arith.constant 0 : i32
          %dma_wait3A_442 = tpu.memref_slice %arg10[%dma_wait3A, %dma_wait3A_441] : memref<129x16xi32, #tpu.memory_space<vmem>> -> memref<1x16xi32, #tpu.memory_space<vmem>>
          %dma_wait3A_443 = tpu.memref_squeeze %dma_wait3A_442 : memref<1x16xi32, #tpu.memory_space<vmem>> -> memref<16xi32, #tpu.memory_space<vmem>>
          %dma_wait3A_444 = arith.constant 0 : i32
          %dma_wait3A_445 = arith.constant 0 : i32
          %dma_wait3A_446 = tpu.memref_slice %arg5[%dma_wait3A_444, %dma_wait3A_445] : memref<65536x768xf32, #tpu.memory_space<hbm>> -> memref<65536x768xf32, #tpu.memory_space<hbm>>
          %dma_wait3A_447 = tpu.memref_slice %arg15[%dma_wait3A_440] : memref<16x!tpu.dma_semaphore, #tpu.memory_space<semaphore_mem>> -> memref<1x!tpu.dma_semaphore, #tpu.memory_space<semaphore_mem>>
          %dma_wait3A_448 = tpu.memref_squeeze %dma_wait3A_447 : memref<1x!tpu.dma_semaphore, #tpu.memory_space<semaphore_mem>> -> memref<!tpu.dma_semaphore, #tpu.memory_space<semaphore_mem>>
          tpu.wait_indirect_dma semaphore(%dma_wait3A_448 : memref<!tpu.dma_semaphore, #tpu.memory_space<semaphore_mem>>) src(%arg11 : memref<16x768xf32, #tpu.memory_space<vmem>>) dst(%dma_wait3A_446 : memref<65536x768xf32, #tpu.memory_space<hbm>>)
        } else {
        }
        %dma_start3A = arith.constant 2 : i32
        %dma_start3A_432 = arith.constant 0 : i32
        %dma_start3A_433 = tpu.memref_slice %arg10[%add3A_318, %dma_start3A_432] : memref<129x16xi32, #tpu.memory_space<vmem>> -> memref<1x16xi32, #tpu.memory_space<vmem>>
        %dma_start3A_434 = tpu.memref_squeeze %dma_start3A_433 : memref<1x16xi32, #tpu.memory_space<vmem>> -> memref<16xi32, #tpu.memory_space<vmem>>
        %dma_start3A_435 = arith.constant 0 : i32
        %dma_start3A_436 = arith.constant 0 : i32
        %dma_start3A_437 = tpu.memref_slice %arg5[%dma_start3A_435, %dma_start3A_436] : memref<65536x768xf32, #tpu.memory_space<hbm>> -> memref<65536x768xf32, #tpu.memory_space<hbm>>
        %dma_start3A_438 = tpu.memref_slice %arg15[%dma_start3A] : memref<16x!tpu.dma_semaphore, #tpu.memory_space<semaphore_mem>> -> memref<1x!tpu.dma_semaphore, #tpu.memory_space<semaphore_mem>>
        %dma_start3A_439 = tpu.memref_squeeze %dma_start3A_438 : memref<1x!tpu.dma_semaphore, #tpu.memory_space<semaphore_mem>> -> memref<!tpu.dma_semaphore, #tpu.memory_space<semaphore_mem>>
        tpu.enqueue_indirect_dma source(%arg11 : memref<16x768xf32, #tpu.memory_space<vmem>>) target(%dma_start3A_437 : memref<65536x768xf32, #tpu.memory_space<hbm>>) offsets(%dma_start3A_434 : memref<16xi32, #tpu.memory_space<vmem>>) semaphore(%dma_start3A_439 : memref<!tpu.dma_semaphore, #tpu.memory_space<semaphore_mem>>)
      } else {
      }
      %mul3A_323 = arith.constant 16 : i32
      %mul3A_324 = arith.muli %while3A_298, %mul3A_323 : i32
      %add3A_325 = arith.constant 3 : i32
      %add3A_326 = arith.addi %mul3A_324, %add3A_325 : i32
      %lt3A_327 = arith.cmpi slt, %add3A_326, %select_n3A_108 : i32
      %convert_element_type3A_328 = arith.extui %lt3A_327 : i1 to i32
      %cond3A_329 = arith.constant 0 : i32
      %cond3A_330 = arith.cmpi ne, %convert_element_type3A_328, %cond3A_329 : i32
      scf.if %cond3A_330 {
        %ge3A = arith.constant 16 : i32
        %ge3A_428 = arith.cmpi sge, %add3A_326, %ge3A : i32
        %convert_element_type3A_429 = arith.extui %ge3A_428 : i1 to i32
        %cond3A_430 = arith.constant 0 : i32
        %cond3A_431 = arith.cmpi ne, %convert_element_type3A_429, %cond3A_430 : i32
        scf.if %cond3A_431 {
          %dma_wait3A = arith.constant 0 : i32
          %dma_wait3A_440 = arith.constant 3 : i32
          %dma_wait3A_441 = arith.constant 0 : i32
          %dma_wait3A_442 = tpu.memref_slice %arg10[%dma_wait3A, %dma_wait3A_441] : memref<129x16xi32, #tpu.memory_space<vmem>> -> memref<1x16xi32, #tpu.memory_space<vmem>>
          %dma_wait3A_443 = tpu.memref_squeeze %dma_wait3A_442 : memref<1x16xi32, #tpu.memory_space<vmem>> -> memref<16xi32, #tpu.memory_space<vmem>>
          %dma_wait3A_444 = arith.constant 0 : i32
          %dma_wait3A_445 = arith.constant 0 : i32
          %dma_wait3A_446 = tpu.memref_slice %arg5[%dma_wait3A_444, %dma_wait3A_445] : memref<65536x768xf32, #tpu.memory_space<hbm>> -> memref<65536x768xf32, #tpu.memory_space<hbm>>
          %dma_wait3A_447 = tpu.memref_slice %arg15[%dma_wait3A_440] : memref<16x!tpu.dma_semaphore, #tpu.memory_space<semaphore_mem>> -> memref<1x!tpu.dma_semaphore, #tpu.memory_space<semaphore_mem>>
          %dma_wait3A_448 = tpu.memref_squeeze %dma_wait3A_447 : memref<1x!tpu.dma_semaphore, #tpu.memory_space<semaphore_mem>> -> memref<!tpu.dma_semaphore, #tpu.memory_space<semaphore_mem>>
          tpu.wait_indirect_dma semaphore(%dma_wait3A_448 : memref<!tpu.dma_semaphore, #tpu.memory_space<semaphore_mem>>) src(%arg11 : memref<16x768xf32, #tpu.memory_space<vmem>>) dst(%dma_wait3A_446 : memref<65536x768xf32, #tpu.memory_space<hbm>>)
        } else {
        }
        %dma_start3A = arith.constant 3 : i32
        %dma_start3A_432 = arith.constant 0 : i32
        %dma_start3A_433 = tpu.memref_slice %arg10[%add3A_326, %dma_start3A_432] : memref<129x16xi32, #tpu.memory_space<vmem>> -> memref<1x16xi32, #tpu.memory_space<vmem>>
        %dma_start3A_434 = tpu.memref_squeeze %dma_start3A_433 : memref<1x16xi32, #tpu.memory_space<vmem>> -> memref<16xi32, #tpu.memory_space<vmem>>
        %dma_start3A_435 = arith.constant 0 : i32
        %dma_start3A_436 = arith.constant 0 : i32
        %dma_start3A_437 = tpu.memref_slice %arg5[%dma_start3A_435, %dma_start3A_436] : memref<65536x768xf32, #tpu.memory_space<hbm>> -> memref<65536x768xf32, #tpu.memory_space<hbm>>
        %dma_start3A_438 = tpu.memref_slice %arg15[%dma_start3A] : memref<16x!tpu.dma_semaphore, #tpu.memory_space<semaphore_mem>> -> memref<1x!tpu.dma_semaphore, #tpu.memory_space<semaphore_mem>>
        %dma_start3A_439 = tpu.memref_squeeze %dma_start3A_438 : memref<1x!tpu.dma_semaphore, #tpu.memory_space<semaphore_mem>> -> memref<!tpu.dma_semaphore, #tpu.memory_space<semaphore_mem>>
        tpu.enqueue_indirect_dma source(%arg11 : memref<16x768xf32, #tpu.memory_space<vmem>>) target(%dma_start3A_437 : memref<65536x768xf32, #tpu.memory_space<hbm>>) offsets(%dma_start3A_434 : memref<16xi32, #tpu.memory_space<vmem>>) semaphore(%dma_start3A_439 : memref<!tpu.dma_semaphore, #tpu.memory_space<semaphore_mem>>)
      } else {
      }
      %mul3A_331 = arith.constant 16 : i32
      %mul3A_332 = arith.muli %while3A_298, %mul3A_331 : i32
      %add3A_333 = arith.constant 4 : i32
      %add3A_334 = arith.addi %mul3A_332, %add3A_333 : i32
      %lt3A_335 = arith.cmpi slt, %add3A_334, %select_n3A_108 : i32
      %convert_element_type3A_336 = arith.extui %lt3A_335 : i1 to i32
      %cond3A_337 = arith.constant 0 : i32
      %cond3A_338 = arith.cmpi ne, %convert_element_type3A_336, %cond3A_337 : i32
      scf.if %cond3A_338 {
        %ge3A = arith.constant 16 : i32
        %ge3A_428 = arith.cmpi sge, %add3A_334, %ge3A : i32
        %convert_element_type3A_429 = arith.extui %ge3A_428 : i1 to i32
        %cond3A_430 = arith.constant 0 : i32
        %cond3A_431 = arith.cmpi ne, %convert_element_type3A_429, %cond3A_430 : i32
        scf.if %cond3A_431 {
          %dma_wait3A = arith.constant 0 : i32
          %dma_wait3A_440 = arith.constant 4 : i32
          %dma_wait3A_441 = arith.constant 0 : i32
          %dma_wait3A_442 = tpu.memref_slice %arg10[%dma_wait3A, %dma_wait3A_441] : memref<129x16xi32, #tpu.memory_space<vmem>> -> memref<1x16xi32, #tpu.memory_space<vmem>>
          %dma_wait3A_443 = tpu.memref_squeeze %dma_wait3A_442 : memref<1x16xi32, #tpu.memory_space<vmem>> -> memref<16xi32, #tpu.memory_space<vmem>>
          %dma_wait3A_444 = arith.constant 0 : i32
          %dma_wait3A_445 = arith.constant 0 : i32
          %dma_wait3A_446 = tpu.memref_slice %arg5[%dma_wait3A_444, %dma_wait3A_445] : memref<65536x768xf32, #tpu.memory_space<hbm>> -> memref<65536x768xf32, #tpu.memory_space<hbm>>
          %dma_wait3A_447 = tpu.memref_slice %arg15[%dma_wait3A_440] : memref<16x!tpu.dma_semaphore, #tpu.memory_space<semaphore_mem>> -> memref<1x!tpu.dma_semaphore, #tpu.memory_space<semaphore_mem>>
          %dma_wait3A_448 = tpu.memref_squeeze %dma_wait3A_447 : memref<1x!tpu.dma_semaphore, #tpu.memory_space<semaphore_mem>> -> memref<!tpu.dma_semaphore, #tpu.memory_space<semaphore_mem>>
          tpu.wait_indirect_dma semaphore(%dma_wait3A_448 : memref<!tpu.dma_semaphore, #tpu.memory_space<semaphore_mem>>) src(%arg11 : memref<16x768xf32, #tpu.memory_space<vmem>>) dst(%dma_wait3A_446 : memref<65536x768xf32, #tpu.memory_space<hbm>>)
        } else {
        }
        %dma_start3A = arith.constant 4 : i32
        %dma_start3A_432 = arith.constant 0 : i32
        %dma_start3A_433 = tpu.memref_slice %arg10[%add3A_334, %dma_start3A_432] : memref<129x16xi32, #tpu.memory_space<vmem>> -> memref<1x16xi32, #tpu.memory_space<vmem>>
        %dma_start3A_434 = tpu.memref_squeeze %dma_start3A_433 : memref<1x16xi32, #tpu.memory_space<vmem>> -> memref<16xi32, #tpu.memory_space<vmem>>
        %dma_start3A_435 = arith.constant 0 : i32
        %dma_start3A_436 = arith.constant 0 : i32
        %dma_start3A_437 = tpu.memref_slice %arg5[%dma_start3A_435, %dma_start3A_436] : memref<65536x768xf32, #tpu.memory_space<hbm>> -> memref<65536x768xf32, #tpu.memory_space<hbm>>
        %dma_start3A_438 = tpu.memref_slice %arg15[%dma_start3A] : memref<16x!tpu.dma_semaphore, #tpu.memory_space<semaphore_mem>> -> memref<1x!tpu.dma_semaphore, #tpu.memory_space<semaphore_mem>>
        %dma_start3A_439 = tpu.memref_squeeze %dma_start3A_438 : memref<1x!tpu.dma_semaphore, #tpu.memory_space<semaphore_mem>> -> memref<!tpu.dma_semaphore, #tpu.memory_space<semaphore_mem>>
        tpu.enqueue_indirect_dma source(%arg11 : memref<16x768xf32, #tpu.memory_space<vmem>>) target(%dma_start3A_437 : memref<65536x768xf32, #tpu.memory_space<hbm>>) offsets(%dma_start3A_434 : memref<16xi32, #tpu.memory_space<vmem>>) semaphore(%dma_start3A_439 : memref<!tpu.dma_semaphore, #tpu.memory_space<semaphore_mem>>)
      } else {
      }
      %mul3A_339 = arith.constant 16 : i32
      %mul3A_340 = arith.muli %while3A_298, %mul3A_339 : i32
      %add3A_341 = arith.constant 5 : i32
      %add3A_342 = arith.addi %mul3A_340, %add3A_341 : i32
      %lt3A_343 = arith.cmpi slt, %add3A_342, %select_n3A_108 : i32
      %convert_element_type3A_344 = arith.extui %lt3A_343 : i1 to i32
      %cond3A_345 = arith.constant 0 : i32
      %cond3A_346 = arith.cmpi ne, %convert_element_type3A_344, %cond3A_345 : i32
      scf.if %cond3A_346 {
        %ge3A = arith.constant 16 : i32
        %ge3A_428 = arith.cmpi sge, %add3A_342, %ge3A : i32
        %convert_element_type3A_429 = arith.extui %ge3A_428 : i1 to i32
        %cond3A_430 = arith.constant 0 : i32
        %cond3A_431 = arith.cmpi ne, %convert_element_type3A_429, %cond3A_430 : i32
        scf.if %cond3A_431 {
          %dma_wait3A = arith.constant 0 : i32
          %dma_wait3A_440 = arith.constant 5 : i32
          %dma_wait3A_441 = arith.constant 0 : i32
          %dma_wait3A_442 = tpu.memref_slice %arg10[%dma_wait3A, %dma_wait3A_441] : memref<129x16xi32, #tpu.memory_space<vmem>> -> memref<1x16xi32, #tpu.memory_space<vmem>>
          %dma_wait3A_443 = tpu.memref_squeeze %dma_wait3A_442 : memref<1x16xi32, #tpu.memory_space<vmem>> -> memref<16xi32, #tpu.memory_space<vmem>>
          %dma_wait3A_444 = arith.constant 0 : i32
          %dma_wait3A_445 = arith.constant 0 : i32
          %dma_wait3A_446 = tpu.memref_slice %arg5[%dma_wait3A_444, %dma_wait3A_445] : memref<65536x768xf32, #tpu.memory_space<hbm>> -> memref<65536x768xf32, #tpu.memory_space<hbm>>
          %dma_wait3A_447 = tpu.memref_slice %arg15[%dma_wait3A_440] : memref<16x!tpu.dma_semaphore, #tpu.memory_space<semaphore_mem>> -> memref<1x!tpu.dma_semaphore, #tpu.memory_space<semaphore_mem>>
          %dma_wait3A_448 = tpu.memref_squeeze %dma_wait3A_447 : memref<1x!tpu.dma_semaphore, #tpu.memory_space<semaphore_mem>> -> memref<!tpu.dma_semaphore, #tpu.memory_space<semaphore_mem>>
          tpu.wait_indirect_dma semaphore(%dma_wait3A_448 : memref<!tpu.dma_semaphore, #tpu.memory_space<semaphore_mem>>) src(%arg11 : memref<16x768xf32, #tpu.memory_space<vmem>>) dst(%dma_wait3A_446 : memref<65536x768xf32, #tpu.memory_space<hbm>>)
        } else {
        }
        %dma_start3A = arith.constant 5 : i32
        %dma_start3A_432 = arith.constant 0 : i32
        %dma_start3A_433 = tpu.memref_slice %arg10[%add3A_342, %dma_start3A_432] : memref<129x16xi32, #tpu.memory_space<vmem>> -> memref<1x16xi32, #tpu.memory_space<vmem>>
        %dma_start3A_434 = tpu.memref_squeeze %dma_start3A_433 : memref<1x16xi32, #tpu.memory_space<vmem>> -> memref<16xi32, #tpu.memory_space<vmem>>
        %dma_start3A_435 = arith.constant 0 : i32
        %dma_start3A_436 = arith.constant 0 : i32
        %dma_start3A_437 = tpu.memref_slice %arg5[%dma_start3A_435, %dma_start3A_436] : memref<65536x768xf32, #tpu.memory_space<hbm>> -> memref<65536x768xf32, #tpu.memory_space<hbm>>
        %dma_start3A_438 = tpu.memref_slice %arg15[%dma_start3A] : memref<16x!tpu.dma_semaphore, #tpu.memory_space<semaphore_mem>> -> memref<1x!tpu.dma_semaphore, #tpu.memory_space<semaphore_mem>>
        %dma_start3A_439 = tpu.memref_squeeze %dma_start3A_438 : memref<1x!tpu.dma_semaphore, #tpu.memory_space<semaphore_mem>> -> memref<!tpu.dma_semaphore, #tpu.memory_space<semaphore_mem>>
        tpu.enqueue_indirect_dma source(%arg11 : memref<16x768xf32, #tpu.memory_space<vmem>>) target(%dma_start3A_437 : memref<65536x768xf32, #tpu.memory_space<hbm>>) offsets(%dma_start3A_434 : memref<16xi32, #tpu.memory_space<vmem>>) semaphore(%dma_start3A_439 : memref<!tpu.dma_semaphore, #tpu.memory_space<semaphore_mem>>)
      } else {
      }
      %mul3A_347 = arith.constant 16 : i32
      %mul3A_348 = arith.muli %while3A_298, %mul3A_347 : i32
      %add3A_349 = arith.constant 6 : i32
      %add3A_350 = arith.addi %mul3A_348, %add3A_349 : i32
      %lt3A_351 = arith.cmpi slt, %add3A_350, %select_n3A_108 : i32
      %convert_element_type3A_352 = arith.extui %lt3A_351 : i1 to i32
      %cond3A_353 = arith.constant 0 : i32
      %cond3A_354 = arith.cmpi ne, %convert_element_type3A_352, %cond3A_353 : i32
      scf.if %cond3A_354 {
        %ge3A = arith.constant 16 : i32
        %ge3A_428 = arith.cmpi sge, %add3A_350, %ge3A : i32
        %convert_element_type3A_429 = arith.extui %ge3A_428 : i1 to i32
        %cond3A_430 = arith.constant 0 : i32
        %cond3A_431 = arith.cmpi ne, %convert_element_type3A_429, %cond3A_430 : i32
        scf.if %cond3A_431 {
          %dma_wait3A = arith.constant 0 : i32
          %dma_wait3A_440 = arith.constant 6 : i32
          %dma_wait3A_441 = arith.constant 0 : i32
          %dma_wait3A_442 = tpu.memref_slice %arg10[%dma_wait3A, %dma_wait3A_441] : memref<129x16xi32, #tpu.memory_space<vmem>> -> memref<1x16xi32, #tpu.memory_space<vmem>>
          %dma_wait3A_443 = tpu.memref_squeeze %dma_wait3A_442 : memref<1x16xi32, #tpu.memory_space<vmem>> -> memref<16xi32, #tpu.memory_space<vmem>>
          %dma_wait3A_444 = arith.constant 0 : i32
          %dma_wait3A_445 = arith.constant 0 : i32
          %dma_wait3A_446 = tpu.memref_slice %arg5[%dma_wait3A_444, %dma_wait3A_445] : memref<65536x768xf32, #tpu.memory_space<hbm>> -> memref<65536x768xf32, #tpu.memory_space<hbm>>
          %dma_wait3A_447 = tpu.memref_slice %arg15[%dma_wait3A_440] : memref<16x!tpu.dma_semaphore, #tpu.memory_space<semaphore_mem>> -> memref<1x!tpu.dma_semaphore, #tpu.memory_space<semaphore_mem>>
          %dma_wait3A_448 = tpu.memref_squeeze %dma_wait3A_447 : memref<1x!tpu.dma_semaphore, #tpu.memory_space<semaphore_mem>> -> memref<!tpu.dma_semaphore, #tpu.memory_space<semaphore_mem>>
          tpu.wait_indirect_dma semaphore(%dma_wait3A_448 : memref<!tpu.dma_semaphore, #tpu.memory_space<semaphore_mem>>) src(%arg11 : memref<16x768xf32, #tpu.memory_space<vmem>>) dst(%dma_wait3A_446 : memref<65536x768xf32, #tpu.memory_space<hbm>>)
        } else {
        }
        %dma_start3A = arith.constant 6 : i32
        %dma_start3A_432 = arith.constant 0 : i32
        %dma_start3A_433 = tpu.memref_slice %arg10[%add3A_350, %dma_start3A_432] : memref<129x16xi32, #tpu.memory_space<vmem>> -> memref<1x16xi32, #tpu.memory_space<vmem>>
        %dma_start3A_434 = tpu.memref_squeeze %dma_start3A_433 : memref<1x16xi32, #tpu.memory_space<vmem>> -> memref<16xi32, #tpu.memory_space<vmem>>
        %dma_start3A_435 = arith.constant 0 : i32
        %dma_start3A_436 = arith.constant 0 : i32
        %dma_start3A_437 = tpu.memref_slice %arg5[%dma_start3A_435, %dma_start3A_436] : memref<65536x768xf32, #tpu.memory_space<hbm>> -> memref<65536x768xf32, #tpu.memory_space<hbm>>
        %dma_start3A_438 = tpu.memref_slice %arg15[%dma_start3A] : memref<16x!tpu.dma_semaphore, #tpu.memory_space<semaphore_mem>> -> memref<1x!tpu.dma_semaphore, #tpu.memory_space<semaphore_mem>>
        %dma_start3A_439 = tpu.memref_squeeze %dma_start3A_438 : memref<1x!tpu.dma_semaphore, #tpu.memory_space<semaphore_mem>> -> memref<!tpu.dma_semaphore, #tpu.memory_space<semaphore_mem>>
        tpu.enqueue_indirect_dma source(%arg11 : memref<16x768xf32, #tpu.memory_space<vmem>>) target(%dma_start3A_437 : memref<65536x768xf32, #tpu.memory_space<hbm>>) offsets(%dma_start3A_434 : memref<16xi32, #tpu.memory_space<vmem>>) semaphore(%dma_start3A_439 : memref<!tpu.dma_semaphore, #tpu.memory_space<semaphore_mem>>)
      } else {
      }
      %mul3A_355 = arith.constant 16 : i32
      %mul3A_356 = arith.muli %while3A_298, %mul3A_355 : i32
      %add3A_357 = arith.constant 7 : i32
      %add3A_358 = arith.addi %mul3A_356, %add3A_357 : i32
      %lt3A_359 = arith.cmpi slt, %add3A_358, %select_n3A_108 : i32
      %convert_element_type3A_360 = arith.extui %lt3A_359 : i1 to i32
      %cond3A_361 = arith.constant 0 : i32
      %cond3A_362 = arith.cmpi ne, %convert_element_type3A_360, %cond3A_361 : i32
      scf.if %cond3A_362 {
        %ge3A = arith.constant 16 : i32
        %ge3A_428 = arith.cmpi sge, %add3A_358, %ge3A : i32
        %convert_element_type3A_429 = arith.extui %ge3A_428 : i1 to i32
        %cond3A_430 = arith.constant 0 : i32
        %cond3A_431 = arith.cmpi ne, %convert_element_type3A_429, %cond3A_430 : i32
        scf.if %cond3A_431 {
          %dma_wait3A = arith.constant 0 : i32
          %dma_wait3A_440 = arith.constant 7 : i32
          %dma_wait3A_441 = arith.constant 0 : i32
          %dma_wait3A_442 = tpu.memref_slice %arg10[%dma_wait3A, %dma_wait3A_441] : memref<129x16xi32, #tpu.memory_space<vmem>> -> memref<1x16xi32, #tpu.memory_space<vmem>>
          %dma_wait3A_443 = tpu.memref_squeeze %dma_wait3A_442 : memref<1x16xi32, #tpu.memory_space<vmem>> -> memref<16xi32, #tpu.memory_space<vmem>>
          %dma_wait3A_444 = arith.constant 0 : i32
          %dma_wait3A_445 = arith.constant 0 : i32
          %dma_wait3A_446 = tpu.memref_slice %arg5[%dma_wait3A_444, %dma_wait3A_445] : memref<65536x768xf32, #tpu.memory_space<hbm>> -> memref<65536x768xf32, #tpu.memory_space<hbm>>
          %dma_wait3A_447 = tpu.memref_slice %arg15[%dma_wait3A_440] : memref<16x!tpu.dma_semaphore, #tpu.memory_space<semaphore_mem>> -> memref<1x!tpu.dma_semaphore, #tpu.memory_space<semaphore_mem>>
          %dma_wait3A_448 = tpu.memref_squeeze %dma_wait3A_447 : memref<1x!tpu.dma_semaphore, #tpu.memory_space<semaphore_mem>> -> memref<!tpu.dma_semaphore, #tpu.memory_space<semaphore_mem>>
          tpu.wait_indirect_dma semaphore(%dma_wait3A_448 : memref<!tpu.dma_semaphore, #tpu.memory_space<semaphore_mem>>) src(%arg11 : memref<16x768xf32, #tpu.memory_space<vmem>>) dst(%dma_wait3A_446 : memref<65536x768xf32, #tpu.memory_space<hbm>>)
        } else {
        }
        %dma_start3A = arith.constant 7 : i32
        %dma_start3A_432 = arith.constant 0 : i32
        %dma_start3A_433 = tpu.memref_slice %arg10[%add3A_358, %dma_start3A_432] : memref<129x16xi32, #tpu.memory_space<vmem>> -> memref<1x16xi32, #tpu.memory_space<vmem>>
        %dma_start3A_434 = tpu.memref_squeeze %dma_start3A_433 : memref<1x16xi32, #tpu.memory_space<vmem>> -> memref<16xi32, #tpu.memory_space<vmem>>
        %dma_start3A_435 = arith.constant 0 : i32
        %dma_start3A_436 = arith.constant 0 : i32
        %dma_start3A_437 = tpu.memref_slice %arg5[%dma_start3A_435, %dma_start3A_436] : memref<65536x768xf32, #tpu.memory_space<hbm>> -> memref<65536x768xf32, #tpu.memory_space<hbm>>
        %dma_start3A_438 = tpu.memref_slice %arg15[%dma_start3A] : memref<16x!tpu.dma_semaphore, #tpu.memory_space<semaphore_mem>> -> memref<1x!tpu.dma_semaphore, #tpu.memory_space<semaphore_mem>>
        %dma_start3A_439 = tpu.memref_squeeze %dma_start3A_438 : memref<1x!tpu.dma_semaphore, #tpu.memory_space<semaphore_mem>> -> memref<!tpu.dma_semaphore, #tpu.memory_space<semaphore_mem>>
        tpu.enqueue_indirect_dma source(%arg11 : memref<16x768xf32, #tpu.memory_space<vmem>>) target(%dma_start3A_437 : memref<65536x768xf32, #tpu.memory_space<hbm>>) offsets(%dma_start3A_434 : memref<16xi32, #tpu.memory_space<vmem>>) semaphore(%dma_start3A_439 : memref<!tpu.dma_semaphore, #tpu.memory_space<semaphore_mem>>)
      } else {
      }
      %mul3A_363 = arith.constant 16 : i32
      %mul3A_364 = arith.muli %while3A_298, %mul3A_363 : i32
      %add3A_365 = arith.constant 8 : i32
      %add3A_366 = arith.addi %mul3A_364, %add3A_365 : i32
      %lt3A_367 = arith.cmpi slt, %add3A_366, %select_n3A_108 : i32
      %convert_element_type3A_368 = arith.extui %lt3A_367 : i1 to i32
      %cond3A_369 = arith.constant 0 : i32
      %cond3A_370 = arith.cmpi ne, %convert_element_type3A_368, %cond3A_369 : i32
      scf.if %cond3A_370 {
        %ge3A = arith.constant 16 : i32
        %ge3A_428 = arith.cmpi sge, %add3A_366, %ge3A : i32
        %convert_element_type3A_429 = arith.extui %ge3A_428 : i1 to i32
        %cond3A_430 = arith.constant 0 : i32
        %cond3A_431 = arith.cmpi ne, %convert_element_type3A_429, %cond3A_430 : i32
        scf.if %cond3A_431 {
          %dma_wait3A = arith.constant 0 : i32
          %dma_wait3A_440 = arith.constant 8 : i32
          %dma_wait3A_441 = arith.constant 0 : i32
          %dma_wait3A_442 = tpu.memref_slice %arg10[%dma_wait3A, %dma_wait3A_441] : memref<129x16xi32, #tpu.memory_space<vmem>> -> memref<1x16xi32, #tpu.memory_space<vmem>>
          %dma_wait3A_443 = tpu.memref_squeeze %dma_wait3A_442 : memref<1x16xi32, #tpu.memory_space<vmem>> -> memref<16xi32, #tpu.memory_space<vmem>>
          %dma_wait3A_444 = arith.constant 0 : i32
          %dma_wait3A_445 = arith.constant 0 : i32
          %dma_wait3A_446 = tpu.memref_slice %arg5[%dma_wait3A_444, %dma_wait3A_445] : memref<65536x768xf32, #tpu.memory_space<hbm>> -> memref<65536x768xf32, #tpu.memory_space<hbm>>
          %dma_wait3A_447 = tpu.memref_slice %arg15[%dma_wait3A_440] : memref<16x!tpu.dma_semaphore, #tpu.memory_space<semaphore_mem>> -> memref<1x!tpu.dma_semaphore, #tpu.memory_space<semaphore_mem>>
          %dma_wait3A_448 = tpu.memref_squeeze %dma_wait3A_447 : memref<1x!tpu.dma_semaphore, #tpu.memory_space<semaphore_mem>> -> memref<!tpu.dma_semaphore, #tpu.memory_space<semaphore_mem>>
          tpu.wait_indirect_dma semaphore(%dma_wait3A_448 : memref<!tpu.dma_semaphore, #tpu.memory_space<semaphore_mem>>) src(%arg11 : memref<16x768xf32, #tpu.memory_space<vmem>>) dst(%dma_wait3A_446 : memref<65536x768xf32, #tpu.memory_space<hbm>>)
        } else {
        }
        %dma_start3A = arith.constant 8 : i32
        %dma_start3A_432 = arith.constant 0 : i32
        %dma_start3A_433 = tpu.memref_slice %arg10[%add3A_366, %dma_start3A_432] : memref<129x16xi32, #tpu.memory_space<vmem>> -> memref<1x16xi32, #tpu.memory_space<vmem>>
        %dma_start3A_434 = tpu.memref_squeeze %dma_start3A_433 : memref<1x16xi32, #tpu.memory_space<vmem>> -> memref<16xi32, #tpu.memory_space<vmem>>
        %dma_start3A_435 = arith.constant 0 : i32
        %dma_start3A_436 = arith.constant 0 : i32
        %dma_start3A_437 = tpu.memref_slice %arg5[%dma_start3A_435, %dma_start3A_436] : memref<65536x768xf32, #tpu.memory_space<hbm>> -> memref<65536x768xf32, #tpu.memory_space<hbm>>
        %dma_start3A_438 = tpu.memref_slice %arg15[%dma_start3A] : memref<16x!tpu.dma_semaphore, #tpu.memory_space<semaphore_mem>> -> memref<1x!tpu.dma_semaphore, #tpu.memory_space<semaphore_mem>>
        %dma_start3A_439 = tpu.memref_squeeze %dma_start3A_438 : memref<1x!tpu.dma_semaphore, #tpu.memory_space<semaphore_mem>> -> memref<!tpu.dma_semaphore, #tpu.memory_space<semaphore_mem>>
        tpu.enqueue_indirect_dma source(%arg11 : memref<16x768xf32, #tpu.memory_space<vmem>>) target(%dma_start3A_437 : memref<65536x768xf32, #tpu.memory_space<hbm>>) offsets(%dma_start3A_434 : memref<16xi32, #tpu.memory_space<vmem>>) semaphore(%dma_start3A_439 : memref<!tpu.dma_semaphore, #tpu.memory_space<semaphore_mem>>)
      } else {
      }
      %mul3A_371 = arith.constant 16 : i32
      %mul3A_372 = arith.muli %while3A_298, %mul3A_371 : i32
      %add3A_373 = arith.constant 9 : i32
      %add3A_374 = arith.addi %mul3A_372, %add3A_373 : i32
      %lt3A_375 = arith.cmpi slt, %add3A_374, %select_n3A_108 : i32
      %convert_element_type3A_376 = arith.extui %lt3A_375 : i1 to i32
      %cond3A_377 = arith.constant 0 : i32
      %cond3A_378 = arith.cmpi ne, %convert_element_type3A_376, %cond3A_377 : i32
      scf.if %cond3A_378 {
        %ge3A = arith.constant 16 : i32
        %ge3A_428 = arith.cmpi sge, %add3A_374, %ge3A : i32
        %convert_element_type3A_429 = arith.extui %ge3A_428 : i1 to i32
        %cond3A_430 = arith.constant 0 : i32
        %cond3A_431 = arith.cmpi ne, %convert_element_type3A_429, %cond3A_430 : i32
        scf.if %cond3A_431 {
          %dma_wait3A = arith.constant 0 : i32
          %dma_wait3A_440 = arith.constant 9 : i32
          %dma_wait3A_441 = arith.constant 0 : i32
          %dma_wait3A_442 = tpu.memref_slice %arg10[%dma_wait3A, %dma_wait3A_441] : memref<129x16xi32, #tpu.memory_space<vmem>> -> memref<1x16xi32, #tpu.memory_space<vmem>>
          %dma_wait3A_443 = tpu.memref_squeeze %dma_wait3A_442 : memref<1x16xi32, #tpu.memory_space<vmem>> -> memref<16xi32, #tpu.memory_space<vmem>>
          %dma_wait3A_444 = arith.constant 0 : i32
          %dma_wait3A_445 = arith.constant 0 : i32
          %dma_wait3A_446 = tpu.memref_slice %arg5[%dma_wait3A_444, %dma_wait3A_445] : memref<65536x768xf32, #tpu.memory_space<hbm>> -> memref<65536x768xf32, #tpu.memory_space<hbm>>
          %dma_wait3A_447 = tpu.memref_slice %arg15[%dma_wait3A_440] : memref<16x!tpu.dma_semaphore, #tpu.memory_space<semaphore_mem>> -> memref<1x!tpu.dma_semaphore, #tpu.memory_space<semaphore_mem>>
          %dma_wait3A_448 = tpu.memref_squeeze %dma_wait3A_447 : memref<1x!tpu.dma_semaphore, #tpu.memory_space<semaphore_mem>> -> memref<!tpu.dma_semaphore, #tpu.memory_space<semaphore_mem>>
          tpu.wait_indirect_dma semaphore(%dma_wait3A_448 : memref<!tpu.dma_semaphore, #tpu.memory_space<semaphore_mem>>) src(%arg11 : memref<16x768xf32, #tpu.memory_space<vmem>>) dst(%dma_wait3A_446 : memref<65536x768xf32, #tpu.memory_space<hbm>>)
        } else {
        }
        %dma_start3A = arith.constant 9 : i32
        %dma_start3A_432 = arith.constant 0 : i32
        %dma_start3A_433 = tpu.memref_slice %arg10[%add3A_374, %dma_start3A_432] : memref<129x16xi32, #tpu.memory_space<vmem>> -> memref<1x16xi32, #tpu.memory_space<vmem>>
        %dma_start3A_434 = tpu.memref_squeeze %dma_start3A_433 : memref<1x16xi32, #tpu.memory_space<vmem>> -> memref<16xi32, #tpu.memory_space<vmem>>
        %dma_start3A_435 = arith.constant 0 : i32
        %dma_start3A_436 = arith.constant 0 : i32
        %dma_start3A_437 = tpu.memref_slice %arg5[%dma_start3A_435, %dma_start3A_436] : memref<65536x768xf32, #tpu.memory_space<hbm>> -> memref<65536x768xf32, #tpu.memory_space<hbm>>
        %dma_start3A_438 = tpu.memref_slice %arg15[%dma_start3A] : memref<16x!tpu.dma_semaphore, #tpu.memory_space<semaphore_mem>> -> memref<1x!tpu.dma_semaphore, #tpu.memory_space<semaphore_mem>>
        %dma_start3A_439 = tpu.memref_squeeze %dma_start3A_438 : memref<1x!tpu.dma_semaphore, #tpu.memory_space<semaphore_mem>> -> memref<!tpu.dma_semaphore, #tpu.memory_space<semaphore_mem>>
        tpu.enqueue_indirect_dma source(%arg11 : memref<16x768xf32, #tpu.memory_space<vmem>>) target(%dma_start3A_437 : memref<65536x768xf32, #tpu.memory_space<hbm>>) offsets(%dma_start3A_434 : memref<16xi32, #tpu.memory_space<vmem>>) semaphore(%dma_start3A_439 : memref<!tpu.dma_semaphore, #tpu.memory_space<semaphore_mem>>)
      } else {
      }
      %mul3A_379 = arith.constant 16 : i32
      %mul3A_380 = arith.muli %while3A_298, %mul3A_379 : i32
      %add3A_381 = arith.constant 10 : i32
      %add3A_382 = arith.addi %mul3A_380, %add3A_381 : i32
      %lt3A_383 = arith.cmpi slt, %add3A_382, %select_n3A_108 : i32
      %convert_element_type3A_384 = arith.extui %lt3A_383 : i1 to i32
      %cond3A_385 = arith.constant 0 : i32
      %cond3A_386 = arith.cmpi ne, %convert_element_type3A_384, %cond3A_385 : i32
      scf.if %cond3A_386 {
        %ge3A = arith.constant 16 : i32
        %ge3A_428 = arith.cmpi sge, %add3A_382, %ge3A : i32
        %convert_element_type3A_429 = arith.extui %ge3A_428 : i1 to i32
        %cond3A_430 = arith.constant 0 : i32
        %cond3A_431 = arith.cmpi ne, %convert_element_type3A_429, %cond3A_430 : i32
        scf.if %cond3A_431 {
          %dma_wait3A = arith.constant 0 : i32
          %dma_wait3A_440 = arith.constant 10 : i32
          %dma_wait3A_441 = arith.constant 0 : i32
          %dma_wait3A_442 = tpu.memref_slice %arg10[%dma_wait3A, %dma_wait3A_441] : memref<129x16xi32, #tpu.memory_space<vmem>> -> memref<1x16xi32, #tpu.memory_space<vmem>>
          %dma_wait3A_443 = tpu.memref_squeeze %dma_wait3A_442 : memref<1x16xi32, #tpu.memory_space<vmem>> -> memref<16xi32, #tpu.memory_space<vmem>>
          %dma_wait3A_444 = arith.constant 0 : i32
          %dma_wait3A_445 = arith.constant 0 : i32
          %dma_wait3A_446 = tpu.memref_slice %arg5[%dma_wait3A_444, %dma_wait3A_445] : memref<65536x768xf32, #tpu.memory_space<hbm>> -> memref<65536x768xf32, #tpu.memory_space<hbm>>
          %dma_wait3A_447 = tpu.memref_slice %arg15[%dma_wait3A_440] : memref<16x!tpu.dma_semaphore, #tpu.memory_space<semaphore_mem>> -> memref<1x!tpu.dma_semaphore, #tpu.memory_space<semaphore_mem>>
          %dma_wait3A_448 = tpu.memref_squeeze %dma_wait3A_447 : memref<1x!tpu.dma_semaphore, #tpu.memory_space<semaphore_mem>> -> memref<!tpu.dma_semaphore, #tpu.memory_space<semaphore_mem>>
          tpu.wait_indirect_dma semaphore(%dma_wait3A_448 : memref<!tpu.dma_semaphore, #tpu.memory_space<semaphore_mem>>) src(%arg11 : memref<16x768xf32, #tpu.memory_space<vmem>>) dst(%dma_wait3A_446 : memref<65536x768xf32, #tpu.memory_space<hbm>>)
        } else {
        }
        %dma_start3A = arith.constant 10 : i32
        %dma_start3A_432 = arith.constant 0 : i32
        %dma_start3A_433 = tpu.memref_slice %arg10[%add3A_382, %dma_start3A_432] : memref<129x16xi32, #tpu.memory_space<vmem>> -> memref<1x16xi32, #tpu.memory_space<vmem>>
        %dma_start3A_434 = tpu.memref_squeeze %dma_start3A_433 : memref<1x16xi32, #tpu.memory_space<vmem>> -> memref<16xi32, #tpu.memory_space<vmem>>
        %dma_start3A_435 = arith.constant 0 : i32
        %dma_start3A_436 = arith.constant 0 : i32
        %dma_start3A_437 = tpu.memref_slice %arg5[%dma_start3A_435, %dma_start3A_436] : memref<65536x768xf32, #tpu.memory_space<hbm>> -> memref<65536x768xf32, #tpu.memory_space<hbm>>
        %dma_start3A_438 = tpu.memref_slice %arg15[%dma_start3A] : memref<16x!tpu.dma_semaphore, #tpu.memory_space<semaphore_mem>> -> memref<1x!tpu.dma_semaphore, #tpu.memory_space<semaphore_mem>>
        %dma_start3A_439 = tpu.memref_squeeze %dma_start3A_438 : memref<1x!tpu.dma_semaphore, #tpu.memory_space<semaphore_mem>> -> memref<!tpu.dma_semaphore, #tpu.memory_space<semaphore_mem>>
        tpu.enqueue_indirect_dma source(%arg11 : memref<16x768xf32, #tpu.memory_space<vmem>>) target(%dma_start3A_437 : memref<65536x768xf32, #tpu.memory_space<hbm>>) offsets(%dma_start3A_434 : memref<16xi32, #tpu.memory_space<vmem>>) semaphore(%dma_start3A_439 : memref<!tpu.dma_semaphore, #tpu.memory_space<semaphore_mem>>)
      } else {
      }
      %mul3A_387 = arith.constant 16 : i32
      %mul3A_388 = arith.muli %while3A_298, %mul3A_387 : i32
      %add3A_389 = arith.constant 11 : i32
      %add3A_390 = arith.addi %mul3A_388, %add3A_389 : i32
      %lt3A_391 = arith.cmpi slt, %add3A_390, %select_n3A_108 : i32
      %convert_element_type3A_392 = arith.extui %lt3A_391 : i1 to i32
      %cond3A_393 = arith.constant 0 : i32
      %cond3A_394 = arith.cmpi ne, %convert_element_type3A_392, %cond3A_393 : i32
      scf.if %cond3A_394 {
        %ge3A = arith.constant 16 : i32
        %ge3A_428 = arith.cmpi sge, %add3A_390, %ge3A : i32
        %convert_element_type3A_429 = arith.extui %ge3A_428 : i1 to i32
        %cond3A_430 = arith.constant 0 : i32
        %cond3A_431 = arith.cmpi ne, %convert_element_type3A_429, %cond3A_430 : i32
        scf.if %cond3A_431 {
          %dma_wait3A = arith.constant 0 : i32
          %dma_wait3A_440 = arith.constant 11 : i32
          %dma_wait3A_441 = arith.constant 0 : i32
          %dma_wait3A_442 = tpu.memref_slice %arg10[%dma_wait3A, %dma_wait3A_441] : memref<129x16xi32, #tpu.memory_space<vmem>> -> memref<1x16xi32, #tpu.memory_space<vmem>>
          %dma_wait3A_443 = tpu.memref_squeeze %dma_wait3A_442 : memref<1x16xi32, #tpu.memory_space<vmem>> -> memref<16xi32, #tpu.memory_space<vmem>>
          %dma_wait3A_444 = arith.constant 0 : i32
          %dma_wait3A_445 = arith.constant 0 : i32
          %dma_wait3A_446 = tpu.memref_slice %arg5[%dma_wait3A_444, %dma_wait3A_445] : memref<65536x768xf32, #tpu.memory_space<hbm>> -> memref<65536x768xf32, #tpu.memory_space<hbm>>
          %dma_wait3A_447 = tpu.memref_slice %arg15[%dma_wait3A_440] : memref<16x!tpu.dma_semaphore, #tpu.memory_space<semaphore_mem>> -> memref<1x!tpu.dma_semaphore, #tpu.memory_space<semaphore_mem>>
          %dma_wait3A_448 = tpu.memref_squeeze %dma_wait3A_447 : memref<1x!tpu.dma_semaphore, #tpu.memory_space<semaphore_mem>> -> memref<!tpu.dma_semaphore, #tpu.memory_space<semaphore_mem>>
          tpu.wait_indirect_dma semaphore(%dma_wait3A_448 : memref<!tpu.dma_semaphore, #tpu.memory_space<semaphore_mem>>) src(%arg11 : memref<16x768xf32, #tpu.memory_space<vmem>>) dst(%dma_wait3A_446 : memref<65536x768xf32, #tpu.memory_space<hbm>>)
        } else {
        }
        %dma_start3A = arith.constant 11 : i32
        %dma_start3A_432 = arith.constant 0 : i32
        %dma_start3A_433 = tpu.memref_slice %arg10[%add3A_390, %dma_start3A_432] : memref<129x16xi32, #tpu.memory_space<vmem>> -> memref<1x16xi32, #tpu.memory_space<vmem>>
        %dma_start3A_434 = tpu.memref_squeeze %dma_start3A_433 : memref<1x16xi32, #tpu.memory_space<vmem>> -> memref<16xi32, #tpu.memory_space<vmem>>
        %dma_start3A_435 = arith.constant 0 : i32
        %dma_start3A_436 = arith.constant 0 : i32
        %dma_start3A_437 = tpu.memref_slice %arg5[%dma_start3A_435, %dma_start3A_436] : memref<65536x768xf32, #tpu.memory_space<hbm>> -> memref<65536x768xf32, #tpu.memory_space<hbm>>
        %dma_start3A_438 = tpu.memref_slice %arg15[%dma_start3A] : memref<16x!tpu.dma_semaphore, #tpu.memory_space<semaphore_mem>> -> memref<1x!tpu.dma_semaphore, #tpu.memory_space<semaphore_mem>>
        %dma_start3A_439 = tpu.memref_squeeze %dma_start3A_438 : memref<1x!tpu.dma_semaphore, #tpu.memory_space<semaphore_mem>> -> memref<!tpu.dma_semaphore, #tpu.memory_space<semaphore_mem>>
        tpu.enqueue_indirect_dma source(%arg11 : memref<16x768xf32, #tpu.memory_space<vmem>>) target(%dma_start3A_437 : memref<65536x768xf32, #tpu.memory_space<hbm>>) offsets(%dma_start3A_434 : memref<16xi32, #tpu.memory_space<vmem>>) semaphore(%dma_start3A_439 : memref<!tpu.dma_semaphore, #tpu.memory_space<semaphore_mem>>)
      } else {
      }
      %mul3A_395 = arith.constant 16 : i32
      %mul3A_396 = arith.muli %while3A_298, %mul3A_395 : i32
      %add3A_397 = arith.constant 12 : i32
      %add3A_398 = arith.addi %mul3A_396, %add3A_397 : i32
      %lt3A_399 = arith.cmpi slt, %add3A_398, %select_n3A_108 : i32
      %convert_element_type3A_400 = arith.extui %lt3A_399 : i1 to i32
      %cond3A_401 = arith.constant 0 : i32
      %cond3A_402 = arith.cmpi ne, %convert_element_type3A_400, %cond3A_401 : i32
      scf.if %cond3A_402 {
        %ge3A = arith.constant 16 : i32
        %ge3A_428 = arith.cmpi sge, %add3A_398, %ge3A : i32
        %convert_element_type3A_429 = arith.extui %ge3A_428 : i1 to i32
        %cond3A_430 = arith.constant 0 : i32
        %cond3A_431 = arith.cmpi ne, %convert_element_type3A_429, %cond3A_430 : i32
        scf.if %cond3A_431 {
          %dma_wait3A = arith.constant 0 : i32
          %dma_wait3A_440 = arith.constant 12 : i32
          %dma_wait3A_441 = arith.constant 0 : i32
          %dma_wait3A_442 = tpu.memref_slice %arg10[%dma_wait3A, %dma_wait3A_441] : memref<129x16xi32, #tpu.memory_space<vmem>> -> memref<1x16xi32, #tpu.memory_space<vmem>>
          %dma_wait3A_443 = tpu.memref_squeeze %dma_wait3A_442 : memref<1x16xi32, #tpu.memory_space<vmem>> -> memref<16xi32, #tpu.memory_space<vmem>>
          %dma_wait3A_444 = arith.constant 0 : i32
          %dma_wait3A_445 = arith.constant 0 : i32
          %dma_wait3A_446 = tpu.memref_slice %arg5[%dma_wait3A_444, %dma_wait3A_445] : memref<65536x768xf32, #tpu.memory_space<hbm>> -> memref<65536x768xf32, #tpu.memory_space<hbm>>
          %dma_wait3A_447 = tpu.memref_slice %arg15[%dma_wait3A_440] : memref<16x!tpu.dma_semaphore, #tpu.memory_space<semaphore_mem>> -> memref<1x!tpu.dma_semaphore, #tpu.memory_space<semaphore_mem>>
          %dma_wait3A_448 = tpu.memref_squeeze %dma_wait3A_447 : memref<1x!tpu.dma_semaphore, #tpu.memory_space<semaphore_mem>> -> memref<!tpu.dma_semaphore, #tpu.memory_space<semaphore_mem>>
          tpu.wait_indirect_dma semaphore(%dma_wait3A_448 : memref<!tpu.dma_semaphore, #tpu.memory_space<semaphore_mem>>) src(%arg11 : memref<16x768xf32, #tpu.memory_space<vmem>>) dst(%dma_wait3A_446 : memref<65536x768xf32, #tpu.memory_space<hbm>>)
        } else {
        }
        %dma_start3A = arith.constant 12 : i32
        %dma_start3A_432 = arith.constant 0 : i32
        %dma_start3A_433 = tpu.memref_slice %arg10[%add3A_398, %dma_start3A_432] : memref<129x16xi32, #tpu.memory_space<vmem>> -> memref<1x16xi32, #tpu.memory_space<vmem>>
        %dma_start3A_434 = tpu.memref_squeeze %dma_start3A_433 : memref<1x16xi32, #tpu.memory_space<vmem>> -> memref<16xi32, #tpu.memory_space<vmem>>
        %dma_start3A_435 = arith.constant 0 : i32
        %dma_start3A_436 = arith.constant 0 : i32
        %dma_start3A_437 = tpu.memref_slice %arg5[%dma_start3A_435, %dma_start3A_436] : memref<65536x768xf32, #tpu.memory_space<hbm>> -> memref<65536x768xf32, #tpu.memory_space<hbm>>
        %dma_start3A_438 = tpu.memref_slice %arg15[%dma_start3A] : memref<16x!tpu.dma_semaphore, #tpu.memory_space<semaphore_mem>> -> memref<1x!tpu.dma_semaphore, #tpu.memory_space<semaphore_mem>>
        %dma_start3A_439 = tpu.memref_squeeze %dma_start3A_438 : memref<1x!tpu.dma_semaphore, #tpu.memory_space<semaphore_mem>> -> memref<!tpu.dma_semaphore, #tpu.memory_space<semaphore_mem>>
        tpu.enqueue_indirect_dma source(%arg11 : memref<16x768xf32, #tpu.memory_space<vmem>>) target(%dma_start3A_437 : memref<65536x768xf32, #tpu.memory_space<hbm>>) offsets(%dma_start3A_434 : memref<16xi32, #tpu.memory_space<vmem>>) semaphore(%dma_start3A_439 : memref<!tpu.dma_semaphore, #tpu.memory_space<semaphore_mem>>)
      } else {
      }
      %mul3A_403 = arith.constant 16 : i32
      %mul3A_404 = arith.muli %while3A_298, %mul3A_403 : i32
      %add3A_405 = arith.constant 13 : i32
      %add3A_406 = arith.addi %mul3A_404, %add3A_405 : i32
      %lt3A_407 = arith.cmpi slt, %add3A_406, %select_n3A_108 : i32
      %convert_element_type3A_408 = arith.extui %lt3A_407 : i1 to i32
      %cond3A_409 = arith.constant 0 : i32
      %cond3A_410 = arith.cmpi ne, %convert_element_type3A_408, %cond3A_409 : i32
      scf.if %cond3A_410 {
        %ge3A = arith.constant 16 : i32
        %ge3A_428 = arith.cmpi sge, %add3A_406, %ge3A : i32
        %convert_element_type3A_429 = arith.extui %ge3A_428 : i1 to i32
        %cond3A_430 = arith.constant 0 : i32
        %cond3A_431 = arith.cmpi ne, %convert_element_type3A_429, %cond3A_430 : i32
        scf.if %cond3A_431 {
          %dma_wait3A = arith.constant 0 : i32
          %dma_wait3A_440 = arith.constant 13 : i32
          %dma_wait3A_441 = arith.constant 0 : i32
          %dma_wait3A_442 = tpu.memref_slice %arg10[%dma_wait3A, %dma_wait3A_441] : memref<129x16xi32, #tpu.memory_space<vmem>> -> memref<1x16xi32, #tpu.memory_space<vmem>>
          %dma_wait3A_443 = tpu.memref_squeeze %dma_wait3A_442 : memref<1x16xi32, #tpu.memory_space<vmem>> -> memref<16xi32, #tpu.memory_space<vmem>>
          %dma_wait3A_444 = arith.constant 0 : i32
          %dma_wait3A_445 = arith.constant 0 : i32
          %dma_wait3A_446 = tpu.memref_slice %arg5[%dma_wait3A_444, %dma_wait3A_445] : memref<65536x768xf32, #tpu.memory_space<hbm>> -> memref<65536x768xf32, #tpu.memory_space<hbm>>
          %dma_wait3A_447 = tpu.memref_slice %arg15[%dma_wait3A_440] : memref<16x!tpu.dma_semaphore, #tpu.memory_space<semaphore_mem>> -> memref<1x!tpu.dma_semaphore, #tpu.memory_space<semaphore_mem>>
          %dma_wait3A_448 = tpu.memref_squeeze %dma_wait3A_447 : memref<1x!tpu.dma_semaphore, #tpu.memory_space<semaphore_mem>> -> memref<!tpu.dma_semaphore, #tpu.memory_space<semaphore_mem>>
          tpu.wait_indirect_dma semaphore(%dma_wait3A_448 : memref<!tpu.dma_semaphore, #tpu.memory_space<semaphore_mem>>) src(%arg11 : memref<16x768xf32, #tpu.memory_space<vmem>>) dst(%dma_wait3A_446 : memref<65536x768xf32, #tpu.memory_space<hbm>>)
        } else {
        }
        %dma_start3A = arith.constant 13 : i32
        %dma_start3A_432 = arith.constant 0 : i32
        %dma_start3A_433 = tpu.memref_slice %arg10[%add3A_406, %dma_start3A_432] : memref<129x16xi32, #tpu.memory_space<vmem>> -> memref<1x16xi32, #tpu.memory_space<vmem>>
        %dma_start3A_434 = tpu.memref_squeeze %dma_start3A_433 : memref<1x16xi32, #tpu.memory_space<vmem>> -> memref<16xi32, #tpu.memory_space<vmem>>
        %dma_start3A_435 = arith.constant 0 : i32
        %dma_start3A_436 = arith.constant 0 : i32
        %dma_start3A_437 = tpu.memref_slice %arg5[%dma_start3A_435, %dma_start3A_436] : memref<65536x768xf32, #tpu.memory_space<hbm>> -> memref<65536x768xf32, #tpu.memory_space<hbm>>
        %dma_start3A_438 = tpu.memref_slice %arg15[%dma_start3A] : memref<16x!tpu.dma_semaphore, #tpu.memory_space<semaphore_mem>> -> memref<1x!tpu.dma_semaphore, #tpu.memory_space<semaphore_mem>>
        %dma_start3A_439 = tpu.memref_squeeze %dma_start3A_438 : memref<1x!tpu.dma_semaphore, #tpu.memory_space<semaphore_mem>> -> memref<!tpu.dma_semaphore, #tpu.memory_space<semaphore_mem>>
        tpu.enqueue_indirect_dma source(%arg11 : memref<16x768xf32, #tpu.memory_space<vmem>>) target(%dma_start3A_437 : memref<65536x768xf32, #tpu.memory_space<hbm>>) offsets(%dma_start3A_434 : memref<16xi32, #tpu.memory_space<vmem>>) semaphore(%dma_start3A_439 : memref<!tpu.dma_semaphore, #tpu.memory_space<semaphore_mem>>)
      } else {
      }
      %mul3A_411 = arith.constant 16 : i32
      %mul3A_412 = arith.muli %while3A_298, %mul3A_411 : i32
      %add3A_413 = arith.constant 14 : i32
      %add3A_414 = arith.addi %mul3A_412, %add3A_413 : i32
      %lt3A_415 = arith.cmpi slt, %add3A_414, %select_n3A_108 : i32
      %convert_element_type3A_416 = arith.extui %lt3A_415 : i1 to i32
      %cond3A_417 = arith.constant 0 : i32
      %cond3A_418 = arith.cmpi ne, %convert_element_type3A_416, %cond3A_417 : i32
      scf.if %cond3A_418 {
        %ge3A = arith.constant 16 : i32
        %ge3A_428 = arith.cmpi sge, %add3A_414, %ge3A : i32
        %convert_element_type3A_429 = arith.extui %ge3A_428 : i1 to i32
        %cond3A_430 = arith.constant 0 : i32
        %cond3A_431 = arith.cmpi ne, %convert_element_type3A_429, %cond3A_430 : i32
        scf.if %cond3A_431 {
          %dma_wait3A = arith.constant 0 : i32
          %dma_wait3A_440 = arith.constant 14 : i32
          %dma_wait3A_441 = arith.constant 0 : i32
          %dma_wait3A_442 = tpu.memref_slice %arg10[%dma_wait3A, %dma_wait3A_441] : memref<129x16xi32, #tpu.memory_space<vmem>> -> memref<1x16xi32, #tpu.memory_space<vmem>>
          %dma_wait3A_443 = tpu.memref_squeeze %dma_wait3A_442 : memref<1x16xi32, #tpu.memory_space<vmem>> -> memref<16xi32, #tpu.memory_space<vmem>>
          %dma_wait3A_444 = arith.constant 0 : i32
          %dma_wait3A_445 = arith.constant 0 : i32
          %dma_wait3A_446 = tpu.memref_slice %arg5[%dma_wait3A_444, %dma_wait3A_445] : memref<65536x768xf32, #tpu.memory_space<hbm>> -> memref<65536x768xf32, #tpu.memory_space<hbm>>
          %dma_wait3A_447 = tpu.memref_slice %arg15[%dma_wait3A_440] : memref<16x!tpu.dma_semaphore, #tpu.memory_space<semaphore_mem>> -> memref<1x!tpu.dma_semaphore, #tpu.memory_space<semaphore_mem>>
          %dma_wait3A_448 = tpu.memref_squeeze %dma_wait3A_447 : memref<1x!tpu.dma_semaphore, #tpu.memory_space<semaphore_mem>> -> memref<!tpu.dma_semaphore, #tpu.memory_space<semaphore_mem>>
          tpu.wait_indirect_dma semaphore(%dma_wait3A_448 : memref<!tpu.dma_semaphore, #tpu.memory_space<semaphore_mem>>) src(%arg11 : memref<16x768xf32, #tpu.memory_space<vmem>>) dst(%dma_wait3A_446 : memref<65536x768xf32, #tpu.memory_space<hbm>>)
        } else {
        }
        %dma_start3A = arith.constant 14 : i32
        %dma_start3A_432 = arith.constant 0 : i32
        %dma_start3A_433 = tpu.memref_slice %arg10[%add3A_414, %dma_start3A_432] : memref<129x16xi32, #tpu.memory_space<vmem>> -> memref<1x16xi32, #tpu.memory_space<vmem>>
        %dma_start3A_434 = tpu.memref_squeeze %dma_start3A_433 : memref<1x16xi32, #tpu.memory_space<vmem>> -> memref<16xi32, #tpu.memory_space<vmem>>
        %dma_start3A_435 = arith.constant 0 : i32
        %dma_start3A_436 = arith.constant 0 : i32
        %dma_start3A_437 = tpu.memref_slice %arg5[%dma_start3A_435, %dma_start3A_436] : memref<65536x768xf32, #tpu.memory_space<hbm>> -> memref<65536x768xf32, #tpu.memory_space<hbm>>
        %dma_start3A_438 = tpu.memref_slice %arg15[%dma_start3A] : memref<16x!tpu.dma_semaphore, #tpu.memory_space<semaphore_mem>> -> memref<1x!tpu.dma_semaphore, #tpu.memory_space<semaphore_mem>>
        %dma_start3A_439 = tpu.memref_squeeze %dma_start3A_438 : memref<1x!tpu.dma_semaphore, #tpu.memory_space<semaphore_mem>> -> memref<!tpu.dma_semaphore, #tpu.memory_space<semaphore_mem>>
        tpu.enqueue_indirect_dma source(%arg11 : memref<16x768xf32, #tpu.memory_space<vmem>>) target(%dma_start3A_437 : memref<65536x768xf32, #tpu.memory_space<hbm>>) offsets(%dma_start3A_434 : memref<16xi32, #tpu.memory_space<vmem>>) semaphore(%dma_start3A_439 : memref<!tpu.dma_semaphore, #tpu.memory_space<semaphore_mem>>)
      } else {
      }
      %mul3A_419 = arith.constant 16 : i32
      %mul3A_420 = arith.muli %while3A_298, %mul3A_419 : i32
      %add3A_421 = arith.constant 15 : i32
      %add3A_422 = arith.addi %mul3A_420, %add3A_421 : i32
      %lt3A_423 = arith.cmpi slt, %add3A_422, %select_n3A_108 : i32
      %convert_element_type3A_424 = arith.extui %lt3A_423 : i1 to i32
      %cond3A_425 = arith.constant 0 : i32
      %cond3A_426 = arith.cmpi ne, %convert_element_type3A_424, %cond3A_425 : i32
      scf.if %cond3A_426 {
        %ge3A = arith.constant 16 : i32
        %ge3A_428 = arith.cmpi sge, %add3A_422, %ge3A : i32
        %convert_element_type3A_429 = arith.extui %ge3A_428 : i1 to i32
        %cond3A_430 = arith.constant 0 : i32
        %cond3A_431 = arith.cmpi ne, %convert_element_type3A_429, %cond3A_430 : i32
        scf.if %cond3A_431 {
          %dma_wait3A = arith.constant 0 : i32
          %dma_wait3A_440 = arith.constant 15 : i32
          %dma_wait3A_441 = arith.constant 0 : i32
          %dma_wait3A_442 = tpu.memref_slice %arg10[%dma_wait3A, %dma_wait3A_441] : memref<129x16xi32, #tpu.memory_space<vmem>> -> memref<1x16xi32, #tpu.memory_space<vmem>>
          %dma_wait3A_443 = tpu.memref_squeeze %dma_wait3A_442 : memref<1x16xi32, #tpu.memory_space<vmem>> -> memref<16xi32, #tpu.memory_space<vmem>>
          %dma_wait3A_444 = arith.constant 0 : i32
          %dma_wait3A_445 = arith.constant 0 : i32
          %dma_wait3A_446 = tpu.memref_slice %arg5[%dma_wait3A_444, %dma_wait3A_445] : memref<65536x768xf32, #tpu.memory_space<hbm>> -> memref<65536x768xf32, #tpu.memory_space<hbm>>
          %dma_wait3A_447 = tpu.memref_slice %arg15[%dma_wait3A_440] : memref<16x!tpu.dma_semaphore, #tpu.memory_space<semaphore_mem>> -> memref<1x!tpu.dma_semaphore, #tpu.memory_space<semaphore_mem>>
          %dma_wait3A_448 = tpu.memref_squeeze %dma_wait3A_447 : memref<1x!tpu.dma_semaphore, #tpu.memory_space<semaphore_mem>> -> memref<!tpu.dma_semaphore, #tpu.memory_space<semaphore_mem>>
          tpu.wait_indirect_dma semaphore(%dma_wait3A_448 : memref<!tpu.dma_semaphore, #tpu.memory_space<semaphore_mem>>) src(%arg11 : memref<16x768xf32, #tpu.memory_space<vmem>>) dst(%dma_wait3A_446 : memref<65536x768xf32, #tpu.memory_space<hbm>>)
        } else {
        }
        %dma_start3A = arith.constant 15 : i32
        %dma_start3A_432 = arith.constant 0 : i32
        %dma_start3A_433 = tpu.memref_slice %arg10[%add3A_422, %dma_start3A_432] : memref<129x16xi32, #tpu.memory_space<vmem>> -> memref<1x16xi32, #tpu.memory_space<vmem>>
        %dma_start3A_434 = tpu.memref_squeeze %dma_start3A_433 : memref<1x16xi32, #tpu.memory_space<vmem>> -> memref<16xi32, #tpu.memory_space<vmem>>
        %dma_start3A_435 = arith.constant 0 : i32
        %dma_start3A_436 = arith.constant 0 : i32
        %dma_start3A_437 = tpu.memref_slice %arg5[%dma_start3A_435, %dma_start3A_436] : memref<65536x768xf32, #tpu.memory_space<hbm>> -> memref<65536x768xf32, #tpu.memory_space<hbm>>
        %dma_start3A_438 = tpu.memref_slice %arg15[%dma_start3A] : memref<16x!tpu.dma_semaphore, #tpu.memory_space<semaphore_mem>> -> memref<1x!tpu.dma_semaphore, #tpu.memory_space<semaphore_mem>>
        %dma_start3A_439 = tpu.memref_squeeze %dma_start3A_438 : memref<1x!tpu.dma_semaphore, #tpu.memory_space<semaphore_mem>> -> memref<!tpu.dma_semaphore, #tpu.memory_space<semaphore_mem>>
        tpu.enqueue_indirect_dma source(%arg11 : memref<16x768xf32, #tpu.memory_space<vmem>>) target(%dma_start3A_437 : memref<65536x768xf32, #tpu.memory_space<hbm>>) offsets(%dma_start3A_434 : memref<16xi32, #tpu.memory_space<vmem>>) semaphore(%dma_start3A_439 : memref<!tpu.dma_semaphore, #tpu.memory_space<semaphore_mem>>)
      } else {
      }
      %while3A_427 = arith.constant 0 : i32
      scf.yield %while3A_427 : i32
    }
    %while3A_146 = arith.constant 1 : i32
    %while3A_147 = scf.for %while3A_298 = %while3A_143 to %while3A_139 step %while3A_146 iter_args(%while3A_299 = %while3A_145) -> (i32)  : i32 {
      %mul3A_300 = arith.constant 16 : i32
      %mul3A_301 = arith.muli %while3A_298, %mul3A_300 : i32
      %add3A_302 = arith.constant 0 : i32
      %add3A_303 = arith.addi %mul3A_301, %add3A_302 : i32
      %lt3A = arith.cmpi slt, %add3A_303, %select_n3A_108 : i32
      %convert_element_type3A_304 = arith.extui %lt3A : i1 to i32
      %cond3A_305 = arith.constant 0 : i32
      %cond3A_306 = arith.cmpi ne, %convert_element_type3A_304, %cond3A_305 : i32
      scf.if %cond3A_306 {
        %ge3A = arith.constant 16 : i32
        %ge3A_428 = arith.cmpi sge, %add3A_303, %ge3A : i32
        %convert_element_type3A_429 = arith.extui %ge3A_428 : i1 to i32
        %cond3A_430 = arith.constant 0 : i32
        %cond3A_431 = arith.cmpi ne, %convert_element_type3A_429, %cond3A_430 : i32
        scf.if %cond3A_431 {
          %dma_wait3A = arith.constant 0 : i32
          %dma_wait3A_440 = arith.constant 0 : i32
          %dma_wait3A_441 = arith.constant 0 : i32
          %dma_wait3A_442 = tpu.memref_slice %arg10[%dma_wait3A, %dma_wait3A_441] : memref<129x16xi32, #tpu.memory_space<vmem>> -> memref<1x16xi32, #tpu.memory_space<vmem>>
          %dma_wait3A_443 = tpu.memref_squeeze %dma_wait3A_442 : memref<1x16xi32, #tpu.memory_space<vmem>> -> memref<16xi32, #tpu.memory_space<vmem>>
          %dma_wait3A_444 = arith.constant 0 : i32
          %dma_wait3A_445 = arith.constant 0 : i32
          %dma_wait3A_446 = tpu.memref_slice %arg5[%dma_wait3A_444, %dma_wait3A_445] : memref<65536x768xf32, #tpu.memory_space<hbm>> -> memref<65536x768xf32, #tpu.memory_space<hbm>>
          %dma_wait3A_447 = tpu.memref_slice %arg15[%dma_wait3A_440] : memref<16x!tpu.dma_semaphore, #tpu.memory_space<semaphore_mem>> -> memref<1x!tpu.dma_semaphore, #tpu.memory_space<semaphore_mem>>
          %dma_wait3A_448 = tpu.memref_squeeze %dma_wait3A_447 : memref<1x!tpu.dma_semaphore, #tpu.memory_space<semaphore_mem>> -> memref<!tpu.dma_semaphore, #tpu.memory_space<semaphore_mem>>
          tpu.wait_indirect_dma semaphore(%dma_wait3A_448 : memref<!tpu.dma_semaphore, #tpu.memory_space<semaphore_mem>>) src(%arg11 : memref<16x768xf32, #tpu.memory_space<vmem>>) dst(%dma_wait3A_446 : memref<65536x768xf32, #tpu.memory_space<hbm>>)
        } else {
        }
        %dma_start3A = arith.constant 0 : i32
        %dma_start3A_432 = arith.constant 0 : i32
        %dma_start3A_433 = tpu.memref_slice %arg10[%add3A_303, %dma_start3A_432] : memref<129x16xi32, #tpu.memory_space<vmem>> -> memref<1x16xi32, #tpu.memory_space<vmem>>
        %dma_start3A_434 = tpu.memref_squeeze %dma_start3A_433 : memref<1x16xi32, #tpu.memory_space<vmem>> -> memref<16xi32, #tpu.memory_space<vmem>>
        %dma_start3A_435 = arith.constant 0 : i32
        %dma_start3A_436 = arith.constant 0 : i32
        %dma_start3A_437 = tpu.memref_slice %arg5[%dma_start3A_435, %dma_start3A_436] : memref<65536x768xf32, #tpu.memory_space<hbm>> -> memref<65536x768xf32, #tpu.memory_space<hbm>>
        %dma_start3A_438 = tpu.memref_slice %arg15[%dma_start3A] : memref<16x!tpu.dma_semaphore, #tpu.memory_space<semaphore_mem>> -> memref<1x!tpu.dma_semaphore, #tpu.memory_space<semaphore_mem>>
        %dma_start3A_439 = tpu.memref_squeeze %dma_start3A_438 : memref<1x!tpu.dma_semaphore, #tpu.memory_space<semaphore_mem>> -> memref<!tpu.dma_semaphore, #tpu.memory_space<semaphore_mem>>
        tpu.enqueue_indirect_dma source(%arg11 : memref<16x768xf32, #tpu.memory_space<vmem>>) target(%dma_start3A_437 : memref<65536x768xf32, #tpu.memory_space<hbm>>) offsets(%dma_start3A_434 : memref<16xi32, #tpu.memory_space<vmem>>) semaphore(%dma_start3A_439 : memref<!tpu.dma_semaphore, #tpu.memory_space<semaphore_mem>>)
      } else {
      }
      %mul3A_307 = arith.constant 16 : i32
      %mul3A_308 = arith.muli %while3A_298, %mul3A_307 : i32
      %add3A_309 = arith.constant 1 : i32
      %add3A_310 = arith.addi %mul3A_308, %add3A_309 : i32
      %lt3A_311 = arith.cmpi slt, %add3A_310, %select_n3A_108 : i32
      %convert_element_type3A_312 = arith.extui %lt3A_311 : i1 to i32
      %cond3A_313 = arith.constant 0 : i32
      %cond3A_314 = arith.cmpi ne, %convert_element_type3A_312, %cond3A_313 : i32
      scf.if %cond3A_314 {
        %ge3A = arith.constant 16 : i32
        %ge3A_428 = arith.cmpi sge, %add3A_310, %ge3A : i32
        %convert_element_type3A_429 = arith.extui %ge3A_428 : i1 to i32
        %cond3A_430 = arith.constant 0 : i32
        %cond3A_431 = arith.cmpi ne, %convert_element_type3A_429, %cond3A_430 : i32
        scf.if %cond3A_431 {
          %dma_wait3A = arith.constant 0 : i32
          %dma_wait3A_440 = arith.constant 1 : i32
          %dma_wait3A_441 = arith.constant 0 : i32
          %dma_wait3A_442 = tpu.memref_slice %arg10[%dma_wait3A, %dma_wait3A_441] : memref<129x16xi32, #tpu.memory_space<vmem>> -> memref<1x16xi32, #tpu.memory_space<vmem>>
          %dma_wait3A_443 = tpu.memref_squeeze %dma_wait3A_442 : memref<1x16xi32, #tpu.memory_space<vmem>> -> memref<16xi32, #tpu.memory_space<vmem>>
          %dma_wait3A_444 = arith.constant 0 : i32
          %dma_wait3A_445 = arith.constant 0 : i32
          %dma_wait3A_446 = tpu.memref_slice %arg5[%dma_wait3A_444, %dma_wait3A_445] : memref<65536x768xf32, #tpu.memory_space<hbm>> -> memref<65536x768xf32, #tpu.memory_space<hbm>>
          %dma_wait3A_447 = tpu.memref_slice %arg15[%dma_wait3A_440] : memref<16x!tpu.dma_semaphore, #tpu.memory_space<semaphore_mem>> -> memref<1x!tpu.dma_semaphore, #tpu.memory_space<semaphore_mem>>
          %dma_wait3A_448 = tpu.memref_squeeze %dma_wait3A_447 : memref<1x!tpu.dma_semaphore, #tpu.memory_space<semaphore_mem>> -> memref<!tpu.dma_semaphore, #tpu.memory_space<semaphore_mem>>
          tpu.wait_indirect_dma semaphore(%dma_wait3A_448 : memref<!tpu.dma_semaphore, #tpu.memory_space<semaphore_mem>>) src(%arg11 : memref<16x768xf32, #tpu.memory_space<vmem>>) dst(%dma_wait3A_446 : memref<65536x768xf32, #tpu.memory_space<hbm>>)
        } else {
        }
        %dma_start3A = arith.constant 1 : i32
        %dma_start3A_432 = arith.constant 0 : i32
        %dma_start3A_433 = tpu.memref_slice %arg10[%add3A_310, %dma_start3A_432] : memref<129x16xi32, #tpu.memory_space<vmem>> -> memref<1x16xi32, #tpu.memory_space<vmem>>
        %dma_start3A_434 = tpu.memref_squeeze %dma_start3A_433 : memref<1x16xi32, #tpu.memory_space<vmem>> -> memref<16xi32, #tpu.memory_space<vmem>>
        %dma_start3A_435 = arith.constant 0 : i32
        %dma_start3A_436 = arith.constant 0 : i32
        %dma_start3A_437 = tpu.memref_slice %arg5[%dma_start3A_435, %dma_start3A_436] : memref<65536x768xf32, #tpu.memory_space<hbm>> -> memref<65536x768xf32, #tpu.memory_space<hbm>>
        %dma_start3A_438 = tpu.memref_slice %arg15[%dma_start3A] : memref<16x!tpu.dma_semaphore, #tpu.memory_space<semaphore_mem>> -> memref<1x!tpu.dma_semaphore, #tpu.memory_space<semaphore_mem>>
        %dma_start3A_439 = tpu.memref_squeeze %dma_start3A_438 : memref<1x!tpu.dma_semaphore, #tpu.memory_space<semaphore_mem>> -> memref<!tpu.dma_semaphore, #tpu.memory_space<semaphore_mem>>
        tpu.enqueue_indirect_dma source(%arg11 : memref<16x768xf32, #tpu.memory_space<vmem>>) target(%dma_start3A_437 : memref<65536x768xf32, #tpu.memory_space<hbm>>) offsets(%dma_start3A_434 : memref<16xi32, #tpu.memory_space<vmem>>) semaphore(%dma_start3A_439 : memref<!tpu.dma_semaphore, #tpu.memory_space<semaphore_mem>>)
      } else {
      }
      %mul3A_315 = arith.constant 16 : i32
      %mul3A_316 = arith.muli %while3A_298, %mul3A_315 : i32
      %add3A_317 = arith.constant 2 : i32
      %add3A_318 = arith.addi %mul3A_316, %add3A_317 : i32
      %lt3A_319 = arith.cmpi slt, %add3A_318, %select_n3A_108 : i32
      %convert_element_type3A_320 = arith.extui %lt3A_319 : i1 to i32
      %cond3A_321 = arith.constant 0 : i32
      %cond3A_322 = arith.cmpi ne, %convert_element_type3A_320, %cond3A_321 : i32
      scf.if %cond3A_322 {
        %ge3A = arith.constant 16 : i32
        %ge3A_428 = arith.cmpi sge, %add3A_318, %ge3A : i32
        %convert_element_type3A_429 = arith.extui %ge3A_428 : i1 to i32
        %cond3A_430 = arith.constant 0 : i32
        %cond3A_431 = arith.cmpi ne, %convert_element_type3A_429, %cond3A_430 : i32
        scf.if %cond3A_431 {
          %dma_wait3A = arith.constant 0 : i32
          %dma_wait3A_440 = arith.constant 2 : i32
          %dma_wait3A_441 = arith.constant 0 : i32
          %dma_wait3A_442 = tpu.memref_slice %arg10[%dma_wait3A, %dma_wait3A_441] : memref<129x16xi32, #tpu.memory_space<vmem>> -> memref<1x16xi32, #tpu.memory_space<vmem>>
          %dma_wait3A_443 = tpu.memref_squeeze %dma_wait3A_442 : memref<1x16xi32, #tpu.memory_space<vmem>> -> memref<16xi32, #tpu.memory_space<vmem>>
          %dma_wait3A_444 = arith.constant 0 : i32
          %dma_wait3A_445 = arith.constant 0 : i32
          %dma_wait3A_446 = tpu.memref_slice %arg5[%dma_wait3A_444, %dma_wait3A_445] : memref<65536x768xf32, #tpu.memory_space<hbm>> -> memref<65536x768xf32, #tpu.memory_space<hbm>>
          %dma_wait3A_447 = tpu.memref_slice %arg15[%dma_wait3A_440] : memref<16x!tpu.dma_semaphore, #tpu.memory_space<semaphore_mem>> -> memref<1x!tpu.dma_semaphore, #tpu.memory_space<semaphore_mem>>
          %dma_wait3A_448 = tpu.memref_squeeze %dma_wait3A_447 : memref<1x!tpu.dma_semaphore, #tpu.memory_space<semaphore_mem>> -> memref<!tpu.dma_semaphore, #tpu.memory_space<semaphore_mem>>
          tpu.wait_indirect_dma semaphore(%dma_wait3A_448 : memref<!tpu.dma_semaphore, #tpu.memory_space<semaphore_mem>>) src(%arg11 : memref<16x768xf32, #tpu.memory_space<vmem>>) dst(%dma_wait3A_446 : memref<65536x768xf32, #tpu.memory_space<hbm>>)
        } else {
        }
        %dma_start3A = arith.constant 2 : i32
        %dma_start3A_432 = arith.constant 0 : i32
        %dma_start3A_433 = tpu.memref_slice %arg10[%add3A_318, %dma_start3A_432] : memref<129x16xi32, #tpu.memory_space<vmem>> -> memref<1x16xi32, #tpu.memory_space<vmem>>
        %dma_start3A_434 = tpu.memref_squeeze %dma_start3A_433 : memref<1x16xi32, #tpu.memory_space<vmem>> -> memref<16xi32, #tpu.memory_space<vmem>>
        %dma_start3A_435 = arith.constant 0 : i32
        %dma_start3A_436 = arith.constant 0 : i32
        %dma_start3A_437 = tpu.memref_slice %arg5[%dma_start3A_435, %dma_start3A_436] : memref<65536x768xf32, #tpu.memory_space<hbm>> -> memref<65536x768xf32, #tpu.memory_space<hbm>>
        %dma_start3A_438 = tpu.memref_slice %arg15[%dma_start3A] : memref<16x!tpu.dma_semaphore, #tpu.memory_space<semaphore_mem>> -> memref<1x!tpu.dma_semaphore, #tpu.memory_space<semaphore_mem>>
        %dma_start3A_439 = tpu.memref_squeeze %dma_start3A_438 : memref<1x!tpu.dma_semaphore, #tpu.memory_space<semaphore_mem>> -> memref<!tpu.dma_semaphore, #tpu.memory_space<semaphore_mem>>
        tpu.enqueue_indirect_dma source(%arg11 : memref<16x768xf32, #tpu.memory_space<vmem>>) target(%dma_start3A_437 : memref<65536x768xf32, #tpu.memory_space<hbm>>) offsets(%dma_start3A_434 : memref<16xi32, #tpu.memory_space<vmem>>) semaphore(%dma_start3A_439 : memref<!tpu.dma_semaphore, #tpu.memory_space<semaphore_mem>>)
      } else {
      }
      %mul3A_323 = arith.constant 16 : i32
      %mul3A_324 = arith.muli %while3A_298, %mul3A_323 : i32
      %add3A_325 = arith.constant 3 : i32
      %add3A_326 = arith.addi %mul3A_324, %add3A_325 : i32
      %lt3A_327 = arith.cmpi slt, %add3A_326, %select_n3A_108 : i32
      %convert_element_type3A_328 = arith.extui %lt3A_327 : i1 to i32
      %cond3A_329 = arith.constant 0 : i32
      %cond3A_330 = arith.cmpi ne, %convert_element_type3A_328, %cond3A_329 : i32
      scf.if %cond3A_330 {
        %ge3A = arith.constant 16 : i32
        %ge3A_428 = arith.cmpi sge, %add3A_326, %ge3A : i32
        %convert_element_type3A_429 = arith.extui %ge3A_428 : i1 to i32
        %cond3A_430 = arith.constant 0 : i32
        %cond3A_431 = arith.cmpi ne, %convert_element_type3A_429, %cond3A_430 : i32
        scf.if %cond3A_431 {
          %dma_wait3A = arith.constant 0 : i32
          %dma_wait3A_440 = arith.constant 3 : i32
          %dma_wait3A_441 = arith.constant 0 : i32
          %dma_wait3A_442 = tpu.memref_slice %arg10[%dma_wait3A, %dma_wait3A_441] : memref<129x16xi32, #tpu.memory_space<vmem>> -> memref<1x16xi32, #tpu.memory_space<vmem>>
          %dma_wait3A_443 = tpu.memref_squeeze %dma_wait3A_442 : memref<1x16xi32, #tpu.memory_space<vmem>> -> memref<16xi32, #tpu.memory_space<vmem>>
          %dma_wait3A_444 = arith.constant 0 : i32
          %dma_wait3A_445 = arith.constant 0 : i32
          %dma_wait3A_446 = tpu.memref_slice %arg5[%dma_wait3A_444, %dma_wait3A_445] : memref<65536x768xf32, #tpu.memory_space<hbm>> -> memref<65536x768xf32, #tpu.memory_space<hbm>>
          %dma_wait3A_447 = tpu.memref_slice %arg15[%dma_wait3A_440] : memref<16x!tpu.dma_semaphore, #tpu.memory_space<semaphore_mem>> -> memref<1x!tpu.dma_semaphore, #tpu.memory_space<semaphore_mem>>
          %dma_wait3A_448 = tpu.memref_squeeze %dma_wait3A_447 : memref<1x!tpu.dma_semaphore, #tpu.memory_space<semaphore_mem>> -> memref<!tpu.dma_semaphore, #tpu.memory_space<semaphore_mem>>
          tpu.wait_indirect_dma semaphore(%dma_wait3A_448 : memref<!tpu.dma_semaphore, #tpu.memory_space<semaphore_mem>>) src(%arg11 : memref<16x768xf32, #tpu.memory_space<vmem>>) dst(%dma_wait3A_446 : memref<65536x768xf32, #tpu.memory_space<hbm>>)
        } else {
        }
        %dma_start3A = arith.constant 3 : i32
        %dma_start3A_432 = arith.constant 0 : i32
        %dma_start3A_433 = tpu.memref_slice %arg10[%add3A_326, %dma_start3A_432] : memref<129x16xi32, #tpu.memory_space<vmem>> -> memref<1x16xi32, #tpu.memory_space<vmem>>
        %dma_start3A_434 = tpu.memref_squeeze %dma_start3A_433 : memref<1x16xi32, #tpu.memory_space<vmem>> -> memref<16xi32, #tpu.memory_space<vmem>>
        %dma_start3A_435 = arith.constant 0 : i32
        %dma_start3A_436 = arith.constant 0 : i32
        %dma_start3A_437 = tpu.memref_slice %arg5[%dma_start3A_435, %dma_start3A_436] : memref<65536x768xf32, #tpu.memory_space<hbm>> -> memref<65536x768xf32, #tpu.memory_space<hbm>>
        %dma_start3A_438 = tpu.memref_slice %arg15[%dma_start3A] : memref<16x!tpu.dma_semaphore, #tpu.memory_space<semaphore_mem>> -> memref<1x!tpu.dma_semaphore, #tpu.memory_space<semaphore_mem>>
        %dma_start3A_439 = tpu.memref_squeeze %dma_start3A_438 : memref<1x!tpu.dma_semaphore, #tpu.memory_space<semaphore_mem>> -> memref<!tpu.dma_semaphore, #tpu.memory_space<semaphore_mem>>
        tpu.enqueue_indirect_dma source(%arg11 : memref<16x768xf32, #tpu.memory_space<vmem>>) target(%dma_start3A_437 : memref<65536x768xf32, #tpu.memory_space<hbm>>) offsets(%dma_start3A_434 : memref<16xi32, #tpu.memory_space<vmem>>) semaphore(%dma_start3A_439 : memref<!tpu.dma_semaphore, #tpu.memory_space<semaphore_mem>>)
      } else {
      }
      %mul3A_331 = arith.constant 16 : i32
      %mul3A_332 = arith.muli %while3A_298, %mul3A_331 : i32
      %add3A_333 = arith.constant 4 : i32
      %add3A_334 = arith.addi %mul3A_332, %add3A_333 : i32
      %lt3A_335 = arith.cmpi slt, %add3A_334, %select_n3A_108 : i32
      %convert_element_type3A_336 = arith.extui %lt3A_335 : i1 to i32
      %cond3A_337 = arith.constant 0 : i32
      %cond3A_338 = arith.cmpi ne, %convert_element_type3A_336, %cond3A_337 : i32
      scf.if %cond3A_338 {
        %ge3A = arith.constant 16 : i32
        %ge3A_428 = arith.cmpi sge, %add3A_334, %ge3A : i32
        %convert_element_type3A_429 = arith.extui %ge3A_428 : i1 to i32
        %cond3A_430 = arith.constant 0 : i32
        %cond3A_431 = arith.cmpi ne, %convert_element_type3A_429, %cond3A_430 : i32
        scf.if %cond3A_431 {
          %dma_wait3A = arith.constant 0 : i32
          %dma_wait3A_440 = arith.constant 4 : i32
          %dma_wait3A_441 = arith.constant 0 : i32
          %dma_wait3A_442 = tpu.memref_slice %arg10[%dma_wait3A, %dma_wait3A_441] : memref<129x16xi32, #tpu.memory_space<vmem>> -> memref<1x16xi32, #tpu.memory_space<vmem>>
          %dma_wait3A_443 = tpu.memref_squeeze %dma_wait3A_442 : memref<1x16xi32, #tpu.memory_space<vmem>> -> memref<16xi32, #tpu.memory_space<vmem>>
          %dma_wait3A_444 = arith.constant 0 : i32
          %dma_wait3A_445 = arith.constant 0 : i32
          %dma_wait3A_446 = tpu.memref_slice %arg5[%dma_wait3A_444, %dma_wait3A_445] : memref<65536x768xf32, #tpu.memory_space<hbm>> -> memref<65536x768xf32, #tpu.memory_space<hbm>>
          %dma_wait3A_447 = tpu.memref_slice %arg15[%dma_wait3A_440] : memref<16x!tpu.dma_semaphore, #tpu.memory_space<semaphore_mem>> -> memref<1x!tpu.dma_semaphore, #tpu.memory_space<semaphore_mem>>
          %dma_wait3A_448 = tpu.memref_squeeze %dma_wait3A_447 : memref<1x!tpu.dma_semaphore, #tpu.memory_space<semaphore_mem>> -> memref<!tpu.dma_semaphore, #tpu.memory_space<semaphore_mem>>
          tpu.wait_indirect_dma semaphore(%dma_wait3A_448 : memref<!tpu.dma_semaphore, #tpu.memory_space<semaphore_mem>>) src(%arg11 : memref<16x768xf32, #tpu.memory_space<vmem>>) dst(%dma_wait3A_446 : memref<65536x768xf32, #tpu.memory_space<hbm>>)
        } else {
        }
        %dma_start3A = arith.constant 4 : i32
        %dma_start3A_432 = arith.constant 0 : i32
        %dma_start3A_433 = tpu.memref_slice %arg10[%add3A_334, %dma_start3A_432] : memref<129x16xi32, #tpu.memory_space<vmem>> -> memref<1x16xi32, #tpu.memory_space<vmem>>
        %dma_start3A_434 = tpu.memref_squeeze %dma_start3A_433 : memref<1x16xi32, #tpu.memory_space<vmem>> -> memref<16xi32, #tpu.memory_space<vmem>>
        %dma_start3A_435 = arith.constant 0 : i32
        %dma_start3A_436 = arith.constant 0 : i32
        %dma_start3A_437 = tpu.memref_slice %arg5[%dma_start3A_435, %dma_start3A_436] : memref<65536x768xf32, #tpu.memory_space<hbm>> -> memref<65536x768xf32, #tpu.memory_space<hbm>>
        %dma_start3A_438 = tpu.memref_slice %arg15[%dma_start3A] : memref<16x!tpu.dma_semaphore, #tpu.memory_space<semaphore_mem>> -> memref<1x!tpu.dma_semaphore, #tpu.memory_space<semaphore_mem>>
        %dma_start3A_439 = tpu.memref_squeeze %dma_start3A_438 : memref<1x!tpu.dma_semaphore, #tpu.memory_space<semaphore_mem>> -> memref<!tpu.dma_semaphore, #tpu.memory_space<semaphore_mem>>
        tpu.enqueue_indirect_dma source(%arg11 : memref<16x768xf32, #tpu.memory_space<vmem>>) target(%dma_start3A_437 : memref<65536x768xf32, #tpu.memory_space<hbm>>) offsets(%dma_start3A_434 : memref<16xi32, #tpu.memory_space<vmem>>) semaphore(%dma_start3A_439 : memref<!tpu.dma_semaphore, #tpu.memory_space<semaphore_mem>>)
      } else {
      }
      %mul3A_339 = arith.constant 16 : i32
      %mul3A_340 = arith.muli %while3A_298, %mul3A_339 : i32
      %add3A_341 = arith.constant 5 : i32
      %add3A_342 = arith.addi %mul3A_340, %add3A_341 : i32
      %lt3A_343 = arith.cmpi slt, %add3A_342, %select_n3A_108 : i32
      %convert_element_type3A_344 = arith.extui %lt3A_343 : i1 to i32
      %cond3A_345 = arith.constant 0 : i32
      %cond3A_346 = arith.cmpi ne, %convert_element_type3A_344, %cond3A_345 : i32
      scf.if %cond3A_346 {
        %ge3A = arith.constant 16 : i32
        %ge3A_428 = arith.cmpi sge, %add3A_342, %ge3A : i32
        %convert_element_type3A_429 = arith.extui %ge3A_428 : i1 to i32
        %cond3A_430 = arith.constant 0 : i32
        %cond3A_431 = arith.cmpi ne, %convert_element_type3A_429, %cond3A_430 : i32
        scf.if %cond3A_431 {
          %dma_wait3A = arith.constant 0 : i32
          %dma_wait3A_440 = arith.constant 5 : i32
          %dma_wait3A_441 = arith.constant 0 : i32
          %dma_wait3A_442 = tpu.memref_slice %arg10[%dma_wait3A, %dma_wait3A_441] : memref<129x16xi32, #tpu.memory_space<vmem>> -> memref<1x16xi32, #tpu.memory_space<vmem>>
          %dma_wait3A_443 = tpu.memref_squeeze %dma_wait3A_442 : memref<1x16xi32, #tpu.memory_space<vmem>> -> memref<16xi32, #tpu.memory_space<vmem>>
          %dma_wait3A_444 = arith.constant 0 : i32
          %dma_wait3A_445 = arith.constant 0 : i32
          %dma_wait3A_446 = tpu.memref_slice %arg5[%dma_wait3A_444, %dma_wait3A_445] : memref<65536x768xf32, #tpu.memory_space<hbm>> -> memref<65536x768xf32, #tpu.memory_space<hbm>>
          %dma_wait3A_447 = tpu.memref_slice %arg15[%dma_wait3A_440] : memref<16x!tpu.dma_semaphore, #tpu.memory_space<semaphore_mem>> -> memref<1x!tpu.dma_semaphore, #tpu.memory_space<semaphore_mem>>
          %dma_wait3A_448 = tpu.memref_squeeze %dma_wait3A_447 : memref<1x!tpu.dma_semaphore, #tpu.memory_space<semaphore_mem>> -> memref<!tpu.dma_semaphore, #tpu.memory_space<semaphore_mem>>
          tpu.wait_indirect_dma semaphore(%dma_wait3A_448 : memref<!tpu.dma_semaphore, #tpu.memory_space<semaphore_mem>>) src(%arg11 : memref<16x768xf32, #tpu.memory_space<vmem>>) dst(%dma_wait3A_446 : memref<65536x768xf32, #tpu.memory_space<hbm>>)
        } else {
        }
        %dma_start3A = arith.constant 5 : i32
        %dma_start3A_432 = arith.constant 0 : i32
        %dma_start3A_433 = tpu.memref_slice %arg10[%add3A_342, %dma_start3A_432] : memref<129x16xi32, #tpu.memory_space<vmem>> -> memref<1x16xi32, #tpu.memory_space<vmem>>
        %dma_start3A_434 = tpu.memref_squeeze %dma_start3A_433 : memref<1x16xi32, #tpu.memory_space<vmem>> -> memref<16xi32, #tpu.memory_space<vmem>>
        %dma_start3A_435 = arith.constant 0 : i32
        %dma_start3A_436 = arith.constant 0 : i32
        %dma_start3A_437 = tpu.memref_slice %arg5[%dma_start3A_435, %dma_start3A_436] : memref<65536x768xf32, #tpu.memory_space<hbm>> -> memref<65536x768xf32, #tpu.memory_space<hbm>>
        %dma_start3A_438 = tpu.memref_slice %arg15[%dma_start3A] : memref<16x!tpu.dma_semaphore, #tpu.memory_space<semaphore_mem>> -> memref<1x!tpu.dma_semaphore, #tpu.memory_space<semaphore_mem>>
        %dma_start3A_439 = tpu.memref_squeeze %dma_start3A_438 : memref<1x!tpu.dma_semaphore, #tpu.memory_space<semaphore_mem>> -> memref<!tpu.dma_semaphore, #tpu.memory_space<semaphore_mem>>
        tpu.enqueue_indirect_dma source(%arg11 : memref<16x768xf32, #tpu.memory_space<vmem>>) target(%dma_start3A_437 : memref<65536x768xf32, #tpu.memory_space<hbm>>) offsets(%dma_start3A_434 : memref<16xi32, #tpu.memory_space<vmem>>) semaphore(%dma_start3A_439 : memref<!tpu.dma_semaphore, #tpu.memory_space<semaphore_mem>>)
      } else {
      }
      %mul3A_347 = arith.constant 16 : i32
      %mul3A_348 = arith.muli %while3A_298, %mul3A_347 : i32
      %add3A_349 = arith.constant 6 : i32
      %add3A_350 = arith.addi %mul3A_348, %add3A_349 : i32
      %lt3A_351 = arith.cmpi slt, %add3A_350, %select_n3A_108 : i32
      %convert_element_type3A_352 = arith.extui %lt3A_351 : i1 to i32
      %cond3A_353 = arith.constant 0 : i32
      %cond3A_354 = arith.cmpi ne, %convert_element_type3A_352, %cond3A_353 : i32
      scf.if %cond3A_354 {
        %ge3A = arith.constant 16 : i32
        %ge3A_428 = arith.cmpi sge, %add3A_350, %ge3A : i32
        %convert_element_type3A_429 = arith.extui %ge3A_428 : i1 to i32
        %cond3A_430 = arith.constant 0 : i32
        %cond3A_431 = arith.cmpi ne, %convert_element_type3A_429, %cond3A_430 : i32
        scf.if %cond3A_431 {
          %dma_wait3A = arith.constant 0 : i32
          %dma_wait3A_440 = arith.constant 6 : i32
          %dma_wait3A_441 = arith.constant 0 : i32
          %dma_wait3A_442 = tpu.memref_slice %arg10[%dma_wait3A, %dma_wait3A_441] : memref<129x16xi32, #tpu.memory_space<vmem>> -> memref<1x16xi32, #tpu.memory_space<vmem>>
          %dma_wait3A_443 = tpu.memref_squeeze %dma_wait3A_442 : memref<1x16xi32, #tpu.memory_space<vmem>> -> memref<16xi32, #tpu.memory_space<vmem>>
          %dma_wait3A_444 = arith.constant 0 : i32
          %dma_wait3A_445 = arith.constant 0 : i32
          %dma_wait3A_446 = tpu.memref_slice %arg5[%dma_wait3A_444, %dma_wait3A_445] : memref<65536x768xf32, #tpu.memory_space<hbm>> -> memref<65536x768xf32, #tpu.memory_space<hbm>>
          %dma_wait3A_447 = tpu.memref_slice %arg15[%dma_wait3A_440] : memref<16x!tpu.dma_semaphore, #tpu.memory_space<semaphore_mem>> -> memref<1x!tpu.dma_semaphore, #tpu.memory_space<semaphore_mem>>
          %dma_wait3A_448 = tpu.memref_squeeze %dma_wait3A_447 : memref<1x!tpu.dma_semaphore, #tpu.memory_space<semaphore_mem>> -> memref<!tpu.dma_semaphore, #tpu.memory_space<semaphore_mem>>
          tpu.wait_indirect_dma semaphore(%dma_wait3A_448 : memref<!tpu.dma_semaphore, #tpu.memory_space<semaphore_mem>>) src(%arg11 : memref<16x768xf32, #tpu.memory_space<vmem>>) dst(%dma_wait3A_446 : memref<65536x768xf32, #tpu.memory_space<hbm>>)
        } else {
        }
        %dma_start3A = arith.constant 6 : i32
        %dma_start3A_432 = arith.constant 0 : i32
        %dma_start3A_433 = tpu.memref_slice %arg10[%add3A_350, %dma_start3A_432] : memref<129x16xi32, #tpu.memory_space<vmem>> -> memref<1x16xi32, #tpu.memory_space<vmem>>
        %dma_start3A_434 = tpu.memref_squeeze %dma_start3A_433 : memref<1x16xi32, #tpu.memory_space<vmem>> -> memref<16xi32, #tpu.memory_space<vmem>>
        %dma_start3A_435 = arith.constant 0 : i32
        %dma_start3A_436 = arith.constant 0 : i32
        %dma_start3A_437 = tpu.memref_slice %arg5[%dma_start3A_435, %dma_start3A_436] : memref<65536x768xf32, #tpu.memory_space<hbm>> -> memref<65536x768xf32, #tpu.memory_space<hbm>>
        %dma_start3A_438 = tpu.memref_slice %arg15[%dma_start3A] : memref<16x!tpu.dma_semaphore, #tpu.memory_space<semaphore_mem>> -> memref<1x!tpu.dma_semaphore, #tpu.memory_space<semaphore_mem>>
        %dma_start3A_439 = tpu.memref_squeeze %dma_start3A_438 : memref<1x!tpu.dma_semaphore, #tpu.memory_space<semaphore_mem>> -> memref<!tpu.dma_semaphore, #tpu.memory_space<semaphore_mem>>
        tpu.enqueue_indirect_dma source(%arg11 : memref<16x768xf32, #tpu.memory_space<vmem>>) target(%dma_start3A_437 : memref<65536x768xf32, #tpu.memory_space<hbm>>) offsets(%dma_start3A_434 : memref<16xi32, #tpu.memory_space<vmem>>) semaphore(%dma_start3A_439 : memref<!tpu.dma_semaphore, #tpu.memory_space<semaphore_mem>>)
      } else {
      }
      %mul3A_355 = arith.constant 16 : i32
      %mul3A_356 = arith.muli %while3A_298, %mul3A_355 : i32
      %add3A_357 = arith.constant 7 : i32
      %add3A_358 = arith.addi %mul3A_356, %add3A_357 : i32
      %lt3A_359 = arith.cmpi slt, %add3A_358, %select_n3A_108 : i32
      %convert_element_type3A_360 = arith.extui %lt3A_359 : i1 to i32
      %cond3A_361 = arith.constant 0 : i32
      %cond3A_362 = arith.cmpi ne, %convert_element_type3A_360, %cond3A_361 : i32
      scf.if %cond3A_362 {
        %ge3A = arith.constant 16 : i32
        %ge3A_428 = arith.cmpi sge, %add3A_358, %ge3A : i32
        %convert_element_type3A_429 = arith.extui %ge3A_428 : i1 to i32
        %cond3A_430 = arith.constant 0 : i32
        %cond3A_431 = arith.cmpi ne, %convert_element_type3A_429, %cond3A_430 : i32
        scf.if %cond3A_431 {
          %dma_wait3A = arith.constant 0 : i32
          %dma_wait3A_440 = arith.constant 7 : i32
          %dma_wait3A_441 = arith.constant 0 : i32
          %dma_wait3A_442 = tpu.memref_slice %arg10[%dma_wait3A, %dma_wait3A_441] : memref<129x16xi32, #tpu.memory_space<vmem>> -> memref<1x16xi32, #tpu.memory_space<vmem>>
          %dma_wait3A_443 = tpu.memref_squeeze %dma_wait3A_442 : memref<1x16xi32, #tpu.memory_space<vmem>> -> memref<16xi32, #tpu.memory_space<vmem>>
          %dma_wait3A_444 = arith.constant 0 : i32
          %dma_wait3A_445 = arith.constant 0 : i32
          %dma_wait3A_446 = tpu.memref_slice %arg5[%dma_wait3A_444, %dma_wait3A_445] : memref<65536x768xf32, #tpu.memory_space<hbm>> -> memref<65536x768xf32, #tpu.memory_space<hbm>>
          %dma_wait3A_447 = tpu.memref_slice %arg15[%dma_wait3A_440] : memref<16x!tpu.dma_semaphore, #tpu.memory_space<semaphore_mem>> -> memref<1x!tpu.dma_semaphore, #tpu.memory_space<semaphore_mem>>
          %dma_wait3A_448 = tpu.memref_squeeze %dma_wait3A_447 : memref<1x!tpu.dma_semaphore, #tpu.memory_space<semaphore_mem>> -> memref<!tpu.dma_semaphore, #tpu.memory_space<semaphore_mem>>
          tpu.wait_indirect_dma semaphore(%dma_wait3A_448 : memref<!tpu.dma_semaphore, #tpu.memory_space<semaphore_mem>>) src(%arg11 : memref<16x768xf32, #tpu.memory_space<vmem>>) dst(%dma_wait3A_446 : memref<65536x768xf32, #tpu.memory_space<hbm>>)
        } else {
        }
        %dma_start3A = arith.constant 7 : i32
        %dma_start3A_432 = arith.constant 0 : i32
        %dma_start3A_433 = tpu.memref_slice %arg10[%add3A_358, %dma_start3A_432] : memref<129x16xi32, #tpu.memory_space<vmem>> -> memref<1x16xi32, #tpu.memory_space<vmem>>
        %dma_start3A_434 = tpu.memref_squeeze %dma_start3A_433 : memref<1x16xi32, #tpu.memory_space<vmem>> -> memref<16xi32, #tpu.memory_space<vmem>>
        %dma_start3A_435 = arith.constant 0 : i32
        %dma_start3A_436 = arith.constant 0 : i32
        %dma_start3A_437 = tpu.memref_slice %arg5[%dma_start3A_435, %dma_start3A_436] : memref<65536x768xf32, #tpu.memory_space<hbm>> -> memref<65536x768xf32, #tpu.memory_space<hbm>>
        %dma_start3A_438 = tpu.memref_slice %arg15[%dma_start3A] : memref<16x!tpu.dma_semaphore, #tpu.memory_space<semaphore_mem>> -> memref<1x!tpu.dma_semaphore, #tpu.memory_space<semaphore_mem>>
        %dma_start3A_439 = tpu.memref_squeeze %dma_start3A_438 : memref<1x!tpu.dma_semaphore, #tpu.memory_space<semaphore_mem>> -> memref<!tpu.dma_semaphore, #tpu.memory_space<semaphore_mem>>
        tpu.enqueue_indirect_dma source(%arg11 : memref<16x768xf32, #tpu.memory_space<vmem>>) target(%dma_start3A_437 : memref<65536x768xf32, #tpu.memory_space<hbm>>) offsets(%dma_start3A_434 : memref<16xi32, #tpu.memory_space<vmem>>) semaphore(%dma_start3A_439 : memref<!tpu.dma_semaphore, #tpu.memory_space<semaphore_mem>>)
      } else {
      }
      %mul3A_363 = arith.constant 16 : i32
      %mul3A_364 = arith.muli %while3A_298, %mul3A_363 : i32
      %add3A_365 = arith.constant 8 : i32
      %add3A_366 = arith.addi %mul3A_364, %add3A_365 : i32
      %lt3A_367 = arith.cmpi slt, %add3A_366, %select_n3A_108 : i32
      %convert_element_type3A_368 = arith.extui %lt3A_367 : i1 to i32
      %cond3A_369 = arith.constant 0 : i32
      %cond3A_370 = arith.cmpi ne, %convert_element_type3A_368, %cond3A_369 : i32
      scf.if %cond3A_370 {
        %ge3A = arith.constant 16 : i32
        %ge3A_428 = arith.cmpi sge, %add3A_366, %ge3A : i32
        %convert_element_type3A_429 = arith.extui %ge3A_428 : i1 to i32
        %cond3A_430 = arith.constant 0 : i32
        %cond3A_431 = arith.cmpi ne, %convert_element_type3A_429, %cond3A_430 : i32
        scf.if %cond3A_431 {
          %dma_wait3A = arith.constant 0 : i32
          %dma_wait3A_440 = arith.constant 8 : i32
          %dma_wait3A_441 = arith.constant 0 : i32
          %dma_wait3A_442 = tpu.memref_slice %arg10[%dma_wait3A, %dma_wait3A_441] : memref<129x16xi32, #tpu.memory_space<vmem>> -> memref<1x16xi32, #tpu.memory_space<vmem>>
          %dma_wait3A_443 = tpu.memref_squeeze %dma_wait3A_442 : memref<1x16xi32, #tpu.memory_space<vmem>> -> memref<16xi32, #tpu.memory_space<vmem>>
          %dma_wait3A_444 = arith.constant 0 : i32
          %dma_wait3A_445 = arith.constant 0 : i32
          %dma_wait3A_446 = tpu.memref_slice %arg5[%dma_wait3A_444, %dma_wait3A_445] : memref<65536x768xf32, #tpu.memory_space<hbm>> -> memref<65536x768xf32, #tpu.memory_space<hbm>>
          %dma_wait3A_447 = tpu.memref_slice %arg15[%dma_wait3A_440] : memref<16x!tpu.dma_semaphore, #tpu.memory_space<semaphore_mem>> -> memref<1x!tpu.dma_semaphore, #tpu.memory_space<semaphore_mem>>
          %dma_wait3A_448 = tpu.memref_squeeze %dma_wait3A_447 : memref<1x!tpu.dma_semaphore, #tpu.memory_space<semaphore_mem>> -> memref<!tpu.dma_semaphore, #tpu.memory_space<semaphore_mem>>
          tpu.wait_indirect_dma semaphore(%dma_wait3A_448 : memref<!tpu.dma_semaphore, #tpu.memory_space<semaphore_mem>>) src(%arg11 : memref<16x768xf32, #tpu.memory_space<vmem>>) dst(%dma_wait3A_446 : memref<65536x768xf32, #tpu.memory_space<hbm>>)
        } else {
        }
        %dma_start3A = arith.constant 8 : i32
        %dma_start3A_432 = arith.constant 0 : i32
        %dma_start3A_433 = tpu.memref_slice %arg10[%add3A_366, %dma_start3A_432] : memref<129x16xi32, #tpu.memory_space<vmem>> -> memref<1x16xi32, #tpu.memory_space<vmem>>
        %dma_start3A_434 = tpu.memref_squeeze %dma_start3A_433 : memref<1x16xi32, #tpu.memory_space<vmem>> -> memref<16xi32, #tpu.memory_space<vmem>>
        %dma_start3A_435 = arith.constant 0 : i32
        %dma_start3A_436 = arith.constant 0 : i32
        %dma_start3A_437 = tpu.memref_slice %arg5[%dma_start3A_435, %dma_start3A_436] : memref<65536x768xf32, #tpu.memory_space<hbm>> -> memref<65536x768xf32, #tpu.memory_space<hbm>>
        %dma_start3A_438 = tpu.memref_slice %arg15[%dma_start3A] : memref<16x!tpu.dma_semaphore, #tpu.memory_space<semaphore_mem>> -> memref<1x!tpu.dma_semaphore, #tpu.memory_space<semaphore_mem>>
        %dma_start3A_439 = tpu.memref_squeeze %dma_start3A_438 : memref<1x!tpu.dma_semaphore, #tpu.memory_space<semaphore_mem>> -> memref<!tpu.dma_semaphore, #tpu.memory_space<semaphore_mem>>
        tpu.enqueue_indirect_dma source(%arg11 : memref<16x768xf32, #tpu.memory_space<vmem>>) target(%dma_start3A_437 : memref<65536x768xf32, #tpu.memory_space<hbm>>) offsets(%dma_start3A_434 : memref<16xi32, #tpu.memory_space<vmem>>) semaphore(%dma_start3A_439 : memref<!tpu.dma_semaphore, #tpu.memory_space<semaphore_mem>>)
      } else {
      }
      %mul3A_371 = arith.constant 16 : i32
      %mul3A_372 = arith.muli %while3A_298, %mul3A_371 : i32
      %add3A_373 = arith.constant 9 : i32
      %add3A_374 = arith.addi %mul3A_372, %add3A_373 : i32
      %lt3A_375 = arith.cmpi slt, %add3A_374, %select_n3A_108 : i32
      %convert_element_type3A_376 = arith.extui %lt3A_375 : i1 to i32
      %cond3A_377 = arith.constant 0 : i32
      %cond3A_378 = arith.cmpi ne, %convert_element_type3A_376, %cond3A_377 : i32
      scf.if %cond3A_378 {
        %ge3A = arith.constant 16 : i32
        %ge3A_428 = arith.cmpi sge, %add3A_374, %ge3A : i32
        %convert_element_type3A_429 = arith.extui %ge3A_428 : i1 to i32
        %cond3A_430 = arith.constant 0 : i32
        %cond3A_431 = arith.cmpi ne, %convert_element_type3A_429, %cond3A_430 : i32
        scf.if %cond3A_431 {
          %dma_wait3A = arith.constant 0 : i32
          %dma_wait3A_440 = arith.constant 9 : i32
          %dma_wait3A_441 = arith.constant 0 : i32
          %dma_wait3A_442 = tpu.memref_slice %arg10[%dma_wait3A, %dma_wait3A_441] : memref<129x16xi32, #tpu.memory_space<vmem>> -> memref<1x16xi32, #tpu.memory_space<vmem>>
          %dma_wait3A_443 = tpu.memref_squeeze %dma_wait3A_442 : memref<1x16xi32, #tpu.memory_space<vmem>> -> memref<16xi32, #tpu.memory_space<vmem>>
          %dma_wait3A_444 = arith.constant 0 : i32
          %dma_wait3A_445 = arith.constant 0 : i32
          %dma_wait3A_446 = tpu.memref_slice %arg5[%dma_wait3A_444, %dma_wait3A_445] : memref<65536x768xf32, #tpu.memory_space<hbm>> -> memref<65536x768xf32, #tpu.memory_space<hbm>>
          %dma_wait3A_447 = tpu.memref_slice %arg15[%dma_wait3A_440] : memref<16x!tpu.dma_semaphore, #tpu.memory_space<semaphore_mem>> -> memref<1x!tpu.dma_semaphore, #tpu.memory_space<semaphore_mem>>
          %dma_wait3A_448 = tpu.memref_squeeze %dma_wait3A_447 : memref<1x!tpu.dma_semaphore, #tpu.memory_space<semaphore_mem>> -> memref<!tpu.dma_semaphore, #tpu.memory_space<semaphore_mem>>
          tpu.wait_indirect_dma semaphore(%dma_wait3A_448 : memref<!tpu.dma_semaphore, #tpu.memory_space<semaphore_mem>>) src(%arg11 : memref<16x768xf32, #tpu.memory_space<vmem>>) dst(%dma_wait3A_446 : memref<65536x768xf32, #tpu.memory_space<hbm>>)
        } else {
        }
        %dma_start3A = arith.constant 9 : i32
        %dma_start3A_432 = arith.constant 0 : i32
        %dma_start3A_433 = tpu.memref_slice %arg10[%add3A_374, %dma_start3A_432] : memref<129x16xi32, #tpu.memory_space<vmem>> -> memref<1x16xi32, #tpu.memory_space<vmem>>
        %dma_start3A_434 = tpu.memref_squeeze %dma_start3A_433 : memref<1x16xi32, #tpu.memory_space<vmem>> -> memref<16xi32, #tpu.memory_space<vmem>>
        %dma_start3A_435 = arith.constant 0 : i32
        %dma_start3A_436 = arith.constant 0 : i32
        %dma_start3A_437 = tpu.memref_slice %arg5[%dma_start3A_435, %dma_start3A_436] : memref<65536x768xf32, #tpu.memory_space<hbm>> -> memref<65536x768xf32, #tpu.memory_space<hbm>>
        %dma_start3A_438 = tpu.memref_slice %arg15[%dma_start3A] : memref<16x!tpu.dma_semaphore, #tpu.memory_space<semaphore_mem>> -> memref<1x!tpu.dma_semaphore, #tpu.memory_space<semaphore_mem>>
        %dma_start3A_439 = tpu.memref_squeeze %dma_start3A_438 : memref<1x!tpu.dma_semaphore, #tpu.memory_space<semaphore_mem>> -> memref<!tpu.dma_semaphore, #tpu.memory_space<semaphore_mem>>
        tpu.enqueue_indirect_dma source(%arg11 : memref<16x768xf32, #tpu.memory_space<vmem>>) target(%dma_start3A_437 : memref<65536x768xf32, #tpu.memory_space<hbm>>) offsets(%dma_start3A_434 : memref<16xi32, #tpu.memory_space<vmem>>) semaphore(%dma_start3A_439 : memref<!tpu.dma_semaphore, #tpu.memory_space<semaphore_mem>>)
      } else {
      }
      %mul3A_379 = arith.constant 16 : i32
      %mul3A_380 = arith.muli %while3A_298, %mul3A_379 : i32
      %add3A_381 = arith.constant 10 : i32
      %add3A_382 = arith.addi %mul3A_380, %add3A_381 : i32
      %lt3A_383 = arith.cmpi slt, %add3A_382, %select_n3A_108 : i32
      %convert_element_type3A_384 = arith.extui %lt3A_383 : i1 to i32
      %cond3A_385 = arith.constant 0 : i32
      %cond3A_386 = arith.cmpi ne, %convert_element_type3A_384, %cond3A_385 : i32
      scf.if %cond3A_386 {
        %ge3A = arith.constant 16 : i32
        %ge3A_428 = arith.cmpi sge, %add3A_382, %ge3A : i32
        %convert_element_type3A_429 = arith.extui %ge3A_428 : i1 to i32
        %cond3A_430 = arith.constant 0 : i32
        %cond3A_431 = arith.cmpi ne, %convert_element_type3A_429, %cond3A_430 : i32
        scf.if %cond3A_431 {
          %dma_wait3A = arith.constant 0 : i32
          %dma_wait3A_440 = arith.constant 10 : i32
          %dma_wait3A_441 = arith.constant 0 : i32
          %dma_wait3A_442 = tpu.memref_slice %arg10[%dma_wait3A, %dma_wait3A_441] : memref<129x16xi32, #tpu.memory_space<vmem>> -> memref<1x16xi32, #tpu.memory_space<vmem>>
          %dma_wait3A_443 = tpu.memref_squeeze %dma_wait3A_442 : memref<1x16xi32, #tpu.memory_space<vmem>> -> memref<16xi32, #tpu.memory_space<vmem>>
          %dma_wait3A_444 = arith.constant 0 : i32
          %dma_wait3A_445 = arith.constant 0 : i32
          %dma_wait3A_446 = tpu.memref_slice %arg5[%dma_wait3A_444, %dma_wait3A_445] : memref<65536x768xf32, #tpu.memory_space<hbm>> -> memref<65536x768xf32, #tpu.memory_space<hbm>>
          %dma_wait3A_447 = tpu.memref_slice %arg15[%dma_wait3A_440] : memref<16x!tpu.dma_semaphore, #tpu.memory_space<semaphore_mem>> -> memref<1x!tpu.dma_semaphore, #tpu.memory_space<semaphore_mem>>
          %dma_wait3A_448 = tpu.memref_squeeze %dma_wait3A_447 : memref<1x!tpu.dma_semaphore, #tpu.memory_space<semaphore_mem>> -> memref<!tpu.dma_semaphore, #tpu.memory_space<semaphore_mem>>
          tpu.wait_indirect_dma semaphore(%dma_wait3A_448 : memref<!tpu.dma_semaphore, #tpu.memory_space<semaphore_mem>>) src(%arg11 : memref<16x768xf32, #tpu.memory_space<vmem>>) dst(%dma_wait3A_446 : memref<65536x768xf32, #tpu.memory_space<hbm>>)
        } else {
        }
        %dma_start3A = arith.constant 10 : i32
        %dma_start3A_432 = arith.constant 0 : i32
        %dma_start3A_433 = tpu.memref_slice %arg10[%add3A_382, %dma_start3A_432] : memref<129x16xi32, #tpu.memory_space<vmem>> -> memref<1x16xi32, #tpu.memory_space<vmem>>
        %dma_start3A_434 = tpu.memref_squeeze %dma_start3A_433 : memref<1x16xi32, #tpu.memory_space<vmem>> -> memref<16xi32, #tpu.memory_space<vmem>>
        %dma_start3A_435 = arith.constant 0 : i32
        %dma_start3A_436 = arith.constant 0 : i32
        %dma_start3A_437 = tpu.memref_slice %arg5[%dma_start3A_435, %dma_start3A_436] : memref<65536x768xf32, #tpu.memory_space<hbm>> -> memref<65536x768xf32, #tpu.memory_space<hbm>>
        %dma_start3A_438 = tpu.memref_slice %arg15[%dma_start3A] : memref<16x!tpu.dma_semaphore, #tpu.memory_space<semaphore_mem>> -> memref<1x!tpu.dma_semaphore, #tpu.memory_space<semaphore_mem>>
        %dma_start3A_439 = tpu.memref_squeeze %dma_start3A_438 : memref<1x!tpu.dma_semaphore, #tpu.memory_space<semaphore_mem>> -> memref<!tpu.dma_semaphore, #tpu.memory_space<semaphore_mem>>
        tpu.enqueue_indirect_dma source(%arg11 : memref<16x768xf32, #tpu.memory_space<vmem>>) target(%dma_start3A_437 : memref<65536x768xf32, #tpu.memory_space<hbm>>) offsets(%dma_start3A_434 : memref<16xi32, #tpu.memory_space<vmem>>) semaphore(%dma_start3A_439 : memref<!tpu.dma_semaphore, #tpu.memory_space<semaphore_mem>>)
      } else {
      }
      %mul3A_387 = arith.constant 16 : i32
      %mul3A_388 = arith.muli %while3A_298, %mul3A_387 : i32
      %add3A_389 = arith.constant 11 : i32
      %add3A_390 = arith.addi %mul3A_388, %add3A_389 : i32
      %lt3A_391 = arith.cmpi slt, %add3A_390, %select_n3A_108 : i32
      %convert_element_type3A_392 = arith.extui %lt3A_391 : i1 to i32
      %cond3A_393 = arith.constant 0 : i32
      %cond3A_394 = arith.cmpi ne, %convert_element_type3A_392, %cond3A_393 : i32
      scf.if %cond3A_394 {
        %ge3A = arith.constant 16 : i32
        %ge3A_428 = arith.cmpi sge, %add3A_390, %ge3A : i32
        %convert_element_type3A_429 = arith.extui %ge3A_428 : i1 to i32
        %cond3A_430 = arith.constant 0 : i32
        %cond3A_431 = arith.cmpi ne, %convert_element_type3A_429, %cond3A_430 : i32
        scf.if %cond3A_431 {
          %dma_wait3A = arith.constant 0 : i32
          %dma_wait3A_440 = arith.constant 11 : i32
          %dma_wait3A_441 = arith.constant 0 : i32
          %dma_wait3A_442 = tpu.memref_slice %arg10[%dma_wait3A, %dma_wait3A_441] : memref<129x16xi32, #tpu.memory_space<vmem>> -> memref<1x16xi32, #tpu.memory_space<vmem>>
          %dma_wait3A_443 = tpu.memref_squeeze %dma_wait3A_442 : memref<1x16xi32, #tpu.memory_space<vmem>> -> memref<16xi32, #tpu.memory_space<vmem>>
          %dma_wait3A_444 = arith.constant 0 : i32
          %dma_wait3A_445 = arith.constant 0 : i32
          %dma_wait3A_446 = tpu.memref_slice %arg5[%dma_wait3A_444, %dma_wait3A_445] : memref<65536x768xf32, #tpu.memory_space<hbm>> -> memref<65536x768xf32, #tpu.memory_space<hbm>>
          %dma_wait3A_447 = tpu.memref_slice %arg15[%dma_wait3A_440] : memref<16x!tpu.dma_semaphore, #tpu.memory_space<semaphore_mem>> -> memref<1x!tpu.dma_semaphore, #tpu.memory_space<semaphore_mem>>
          %dma_wait3A_448 = tpu.memref_squeeze %dma_wait3A_447 : memref<1x!tpu.dma_semaphore, #tpu.memory_space<semaphore_mem>> -> memref<!tpu.dma_semaphore, #tpu.memory_space<semaphore_mem>>
          tpu.wait_indirect_dma semaphore(%dma_wait3A_448 : memref<!tpu.dma_semaphore, #tpu.memory_space<semaphore_mem>>) src(%arg11 : memref<16x768xf32, #tpu.memory_space<vmem>>) dst(%dma_wait3A_446 : memref<65536x768xf32, #tpu.memory_space<hbm>>)
        } else {
        }
        %dma_start3A = arith.constant 11 : i32
        %dma_start3A_432 = arith.constant 0 : i32
        %dma_start3A_433 = tpu.memref_slice %arg10[%add3A_390, %dma_start3A_432] : memref<129x16xi32, #tpu.memory_space<vmem>> -> memref<1x16xi32, #tpu.memory_space<vmem>>
        %dma_start3A_434 = tpu.memref_squeeze %dma_start3A_433 : memref<1x16xi32, #tpu.memory_space<vmem>> -> memref<16xi32, #tpu.memory_space<vmem>>
        %dma_start3A_435 = arith.constant 0 : i32
        %dma_start3A_436 = arith.constant 0 : i32
        %dma_start3A_437 = tpu.memref_slice %arg5[%dma_start3A_435, %dma_start3A_436] : memref<65536x768xf32, #tpu.memory_space<hbm>> -> memref<65536x768xf32, #tpu.memory_space<hbm>>
        %dma_start3A_438 = tpu.memref_slice %arg15[%dma_start3A] : memref<16x!tpu.dma_semaphore, #tpu.memory_space<semaphore_mem>> -> memref<1x!tpu.dma_semaphore, #tpu.memory_space<semaphore_mem>>
        %dma_start3A_439 = tpu.memref_squeeze %dma_start3A_438 : memref<1x!tpu.dma_semaphore, #tpu.memory_space<semaphore_mem>> -> memref<!tpu.dma_semaphore, #tpu.memory_space<semaphore_mem>>
        tpu.enqueue_indirect_dma source(%arg11 : memref<16x768xf32, #tpu.memory_space<vmem>>) target(%dma_start3A_437 : memref<65536x768xf32, #tpu.memory_space<hbm>>) offsets(%dma_start3A_434 : memref<16xi32, #tpu.memory_space<vmem>>) semaphore(%dma_start3A_439 : memref<!tpu.dma_semaphore, #tpu.memory_space<semaphore_mem>>)
      } else {
      }
      %mul3A_395 = arith.constant 16 : i32
      %mul3A_396 = arith.muli %while3A_298, %mul3A_395 : i32
      %add3A_397 = arith.constant 12 : i32
      %add3A_398 = arith.addi %mul3A_396, %add3A_397 : i32
      %lt3A_399 = arith.cmpi slt, %add3A_398, %select_n3A_108 : i32
      %convert_element_type3A_400 = arith.extui %lt3A_399 : i1 to i32
      %cond3A_401 = arith.constant 0 : i32
      %cond3A_402 = arith.cmpi ne, %convert_element_type3A_400, %cond3A_401 : i32
      scf.if %cond3A_402 {
        %ge3A = arith.constant 16 : i32
        %ge3A_428 = arith.cmpi sge, %add3A_398, %ge3A : i32
        %convert_element_type3A_429 = arith.extui %ge3A_428 : i1 to i32
        %cond3A_430 = arith.constant 0 : i32
        %cond3A_431 = arith.cmpi ne, %convert_element_type3A_429, %cond3A_430 : i32
        scf.if %cond3A_431 {
          %dma_wait3A = arith.constant 0 : i32
          %dma_wait3A_440 = arith.constant 12 : i32
          %dma_wait3A_441 = arith.constant 0 : i32
          %dma_wait3A_442 = tpu.memref_slice %arg10[%dma_wait3A, %dma_wait3A_441] : memref<129x16xi32, #tpu.memory_space<vmem>> -> memref<1x16xi32, #tpu.memory_space<vmem>>
          %dma_wait3A_443 = tpu.memref_squeeze %dma_wait3A_442 : memref<1x16xi32, #tpu.memory_space<vmem>> -> memref<16xi32, #tpu.memory_space<vmem>>
          %dma_wait3A_444 = arith.constant 0 : i32
          %dma_wait3A_445 = arith.constant 0 : i32
          %dma_wait3A_446 = tpu.memref_slice %arg5[%dma_wait3A_444, %dma_wait3A_445] : memref<65536x768xf32, #tpu.memory_space<hbm>> -> memref<65536x768xf32, #tpu.memory_space<hbm>>
          %dma_wait3A_447 = tpu.memref_slice %arg15[%dma_wait3A_440] : memref<16x!tpu.dma_semaphore, #tpu.memory_space<semaphore_mem>> -> memref<1x!tpu.dma_semaphore, #tpu.memory_space<semaphore_mem>>
          %dma_wait3A_448 = tpu.memref_squeeze %dma_wait3A_447 : memref<1x!tpu.dma_semaphore, #tpu.memory_space<semaphore_mem>> -> memref<!tpu.dma_semaphore, #tpu.memory_space<semaphore_mem>>
          tpu.wait_indirect_dma semaphore(%dma_wait3A_448 : memref<!tpu.dma_semaphore, #tpu.memory_space<semaphore_mem>>) src(%arg11 : memref<16x768xf32, #tpu.memory_space<vmem>>) dst(%dma_wait3A_446 : memref<65536x768xf32, #tpu.memory_space<hbm>>)
        } else {
        }
        %dma_start3A = arith.constant 12 : i32
        %dma_start3A_432 = arith.constant 0 : i32
        %dma_start3A_433 = tpu.memref_slice %arg10[%add3A_398, %dma_start3A_432] : memref<129x16xi32, #tpu.memory_space<vmem>> -> memref<1x16xi32, #tpu.memory_space<vmem>>
        %dma_start3A_434 = tpu.memref_squeeze %dma_start3A_433 : memref<1x16xi32, #tpu.memory_space<vmem>> -> memref<16xi32, #tpu.memory_space<vmem>>
        %dma_start3A_435 = arith.constant 0 : i32
        %dma_start3A_436 = arith.constant 0 : i32
        %dma_start3A_437 = tpu.memref_slice %arg5[%dma_start3A_435, %dma_start3A_436] : memref<65536x768xf32, #tpu.memory_space<hbm>> -> memref<65536x768xf32, #tpu.memory_space<hbm>>
        %dma_start3A_438 = tpu.memref_slice %arg15[%dma_start3A] : memref<16x!tpu.dma_semaphore, #tpu.memory_space<semaphore_mem>> -> memref<1x!tpu.dma_semaphore, #tpu.memory_space<semaphore_mem>>
        %dma_start3A_439 = tpu.memref_squeeze %dma_start3A_438 : memref<1x!tpu.dma_semaphore, #tpu.memory_space<semaphore_mem>> -> memref<!tpu.dma_semaphore, #tpu.memory_space<semaphore_mem>>
        tpu.enqueue_indirect_dma source(%arg11 : memref<16x768xf32, #tpu.memory_space<vmem>>) target(%dma_start3A_437 : memref<65536x768xf32, #tpu.memory_space<hbm>>) offsets(%dma_start3A_434 : memref<16xi32, #tpu.memory_space<vmem>>) semaphore(%dma_start3A_439 : memref<!tpu.dma_semaphore, #tpu.memory_space<semaphore_mem>>)
      } else {
      }
      %mul3A_403 = arith.constant 16 : i32
      %mul3A_404 = arith.muli %while3A_298, %mul3A_403 : i32
      %add3A_405 = arith.constant 13 : i32
      %add3A_406 = arith.addi %mul3A_404, %add3A_405 : i32
      %lt3A_407 = arith.cmpi slt, %add3A_406, %select_n3A_108 : i32
      %convert_element_type3A_408 = arith.extui %lt3A_407 : i1 to i32
      %cond3A_409 = arith.constant 0 : i32
      %cond3A_410 = arith.cmpi ne, %convert_element_type3A_408, %cond3A_409 : i32
      scf.if %cond3A_410 {
        %ge3A = arith.constant 16 : i32
        %ge3A_428 = arith.cmpi sge, %add3A_406, %ge3A : i32
        %convert_element_type3A_429 = arith.extui %ge3A_428 : i1 to i32
        %cond3A_430 = arith.constant 0 : i32
        %cond3A_431 = arith.cmpi ne, %convert_element_type3A_429, %cond3A_430 : i32
        scf.if %cond3A_431 {
          %dma_wait3A = arith.constant 0 : i32
          %dma_wait3A_440 = arith.constant 13 : i32
          %dma_wait3A_441 = arith.constant 0 : i32
          %dma_wait3A_442 = tpu.memref_slice %arg10[%dma_wait3A, %dma_wait3A_441] : memref<129x16xi32, #tpu.memory_space<vmem>> -> memref<1x16xi32, #tpu.memory_space<vmem>>
          %dma_wait3A_443 = tpu.memref_squeeze %dma_wait3A_442 : memref<1x16xi32, #tpu.memory_space<vmem>> -> memref<16xi32, #tpu.memory_space<vmem>>
          %dma_wait3A_444 = arith.constant 0 : i32
          %dma_wait3A_445 = arith.constant 0 : i32
          %dma_wait3A_446 = tpu.memref_slice %arg5[%dma_wait3A_444, %dma_wait3A_445] : memref<65536x768xf32, #tpu.memory_space<hbm>> -> memref<65536x768xf32, #tpu.memory_space<hbm>>
          %dma_wait3A_447 = tpu.memref_slice %arg15[%dma_wait3A_440] : memref<16x!tpu.dma_semaphore, #tpu.memory_space<semaphore_mem>> -> memref<1x!tpu.dma_semaphore, #tpu.memory_space<semaphore_mem>>
          %dma_wait3A_448 = tpu.memref_squeeze %dma_wait3A_447 : memref<1x!tpu.dma_semaphore, #tpu.memory_space<semaphore_mem>> -> memref<!tpu.dma_semaphore, #tpu.memory_space<semaphore_mem>>
          tpu.wait_indirect_dma semaphore(%dma_wait3A_448 : memref<!tpu.dma_semaphore, #tpu.memory_space<semaphore_mem>>) src(%arg11 : memref<16x768xf32, #tpu.memory_space<vmem>>) dst(%dma_wait3A_446 : memref<65536x768xf32, #tpu.memory_space<hbm>>)
        } else {
        }
        %dma_start3A = arith.constant 13 : i32
        %dma_start3A_432 = arith.constant 0 : i32
        %dma_start3A_433 = tpu.memref_slice %arg10[%add3A_406, %dma_start3A_432] : memref<129x16xi32, #tpu.memory_space<vmem>> -> memref<1x16xi32, #tpu.memory_space<vmem>>
        %dma_start3A_434 = tpu.memref_squeeze %dma_start3A_433 : memref<1x16xi32, #tpu.memory_space<vmem>> -> memref<16xi32, #tpu.memory_space<vmem>>
        %dma_start3A_435 = arith.constant 0 : i32
        %dma_start3A_436 = arith.constant 0 : i32
        %dma_start3A_437 = tpu.memref_slice %arg5[%dma_start3A_435, %dma_start3A_436] : memref<65536x768xf32, #tpu.memory_space<hbm>> -> memref<65536x768xf32, #tpu.memory_space<hbm>>
        %dma_start3A_438 = tpu.memref_slice %arg15[%dma_start3A] : memref<16x!tpu.dma_semaphore, #tpu.memory_space<semaphore_mem>> -> memref<1x!tpu.dma_semaphore, #tpu.memory_space<semaphore_mem>>
        %dma_start3A_439 = tpu.memref_squeeze %dma_start3A_438 : memref<1x!tpu.dma_semaphore, #tpu.memory_space<semaphore_mem>> -> memref<!tpu.dma_semaphore, #tpu.memory_space<semaphore_mem>>
        tpu.enqueue_indirect_dma source(%arg11 : memref<16x768xf32, #tpu.memory_space<vmem>>) target(%dma_start3A_437 : memref<65536x768xf32, #tpu.memory_space<hbm>>) offsets(%dma_start3A_434 : memref<16xi32, #tpu.memory_space<vmem>>) semaphore(%dma_start3A_439 : memref<!tpu.dma_semaphore, #tpu.memory_space<semaphore_mem>>)
      } else {
      }
      %mul3A_411 = arith.constant 16 : i32
      %mul3A_412 = arith.muli %while3A_298, %mul3A_411 : i32
      %add3A_413 = arith.constant 14 : i32
      %add3A_414 = arith.addi %mul3A_412, %add3A_413 : i32
      %lt3A_415 = arith.cmpi slt, %add3A_414, %select_n3A_108 : i32
      %convert_element_type3A_416 = arith.extui %lt3A_415 : i1 to i32
      %cond3A_417 = arith.constant 0 : i32
      %cond3A_418 = arith.cmpi ne, %convert_element_type3A_416, %cond3A_417 : i32
      scf.if %cond3A_418 {
        %ge3A = arith.constant 16 : i32
        %ge3A_428 = arith.cmpi sge, %add3A_414, %ge3A : i32
        %convert_element_type3A_429 = arith.extui %ge3A_428 : i1 to i32
        %cond3A_430 = arith.constant 0 : i32
        %cond3A_431 = arith.cmpi ne, %convert_element_type3A_429, %cond3A_430 : i32
        scf.if %cond3A_431 {
          %dma_wait3A = arith.constant 0 : i32
          %dma_wait3A_440 = arith.constant 14 : i32
          %dma_wait3A_441 = arith.constant 0 : i32
          %dma_wait3A_442 = tpu.memref_slice %arg10[%dma_wait3A, %dma_wait3A_441] : memref<129x16xi32, #tpu.memory_space<vmem>> -> memref<1x16xi32, #tpu.memory_space<vmem>>
          %dma_wait3A_443 = tpu.memref_squeeze %dma_wait3A_442 : memref<1x16xi32, #tpu.memory_space<vmem>> -> memref<16xi32, #tpu.memory_space<vmem>>
          %dma_wait3A_444 = arith.constant 0 : i32
          %dma_wait3A_445 = arith.constant 0 : i32
          %dma_wait3A_446 = tpu.memref_slice %arg5[%dma_wait3A_444, %dma_wait3A_445] : memref<65536x768xf32, #tpu.memory_space<hbm>> -> memref<65536x768xf32, #tpu.memory_space<hbm>>
          %dma_wait3A_447 = tpu.memref_slice %arg15[%dma_wait3A_440] : memref<16x!tpu.dma_semaphore, #tpu.memory_space<semaphore_mem>> -> memref<1x!tpu.dma_semaphore, #tpu.memory_space<semaphore_mem>>
          %dma_wait3A_448 = tpu.memref_squeeze %dma_wait3A_447 : memref<1x!tpu.dma_semaphore, #tpu.memory_space<semaphore_mem>> -> memref<!tpu.dma_semaphore, #tpu.memory_space<semaphore_mem>>
          tpu.wait_indirect_dma semaphore(%dma_wait3A_448 : memref<!tpu.dma_semaphore, #tpu.memory_space<semaphore_mem>>) src(%arg11 : memref<16x768xf32, #tpu.memory_space<vmem>>) dst(%dma_wait3A_446 : memref<65536x768xf32, #tpu.memory_space<hbm>>)
        } else {
        }
        %dma_start3A = arith.constant 14 : i32
        %dma_start3A_432 = arith.constant 0 : i32
        %dma_start3A_433 = tpu.memref_slice %arg10[%add3A_414, %dma_start3A_432] : memref<129x16xi32, #tpu.memory_space<vmem>> -> memref<1x16xi32, #tpu.memory_space<vmem>>
        %dma_start3A_434 = tpu.memref_squeeze %dma_start3A_433 : memref<1x16xi32, #tpu.memory_space<vmem>> -> memref<16xi32, #tpu.memory_space<vmem>>
        %dma_start3A_435 = arith.constant 0 : i32
        %dma_start3A_436 = arith.constant 0 : i32
        %dma_start3A_437 = tpu.memref_slice %arg5[%dma_start3A_435, %dma_start3A_436] : memref<65536x768xf32, #tpu.memory_space<hbm>> -> memref<65536x768xf32, #tpu.memory_space<hbm>>
        %dma_start3A_438 = tpu.memref_slice %arg15[%dma_start3A] : memref<16x!tpu.dma_semaphore, #tpu.memory_space<semaphore_mem>> -> memref<1x!tpu.dma_semaphore, #tpu.memory_space<semaphore_mem>>
        %dma_start3A_439 = tpu.memref_squeeze %dma_start3A_438 : memref<1x!tpu.dma_semaphore, #tpu.memory_space<semaphore_mem>> -> memref<!tpu.dma_semaphore, #tpu.memory_space<semaphore_mem>>
        tpu.enqueue_indirect_dma source(%arg11 : memref<16x768xf32, #tpu.memory_space<vmem>>) target(%dma_start3A_437 : memref<65536x768xf32, #tpu.memory_space<hbm>>) offsets(%dma_start3A_434 : memref<16xi32, #tpu.memory_space<vmem>>) semaphore(%dma_start3A_439 : memref<!tpu.dma_semaphore, #tpu.memory_space<semaphore_mem>>)
      } else {
      }
      %mul3A_419 = arith.constant 16 : i32
      %mul3A_420 = arith.muli %while3A_298, %mul3A_419 : i32
      %add3A_421 = arith.constant 15 : i32
      %add3A_422 = arith.addi %mul3A_420, %add3A_421 : i32
      %lt3A_423 = arith.cmpi slt, %add3A_422, %select_n3A_108 : i32
      %convert_element_type3A_424 = arith.extui %lt3A_423 : i1 to i32
      %cond3A_425 = arith.constant 0 : i32
      %cond3A_426 = arith.cmpi ne, %convert_element_type3A_424, %cond3A_425 : i32
      scf.if %cond3A_426 {
        %ge3A = arith.constant 16 : i32
        %ge3A_428 = arith.cmpi sge, %add3A_422, %ge3A : i32
        %convert_element_type3A_429 = arith.extui %ge3A_428 : i1 to i32
        %cond3A_430 = arith.constant 0 : i32
        %cond3A_431 = arith.cmpi ne, %convert_element_type3A_429, %cond3A_430 : i32
        scf.if %cond3A_431 {
          %dma_wait3A = arith.constant 0 : i32
          %dma_wait3A_440 = arith.constant 15 : i32
          %dma_wait3A_441 = arith.constant 0 : i32
          %dma_wait3A_442 = tpu.memref_slice %arg10[%dma_wait3A, %dma_wait3A_441] : memref<129x16xi32, #tpu.memory_space<vmem>> -> memref<1x16xi32, #tpu.memory_space<vmem>>
          %dma_wait3A_443 = tpu.memref_squeeze %dma_wait3A_442 : memref<1x16xi32, #tpu.memory_space<vmem>> -> memref<16xi32, #tpu.memory_space<vmem>>
          %dma_wait3A_444 = arith.constant 0 : i32
          %dma_wait3A_445 = arith.constant 0 : i32
          %dma_wait3A_446 = tpu.memref_slice %arg5[%dma_wait3A_444, %dma_wait3A_445] : memref<65536x768xf32, #tpu.memory_space<hbm>> -> memref<65536x768xf32, #tpu.memory_space<hbm>>
          %dma_wait3A_447 = tpu.memref_slice %arg15[%dma_wait3A_440] : memref<16x!tpu.dma_semaphore, #tpu.memory_space<semaphore_mem>> -> memref<1x!tpu.dma_semaphore, #tpu.memory_space<semaphore_mem>>
          %dma_wait3A_448 = tpu.memref_squeeze %dma_wait3A_447 : memref<1x!tpu.dma_semaphore, #tpu.memory_space<semaphore_mem>> -> memref<!tpu.dma_semaphore, #tpu.memory_space<semaphore_mem>>
          tpu.wait_indirect_dma semaphore(%dma_wait3A_448 : memref<!tpu.dma_semaphore, #tpu.memory_space<semaphore_mem>>) src(%arg11 : memref<16x768xf32, #tpu.memory_space<vmem>>) dst(%dma_wait3A_446 : memref<65536x768xf32, #tpu.memory_space<hbm>>)
        } else {
        }
        %dma_start3A = arith.constant 15 : i32
        %dma_start3A_432 = arith.constant 0 : i32
        %dma_start3A_433 = tpu.memref_slice %arg10[%add3A_422, %dma_start3A_432] : memref<129x16xi32, #tpu.memory_space<vmem>> -> memref<1x16xi32, #tpu.memory_space<vmem>>
        %dma_start3A_434 = tpu.memref_squeeze %dma_start3A_433 : memref<1x16xi32, #tpu.memory_space<vmem>> -> memref<16xi32, #tpu.memory_space<vmem>>
        %dma_start3A_435 = arith.constant 0 : i32
        %dma_start3A_436 = arith.constant 0 : i32
        %dma_start3A_437 = tpu.memref_slice %arg5[%dma_start3A_435, %dma_start3A_436] : memref<65536x768xf32, #tpu.memory_space<hbm>> -> memref<65536x768xf32, #tpu.memory_space<hbm>>
        %dma_start3A_438 = tpu.memref_slice %arg15[%dma_start3A] : memref<16x!tpu.dma_semaphore, #tpu.memory_space<semaphore_mem>> -> memref<1x!tpu.dma_semaphore, #tpu.memory_space<semaphore_mem>>
        %dma_start3A_439 = tpu.memref_squeeze %dma_start3A_438 : memref<1x!tpu.dma_semaphore, #tpu.memory_space<semaphore_mem>> -> memref<!tpu.dma_semaphore, #tpu.memory_space<semaphore_mem>>
        tpu.enqueue_indirect_dma source(%arg11 : memref<16x768xf32, #tpu.memory_space<vmem>>) target(%dma_start3A_437 : memref<65536x768xf32, #tpu.memory_space<hbm>>) offsets(%dma_start3A_434 : memref<16xi32, #tpu.memory_space<vmem>>) semaphore(%dma_start3A_439 : memref<!tpu.dma_semaphore, #tpu.memory_space<semaphore_mem>>)
      } else {
      }
      %while3A_427 = arith.constant 0 : i32
      scf.yield %while3A_427 : i32
    }
    %add3A_148 = arith.constant 4 : i32
    %add3A_149 = arith.addi %select_n3A_80, %add3A_148 : i32
    %add3A_150 = arith.constant 6 : i32
    %add3A_151 = arith.addi %add3A_149, %add3A_150 : i32
    %sub3A_152 = arith.constant 1 : i32
    %sub3A_153 = arith.subi %add3A_151, %sub3A_152 : i32
    %jit3A_154 = arith.constant 6 : i32
    %div3A_155 = arith.divsi %sub3A_153, %jit3A_154 : i32
    %sign3A_156 = arith.constant 0 : i32
    %sign3A_157 = arith.cmpi sgt, %sub3A_153, %sign3A_156 : i32
    %sign3A_158 = arith.extui %sign3A_157 : i1 to i32
    %sign3A_159 = arith.constant 0 : i32
    %sign3A_160 = arith.cmpi slt, %sub3A_153, %sign3A_159 : i32
    %sign3A_161 = arith.extui %sign3A_160 : i1 to i32
    %sign3A_162 = arith.subi %sign3A_158, %sign3A_161 : i32
    %sign3A_163 = arith.constant 0 : i32
    %sign3A_164 = arith.cmpi sgt, %jit3A_154, %sign3A_163 : i32
    %sign3A_165 = arith.extui %sign3A_164 : i1 to i32
    %sign3A_166 = arith.constant 0 : i32
    %sign3A_167 = arith.cmpi slt, %jit3A_154, %sign3A_166 : i32
    %sign3A_168 = arith.extui %sign3A_167 : i1 to i32
    %sign3A_169 = arith.subi %sign3A_165, %sign3A_168 : i32
    %ne3A_170 = arith.cmpi ne, %sign3A_162, %sign3A_169 : i32
    %rem3A_171 = arith.remsi %sub3A_153, %jit3A_154 : i32
    %ne3A_172 = arith.constant 0 : i32
    %ne3A_173 = arith.cmpi ne, %rem3A_171, %ne3A_172 : i32
    %and3A_174 = arith.andi %ne3A_170, %ne3A_173 : i1
    %sub3A_175 = arith.constant 1 : i32
    %sub3A_176 = arith.subi %div3A_155, %sub3A_175 : i32
    %select_n3A_177 = arith.select %and3A_174, %sub3A_176, %div3A_155 : i32
    %while3A_178 = arith.constant 0 : i32
    %while3A_179 = arith.constant 0 : i32
    %while3A_180 = arith.subi %select_n3A_177, %while3A_178 : i32
    %while3A_181 = arith.addi %while3A_178, %while3A_180 : i32
    %while3A_182 = arith.constant 1 : i32
    %while3A_183 = arith.divsi %while3A_180, %while3A_182 : i32
    %while3A_184 = arith.muli %while3A_183, %while3A_182 : i32
    %while3A_185 = arith.addi %while3A_178, %while3A_184 : i32
    %while3A_186 = arith.constant 1 : i32
    %while3A_187 = scf.for %while3A_298 = %while3A_178 to %while3A_185 step %while3A_186 iter_args(%while3A_299 = %while3A_179) -> (i32)  : i32 {
      %mul3A_300 = arith.constant 6 : i32
      %mul3A_301 = arith.muli %while3A_298, %mul3A_300 : i32
      %add3A_302 = arith.constant 0 : i32
      %add3A_303 = arith.addi %mul3A_301, %add3A_302 : i32
      %sub3A_304 = arith.constant 4 : i32
      %sub3A_305 = arith.subi %add3A_303, %sub3A_304 : i32
      %ge3A = arith.constant 0 : i32
      %ge3A_306 = arith.cmpi sge, %sub3A_305, %ge3A : i32
      %lt3A = arith.cmpi slt, %sub3A_305, %select_n3A_80 : i32
      %and3A_307 = arith.andi %ge3A_306, %lt3A : i1
      %convert_element_type3A_308 = arith.extui %and3A_307 : i1 to i32
      %cond3A_309 = arith.constant 0 : i32
      %cond3A_310 = arith.cmpi ne, %convert_element_type3A_308, %cond3A_309 : i32
      scf.if %cond3A_310 {
        %dma_wait3A = arith.constant 2 : i32
        %dma_wait3A_401 = arith.constant 2 : i32
        %dma_wait3A_402 = arith.constant 0 : i32
        %dma_wait3A_403 = arith.constant 0 : i32
        %dma_wait3A_404 = tpu.memref_slice %arg12[%dma_wait3A, %dma_wait3A_402, %dma_wait3A_403] : memref<6x16x768xf32, #tpu.memory_space<vmem>> -> memref<1x16x768xf32, #tpu.memory_space<vmem>>
        %dma_wait3A_405 = tpu.memref_squeeze %dma_wait3A_404 : memref<1x16x768xf32, #tpu.memory_space<vmem>> -> memref<16x768xf32, #tpu.memory_space<vmem>>
        %dma_wait3A_406 = arith.constant 0 : i32
        %dma_wait3A_407 = tpu.memref_slice %arg9[%sub3A_305, %dma_wait3A_406] : memref<129x16xi32, #tpu.memory_space<vmem>> -> memref<1x16xi32, #tpu.memory_space<vmem>>
        %dma_wait3A_408 = tpu.memref_squeeze %dma_wait3A_407 : memref<1x16xi32, #tpu.memory_space<vmem>> -> memref<16xi32, #tpu.memory_space<vmem>>
        %dma_wait3A_409 = arith.constant 0 : i32
        %dma_wait3A_410 = arith.constant 0 : i32
        %dma_wait3A_411 = tpu.memref_slice %arg2[%dma_wait3A_409, %dma_wait3A_410] : memref<65536x768xf32, #tpu.memory_space<hbm>> -> memref<65536x768xf32, #tpu.memory_space<hbm>>
        %dma_wait3A_412 = tpu.memref_slice %arg13[%dma_wait3A_401] : memref<6x!tpu.dma_semaphore, #tpu.memory_space<semaphore_mem>> -> memref<1x!tpu.dma_semaphore, #tpu.memory_space<semaphore_mem>>
        %dma_wait3A_413 = tpu.memref_squeeze %dma_wait3A_412 : memref<1x!tpu.dma_semaphore, #tpu.memory_space<semaphore_mem>> -> memref<!tpu.dma_semaphore, #tpu.memory_space<semaphore_mem>>
        tpu.wait_indirect_dma semaphore(%dma_wait3A_413 : memref<!tpu.dma_semaphore, #tpu.memory_space<semaphore_mem>>) src(%dma_wait3A_411 : memref<65536x768xf32, #tpu.memory_space<hbm>>) dst(%dma_wait3A_405 : memref<16x768xf32, #tpu.memory_space<vmem>>)
        %dma_start3A = arith.constant 2 : i32
        %dma_start3A_414 = arith.constant 2 : i32
        %dma_start3A_415 = arith.constant 0 : i32
        %dma_start3A_416 = arith.constant 0 : i32
        %dma_start3A_417 = tpu.memref_slice %arg12[%dma_start3A, %dma_start3A_415, %dma_start3A_416] : memref<6x16x768xf32, #tpu.memory_space<vmem>> -> memref<1x16x768xf32, #tpu.memory_space<vmem>>
        %dma_start3A_418 = tpu.memref_squeeze %dma_start3A_417 : memref<1x16x768xf32, #tpu.memory_space<vmem>> -> memref<16x768xf32, #tpu.memory_space<vmem>>
        %dma_start3A_419 = arith.constant 0 : i32
        %dma_start3A_420 = tpu.memref_slice %arg9[%sub3A_305, %dma_start3A_419] : memref<129x16xi32, #tpu.memory_space<vmem>> -> memref<1x16xi32, #tpu.memory_space<vmem>>
        %dma_start3A_421 = tpu.memref_squeeze %dma_start3A_420 : memref<1x16xi32, #tpu.memory_space<vmem>> -> memref<16xi32, #tpu.memory_space<vmem>>
        %dma_start3A_422 = arith.constant 0 : i32
        %dma_start3A_423 = arith.constant 0 : i32
        %dma_start3A_424 = tpu.memref_slice %arg5[%dma_start3A_422, %dma_start3A_423] : memref<65536x768xf32, #tpu.memory_space<hbm>> -> memref<65536x768xf32, #tpu.memory_space<hbm>>
        %dma_start3A_425 = tpu.memref_slice %arg14[%dma_start3A_414] : memref<6x!tpu.dma_semaphore, #tpu.memory_space<semaphore_mem>> -> memref<1x!tpu.dma_semaphore, #tpu.memory_space<semaphore_mem>>
        %dma_start3A_426 = tpu.memref_squeeze %dma_start3A_425 : memref<1x!tpu.dma_semaphore, #tpu.memory_space<semaphore_mem>> -> memref<!tpu.dma_semaphore, #tpu.memory_space<semaphore_mem>>
        tpu.enqueue_indirect_dma source(%dma_start3A_418 : memref<16x768xf32, #tpu.memory_space<vmem>>) target(%dma_start3A_424 : memref<65536x768xf32, #tpu.memory_space<hbm>>) offsets(%dma_start3A_421 : memref<16xi32, #tpu.memory_space<vmem>>) semaphore(%dma_start3A_426 : memref<!tpu.dma_semaphore, #tpu.memory_space<semaphore_mem>>)
      } else {
      }
      %lt3A_311 = arith.cmpi slt, %add3A_303, %select_n3A_80 : i32
      %convert_element_type3A_312 = arith.extui %lt3A_311 : i1 to i32
      %cond3A_313 = arith.constant 0 : i32
      %cond3A_314 = arith.cmpi ne, %convert_element_type3A_312, %cond3A_313 : i32
      scf.if %cond3A_314 {
        %ge3A_401 = arith.constant 6 : i32
        %ge3A_402 = arith.cmpi sge, %add3A_303, %ge3A_401 : i32
        %convert_element_type3A_403 = arith.extui %ge3A_402 : i1 to i32
        %cond3A_404 = arith.constant 0 : i32
        %cond3A_405 = arith.cmpi ne, %convert_element_type3A_403, %cond3A_404 : i32
        scf.if %cond3A_405 {
          %dma_wait3A = arith.constant 0 : i32
          %dma_wait3A_419 = arith.constant 0 : i32
          %dma_wait3A_420 = arith.constant 0 : i32
          %dma_wait3A_421 = arith.constant 0 : i32
          %dma_wait3A_422 = arith.constant 0 : i32
          %dma_wait3A_423 = tpu.memref_slice %arg12[%dma_wait3A, %dma_wait3A_421, %dma_wait3A_422] : memref<6x16x768xf32, #tpu.memory_space<vmem>> -> memref<1x16x768xf32, #tpu.memory_space<vmem>>
          %dma_wait3A_424 = tpu.memref_squeeze %dma_wait3A_423 : memref<1x16x768xf32, #tpu.memory_space<vmem>> -> memref<16x768xf32, #tpu.memory_space<vmem>>
          %dma_wait3A_425 = arith.constant 0 : i32
          %dma_wait3A_426 = tpu.memref_slice %arg9[%dma_wait3A_419, %dma_wait3A_425] : memref<129x16xi32, #tpu.memory_space<vmem>> -> memref<1x16xi32, #tpu.memory_space<vmem>>
          %dma_wait3A_427 = tpu.memref_squeeze %dma_wait3A_426 : memref<1x16xi32, #tpu.memory_space<vmem>> -> memref<16xi32, #tpu.memory_space<vmem>>
          %dma_wait3A_428 = arith.constant 0 : i32
          %dma_wait3A_429 = arith.constant 0 : i32
          %dma_wait3A_430 = tpu.memref_slice %arg5[%dma_wait3A_428, %dma_wait3A_429] : memref<65536x768xf32, #tpu.memory_space<hbm>> -> memref<65536x768xf32, #tpu.memory_space<hbm>>
          %dma_wait3A_431 = tpu.memref_slice %arg14[%dma_wait3A_420] : memref<6x!tpu.dma_semaphore, #tpu.memory_space<semaphore_mem>> -> memref<1x!tpu.dma_semaphore, #tpu.memory_space<semaphore_mem>>
          %dma_wait3A_432 = tpu.memref_squeeze %dma_wait3A_431 : memref<1x!tpu.dma_semaphore, #tpu.memory_space<semaphore_mem>> -> memref<!tpu.dma_semaphore, #tpu.memory_space<semaphore_mem>>
          tpu.wait_indirect_dma semaphore(%dma_wait3A_432 : memref<!tpu.dma_semaphore, #tpu.memory_space<semaphore_mem>>) src(%dma_wait3A_424 : memref<16x768xf32, #tpu.memory_space<vmem>>) dst(%dma_wait3A_430 : memref<65536x768xf32, #tpu.memory_space<hbm>>)
        } else {
        }
        %dma_start3A = arith.constant 0 : i32
        %dma_start3A_406 = arith.constant 0 : i32
        %dma_start3A_407 = arith.constant 0 : i32
        %dma_start3A_408 = arith.constant 0 : i32
        %dma_start3A_409 = tpu.memref_slice %arg12[%dma_start3A, %dma_start3A_407, %dma_start3A_408] : memref<6x16x768xf32, #tpu.memory_space<vmem>> -> memref<1x16x768xf32, #tpu.memory_space<vmem>>
        %dma_start3A_410 = tpu.memref_squeeze %dma_start3A_409 : memref<1x16x768xf32, #tpu.memory_space<vmem>> -> memref<16x768xf32, #tpu.memory_space<vmem>>
        %dma_start3A_411 = arith.constant 0 : i32
        %dma_start3A_412 = tpu.memref_slice %arg9[%add3A_303, %dma_start3A_411] : memref<129x16xi32, #tpu.memory_space<vmem>> -> memref<1x16xi32, #tpu.memory_space<vmem>>
        %dma_start3A_413 = tpu.memref_squeeze %dma_start3A_412 : memref<1x16xi32, #tpu.memory_space<vmem>> -> memref<16xi32, #tpu.memory_space<vmem>>
        %dma_start3A_414 = arith.constant 0 : i32
        %dma_start3A_415 = arith.constant 0 : i32
        %dma_start3A_416 = tpu.memref_slice %arg2[%dma_start3A_414, %dma_start3A_415] : memref<65536x768xf32, #tpu.memory_space<hbm>> -> memref<65536x768xf32, #tpu.memory_space<hbm>>
        %dma_start3A_417 = tpu.memref_slice %arg13[%dma_start3A_406] : memref<6x!tpu.dma_semaphore, #tpu.memory_space<semaphore_mem>> -> memref<1x!tpu.dma_semaphore, #tpu.memory_space<semaphore_mem>>
        %dma_start3A_418 = tpu.memref_squeeze %dma_start3A_417 : memref<1x!tpu.dma_semaphore, #tpu.memory_space<semaphore_mem>> -> memref<!tpu.dma_semaphore, #tpu.memory_space<semaphore_mem>>
        tpu.enqueue_indirect_dma source(%dma_start3A_416 : memref<65536x768xf32, #tpu.memory_space<hbm>>) target(%dma_start3A_410 : memref<16x768xf32, #tpu.memory_space<vmem>>) offsets(%dma_start3A_413 : memref<16xi32, #tpu.memory_space<vmem>>) semaphore(%dma_start3A_418 : memref<!tpu.dma_semaphore, #tpu.memory_space<semaphore_mem>>)
      } else {
      }
      %mul3A_315 = arith.constant 6 : i32
      %mul3A_316 = arith.muli %while3A_298, %mul3A_315 : i32
      %add3A_317 = arith.constant 1 : i32
      %add3A_318 = arith.addi %mul3A_316, %add3A_317 : i32
      %sub3A_319 = arith.constant 4 : i32
      %sub3A_320 = arith.subi %add3A_318, %sub3A_319 : i32
      %ge3A_321 = arith.constant 0 : i32
      %ge3A_322 = arith.cmpi sge, %sub3A_320, %ge3A_321 : i32
      %lt3A_323 = arith.cmpi slt, %sub3A_320, %select_n3A_80 : i32
      %and3A_324 = arith.andi %ge3A_322, %lt3A_323 : i1
      %convert_element_type3A_325 = arith.extui %and3A_324 : i1 to i32
      %cond3A_326 = arith.constant 0 : i32
      %cond3A_327 = arith.cmpi ne, %convert_element_type3A_325, %cond3A_326 : i32
      scf.if %cond3A_327 {
        %dma_wait3A = arith.constant 3 : i32
        %dma_wait3A_401 = arith.constant 3 : i32
        %dma_wait3A_402 = arith.constant 0 : i32
        %dma_wait3A_403 = arith.constant 0 : i32
        %dma_wait3A_404 = tpu.memref_slice %arg12[%dma_wait3A, %dma_wait3A_402, %dma_wait3A_403] : memref<6x16x768xf32, #tpu.memory_space<vmem>> -> memref<1x16x768xf32, #tpu.memory_space<vmem>>
        %dma_wait3A_405 = tpu.memref_squeeze %dma_wait3A_404 : memref<1x16x768xf32, #tpu.memory_space<vmem>> -> memref<16x768xf32, #tpu.memory_space<vmem>>
        %dma_wait3A_406 = arith.constant 0 : i32
        %dma_wait3A_407 = tpu.memref_slice %arg9[%sub3A_320, %dma_wait3A_406] : memref<129x16xi32, #tpu.memory_space<vmem>> -> memref<1x16xi32, #tpu.memory_space<vmem>>
        %dma_wait3A_408 = tpu.memref_squeeze %dma_wait3A_407 : memref<1x16xi32, #tpu.memory_space<vmem>> -> memref<16xi32, #tpu.memory_space<vmem>>
        %dma_wait3A_409 = arith.constant 0 : i32
        %dma_wait3A_410 = arith.constant 0 : i32
        %dma_wait3A_411 = tpu.memref_slice %arg2[%dma_wait3A_409, %dma_wait3A_410] : memref<65536x768xf32, #tpu.memory_space<hbm>> -> memref<65536x768xf32, #tpu.memory_space<hbm>>
        %dma_wait3A_412 = tpu.memref_slice %arg13[%dma_wait3A_401] : memref<6x!tpu.dma_semaphore, #tpu.memory_space<semaphore_mem>> -> memref<1x!tpu.dma_semaphore, #tpu.memory_space<semaphore_mem>>
        %dma_wait3A_413 = tpu.memref_squeeze %dma_wait3A_412 : memref<1x!tpu.dma_semaphore, #tpu.memory_space<semaphore_mem>> -> memref<!tpu.dma_semaphore, #tpu.memory_space<semaphore_mem>>
        tpu.wait_indirect_dma semaphore(%dma_wait3A_413 : memref<!tpu.dma_semaphore, #tpu.memory_space<semaphore_mem>>) src(%dma_wait3A_411 : memref<65536x768xf32, #tpu.memory_space<hbm>>) dst(%dma_wait3A_405 : memref<16x768xf32, #tpu.memory_space<vmem>>)
        %dma_start3A = arith.constant 3 : i32
        %dma_start3A_414 = arith.constant 3 : i32
        %dma_start3A_415 = arith.constant 0 : i32
        %dma_start3A_416 = arith.constant 0 : i32
        %dma_start3A_417 = tpu.memref_slice %arg12[%dma_start3A, %dma_start3A_415, %dma_start3A_416] : memref<6x16x768xf32, #tpu.memory_space<vmem>> -> memref<1x16x768xf32, #tpu.memory_space<vmem>>
        %dma_start3A_418 = tpu.memref_squeeze %dma_start3A_417 : memref<1x16x768xf32, #tpu.memory_space<vmem>> -> memref<16x768xf32, #tpu.memory_space<vmem>>
        %dma_start3A_419 = arith.constant 0 : i32
        %dma_start3A_420 = tpu.memref_slice %arg9[%sub3A_320, %dma_start3A_419] : memref<129x16xi32, #tpu.memory_space<vmem>> -> memref<1x16xi32, #tpu.memory_space<vmem>>
        %dma_start3A_421 = tpu.memref_squeeze %dma_start3A_420 : memref<1x16xi32, #tpu.memory_space<vmem>> -> memref<16xi32, #tpu.memory_space<vmem>>
        %dma_start3A_422 = arith.constant 0 : i32
        %dma_start3A_423 = arith.constant 0 : i32
        %dma_start3A_424 = tpu.memref_slice %arg5[%dma_start3A_422, %dma_start3A_423] : memref<65536x768xf32, #tpu.memory_space<hbm>> -> memref<65536x768xf32, #tpu.memory_space<hbm>>
        %dma_start3A_425 = tpu.memref_slice %arg14[%dma_start3A_414] : memref<6x!tpu.dma_semaphore, #tpu.memory_space<semaphore_mem>> -> memref<1x!tpu.dma_semaphore, #tpu.memory_space<semaphore_mem>>
        %dma_start3A_426 = tpu.memref_squeeze %dma_start3A_425 : memref<1x!tpu.dma_semaphore, #tpu.memory_space<semaphore_mem>> -> memref<!tpu.dma_semaphore, #tpu.memory_space<semaphore_mem>>
        tpu.enqueue_indirect_dma source(%dma_start3A_418 : memref<16x768xf32, #tpu.memory_space<vmem>>) target(%dma_start3A_424 : memref<65536x768xf32, #tpu.memory_space<hbm>>) offsets(%dma_start3A_421 : memref<16xi32, #tpu.memory_space<vmem>>) semaphore(%dma_start3A_426 : memref<!tpu.dma_semaphore, #tpu.memory_space<semaphore_mem>>)
      } else {
      }
      %lt3A_328 = arith.cmpi slt, %add3A_318, %select_n3A_80 : i32
      %convert_element_type3A_329 = arith.extui %lt3A_328 : i1 to i32
      %cond3A_330 = arith.constant 0 : i32
      %cond3A_331 = arith.cmpi ne, %convert_element_type3A_329, %cond3A_330 : i32
      scf.if %cond3A_331 {
        %ge3A_401 = arith.constant 6 : i32
        %ge3A_402 = arith.cmpi sge, %add3A_318, %ge3A_401 : i32
        %convert_element_type3A_403 = arith.extui %ge3A_402 : i1 to i32
        %cond3A_404 = arith.constant 0 : i32
        %cond3A_405 = arith.cmpi ne, %convert_element_type3A_403, %cond3A_404 : i32
        scf.if %cond3A_405 {
          %dma_wait3A = arith.constant 1 : i32
          %dma_wait3A_419 = arith.constant 0 : i32
          %dma_wait3A_420 = arith.constant 1 : i32
          %dma_wait3A_421 = arith.constant 0 : i32
          %dma_wait3A_422 = arith.constant 0 : i32
          %dma_wait3A_423 = tpu.memref_slice %arg12[%dma_wait3A, %dma_wait3A_421, %dma_wait3A_422] : memref<6x16x768xf32, #tpu.memory_space<vmem>> -> memref<1x16x768xf32, #tpu.memory_space<vmem>>
          %dma_wait3A_424 = tpu.memref_squeeze %dma_wait3A_423 : memref<1x16x768xf32, #tpu.memory_space<vmem>> -> memref<16x768xf32, #tpu.memory_space<vmem>>
          %dma_wait3A_425 = arith.constant 0 : i32
          %dma_wait3A_426 = tpu.memref_slice %arg9[%dma_wait3A_419, %dma_wait3A_425] : memref<129x16xi32, #tpu.memory_space<vmem>> -> memref<1x16xi32, #tpu.memory_space<vmem>>
          %dma_wait3A_427 = tpu.memref_squeeze %dma_wait3A_426 : memref<1x16xi32, #tpu.memory_space<vmem>> -> memref<16xi32, #tpu.memory_space<vmem>>
          %dma_wait3A_428 = arith.constant 0 : i32
          %dma_wait3A_429 = arith.constant 0 : i32
          %dma_wait3A_430 = tpu.memref_slice %arg5[%dma_wait3A_428, %dma_wait3A_429] : memref<65536x768xf32, #tpu.memory_space<hbm>> -> memref<65536x768xf32, #tpu.memory_space<hbm>>
          %dma_wait3A_431 = tpu.memref_slice %arg14[%dma_wait3A_420] : memref<6x!tpu.dma_semaphore, #tpu.memory_space<semaphore_mem>> -> memref<1x!tpu.dma_semaphore, #tpu.memory_space<semaphore_mem>>
          %dma_wait3A_432 = tpu.memref_squeeze %dma_wait3A_431 : memref<1x!tpu.dma_semaphore, #tpu.memory_space<semaphore_mem>> -> memref<!tpu.dma_semaphore, #tpu.memory_space<semaphore_mem>>
          tpu.wait_indirect_dma semaphore(%dma_wait3A_432 : memref<!tpu.dma_semaphore, #tpu.memory_space<semaphore_mem>>) src(%dma_wait3A_424 : memref<16x768xf32, #tpu.memory_space<vmem>>) dst(%dma_wait3A_430 : memref<65536x768xf32, #tpu.memory_space<hbm>>)
        } else {
        }
        %dma_start3A = arith.constant 1 : i32
        %dma_start3A_406 = arith.constant 1 : i32
        %dma_start3A_407 = arith.constant 0 : i32
        %dma_start3A_408 = arith.constant 0 : i32
        %dma_start3A_409 = tpu.memref_slice %arg12[%dma_start3A, %dma_start3A_407, %dma_start3A_408] : memref<6x16x768xf32, #tpu.memory_space<vmem>> -> memref<1x16x768xf32, #tpu.memory_space<vmem>>
        %dma_start3A_410 = tpu.memref_squeeze %dma_start3A_409 : memref<1x16x768xf32, #tpu.memory_space<vmem>> -> memref<16x768xf32, #tpu.memory_space<vmem>>
        %dma_start3A_411 = arith.constant 0 : i32
        %dma_start3A_412 = tpu.memref_slice %arg9[%add3A_318, %dma_start3A_411] : memref<129x16xi32, #tpu.memory_space<vmem>> -> memref<1x16xi32, #tpu.memory_space<vmem>>
        %dma_start3A_413 = tpu.memref_squeeze %dma_start3A_412 : memref<1x16xi32, #tpu.memory_space<vmem>> -> memref<16xi32, #tpu.memory_space<vmem>>
        %dma_start3A_414 = arith.constant 0 : i32
        %dma_start3A_415 = arith.constant 0 : i32
        %dma_start3A_416 = tpu.memref_slice %arg2[%dma_start3A_414, %dma_start3A_415] : memref<65536x768xf32, #tpu.memory_space<hbm>> -> memref<65536x768xf32, #tpu.memory_space<hbm>>
        %dma_start3A_417 = tpu.memref_slice %arg13[%dma_start3A_406] : memref<6x!tpu.dma_semaphore, #tpu.memory_space<semaphore_mem>> -> memref<1x!tpu.dma_semaphore, #tpu.memory_space<semaphore_mem>>
        %dma_start3A_418 = tpu.memref_squeeze %dma_start3A_417 : memref<1x!tpu.dma_semaphore, #tpu.memory_space<semaphore_mem>> -> memref<!tpu.dma_semaphore, #tpu.memory_space<semaphore_mem>>
        tpu.enqueue_indirect_dma source(%dma_start3A_416 : memref<65536x768xf32, #tpu.memory_space<hbm>>) target(%dma_start3A_410 : memref<16x768xf32, #tpu.memory_space<vmem>>) offsets(%dma_start3A_413 : memref<16xi32, #tpu.memory_space<vmem>>) semaphore(%dma_start3A_418 : memref<!tpu.dma_semaphore, #tpu.memory_space<semaphore_mem>>)
      } else {
      }
      %mul3A_332 = arith.constant 6 : i32
      %mul3A_333 = arith.muli %while3A_298, %mul3A_332 : i32
      %add3A_334 = arith.constant 2 : i32
      %add3A_335 = arith.addi %mul3A_333, %add3A_334 : i32
      %sub3A_336 = arith.constant 4 : i32
      %sub3A_337 = arith.subi %add3A_335, %sub3A_336 : i32
      %ge3A_338 = arith.constant 0 : i32
      %ge3A_339 = arith.cmpi sge, %sub3A_337, %ge3A_338 : i32
      %lt3A_340 = arith.cmpi slt, %sub3A_337, %select_n3A_80 : i32
      %and3A_341 = arith.andi %ge3A_339, %lt3A_340 : i1
      %convert_element_type3A_342 = arith.extui %and3A_341 : i1 to i32
      %cond3A_343 = arith.constant 0 : i32
      %cond3A_344 = arith.cmpi ne, %convert_element_type3A_342, %cond3A_343 : i32
      scf.if %cond3A_344 {
        %dma_wait3A = arith.constant 4 : i32
        %dma_wait3A_401 = arith.constant 4 : i32
        %dma_wait3A_402 = arith.constant 0 : i32
        %dma_wait3A_403 = arith.constant 0 : i32
        %dma_wait3A_404 = tpu.memref_slice %arg12[%dma_wait3A, %dma_wait3A_402, %dma_wait3A_403] : memref<6x16x768xf32, #tpu.memory_space<vmem>> -> memref<1x16x768xf32, #tpu.memory_space<vmem>>
        %dma_wait3A_405 = tpu.memref_squeeze %dma_wait3A_404 : memref<1x16x768xf32, #tpu.memory_space<vmem>> -> memref<16x768xf32, #tpu.memory_space<vmem>>
        %dma_wait3A_406 = arith.constant 0 : i32
        %dma_wait3A_407 = tpu.memref_slice %arg9[%sub3A_337, %dma_wait3A_406] : memref<129x16xi32, #tpu.memory_space<vmem>> -> memref<1x16xi32, #tpu.memory_space<vmem>>
        %dma_wait3A_408 = tpu.memref_squeeze %dma_wait3A_407 : memref<1x16xi32, #tpu.memory_space<vmem>> -> memref<16xi32, #tpu.memory_space<vmem>>
        %dma_wait3A_409 = arith.constant 0 : i32
        %dma_wait3A_410 = arith.constant 0 : i32
        %dma_wait3A_411 = tpu.memref_slice %arg2[%dma_wait3A_409, %dma_wait3A_410] : memref<65536x768xf32, #tpu.memory_space<hbm>> -> memref<65536x768xf32, #tpu.memory_space<hbm>>
        %dma_wait3A_412 = tpu.memref_slice %arg13[%dma_wait3A_401] : memref<6x!tpu.dma_semaphore, #tpu.memory_space<semaphore_mem>> -> memref<1x!tpu.dma_semaphore, #tpu.memory_space<semaphore_mem>>
        %dma_wait3A_413 = tpu.memref_squeeze %dma_wait3A_412 : memref<1x!tpu.dma_semaphore, #tpu.memory_space<semaphore_mem>> -> memref<!tpu.dma_semaphore, #tpu.memory_space<semaphore_mem>>
        tpu.wait_indirect_dma semaphore(%dma_wait3A_413 : memref<!tpu.dma_semaphore, #tpu.memory_space<semaphore_mem>>) src(%dma_wait3A_411 : memref<65536x768xf32, #tpu.memory_space<hbm>>) dst(%dma_wait3A_405 : memref<16x768xf32, #tpu.memory_space<vmem>>)
        %dma_start3A = arith.constant 4 : i32
        %dma_start3A_414 = arith.constant 4 : i32
        %dma_start3A_415 = arith.constant 0 : i32
        %dma_start3A_416 = arith.constant 0 : i32
        %dma_start3A_417 = tpu.memref_slice %arg12[%dma_start3A, %dma_start3A_415, %dma_start3A_416] : memref<6x16x768xf32, #tpu.memory_space<vmem>> -> memref<1x16x768xf32, #tpu.memory_space<vmem>>
        %dma_start3A_418 = tpu.memref_squeeze %dma_start3A_417 : memref<1x16x768xf32, #tpu.memory_space<vmem>> -> memref<16x768xf32, #tpu.memory_space<vmem>>
        %dma_start3A_419 = arith.constant 0 : i32
        %dma_start3A_420 = tpu.memref_slice %arg9[%sub3A_337, %dma_start3A_419] : memref<129x16xi32, #tpu.memory_space<vmem>> -> memref<1x16xi32, #tpu.memory_space<vmem>>
        %dma_start3A_421 = tpu.memref_squeeze %dma_start3A_420 : memref<1x16xi32, #tpu.memory_space<vmem>> -> memref<16xi32, #tpu.memory_space<vmem>>
        %dma_start3A_422 = arith.constant 0 : i32
        %dma_start3A_423 = arith.constant 0 : i32
        %dma_start3A_424 = tpu.memref_slice %arg5[%dma_start3A_422, %dma_start3A_423] : memref<65536x768xf32, #tpu.memory_space<hbm>> -> memref<65536x768xf32, #tpu.memory_space<hbm>>
        %dma_start3A_425 = tpu.memref_slice %arg14[%dma_start3A_414] : memref<6x!tpu.dma_semaphore, #tpu.memory_space<semaphore_mem>> -> memref<1x!tpu.dma_semaphore, #tpu.memory_space<semaphore_mem>>
        %dma_start3A_426 = tpu.memref_squeeze %dma_start3A_425 : memref<1x!tpu.dma_semaphore, #tpu.memory_space<semaphore_mem>> -> memref<!tpu.dma_semaphore, #tpu.memory_space<semaphore_mem>>
        tpu.enqueue_indirect_dma source(%dma_start3A_418 : memref<16x768xf32, #tpu.memory_space<vmem>>) target(%dma_start3A_424 : memref<65536x768xf32, #tpu.memory_space<hbm>>) offsets(%dma_start3A_421 : memref<16xi32, #tpu.memory_space<vmem>>) semaphore(%dma_start3A_426 : memref<!tpu.dma_semaphore, #tpu.memory_space<semaphore_mem>>)
      } else {
      }
      %lt3A_345 = arith.cmpi slt, %add3A_335, %select_n3A_80 : i32
      %convert_element_type3A_346 = arith.extui %lt3A_345 : i1 to i32
      %cond3A_347 = arith.constant 0 : i32
      %cond3A_348 = arith.cmpi ne, %convert_element_type3A_346, %cond3A_347 : i32
      scf.if %cond3A_348 {
        %ge3A_401 = arith.constant 6 : i32
        %ge3A_402 = arith.cmpi sge, %add3A_335, %ge3A_401 : i32
        %convert_element_type3A_403 = arith.extui %ge3A_402 : i1 to i32
        %cond3A_404 = arith.constant 0 : i32
        %cond3A_405 = arith.cmpi ne, %convert_element_type3A_403, %cond3A_404 : i32
        scf.if %cond3A_405 {
          %dma_wait3A = arith.constant 2 : i32
          %dma_wait3A_419 = arith.constant 0 : i32
          %dma_wait3A_420 = arith.constant 2 : i32
          %dma_wait3A_421 = arith.constant 0 : i32
          %dma_wait3A_422 = arith.constant 0 : i32
          %dma_wait3A_423 = tpu.memref_slice %arg12[%dma_wait3A, %dma_wait3A_421, %dma_wait3A_422] : memref<6x16x768xf32, #tpu.memory_space<vmem>> -> memref<1x16x768xf32, #tpu.memory_space<vmem>>
          %dma_wait3A_424 = tpu.memref_squeeze %dma_wait3A_423 : memref<1x16x768xf32, #tpu.memory_space<vmem>> -> memref<16x768xf32, #tpu.memory_space<vmem>>
          %dma_wait3A_425 = arith.constant 0 : i32
          %dma_wait3A_426 = tpu.memref_slice %arg9[%dma_wait3A_419, %dma_wait3A_425] : memref<129x16xi32, #tpu.memory_space<vmem>> -> memref<1x16xi32, #tpu.memory_space<vmem>>
          %dma_wait3A_427 = tpu.memref_squeeze %dma_wait3A_426 : memref<1x16xi32, #tpu.memory_space<vmem>> -> memref<16xi32, #tpu.memory_space<vmem>>
          %dma_wait3A_428 = arith.constant 0 : i32
          %dma_wait3A_429 = arith.constant 0 : i32
          %dma_wait3A_430 = tpu.memref_slice %arg5[%dma_wait3A_428, %dma_wait3A_429] : memref<65536x768xf32, #tpu.memory_space<hbm>> -> memref<65536x768xf32, #tpu.memory_space<hbm>>
          %dma_wait3A_431 = tpu.memref_slice %arg14[%dma_wait3A_420] : memref<6x!tpu.dma_semaphore, #tpu.memory_space<semaphore_mem>> -> memref<1x!tpu.dma_semaphore, #tpu.memory_space<semaphore_mem>>
          %dma_wait3A_432 = tpu.memref_squeeze %dma_wait3A_431 : memref<1x!tpu.dma_semaphore, #tpu.memory_space<semaphore_mem>> -> memref<!tpu.dma_semaphore, #tpu.memory_space<semaphore_mem>>
          tpu.wait_indirect_dma semaphore(%dma_wait3A_432 : memref<!tpu.dma_semaphore, #tpu.memory_space<semaphore_mem>>) src(%dma_wait3A_424 : memref<16x768xf32, #tpu.memory_space<vmem>>) dst(%dma_wait3A_430 : memref<65536x768xf32, #tpu.memory_space<hbm>>)
        } else {
        }
        %dma_start3A = arith.constant 2 : i32
        %dma_start3A_406 = arith.constant 2 : i32
        %dma_start3A_407 = arith.constant 0 : i32
        %dma_start3A_408 = arith.constant 0 : i32
        %dma_start3A_409 = tpu.memref_slice %arg12[%dma_start3A, %dma_start3A_407, %dma_start3A_408] : memref<6x16x768xf32, #tpu.memory_space<vmem>> -> memref<1x16x768xf32, #tpu.memory_space<vmem>>
        %dma_start3A_410 = tpu.memref_squeeze %dma_start3A_409 : memref<1x16x768xf32, #tpu.memory_space<vmem>> -> memref<16x768xf32, #tpu.memory_space<vmem>>
        %dma_start3A_411 = arith.constant 0 : i32
        %dma_start3A_412 = tpu.memref_slice %arg9[%add3A_335, %dma_start3A_411] : memref<129x16xi32, #tpu.memory_space<vmem>> -> memref<1x16xi32, #tpu.memory_space<vmem>>
        %dma_start3A_413 = tpu.memref_squeeze %dma_start3A_412 : memref<1x16xi32, #tpu.memory_space<vmem>> -> memref<16xi32, #tpu.memory_space<vmem>>
        %dma_start3A_414 = arith.constant 0 : i32
        %dma_start3A_415 = arith.constant 0 : i32
        %dma_start3A_416 = tpu.memref_slice %arg2[%dma_start3A_414, %dma_start3A_415] : memref<65536x768xf32, #tpu.memory_space<hbm>> -> memref<65536x768xf32, #tpu.memory_space<hbm>>
        %dma_start3A_417 = tpu.memref_slice %arg13[%dma_start3A_406] : memref<6x!tpu.dma_semaphore, #tpu.memory_space<semaphore_mem>> -> memref<1x!tpu.dma_semaphore, #tpu.memory_space<semaphore_mem>>
        %dma_start3A_418 = tpu.memref_squeeze %dma_start3A_417 : memref<1x!tpu.dma_semaphore, #tpu.memory_space<semaphore_mem>> -> memref<!tpu.dma_semaphore, #tpu.memory_space<semaphore_mem>>
        tpu.enqueue_indirect_dma source(%dma_start3A_416 : memref<65536x768xf32, #tpu.memory_space<hbm>>) target(%dma_start3A_410 : memref<16x768xf32, #tpu.memory_space<vmem>>) offsets(%dma_start3A_413 : memref<16xi32, #tpu.memory_space<vmem>>) semaphore(%dma_start3A_418 : memref<!tpu.dma_semaphore, #tpu.memory_space<semaphore_mem>>)
      } else {
      }
      %mul3A_349 = arith.constant 6 : i32
      %mul3A_350 = arith.muli %while3A_298, %mul3A_349 : i32
      %add3A_351 = arith.constant 3 : i32
      %add3A_352 = arith.addi %mul3A_350, %add3A_351 : i32
      %sub3A_353 = arith.constant 4 : i32
      %sub3A_354 = arith.subi %add3A_352, %sub3A_353 : i32
      %ge3A_355 = arith.constant 0 : i32
      %ge3A_356 = arith.cmpi sge, %sub3A_354, %ge3A_355 : i32
      %lt3A_357 = arith.cmpi slt, %sub3A_354, %select_n3A_80 : i32
      %and3A_358 = arith.andi %ge3A_356, %lt3A_357 : i1
      %convert_element_type3A_359 = arith.extui %and3A_358 : i1 to i32
      %cond3A_360 = arith.constant 0 : i32
      %cond3A_361 = arith.cmpi ne, %convert_element_type3A_359, %cond3A_360 : i32
      scf.if %cond3A_361 {
        %dma_wait3A = arith.constant 5 : i32
        %dma_wait3A_401 = arith.constant 5 : i32
        %dma_wait3A_402 = arith.constant 0 : i32
        %dma_wait3A_403 = arith.constant 0 : i32
        %dma_wait3A_404 = tpu.memref_slice %arg12[%dma_wait3A, %dma_wait3A_402, %dma_wait3A_403] : memref<6x16x768xf32, #tpu.memory_space<vmem>> -> memref<1x16x768xf32, #tpu.memory_space<vmem>>
        %dma_wait3A_405 = tpu.memref_squeeze %dma_wait3A_404 : memref<1x16x768xf32, #tpu.memory_space<vmem>> -> memref<16x768xf32, #tpu.memory_space<vmem>>
        %dma_wait3A_406 = arith.constant 0 : i32
        %dma_wait3A_407 = tpu.memref_slice %arg9[%sub3A_354, %dma_wait3A_406] : memref<129x16xi32, #tpu.memory_space<vmem>> -> memref<1x16xi32, #tpu.memory_space<vmem>>
        %dma_wait3A_408 = tpu.memref_squeeze %dma_wait3A_407 : memref<1x16xi32, #tpu.memory_space<vmem>> -> memref<16xi32, #tpu.memory_space<vmem>>
        %dma_wait3A_409 = arith.constant 0 : i32
        %dma_wait3A_410 = arith.constant 0 : i32
        %dma_wait3A_411 = tpu.memref_slice %arg2[%dma_wait3A_409, %dma_wait3A_410] : memref<65536x768xf32, #tpu.memory_space<hbm>> -> memref<65536x768xf32, #tpu.memory_space<hbm>>
        %dma_wait3A_412 = tpu.memref_slice %arg13[%dma_wait3A_401] : memref<6x!tpu.dma_semaphore, #tpu.memory_space<semaphore_mem>> -> memref<1x!tpu.dma_semaphore, #tpu.memory_space<semaphore_mem>>
        %dma_wait3A_413 = tpu.memref_squeeze %dma_wait3A_412 : memref<1x!tpu.dma_semaphore, #tpu.memory_space<semaphore_mem>> -> memref<!tpu.dma_semaphore, #tpu.memory_space<semaphore_mem>>
        tpu.wait_indirect_dma semaphore(%dma_wait3A_413 : memref<!tpu.dma_semaphore, #tpu.memory_space<semaphore_mem>>) src(%dma_wait3A_411 : memref<65536x768xf32, #tpu.memory_space<hbm>>) dst(%dma_wait3A_405 : memref<16x768xf32, #tpu.memory_space<vmem>>)
        %dma_start3A = arith.constant 5 : i32
        %dma_start3A_414 = arith.constant 5 : i32
        %dma_start3A_415 = arith.constant 0 : i32
        %dma_start3A_416 = arith.constant 0 : i32
        %dma_start3A_417 = tpu.memref_slice %arg12[%dma_start3A, %dma_start3A_415, %dma_start3A_416] : memref<6x16x768xf32, #tpu.memory_space<vmem>> -> memref<1x16x768xf32, #tpu.memory_space<vmem>>
        %dma_start3A_418 = tpu.memref_squeeze %dma_start3A_417 : memref<1x16x768xf32, #tpu.memory_space<vmem>> -> memref<16x768xf32, #tpu.memory_space<vmem>>
        %dma_start3A_419 = arith.constant 0 : i32
        %dma_start3A_420 = tpu.memref_slice %arg9[%sub3A_354, %dma_start3A_419] : memref<129x16xi32, #tpu.memory_space<vmem>> -> memref<1x16xi32, #tpu.memory_space<vmem>>
        %dma_start3A_421 = tpu.memref_squeeze %dma_start3A_420 : memref<1x16xi32, #tpu.memory_space<vmem>> -> memref<16xi32, #tpu.memory_space<vmem>>
        %dma_start3A_422 = arith.constant 0 : i32
        %dma_start3A_423 = arith.constant 0 : i32
        %dma_start3A_424 = tpu.memref_slice %arg5[%dma_start3A_422, %dma_start3A_423] : memref<65536x768xf32, #tpu.memory_space<hbm>> -> memref<65536x768xf32, #tpu.memory_space<hbm>>
        %dma_start3A_425 = tpu.memref_slice %arg14[%dma_start3A_414] : memref<6x!tpu.dma_semaphore, #tpu.memory_space<semaphore_mem>> -> memref<1x!tpu.dma_semaphore, #tpu.memory_space<semaphore_mem>>
        %dma_start3A_426 = tpu.memref_squeeze %dma_start3A_425 : memref<1x!tpu.dma_semaphore, #tpu.memory_space<semaphore_mem>> -> memref<!tpu.dma_semaphore, #tpu.memory_space<semaphore_mem>>
        tpu.enqueue_indirect_dma source(%dma_start3A_418 : memref<16x768xf32, #tpu.memory_space<vmem>>) target(%dma_start3A_424 : memref<65536x768xf32, #tpu.memory_space<hbm>>) offsets(%dma_start3A_421 : memref<16xi32, #tpu.memory_space<vmem>>) semaphore(%dma_start3A_426 : memref<!tpu.dma_semaphore, #tpu.memory_space<semaphore_mem>>)
      } else {
      }
      %lt3A_362 = arith.cmpi slt, %add3A_352, %select_n3A_80 : i32
      %convert_element_type3A_363 = arith.extui %lt3A_362 : i1 to i32
      %cond3A_364 = arith.constant 0 : i32
      %cond3A_365 = arith.cmpi ne, %convert_element_type3A_363, %cond3A_364 : i32
      scf.if %cond3A_365 {
        %ge3A_401 = arith.constant 6 : i32
        %ge3A_402 = arith.cmpi sge, %add3A_352, %ge3A_401 : i32
        %convert_element_type3A_403 = arith.extui %ge3A_402 : i1 to i32
        %cond3A_404 = arith.constant 0 : i32
        %cond3A_405 = arith.cmpi ne, %convert_element_type3A_403, %cond3A_404 : i32
        scf.if %cond3A_405 {
          %dma_wait3A = arith.constant 3 : i32
          %dma_wait3A_419 = arith.constant 0 : i32
          %dma_wait3A_420 = arith.constant 3 : i32
          %dma_wait3A_421 = arith.constant 0 : i32
          %dma_wait3A_422 = arith.constant 0 : i32
          %dma_wait3A_423 = tpu.memref_slice %arg12[%dma_wait3A, %dma_wait3A_421, %dma_wait3A_422] : memref<6x16x768xf32, #tpu.memory_space<vmem>> -> memref<1x16x768xf32, #tpu.memory_space<vmem>>
          %dma_wait3A_424 = tpu.memref_squeeze %dma_wait3A_423 : memref<1x16x768xf32, #tpu.memory_space<vmem>> -> memref<16x768xf32, #tpu.memory_space<vmem>>
          %dma_wait3A_425 = arith.constant 0 : i32
          %dma_wait3A_426 = tpu.memref_slice %arg9[%dma_wait3A_419, %dma_wait3A_425] : memref<129x16xi32, #tpu.memory_space<vmem>> -> memref<1x16xi32, #tpu.memory_space<vmem>>
          %dma_wait3A_427 = tpu.memref_squeeze %dma_wait3A_426 : memref<1x16xi32, #tpu.memory_space<vmem>> -> memref<16xi32, #tpu.memory_space<vmem>>
          %dma_wait3A_428 = arith.constant 0 : i32
          %dma_wait3A_429 = arith.constant 0 : i32
          %dma_wait3A_430 = tpu.memref_slice %arg5[%dma_wait3A_428, %dma_wait3A_429] : memref<65536x768xf32, #tpu.memory_space<hbm>> -> memref<65536x768xf32, #tpu.memory_space<hbm>>
          %dma_wait3A_431 = tpu.memref_slice %arg14[%dma_wait3A_420] : memref<6x!tpu.dma_semaphore, #tpu.memory_space<semaphore_mem>> -> memref<1x!tpu.dma_semaphore, #tpu.memory_space<semaphore_mem>>
          %dma_wait3A_432 = tpu.memref_squeeze %dma_wait3A_431 : memref<1x!tpu.dma_semaphore, #tpu.memory_space<semaphore_mem>> -> memref<!tpu.dma_semaphore, #tpu.memory_space<semaphore_mem>>
          tpu.wait_indirect_dma semaphore(%dma_wait3A_432 : memref<!tpu.dma_semaphore, #tpu.memory_space<semaphore_mem>>) src(%dma_wait3A_424 : memref<16x768xf32, #tpu.memory_space<vmem>>) dst(%dma_wait3A_430 : memref<65536x768xf32, #tpu.memory_space<hbm>>)
        } else {
        }
        %dma_start3A = arith.constant 3 : i32
        %dma_start3A_406 = arith.constant 3 : i32
        %dma_start3A_407 = arith.constant 0 : i32
        %dma_start3A_408 = arith.constant 0 : i32
        %dma_start3A_409 = tpu.memref_slice %arg12[%dma_start3A, %dma_start3A_407, %dma_start3A_408] : memref<6x16x768xf32, #tpu.memory_space<vmem>> -> memref<1x16x768xf32, #tpu.memory_space<vmem>>
        %dma_start3A_410 = tpu.memref_squeeze %dma_start3A_409 : memref<1x16x768xf32, #tpu.memory_space<vmem>> -> memref<16x768xf32, #tpu.memory_space<vmem>>
        %dma_start3A_411 = arith.constant 0 : i32
        %dma_start3A_412 = tpu.memref_slice %arg9[%add3A_352, %dma_start3A_411] : memref<129x16xi32, #tpu.memory_space<vmem>> -> memref<1x16xi32, #tpu.memory_space<vmem>>
        %dma_start3A_413 = tpu.memref_squeeze %dma_start3A_412 : memref<1x16xi32, #tpu.memory_space<vmem>> -> memref<16xi32, #tpu.memory_space<vmem>>
        %dma_start3A_414 = arith.constant 0 : i32
        %dma_start3A_415 = arith.constant 0 : i32
        %dma_start3A_416 = tpu.memref_slice %arg2[%dma_start3A_414, %dma_start3A_415] : memref<65536x768xf32, #tpu.memory_space<hbm>> -> memref<65536x768xf32, #tpu.memory_space<hbm>>
        %dma_start3A_417 = tpu.memref_slice %arg13[%dma_start3A_406] : memref<6x!tpu.dma_semaphore, #tpu.memory_space<semaphore_mem>> -> memref<1x!tpu.dma_semaphore, #tpu.memory_space<semaphore_mem>>
        %dma_start3A_418 = tpu.memref_squeeze %dma_start3A_417 : memref<1x!tpu.dma_semaphore, #tpu.memory_space<semaphore_mem>> -> memref<!tpu.dma_semaphore, #tpu.memory_space<semaphore_mem>>
        tpu.enqueue_indirect_dma source(%dma_start3A_416 : memref<65536x768xf32, #tpu.memory_space<hbm>>) target(%dma_start3A_410 : memref<16x768xf32, #tpu.memory_space<vmem>>) offsets(%dma_start3A_413 : memref<16xi32, #tpu.memory_space<vmem>>) semaphore(%dma_start3A_418 : memref<!tpu.dma_semaphore, #tpu.memory_space<semaphore_mem>>)
      } else {
      }
      %mul3A_366 = arith.constant 6 : i32
      %mul3A_367 = arith.muli %while3A_298, %mul3A_366 : i32
      %add3A_368 = arith.constant 4 : i32
      %add3A_369 = arith.addi %mul3A_367, %add3A_368 : i32
      %sub3A_370 = arith.constant 4 : i32
      %sub3A_371 = arith.subi %add3A_369, %sub3A_370 : i32
      %ge3A_372 = arith.constant 0 : i32
      %ge3A_373 = arith.cmpi sge, %sub3A_371, %ge3A_372 : i32
      %lt3A_374 = arith.cmpi slt, %sub3A_371, %select_n3A_80 : i32
      %and3A_375 = arith.andi %ge3A_373, %lt3A_374 : i1
      %convert_element_type3A_376 = arith.extui %and3A_375 : i1 to i32
      %cond3A_377 = arith.constant 0 : i32
      %cond3A_378 = arith.cmpi ne, %convert_element_type3A_376, %cond3A_377 : i32
      scf.if %cond3A_378 {
        %dma_wait3A = arith.constant 0 : i32
        %dma_wait3A_401 = arith.constant 0 : i32
        %dma_wait3A_402 = arith.constant 0 : i32
        %dma_wait3A_403 = arith.constant 0 : i32
        %dma_wait3A_404 = tpu.memref_slice %arg12[%dma_wait3A, %dma_wait3A_402, %dma_wait3A_403] : memref<6x16x768xf32, #tpu.memory_space<vmem>> -> memref<1x16x768xf32, #tpu.memory_space<vmem>>
        %dma_wait3A_405 = tpu.memref_squeeze %dma_wait3A_404 : memref<1x16x768xf32, #tpu.memory_space<vmem>> -> memref<16x768xf32, #tpu.memory_space<vmem>>
        %dma_wait3A_406 = arith.constant 0 : i32
        %dma_wait3A_407 = tpu.memref_slice %arg9[%sub3A_371, %dma_wait3A_406] : memref<129x16xi32, #tpu.memory_space<vmem>> -> memref<1x16xi32, #tpu.memory_space<vmem>>
        %dma_wait3A_408 = tpu.memref_squeeze %dma_wait3A_407 : memref<1x16xi32, #tpu.memory_space<vmem>> -> memref<16xi32, #tpu.memory_space<vmem>>
        %dma_wait3A_409 = arith.constant 0 : i32
        %dma_wait3A_410 = arith.constant 0 : i32
        %dma_wait3A_411 = tpu.memref_slice %arg2[%dma_wait3A_409, %dma_wait3A_410] : memref<65536x768xf32, #tpu.memory_space<hbm>> -> memref<65536x768xf32, #tpu.memory_space<hbm>>
        %dma_wait3A_412 = tpu.memref_slice %arg13[%dma_wait3A_401] : memref<6x!tpu.dma_semaphore, #tpu.memory_space<semaphore_mem>> -> memref<1x!tpu.dma_semaphore, #tpu.memory_space<semaphore_mem>>
        %dma_wait3A_413 = tpu.memref_squeeze %dma_wait3A_412 : memref<1x!tpu.dma_semaphore, #tpu.memory_space<semaphore_mem>> -> memref<!tpu.dma_semaphore, #tpu.memory_space<semaphore_mem>>
        tpu.wait_indirect_dma semaphore(%dma_wait3A_413 : memref<!tpu.dma_semaphore, #tpu.memory_space<semaphore_mem>>) src(%dma_wait3A_411 : memref<65536x768xf32, #tpu.memory_space<hbm>>) dst(%dma_wait3A_405 : memref<16x768xf32, #tpu.memory_space<vmem>>)
        %dma_start3A = arith.constant 0 : i32
        %dma_start3A_414 = arith.constant 0 : i32
        %dma_start3A_415 = arith.constant 0 : i32
        %dma_start3A_416 = arith.constant 0 : i32
        %dma_start3A_417 = tpu.memref_slice %arg12[%dma_start3A, %dma_start3A_415, %dma_start3A_416] : memref<6x16x768xf32, #tpu.memory_space<vmem>> -> memref<1x16x768xf32, #tpu.memory_space<vmem>>
        %dma_start3A_418 = tpu.memref_squeeze %dma_start3A_417 : memref<1x16x768xf32, #tpu.memory_space<vmem>> -> memref<16x768xf32, #tpu.memory_space<vmem>>
        %dma_start3A_419 = arith.constant 0 : i32
        %dma_start3A_420 = tpu.memref_slice %arg9[%sub3A_371, %dma_start3A_419] : memref<129x16xi32, #tpu.memory_space<vmem>> -> memref<1x16xi32, #tpu.memory_space<vmem>>
        %dma_start3A_421 = tpu.memref_squeeze %dma_start3A_420 : memref<1x16xi32, #tpu.memory_space<vmem>> -> memref<16xi32, #tpu.memory_space<vmem>>
        %dma_start3A_422 = arith.constant 0 : i32
        %dma_start3A_423 = arith.constant 0 : i32
        %dma_start3A_424 = tpu.memref_slice %arg5[%dma_start3A_422, %dma_start3A_423] : memref<65536x768xf32, #tpu.memory_space<hbm>> -> memref<65536x768xf32, #tpu.memory_space<hbm>>
        %dma_start3A_425 = tpu.memref_slice %arg14[%dma_start3A_414] : memref<6x!tpu.dma_semaphore, #tpu.memory_space<semaphore_mem>> -> memref<1x!tpu.dma_semaphore, #tpu.memory_space<semaphore_mem>>
        %dma_start3A_426 = tpu.memref_squeeze %dma_start3A_425 : memref<1x!tpu.dma_semaphore, #tpu.memory_space<semaphore_mem>> -> memref<!tpu.dma_semaphore, #tpu.memory_space<semaphore_mem>>
        tpu.enqueue_indirect_dma source(%dma_start3A_418 : memref<16x768xf32, #tpu.memory_space<vmem>>) target(%dma_start3A_424 : memref<65536x768xf32, #tpu.memory_space<hbm>>) offsets(%dma_start3A_421 : memref<16xi32, #tpu.memory_space<vmem>>) semaphore(%dma_start3A_426 : memref<!tpu.dma_semaphore, #tpu.memory_space<semaphore_mem>>)
      } else {
      }
      %lt3A_379 = arith.cmpi slt, %add3A_369, %select_n3A_80 : i32
      %convert_element_type3A_380 = arith.extui %lt3A_379 : i1 to i32
      %cond3A_381 = arith.constant 0 : i32
      %cond3A_382 = arith.cmpi ne, %convert_element_type3A_380, %cond3A_381 : i32
      scf.if %cond3A_382 {
        %ge3A_401 = arith.constant 6 : i32
        %ge3A_402 = arith.cmpi sge, %add3A_369, %ge3A_401 : i32
        %convert_element_type3A_403 = arith.extui %ge3A_402 : i1 to i32
        %cond3A_404 = arith.constant 0 : i32
        %cond3A_405 = arith.cmpi ne, %convert_element_type3A_403, %cond3A_404 : i32
        scf.if %cond3A_405 {
          %dma_wait3A = arith.constant 4 : i32
          %dma_wait3A_419 = arith.constant 0 : i32
          %dma_wait3A_420 = arith.constant 4 : i32
          %dma_wait3A_421 = arith.constant 0 : i32
          %dma_wait3A_422 = arith.constant 0 : i32
          %dma_wait3A_423 = tpu.memref_slice %arg12[%dma_wait3A, %dma_wait3A_421, %dma_wait3A_422] : memref<6x16x768xf32, #tpu.memory_space<vmem>> -> memref<1x16x768xf32, #tpu.memory_space<vmem>>
          %dma_wait3A_424 = tpu.memref_squeeze %dma_wait3A_423 : memref<1x16x768xf32, #tpu.memory_space<vmem>> -> memref<16x768xf32, #tpu.memory_space<vmem>>
          %dma_wait3A_425 = arith.constant 0 : i32
          %dma_wait3A_426 = tpu.memref_slice %arg9[%dma_wait3A_419, %dma_wait3A_425] : memref<129x16xi32, #tpu.memory_space<vmem>> -> memref<1x16xi32, #tpu.memory_space<vmem>>
          %dma_wait3A_427 = tpu.memref_squeeze %dma_wait3A_426 : memref<1x16xi32, #tpu.memory_space<vmem>> -> memref<16xi32, #tpu.memory_space<vmem>>
          %dma_wait3A_428 = arith.constant 0 : i32
          %dma_wait3A_429 = arith.constant 0 : i32
          %dma_wait3A_430 = tpu.memref_slice %arg5[%dma_wait3A_428, %dma_wait3A_429] : memref<65536x768xf32, #tpu.memory_space<hbm>> -> memref<65536x768xf32, #tpu.memory_space<hbm>>
          %dma_wait3A_431 = tpu.memref_slice %arg14[%dma_wait3A_420] : memref<6x!tpu.dma_semaphore, #tpu.memory_space<semaphore_mem>> -> memref<1x!tpu.dma_semaphore, #tpu.memory_space<semaphore_mem>>
          %dma_wait3A_432 = tpu.memref_squeeze %dma_wait3A_431 : memref<1x!tpu.dma_semaphore, #tpu.memory_space<semaphore_mem>> -> memref<!tpu.dma_semaphore, #tpu.memory_space<semaphore_mem>>
          tpu.wait_indirect_dma semaphore(%dma_wait3A_432 : memref<!tpu.dma_semaphore, #tpu.memory_space<semaphore_mem>>) src(%dma_wait3A_424 : memref<16x768xf32, #tpu.memory_space<vmem>>) dst(%dma_wait3A_430 : memref<65536x768xf32, #tpu.memory_space<hbm>>)
        } else {
        }
        %dma_start3A = arith.constant 4 : i32
        %dma_start3A_406 = arith.constant 4 : i32
        %dma_start3A_407 = arith.constant 0 : i32
        %dma_start3A_408 = arith.constant 0 : i32
        %dma_start3A_409 = tpu.memref_slice %arg12[%dma_start3A, %dma_start3A_407, %dma_start3A_408] : memref<6x16x768xf32, #tpu.memory_space<vmem>> -> memref<1x16x768xf32, #tpu.memory_space<vmem>>
        %dma_start3A_410 = tpu.memref_squeeze %dma_start3A_409 : memref<1x16x768xf32, #tpu.memory_space<vmem>> -> memref<16x768xf32, #tpu.memory_space<vmem>>
        %dma_start3A_411 = arith.constant 0 : i32
        %dma_start3A_412 = tpu.memref_slice %arg9[%add3A_369, %dma_start3A_411] : memref<129x16xi32, #tpu.memory_space<vmem>> -> memref<1x16xi32, #tpu.memory_space<vmem>>
        %dma_start3A_413 = tpu.memref_squeeze %dma_start3A_412 : memref<1x16xi32, #tpu.memory_space<vmem>> -> memref<16xi32, #tpu.memory_space<vmem>>
        %dma_start3A_414 = arith.constant 0 : i32
        %dma_start3A_415 = arith.constant 0 : i32
        %dma_start3A_416 = tpu.memref_slice %arg2[%dma_start3A_414, %dma_start3A_415] : memref<65536x768xf32, #tpu.memory_space<hbm>> -> memref<65536x768xf32, #tpu.memory_space<hbm>>
        %dma_start3A_417 = tpu.memref_slice %arg13[%dma_start3A_406] : memref<6x!tpu.dma_semaphore, #tpu.memory_space<semaphore_mem>> -> memref<1x!tpu.dma_semaphore, #tpu.memory_space<semaphore_mem>>
        %dma_start3A_418 = tpu.memref_squeeze %dma_start3A_417 : memref<1x!tpu.dma_semaphore, #tpu.memory_space<semaphore_mem>> -> memref<!tpu.dma_semaphore, #tpu.memory_space<semaphore_mem>>
        tpu.enqueue_indirect_dma source(%dma_start3A_416 : memref<65536x768xf32, #tpu.memory_space<hbm>>) target(%dma_start3A_410 : memref<16x768xf32, #tpu.memory_space<vmem>>) offsets(%dma_start3A_413 : memref<16xi32, #tpu.memory_space<vmem>>) semaphore(%dma_start3A_418 : memref<!tpu.dma_semaphore, #tpu.memory_space<semaphore_mem>>)
      } else {
      }
      %mul3A_383 = arith.constant 6 : i32
      %mul3A_384 = arith.muli %while3A_298, %mul3A_383 : i32
      %add3A_385 = arith.constant 5 : i32
      %add3A_386 = arith.addi %mul3A_384, %add3A_385 : i32
      %sub3A_387 = arith.constant 4 : i32
      %sub3A_388 = arith.subi %add3A_386, %sub3A_387 : i32
      %ge3A_389 = arith.constant 0 : i32
      %ge3A_390 = arith.cmpi sge, %sub3A_388, %ge3A_389 : i32
      %lt3A_391 = arith.cmpi slt, %sub3A_388, %select_n3A_80 : i32
      %and3A_392 = arith.andi %ge3A_390, %lt3A_391 : i1
      %convert_element_type3A_393 = arith.extui %and3A_392 : i1 to i32
      %cond3A_394 = arith.constant 0 : i32
      %cond3A_395 = arith.cmpi ne, %convert_element_type3A_393, %cond3A_394 : i32
      scf.if %cond3A_395 {
        %dma_wait3A = arith.constant 1 : i32
        %dma_wait3A_401 = arith.constant 1 : i32
        %dma_wait3A_402 = arith.constant 0 : i32
        %dma_wait3A_403 = arith.constant 0 : i32
        %dma_wait3A_404 = tpu.memref_slice %arg12[%dma_wait3A, %dma_wait3A_402, %dma_wait3A_403] : memref<6x16x768xf32, #tpu.memory_space<vmem>> -> memref<1x16x768xf32, #tpu.memory_space<vmem>>
        %dma_wait3A_405 = tpu.memref_squeeze %dma_wait3A_404 : memref<1x16x768xf32, #tpu.memory_space<vmem>> -> memref<16x768xf32, #tpu.memory_space<vmem>>
        %dma_wait3A_406 = arith.constant 0 : i32
        %dma_wait3A_407 = tpu.memref_slice %arg9[%sub3A_388, %dma_wait3A_406] : memref<129x16xi32, #tpu.memory_space<vmem>> -> memref<1x16xi32, #tpu.memory_space<vmem>>
        %dma_wait3A_408 = tpu.memref_squeeze %dma_wait3A_407 : memref<1x16xi32, #tpu.memory_space<vmem>> -> memref<16xi32, #tpu.memory_space<vmem>>
        %dma_wait3A_409 = arith.constant 0 : i32
        %dma_wait3A_410 = arith.constant 0 : i32
        %dma_wait3A_411 = tpu.memref_slice %arg2[%dma_wait3A_409, %dma_wait3A_410] : memref<65536x768xf32, #tpu.memory_space<hbm>> -> memref<65536x768xf32, #tpu.memory_space<hbm>>
        %dma_wait3A_412 = tpu.memref_slice %arg13[%dma_wait3A_401] : memref<6x!tpu.dma_semaphore, #tpu.memory_space<semaphore_mem>> -> memref<1x!tpu.dma_semaphore, #tpu.memory_space<semaphore_mem>>
        %dma_wait3A_413 = tpu.memref_squeeze %dma_wait3A_412 : memref<1x!tpu.dma_semaphore, #tpu.memory_space<semaphore_mem>> -> memref<!tpu.dma_semaphore, #tpu.memory_space<semaphore_mem>>
        tpu.wait_indirect_dma semaphore(%dma_wait3A_413 : memref<!tpu.dma_semaphore, #tpu.memory_space<semaphore_mem>>) src(%dma_wait3A_411 : memref<65536x768xf32, #tpu.memory_space<hbm>>) dst(%dma_wait3A_405 : memref<16x768xf32, #tpu.memory_space<vmem>>)
        %dma_start3A = arith.constant 1 : i32
        %dma_start3A_414 = arith.constant 1 : i32
        %dma_start3A_415 = arith.constant 0 : i32
        %dma_start3A_416 = arith.constant 0 : i32
        %dma_start3A_417 = tpu.memref_slice %arg12[%dma_start3A, %dma_start3A_415, %dma_start3A_416] : memref<6x16x768xf32, #tpu.memory_space<vmem>> -> memref<1x16x768xf32, #tpu.memory_space<vmem>>
        %dma_start3A_418 = tpu.memref_squeeze %dma_start3A_417 : memref<1x16x768xf32, #tpu.memory_space<vmem>> -> memref<16x768xf32, #tpu.memory_space<vmem>>
        %dma_start3A_419 = arith.constant 0 : i32
        %dma_start3A_420 = tpu.memref_slice %arg9[%sub3A_388, %dma_start3A_419] : memref<129x16xi32, #tpu.memory_space<vmem>> -> memref<1x16xi32, #tpu.memory_space<vmem>>
        %dma_start3A_421 = tpu.memref_squeeze %dma_start3A_420 : memref<1x16xi32, #tpu.memory_space<vmem>> -> memref<16xi32, #tpu.memory_space<vmem>>
        %dma_start3A_422 = arith.constant 0 : i32
        %dma_start3A_423 = arith.constant 0 : i32
        %dma_start3A_424 = tpu.memref_slice %arg5[%dma_start3A_422, %dma_start3A_423] : memref<65536x768xf32, #tpu.memory_space<hbm>> -> memref<65536x768xf32, #tpu.memory_space<hbm>>
        %dma_start3A_425 = tpu.memref_slice %arg14[%dma_start3A_414] : memref<6x!tpu.dma_semaphore, #tpu.memory_space<semaphore_mem>> -> memref<1x!tpu.dma_semaphore, #tpu.memory_space<semaphore_mem>>
        %dma_start3A_426 = tpu.memref_squeeze %dma_start3A_425 : memref<1x!tpu.dma_semaphore, #tpu.memory_space<semaphore_mem>> -> memref<!tpu.dma_semaphore, #tpu.memory_space<semaphore_mem>>
        tpu.enqueue_indirect_dma source(%dma_start3A_418 : memref<16x768xf32, #tpu.memory_space<vmem>>) target(%dma_start3A_424 : memref<65536x768xf32, #tpu.memory_space<hbm>>) offsets(%dma_start3A_421 : memref<16xi32, #tpu.memory_space<vmem>>) semaphore(%dma_start3A_426 : memref<!tpu.dma_semaphore, #tpu.memory_space<semaphore_mem>>)
      } else {
      }
      %lt3A_396 = arith.cmpi slt, %add3A_386, %select_n3A_80 : i32
      %convert_element_type3A_397 = arith.extui %lt3A_396 : i1 to i32
      %cond3A_398 = arith.constant 0 : i32
      %cond3A_399 = arith.cmpi ne, %convert_element_type3A_397, %cond3A_398 : i32
      scf.if %cond3A_399 {
        %ge3A_401 = arith.constant 6 : i32
        %ge3A_402 = arith.cmpi sge, %add3A_386, %ge3A_401 : i32
        %convert_element_type3A_403 = arith.extui %ge3A_402 : i1 to i32
        %cond3A_404 = arith.constant 0 : i32
        %cond3A_405 = arith.cmpi ne, %convert_element_type3A_403, %cond3A_404 : i32
        scf.if %cond3A_405 {
          %dma_wait3A = arith.constant 5 : i32
          %dma_wait3A_419 = arith.constant 0 : i32
          %dma_wait3A_420 = arith.constant 5 : i32
          %dma_wait3A_421 = arith.constant 0 : i32
          %dma_wait3A_422 = arith.constant 0 : i32
          %dma_wait3A_423 = tpu.memref_slice %arg12[%dma_wait3A, %dma_wait3A_421, %dma_wait3A_422] : memref<6x16x768xf32, #tpu.memory_space<vmem>> -> memref<1x16x768xf32, #tpu.memory_space<vmem>>
          %dma_wait3A_424 = tpu.memref_squeeze %dma_wait3A_423 : memref<1x16x768xf32, #tpu.memory_space<vmem>> -> memref<16x768xf32, #tpu.memory_space<vmem>>
          %dma_wait3A_425 = arith.constant 0 : i32
          %dma_wait3A_426 = tpu.memref_slice %arg9[%dma_wait3A_419, %dma_wait3A_425] : memref<129x16xi32, #tpu.memory_space<vmem>> -> memref<1x16xi32, #tpu.memory_space<vmem>>
          %dma_wait3A_427 = tpu.memref_squeeze %dma_wait3A_426 : memref<1x16xi32, #tpu.memory_space<vmem>> -> memref<16xi32, #tpu.memory_space<vmem>>
          %dma_wait3A_428 = arith.constant 0 : i32
          %dma_wait3A_429 = arith.constant 0 : i32
          %dma_wait3A_430 = tpu.memref_slice %arg5[%dma_wait3A_428, %dma_wait3A_429] : memref<65536x768xf32, #tpu.memory_space<hbm>> -> memref<65536x768xf32, #tpu.memory_space<hbm>>
          %dma_wait3A_431 = tpu.memref_slice %arg14[%dma_wait3A_420] : memref<6x!tpu.dma_semaphore, #tpu.memory_space<semaphore_mem>> -> memref<1x!tpu.dma_semaphore, #tpu.memory_space<semaphore_mem>>
          %dma_wait3A_432 = tpu.memref_squeeze %dma_wait3A_431 : memref<1x!tpu.dma_semaphore, #tpu.memory_space<semaphore_mem>> -> memref<!tpu.dma_semaphore, #tpu.memory_space<semaphore_mem>>
          tpu.wait_indirect_dma semaphore(%dma_wait3A_432 : memref<!tpu.dma_semaphore, #tpu.memory_space<semaphore_mem>>) src(%dma_wait3A_424 : memref<16x768xf32, #tpu.memory_space<vmem>>) dst(%dma_wait3A_430 : memref<65536x768xf32, #tpu.memory_space<hbm>>)
        } else {
        }
        %dma_start3A = arith.constant 5 : i32
        %dma_start3A_406 = arith.constant 5 : i32
        %dma_start3A_407 = arith.constant 0 : i32
        %dma_start3A_408 = arith.constant 0 : i32
        %dma_start3A_409 = tpu.memref_slice %arg12[%dma_start3A, %dma_start3A_407, %dma_start3A_408] : memref<6x16x768xf32, #tpu.memory_space<vmem>> -> memref<1x16x768xf32, #tpu.memory_space<vmem>>
        %dma_start3A_410 = tpu.memref_squeeze %dma_start3A_409 : memref<1x16x768xf32, #tpu.memory_space<vmem>> -> memref<16x768xf32, #tpu.memory_space<vmem>>
        %dma_start3A_411 = arith.constant 0 : i32
        %dma_start3A_412 = tpu.memref_slice %arg9[%add3A_386, %dma_start3A_411] : memref<129x16xi32, #tpu.memory_space<vmem>> -> memref<1x16xi32, #tpu.memory_space<vmem>>
        %dma_start3A_413 = tpu.memref_squeeze %dma_start3A_412 : memref<1x16xi32, #tpu.memory_space<vmem>> -> memref<16xi32, #tpu.memory_space<vmem>>
        %dma_start3A_414 = arith.constant 0 : i32
        %dma_start3A_415 = arith.constant 0 : i32
        %dma_start3A_416 = tpu.memref_slice %arg2[%dma_start3A_414, %dma_start3A_415] : memref<65536x768xf32, #tpu.memory_space<hbm>> -> memref<65536x768xf32, #tpu.memory_space<hbm>>
        %dma_start3A_417 = tpu.memref_slice %arg13[%dma_start3A_406] : memref<6x!tpu.dma_semaphore, #tpu.memory_space<semaphore_mem>> -> memref<1x!tpu.dma_semaphore, #tpu.memory_space<semaphore_mem>>
        %dma_start3A_418 = tpu.memref_squeeze %dma_start3A_417 : memref<1x!tpu.dma_semaphore, #tpu.memory_space<semaphore_mem>> -> memref<!tpu.dma_semaphore, #tpu.memory_space<semaphore_mem>>
        tpu.enqueue_indirect_dma source(%dma_start3A_416 : memref<65536x768xf32, #tpu.memory_space<hbm>>) target(%dma_start3A_410 : memref<16x768xf32, #tpu.memory_space<vmem>>) offsets(%dma_start3A_413 : memref<16xi32, #tpu.memory_space<vmem>>) semaphore(%dma_start3A_418 : memref<!tpu.dma_semaphore, #tpu.memory_space<semaphore_mem>>)
      } else {
      }
      %while3A_400 = arith.constant 0 : i32
      scf.yield %while3A_400 : i32
    }
    %while3A_188 = arith.constant 1 : i32
    %while3A_189 = scf.for %while3A_298 = %while3A_185 to %while3A_181 step %while3A_188 iter_args(%while3A_299 = %while3A_187) -> (i32)  : i32 {
      %mul3A_300 = arith.constant 6 : i32
      %mul3A_301 = arith.muli %while3A_298, %mul3A_300 : i32
      %add3A_302 = arith.constant 0 : i32
      %add3A_303 = arith.addi %mul3A_301, %add3A_302 : i32
      %sub3A_304 = arith.constant 4 : i32
      %sub3A_305 = arith.subi %add3A_303, %sub3A_304 : i32
      %ge3A = arith.constant 0 : i32
      %ge3A_306 = arith.cmpi sge, %sub3A_305, %ge3A : i32
      %lt3A = arith.cmpi slt, %sub3A_305, %select_n3A_80 : i32
      %and3A_307 = arith.andi %ge3A_306, %lt3A : i1
      %convert_element_type3A_308 = arith.extui %and3A_307 : i1 to i32
      %cond3A_309 = arith.constant 0 : i32
      %cond3A_310 = arith.cmpi ne, %convert_element_type3A_308, %cond3A_309 : i32
      scf.if %cond3A_310 {
        %dma_wait3A = arith.constant 2 : i32
        %dma_wait3A_401 = arith.constant 2 : i32
        %dma_wait3A_402 = arith.constant 0 : i32
        %dma_wait3A_403 = arith.constant 0 : i32
        %dma_wait3A_404 = tpu.memref_slice %arg12[%dma_wait3A, %dma_wait3A_402, %dma_wait3A_403] : memref<6x16x768xf32, #tpu.memory_space<vmem>> -> memref<1x16x768xf32, #tpu.memory_space<vmem>>
        %dma_wait3A_405 = tpu.memref_squeeze %dma_wait3A_404 : memref<1x16x768xf32, #tpu.memory_space<vmem>> -> memref<16x768xf32, #tpu.memory_space<vmem>>
        %dma_wait3A_406 = arith.constant 0 : i32
        %dma_wait3A_407 = tpu.memref_slice %arg9[%sub3A_305, %dma_wait3A_406] : memref<129x16xi32, #tpu.memory_space<vmem>> -> memref<1x16xi32, #tpu.memory_space<vmem>>
        %dma_wait3A_408 = tpu.memref_squeeze %dma_wait3A_407 : memref<1x16xi32, #tpu.memory_space<vmem>> -> memref<16xi32, #tpu.memory_space<vmem>>
        %dma_wait3A_409 = arith.constant 0 : i32
        %dma_wait3A_410 = arith.constant 0 : i32
        %dma_wait3A_411 = tpu.memref_slice %arg2[%dma_wait3A_409, %dma_wait3A_410] : memref<65536x768xf32, #tpu.memory_space<hbm>> -> memref<65536x768xf32, #tpu.memory_space<hbm>>
        %dma_wait3A_412 = tpu.memref_slice %arg13[%dma_wait3A_401] : memref<6x!tpu.dma_semaphore, #tpu.memory_space<semaphore_mem>> -> memref<1x!tpu.dma_semaphore, #tpu.memory_space<semaphore_mem>>
        %dma_wait3A_413 = tpu.memref_squeeze %dma_wait3A_412 : memref<1x!tpu.dma_semaphore, #tpu.memory_space<semaphore_mem>> -> memref<!tpu.dma_semaphore, #tpu.memory_space<semaphore_mem>>
        tpu.wait_indirect_dma semaphore(%dma_wait3A_413 : memref<!tpu.dma_semaphore, #tpu.memory_space<semaphore_mem>>) src(%dma_wait3A_411 : memref<65536x768xf32, #tpu.memory_space<hbm>>) dst(%dma_wait3A_405 : memref<16x768xf32, #tpu.memory_space<vmem>>)
        %dma_start3A = arith.constant 2 : i32
        %dma_start3A_414 = arith.constant 2 : i32
        %dma_start3A_415 = arith.constant 0 : i32
        %dma_start3A_416 = arith.constant 0 : i32
        %dma_start3A_417 = tpu.memref_slice %arg12[%dma_start3A, %dma_start3A_415, %dma_start3A_416] : memref<6x16x768xf32, #tpu.memory_space<vmem>> -> memref<1x16x768xf32, #tpu.memory_space<vmem>>
        %dma_start3A_418 = tpu.memref_squeeze %dma_start3A_417 : memref<1x16x768xf32, #tpu.memory_space<vmem>> -> memref<16x768xf32, #tpu.memory_space<vmem>>
        %dma_start3A_419 = arith.constant 0 : i32
        %dma_start3A_420 = tpu.memref_slice %arg9[%sub3A_305, %dma_start3A_419] : memref<129x16xi32, #tpu.memory_space<vmem>> -> memref<1x16xi32, #tpu.memory_space<vmem>>
        %dma_start3A_421 = tpu.memref_squeeze %dma_start3A_420 : memref<1x16xi32, #tpu.memory_space<vmem>> -> memref<16xi32, #tpu.memory_space<vmem>>
        %dma_start3A_422 = arith.constant 0 : i32
        %dma_start3A_423 = arith.constant 0 : i32
        %dma_start3A_424 = tpu.memref_slice %arg5[%dma_start3A_422, %dma_start3A_423] : memref<65536x768xf32, #tpu.memory_space<hbm>> -> memref<65536x768xf32, #tpu.memory_space<hbm>>
        %dma_start3A_425 = tpu.memref_slice %arg14[%dma_start3A_414] : memref<6x!tpu.dma_semaphore, #tpu.memory_space<semaphore_mem>> -> memref<1x!tpu.dma_semaphore, #tpu.memory_space<semaphore_mem>>
        %dma_start3A_426 = tpu.memref_squeeze %dma_start3A_425 : memref<1x!tpu.dma_semaphore, #tpu.memory_space<semaphore_mem>> -> memref<!tpu.dma_semaphore, #tpu.memory_space<semaphore_mem>>
        tpu.enqueue_indirect_dma source(%dma_start3A_418 : memref<16x768xf32, #tpu.memory_space<vmem>>) target(%dma_start3A_424 : memref<65536x768xf32, #tpu.memory_space<hbm>>) offsets(%dma_start3A_421 : memref<16xi32, #tpu.memory_space<vmem>>) semaphore(%dma_start3A_426 : memref<!tpu.dma_semaphore, #tpu.memory_space<semaphore_mem>>)
      } else {
      }
      %lt3A_311 = arith.cmpi slt, %add3A_303, %select_n3A_80 : i32
      %convert_element_type3A_312 = arith.extui %lt3A_311 : i1 to i32
      %cond3A_313 = arith.constant 0 : i32
      %cond3A_314 = arith.cmpi ne, %convert_element_type3A_312, %cond3A_313 : i32
      scf.if %cond3A_314 {
        %ge3A_401 = arith.constant 6 : i32
        %ge3A_402 = arith.cmpi sge, %add3A_303, %ge3A_401 : i32
        %convert_element_type3A_403 = arith.extui %ge3A_402 : i1 to i32
        %cond3A_404 = arith.constant 0 : i32
        %cond3A_405 = arith.cmpi ne, %convert_element_type3A_403, %cond3A_404 : i32
        scf.if %cond3A_405 {
          %dma_wait3A = arith.constant 0 : i32
          %dma_wait3A_419 = arith.constant 0 : i32
          %dma_wait3A_420 = arith.constant 0 : i32
          %dma_wait3A_421 = arith.constant 0 : i32
          %dma_wait3A_422 = arith.constant 0 : i32
          %dma_wait3A_423 = tpu.memref_slice %arg12[%dma_wait3A, %dma_wait3A_421, %dma_wait3A_422] : memref<6x16x768xf32, #tpu.memory_space<vmem>> -> memref<1x16x768xf32, #tpu.memory_space<vmem>>
          %dma_wait3A_424 = tpu.memref_squeeze %dma_wait3A_423 : memref<1x16x768xf32, #tpu.memory_space<vmem>> -> memref<16x768xf32, #tpu.memory_space<vmem>>
          %dma_wait3A_425 = arith.constant 0 : i32
          %dma_wait3A_426 = tpu.memref_slice %arg9[%dma_wait3A_419, %dma_wait3A_425] : memref<129x16xi32, #tpu.memory_space<vmem>> -> memref<1x16xi32, #tpu.memory_space<vmem>>
          %dma_wait3A_427 = tpu.memref_squeeze %dma_wait3A_426 : memref<1x16xi32, #tpu.memory_space<vmem>> -> memref<16xi32, #tpu.memory_space<vmem>>
          %dma_wait3A_428 = arith.constant 0 : i32
          %dma_wait3A_429 = arith.constant 0 : i32
          %dma_wait3A_430 = tpu.memref_slice %arg5[%dma_wait3A_428, %dma_wait3A_429] : memref<65536x768xf32, #tpu.memory_space<hbm>> -> memref<65536x768xf32, #tpu.memory_space<hbm>>
          %dma_wait3A_431 = tpu.memref_slice %arg14[%dma_wait3A_420] : memref<6x!tpu.dma_semaphore, #tpu.memory_space<semaphore_mem>> -> memref<1x!tpu.dma_semaphore, #tpu.memory_space<semaphore_mem>>
          %dma_wait3A_432 = tpu.memref_squeeze %dma_wait3A_431 : memref<1x!tpu.dma_semaphore, #tpu.memory_space<semaphore_mem>> -> memref<!tpu.dma_semaphore, #tpu.memory_space<semaphore_mem>>
          tpu.wait_indirect_dma semaphore(%dma_wait3A_432 : memref<!tpu.dma_semaphore, #tpu.memory_space<semaphore_mem>>) src(%dma_wait3A_424 : memref<16x768xf32, #tpu.memory_space<vmem>>) dst(%dma_wait3A_430 : memref<65536x768xf32, #tpu.memory_space<hbm>>)
        } else {
        }
        %dma_start3A = arith.constant 0 : i32
        %dma_start3A_406 = arith.constant 0 : i32
        %dma_start3A_407 = arith.constant 0 : i32
        %dma_start3A_408 = arith.constant 0 : i32
        %dma_start3A_409 = tpu.memref_slice %arg12[%dma_start3A, %dma_start3A_407, %dma_start3A_408] : memref<6x16x768xf32, #tpu.memory_space<vmem>> -> memref<1x16x768xf32, #tpu.memory_space<vmem>>
        %dma_start3A_410 = tpu.memref_squeeze %dma_start3A_409 : memref<1x16x768xf32, #tpu.memory_space<vmem>> -> memref<16x768xf32, #tpu.memory_space<vmem>>
        %dma_start3A_411 = arith.constant 0 : i32
        %dma_start3A_412 = tpu.memref_slice %arg9[%add3A_303, %dma_start3A_411] : memref<129x16xi32, #tpu.memory_space<vmem>> -> memref<1x16xi32, #tpu.memory_space<vmem>>
        %dma_start3A_413 = tpu.memref_squeeze %dma_start3A_412 : memref<1x16xi32, #tpu.memory_space<vmem>> -> memref<16xi32, #tpu.memory_space<vmem>>
        %dma_start3A_414 = arith.constant 0 : i32
        %dma_start3A_415 = arith.constant 0 : i32
        %dma_start3A_416 = tpu.memref_slice %arg2[%dma_start3A_414, %dma_start3A_415] : memref<65536x768xf32, #tpu.memory_space<hbm>> -> memref<65536x768xf32, #tpu.memory_space<hbm>>
        %dma_start3A_417 = tpu.memref_slice %arg13[%dma_start3A_406] : memref<6x!tpu.dma_semaphore, #tpu.memory_space<semaphore_mem>> -> memref<1x!tpu.dma_semaphore, #tpu.memory_space<semaphore_mem>>
        %dma_start3A_418 = tpu.memref_squeeze %dma_start3A_417 : memref<1x!tpu.dma_semaphore, #tpu.memory_space<semaphore_mem>> -> memref<!tpu.dma_semaphore, #tpu.memory_space<semaphore_mem>>
        tpu.enqueue_indirect_dma source(%dma_start3A_416 : memref<65536x768xf32, #tpu.memory_space<hbm>>) target(%dma_start3A_410 : memref<16x768xf32, #tpu.memory_space<vmem>>) offsets(%dma_start3A_413 : memref<16xi32, #tpu.memory_space<vmem>>) semaphore(%dma_start3A_418 : memref<!tpu.dma_semaphore, #tpu.memory_space<semaphore_mem>>)
      } else {
      }
      %mul3A_315 = arith.constant 6 : i32
      %mul3A_316 = arith.muli %while3A_298, %mul3A_315 : i32
      %add3A_317 = arith.constant 1 : i32
      %add3A_318 = arith.addi %mul3A_316, %add3A_317 : i32
      %sub3A_319 = arith.constant 4 : i32
      %sub3A_320 = arith.subi %add3A_318, %sub3A_319 : i32
      %ge3A_321 = arith.constant 0 : i32
      %ge3A_322 = arith.cmpi sge, %sub3A_320, %ge3A_321 : i32
      %lt3A_323 = arith.cmpi slt, %sub3A_320, %select_n3A_80 : i32
      %and3A_324 = arith.andi %ge3A_322, %lt3A_323 : i1
      %convert_element_type3A_325 = arith.extui %and3A_324 : i1 to i32
      %cond3A_326 = arith.constant 0 : i32
      %cond3A_327 = arith.cmpi ne, %convert_element_type3A_325, %cond3A_326 : i32
      scf.if %cond3A_327 {
        %dma_wait3A = arith.constant 3 : i32
        %dma_wait3A_401 = arith.constant 3 : i32
        %dma_wait3A_402 = arith.constant 0 : i32
        %dma_wait3A_403 = arith.constant 0 : i32
        %dma_wait3A_404 = tpu.memref_slice %arg12[%dma_wait3A, %dma_wait3A_402, %dma_wait3A_403] : memref<6x16x768xf32, #tpu.memory_space<vmem>> -> memref<1x16x768xf32, #tpu.memory_space<vmem>>
        %dma_wait3A_405 = tpu.memref_squeeze %dma_wait3A_404 : memref<1x16x768xf32, #tpu.memory_space<vmem>> -> memref<16x768xf32, #tpu.memory_space<vmem>>
        %dma_wait3A_406 = arith.constant 0 : i32
        %dma_wait3A_407 = tpu.memref_slice %arg9[%sub3A_320, %dma_wait3A_406] : memref<129x16xi32, #tpu.memory_space<vmem>> -> memref<1x16xi32, #tpu.memory_space<vmem>>
        %dma_wait3A_408 = tpu.memref_squeeze %dma_wait3A_407 : memref<1x16xi32, #tpu.memory_space<vmem>> -> memref<16xi32, #tpu.memory_space<vmem>>
        %dma_wait3A_409 = arith.constant 0 : i32
        %dma_wait3A_410 = arith.constant 0 : i32
        %dma_wait3A_411 = tpu.memref_slice %arg2[%dma_wait3A_409, %dma_wait3A_410] : memref<65536x768xf32, #tpu.memory_space<hbm>> -> memref<65536x768xf32, #tpu.memory_space<hbm>>
        %dma_wait3A_412 = tpu.memref_slice %arg13[%dma_wait3A_401] : memref<6x!tpu.dma_semaphore, #tpu.memory_space<semaphore_mem>> -> memref<1x!tpu.dma_semaphore, #tpu.memory_space<semaphore_mem>>
        %dma_wait3A_413 = tpu.memref_squeeze %dma_wait3A_412 : memref<1x!tpu.dma_semaphore, #tpu.memory_space<semaphore_mem>> -> memref<!tpu.dma_semaphore, #tpu.memory_space<semaphore_mem>>
        tpu.wait_indirect_dma semaphore(%dma_wait3A_413 : memref<!tpu.dma_semaphore, #tpu.memory_space<semaphore_mem>>) src(%dma_wait3A_411 : memref<65536x768xf32, #tpu.memory_space<hbm>>) dst(%dma_wait3A_405 : memref<16x768xf32, #tpu.memory_space<vmem>>)
        %dma_start3A = arith.constant 3 : i32
        %dma_start3A_414 = arith.constant 3 : i32
        %dma_start3A_415 = arith.constant 0 : i32
        %dma_start3A_416 = arith.constant 0 : i32
        %dma_start3A_417 = tpu.memref_slice %arg12[%dma_start3A, %dma_start3A_415, %dma_start3A_416] : memref<6x16x768xf32, #tpu.memory_space<vmem>> -> memref<1x16x768xf32, #tpu.memory_space<vmem>>
        %dma_start3A_418 = tpu.memref_squeeze %dma_start3A_417 : memref<1x16x768xf32, #tpu.memory_space<vmem>> -> memref<16x768xf32, #tpu.memory_space<vmem>>
        %dma_start3A_419 = arith.constant 0 : i32
        %dma_start3A_420 = tpu.memref_slice %arg9[%sub3A_320, %dma_start3A_419] : memref<129x16xi32, #tpu.memory_space<vmem>> -> memref<1x16xi32, #tpu.memory_space<vmem>>
        %dma_start3A_421 = tpu.memref_squeeze %dma_start3A_420 : memref<1x16xi32, #tpu.memory_space<vmem>> -> memref<16xi32, #tpu.memory_space<vmem>>
        %dma_start3A_422 = arith.constant 0 : i32
        %dma_start3A_423 = arith.constant 0 : i32
        %dma_start3A_424 = tpu.memref_slice %arg5[%dma_start3A_422, %dma_start3A_423] : memref<65536x768xf32, #tpu.memory_space<hbm>> -> memref<65536x768xf32, #tpu.memory_space<hbm>>
        %dma_start3A_425 = tpu.memref_slice %arg14[%dma_start3A_414] : memref<6x!tpu.dma_semaphore, #tpu.memory_space<semaphore_mem>> -> memref<1x!tpu.dma_semaphore, #tpu.memory_space<semaphore_mem>>
        %dma_start3A_426 = tpu.memref_squeeze %dma_start3A_425 : memref<1x!tpu.dma_semaphore, #tpu.memory_space<semaphore_mem>> -> memref<!tpu.dma_semaphore, #tpu.memory_space<semaphore_mem>>
        tpu.enqueue_indirect_dma source(%dma_start3A_418 : memref<16x768xf32, #tpu.memory_space<vmem>>) target(%dma_start3A_424 : memref<65536x768xf32, #tpu.memory_space<hbm>>) offsets(%dma_start3A_421 : memref<16xi32, #tpu.memory_space<vmem>>) semaphore(%dma_start3A_426 : memref<!tpu.dma_semaphore, #tpu.memory_space<semaphore_mem>>)
      } else {
      }
      %lt3A_328 = arith.cmpi slt, %add3A_318, %select_n3A_80 : i32
      %convert_element_type3A_329 = arith.extui %lt3A_328 : i1 to i32
      %cond3A_330 = arith.constant 0 : i32
      %cond3A_331 = arith.cmpi ne, %convert_element_type3A_329, %cond3A_330 : i32
      scf.if %cond3A_331 {
        %ge3A_401 = arith.constant 6 : i32
        %ge3A_402 = arith.cmpi sge, %add3A_318, %ge3A_401 : i32
        %convert_element_type3A_403 = arith.extui %ge3A_402 : i1 to i32
        %cond3A_404 = arith.constant 0 : i32
        %cond3A_405 = arith.cmpi ne, %convert_element_type3A_403, %cond3A_404 : i32
        scf.if %cond3A_405 {
          %dma_wait3A = arith.constant 1 : i32
          %dma_wait3A_419 = arith.constant 0 : i32
          %dma_wait3A_420 = arith.constant 1 : i32
          %dma_wait3A_421 = arith.constant 0 : i32
          %dma_wait3A_422 = arith.constant 0 : i32
          %dma_wait3A_423 = tpu.memref_slice %arg12[%dma_wait3A, %dma_wait3A_421, %dma_wait3A_422] : memref<6x16x768xf32, #tpu.memory_space<vmem>> -> memref<1x16x768xf32, #tpu.memory_space<vmem>>
          %dma_wait3A_424 = tpu.memref_squeeze %dma_wait3A_423 : memref<1x16x768xf32, #tpu.memory_space<vmem>> -> memref<16x768xf32, #tpu.memory_space<vmem>>
          %dma_wait3A_425 = arith.constant 0 : i32
          %dma_wait3A_426 = tpu.memref_slice %arg9[%dma_wait3A_419, %dma_wait3A_425] : memref<129x16xi32, #tpu.memory_space<vmem>> -> memref<1x16xi32, #tpu.memory_space<vmem>>
          %dma_wait3A_427 = tpu.memref_squeeze %dma_wait3A_426 : memref<1x16xi32, #tpu.memory_space<vmem>> -> memref<16xi32, #tpu.memory_space<vmem>>
          %dma_wait3A_428 = arith.constant 0 : i32
          %dma_wait3A_429 = arith.constant 0 : i32
          %dma_wait3A_430 = tpu.memref_slice %arg5[%dma_wait3A_428, %dma_wait3A_429] : memref<65536x768xf32, #tpu.memory_space<hbm>> -> memref<65536x768xf32, #tpu.memory_space<hbm>>
          %dma_wait3A_431 = tpu.memref_slice %arg14[%dma_wait3A_420] : memref<6x!tpu.dma_semaphore, #tpu.memory_space<semaphore_mem>> -> memref<1x!tpu.dma_semaphore, #tpu.memory_space<semaphore_mem>>
          %dma_wait3A_432 = tpu.memref_squeeze %dma_wait3A_431 : memref<1x!tpu.dma_semaphore, #tpu.memory_space<semaphore_mem>> -> memref<!tpu.dma_semaphore, #tpu.memory_space<semaphore_mem>>
          tpu.wait_indirect_dma semaphore(%dma_wait3A_432 : memref<!tpu.dma_semaphore, #tpu.memory_space<semaphore_mem>>) src(%dma_wait3A_424 : memref<16x768xf32, #tpu.memory_space<vmem>>) dst(%dma_wait3A_430 : memref<65536x768xf32, #tpu.memory_space<hbm>>)
        } else {
        }
        %dma_start3A = arith.constant 1 : i32
        %dma_start3A_406 = arith.constant 1 : i32
        %dma_start3A_407 = arith.constant 0 : i32
        %dma_start3A_408 = arith.constant 0 : i32
        %dma_start3A_409 = tpu.memref_slice %arg12[%dma_start3A, %dma_start3A_407, %dma_start3A_408] : memref<6x16x768xf32, #tpu.memory_space<vmem>> -> memref<1x16x768xf32, #tpu.memory_space<vmem>>
        %dma_start3A_410 = tpu.memref_squeeze %dma_start3A_409 : memref<1x16x768xf32, #tpu.memory_space<vmem>> -> memref<16x768xf32, #tpu.memory_space<vmem>>
        %dma_start3A_411 = arith.constant 0 : i32
        %dma_start3A_412 = tpu.memref_slice %arg9[%add3A_318, %dma_start3A_411] : memref<129x16xi32, #tpu.memory_space<vmem>> -> memref<1x16xi32, #tpu.memory_space<vmem>>
        %dma_start3A_413 = tpu.memref_squeeze %dma_start3A_412 : memref<1x16xi32, #tpu.memory_space<vmem>> -> memref<16xi32, #tpu.memory_space<vmem>>
        %dma_start3A_414 = arith.constant 0 : i32
        %dma_start3A_415 = arith.constant 0 : i32
        %dma_start3A_416 = tpu.memref_slice %arg2[%dma_start3A_414, %dma_start3A_415] : memref<65536x768xf32, #tpu.memory_space<hbm>> -> memref<65536x768xf32, #tpu.memory_space<hbm>>
        %dma_start3A_417 = tpu.memref_slice %arg13[%dma_start3A_406] : memref<6x!tpu.dma_semaphore, #tpu.memory_space<semaphore_mem>> -> memref<1x!tpu.dma_semaphore, #tpu.memory_space<semaphore_mem>>
        %dma_start3A_418 = tpu.memref_squeeze %dma_start3A_417 : memref<1x!tpu.dma_semaphore, #tpu.memory_space<semaphore_mem>> -> memref<!tpu.dma_semaphore, #tpu.memory_space<semaphore_mem>>
        tpu.enqueue_indirect_dma source(%dma_start3A_416 : memref<65536x768xf32, #tpu.memory_space<hbm>>) target(%dma_start3A_410 : memref<16x768xf32, #tpu.memory_space<vmem>>) offsets(%dma_start3A_413 : memref<16xi32, #tpu.memory_space<vmem>>) semaphore(%dma_start3A_418 : memref<!tpu.dma_semaphore, #tpu.memory_space<semaphore_mem>>)
      } else {
      }
      %mul3A_332 = arith.constant 6 : i32
      %mul3A_333 = arith.muli %while3A_298, %mul3A_332 : i32
      %add3A_334 = arith.constant 2 : i32
      %add3A_335 = arith.addi %mul3A_333, %add3A_334 : i32
      %sub3A_336 = arith.constant 4 : i32
      %sub3A_337 = arith.subi %add3A_335, %sub3A_336 : i32
      %ge3A_338 = arith.constant 0 : i32
      %ge3A_339 = arith.cmpi sge, %sub3A_337, %ge3A_338 : i32
      %lt3A_340 = arith.cmpi slt, %sub3A_337, %select_n3A_80 : i32
      %and3A_341 = arith.andi %ge3A_339, %lt3A_340 : i1
      %convert_element_type3A_342 = arith.extui %and3A_341 : i1 to i32
      %cond3A_343 = arith.constant 0 : i32
      %cond3A_344 = arith.cmpi ne, %convert_element_type3A_342, %cond3A_343 : i32
      scf.if %cond3A_344 {
        %dma_wait3A = arith.constant 4 : i32
        %dma_wait3A_401 = arith.constant 4 : i32
        %dma_wait3A_402 = arith.constant 0 : i32
        %dma_wait3A_403 = arith.constant 0 : i32
        %dma_wait3A_404 = tpu.memref_slice %arg12[%dma_wait3A, %dma_wait3A_402, %dma_wait3A_403] : memref<6x16x768xf32, #tpu.memory_space<vmem>> -> memref<1x16x768xf32, #tpu.memory_space<vmem>>
        %dma_wait3A_405 = tpu.memref_squeeze %dma_wait3A_404 : memref<1x16x768xf32, #tpu.memory_space<vmem>> -> memref<16x768xf32, #tpu.memory_space<vmem>>
        %dma_wait3A_406 = arith.constant 0 : i32
        %dma_wait3A_407 = tpu.memref_slice %arg9[%sub3A_337, %dma_wait3A_406] : memref<129x16xi32, #tpu.memory_space<vmem>> -> memref<1x16xi32, #tpu.memory_space<vmem>>
        %dma_wait3A_408 = tpu.memref_squeeze %dma_wait3A_407 : memref<1x16xi32, #tpu.memory_space<vmem>> -> memref<16xi32, #tpu.memory_space<vmem>>
        %dma_wait3A_409 = arith.constant 0 : i32
        %dma_wait3A_410 = arith.constant 0 : i32
        %dma_wait3A_411 = tpu.memref_slice %arg2[%dma_wait3A_409, %dma_wait3A_410] : memref<65536x768xf32, #tpu.memory_space<hbm>> -> memref<65536x768xf32, #tpu.memory_space<hbm>>
        %dma_wait3A_412 = tpu.memref_slice %arg13[%dma_wait3A_401] : memref<6x!tpu.dma_semaphore, #tpu.memory_space<semaphore_mem>> -> memref<1x!tpu.dma_semaphore, #tpu.memory_space<semaphore_mem>>
        %dma_wait3A_413 = tpu.memref_squeeze %dma_wait3A_412 : memref<1x!tpu.dma_semaphore, #tpu.memory_space<semaphore_mem>> -> memref<!tpu.dma_semaphore, #tpu.memory_space<semaphore_mem>>
        tpu.wait_indirect_dma semaphore(%dma_wait3A_413 : memref<!tpu.dma_semaphore, #tpu.memory_space<semaphore_mem>>) src(%dma_wait3A_411 : memref<65536x768xf32, #tpu.memory_space<hbm>>) dst(%dma_wait3A_405 : memref<16x768xf32, #tpu.memory_space<vmem>>)
        %dma_start3A = arith.constant 4 : i32
        %dma_start3A_414 = arith.constant 4 : i32
        %dma_start3A_415 = arith.constant 0 : i32
        %dma_start3A_416 = arith.constant 0 : i32
        %dma_start3A_417 = tpu.memref_slice %arg12[%dma_start3A, %dma_start3A_415, %dma_start3A_416] : memref<6x16x768xf32, #tpu.memory_space<vmem>> -> memref<1x16x768xf32, #tpu.memory_space<vmem>>
        %dma_start3A_418 = tpu.memref_squeeze %dma_start3A_417 : memref<1x16x768xf32, #tpu.memory_space<vmem>> -> memref<16x768xf32, #tpu.memory_space<vmem>>
        %dma_start3A_419 = arith.constant 0 : i32
        %dma_start3A_420 = tpu.memref_slice %arg9[%sub3A_337, %dma_start3A_419] : memref<129x16xi32, #tpu.memory_space<vmem>> -> memref<1x16xi32, #tpu.memory_space<vmem>>
        %dma_start3A_421 = tpu.memref_squeeze %dma_start3A_420 : memref<1x16xi32, #tpu.memory_space<vmem>> -> memref<16xi32, #tpu.memory_space<vmem>>
        %dma_start3A_422 = arith.constant 0 : i32
        %dma_start3A_423 = arith.constant 0 : i32
        %dma_start3A_424 = tpu.memref_slice %arg5[%dma_start3A_422, %dma_start3A_423] : memref<65536x768xf32, #tpu.memory_space<hbm>> -> memref<65536x768xf32, #tpu.memory_space<hbm>>
        %dma_start3A_425 = tpu.memref_slice %arg14[%dma_start3A_414] : memref<6x!tpu.dma_semaphore, #tpu.memory_space<semaphore_mem>> -> memref<1x!tpu.dma_semaphore, #tpu.memory_space<semaphore_mem>>
        %dma_start3A_426 = tpu.memref_squeeze %dma_start3A_425 : memref<1x!tpu.dma_semaphore, #tpu.memory_space<semaphore_mem>> -> memref<!tpu.dma_semaphore, #tpu.memory_space<semaphore_mem>>
        tpu.enqueue_indirect_dma source(%dma_start3A_418 : memref<16x768xf32, #tpu.memory_space<vmem>>) target(%dma_start3A_424 : memref<65536x768xf32, #tpu.memory_space<hbm>>) offsets(%dma_start3A_421 : memref<16xi32, #tpu.memory_space<vmem>>) semaphore(%dma_start3A_426 : memref<!tpu.dma_semaphore, #tpu.memory_space<semaphore_mem>>)
      } else {
      }
      %lt3A_345 = arith.cmpi slt, %add3A_335, %select_n3A_80 : i32
      %convert_element_type3A_346 = arith.extui %lt3A_345 : i1 to i32
      %cond3A_347 = arith.constant 0 : i32
      %cond3A_348 = arith.cmpi ne, %convert_element_type3A_346, %cond3A_347 : i32
      scf.if %cond3A_348 {
        %ge3A_401 = arith.constant 6 : i32
        %ge3A_402 = arith.cmpi sge, %add3A_335, %ge3A_401 : i32
        %convert_element_type3A_403 = arith.extui %ge3A_402 : i1 to i32
        %cond3A_404 = arith.constant 0 : i32
        %cond3A_405 = arith.cmpi ne, %convert_element_type3A_403, %cond3A_404 : i32
        scf.if %cond3A_405 {
          %dma_wait3A = arith.constant 2 : i32
          %dma_wait3A_419 = arith.constant 0 : i32
          %dma_wait3A_420 = arith.constant 2 : i32
          %dma_wait3A_421 = arith.constant 0 : i32
          %dma_wait3A_422 = arith.constant 0 : i32
          %dma_wait3A_423 = tpu.memref_slice %arg12[%dma_wait3A, %dma_wait3A_421, %dma_wait3A_422] : memref<6x16x768xf32, #tpu.memory_space<vmem>> -> memref<1x16x768xf32, #tpu.memory_space<vmem>>
          %dma_wait3A_424 = tpu.memref_squeeze %dma_wait3A_423 : memref<1x16x768xf32, #tpu.memory_space<vmem>> -> memref<16x768xf32, #tpu.memory_space<vmem>>
          %dma_wait3A_425 = arith.constant 0 : i32
          %dma_wait3A_426 = tpu.memref_slice %arg9[%dma_wait3A_419, %dma_wait3A_425] : memref<129x16xi32, #tpu.memory_space<vmem>> -> memref<1x16xi32, #tpu.memory_space<vmem>>
          %dma_wait3A_427 = tpu.memref_squeeze %dma_wait3A_426 : memref<1x16xi32, #tpu.memory_space<vmem>> -> memref<16xi32, #tpu.memory_space<vmem>>
          %dma_wait3A_428 = arith.constant 0 : i32
          %dma_wait3A_429 = arith.constant 0 : i32
          %dma_wait3A_430 = tpu.memref_slice %arg5[%dma_wait3A_428, %dma_wait3A_429] : memref<65536x768xf32, #tpu.memory_space<hbm>> -> memref<65536x768xf32, #tpu.memory_space<hbm>>
          %dma_wait3A_431 = tpu.memref_slice %arg14[%dma_wait3A_420] : memref<6x!tpu.dma_semaphore, #tpu.memory_space<semaphore_mem>> -> memref<1x!tpu.dma_semaphore, #tpu.memory_space<semaphore_mem>>
          %dma_wait3A_432 = tpu.memref_squeeze %dma_wait3A_431 : memref<1x!tpu.dma_semaphore, #tpu.memory_space<semaphore_mem>> -> memref<!tpu.dma_semaphore, #tpu.memory_space<semaphore_mem>>
          tpu.wait_indirect_dma semaphore(%dma_wait3A_432 : memref<!tpu.dma_semaphore, #tpu.memory_space<semaphore_mem>>) src(%dma_wait3A_424 : memref<16x768xf32, #tpu.memory_space<vmem>>) dst(%dma_wait3A_430 : memref<65536x768xf32, #tpu.memory_space<hbm>>)
        } else {
        }
        %dma_start3A = arith.constant 2 : i32
        %dma_start3A_406 = arith.constant 2 : i32
        %dma_start3A_407 = arith.constant 0 : i32
        %dma_start3A_408 = arith.constant 0 : i32
        %dma_start3A_409 = tpu.memref_slice %arg12[%dma_start3A, %dma_start3A_407, %dma_start3A_408] : memref<6x16x768xf32, #tpu.memory_space<vmem>> -> memref<1x16x768xf32, #tpu.memory_space<vmem>>
        %dma_start3A_410 = tpu.memref_squeeze %dma_start3A_409 : memref<1x16x768xf32, #tpu.memory_space<vmem>> -> memref<16x768xf32, #tpu.memory_space<vmem>>
        %dma_start3A_411 = arith.constant 0 : i32
        %dma_start3A_412 = tpu.memref_slice %arg9[%add3A_335, %dma_start3A_411] : memref<129x16xi32, #tpu.memory_space<vmem>> -> memref<1x16xi32, #tpu.memory_space<vmem>>
        %dma_start3A_413 = tpu.memref_squeeze %dma_start3A_412 : memref<1x16xi32, #tpu.memory_space<vmem>> -> memref<16xi32, #tpu.memory_space<vmem>>
        %dma_start3A_414 = arith.constant 0 : i32
        %dma_start3A_415 = arith.constant 0 : i32
        %dma_start3A_416 = tpu.memref_slice %arg2[%dma_start3A_414, %dma_start3A_415] : memref<65536x768xf32, #tpu.memory_space<hbm>> -> memref<65536x768xf32, #tpu.memory_space<hbm>>
        %dma_start3A_417 = tpu.memref_slice %arg13[%dma_start3A_406] : memref<6x!tpu.dma_semaphore, #tpu.memory_space<semaphore_mem>> -> memref<1x!tpu.dma_semaphore, #tpu.memory_space<semaphore_mem>>
        %dma_start3A_418 = tpu.memref_squeeze %dma_start3A_417 : memref<1x!tpu.dma_semaphore, #tpu.memory_space<semaphore_mem>> -> memref<!tpu.dma_semaphore, #tpu.memory_space<semaphore_mem>>
        tpu.enqueue_indirect_dma source(%dma_start3A_416 : memref<65536x768xf32, #tpu.memory_space<hbm>>) target(%dma_start3A_410 : memref<16x768xf32, #tpu.memory_space<vmem>>) offsets(%dma_start3A_413 : memref<16xi32, #tpu.memory_space<vmem>>) semaphore(%dma_start3A_418 : memref<!tpu.dma_semaphore, #tpu.memory_space<semaphore_mem>>)
      } else {
      }
      %mul3A_349 = arith.constant 6 : i32
      %mul3A_350 = arith.muli %while3A_298, %mul3A_349 : i32
      %add3A_351 = arith.constant 3 : i32
      %add3A_352 = arith.addi %mul3A_350, %add3A_351 : i32
      %sub3A_353 = arith.constant 4 : i32
      %sub3A_354 = arith.subi %add3A_352, %sub3A_353 : i32
      %ge3A_355 = arith.constant 0 : i32
      %ge3A_356 = arith.cmpi sge, %sub3A_354, %ge3A_355 : i32
      %lt3A_357 = arith.cmpi slt, %sub3A_354, %select_n3A_80 : i32
      %and3A_358 = arith.andi %ge3A_356, %lt3A_357 : i1
      %convert_element_type3A_359 = arith.extui %and3A_358 : i1 to i32
      %cond3A_360 = arith.constant 0 : i32
      %cond3A_361 = arith.cmpi ne, %convert_element_type3A_359, %cond3A_360 : i32
      scf.if %cond3A_361 {
        %dma_wait3A = arith.constant 5 : i32
        %dma_wait3A_401 = arith.constant 5 : i32
        %dma_wait3A_402 = arith.constant 0 : i32
        %dma_wait3A_403 = arith.constant 0 : i32
        %dma_wait3A_404 = tpu.memref_slice %arg12[%dma_wait3A, %dma_wait3A_402, %dma_wait3A_403] : memref<6x16x768xf32, #tpu.memory_space<vmem>> -> memref<1x16x768xf32, #tpu.memory_space<vmem>>
        %dma_wait3A_405 = tpu.memref_squeeze %dma_wait3A_404 : memref<1x16x768xf32, #tpu.memory_space<vmem>> -> memref<16x768xf32, #tpu.memory_space<vmem>>
        %dma_wait3A_406 = arith.constant 0 : i32
        %dma_wait3A_407 = tpu.memref_slice %arg9[%sub3A_354, %dma_wait3A_406] : memref<129x16xi32, #tpu.memory_space<vmem>> -> memref<1x16xi32, #tpu.memory_space<vmem>>
        %dma_wait3A_408 = tpu.memref_squeeze %dma_wait3A_407 : memref<1x16xi32, #tpu.memory_space<vmem>> -> memref<16xi32, #tpu.memory_space<vmem>>
        %dma_wait3A_409 = arith.constant 0 : i32
        %dma_wait3A_410 = arith.constant 0 : i32
        %dma_wait3A_411 = tpu.memref_slice %arg2[%dma_wait3A_409, %dma_wait3A_410] : memref<65536x768xf32, #tpu.memory_space<hbm>> -> memref<65536x768xf32, #tpu.memory_space<hbm>>
        %dma_wait3A_412 = tpu.memref_slice %arg13[%dma_wait3A_401] : memref<6x!tpu.dma_semaphore, #tpu.memory_space<semaphore_mem>> -> memref<1x!tpu.dma_semaphore, #tpu.memory_space<semaphore_mem>>
        %dma_wait3A_413 = tpu.memref_squeeze %dma_wait3A_412 : memref<1x!tpu.dma_semaphore, #tpu.memory_space<semaphore_mem>> -> memref<!tpu.dma_semaphore, #tpu.memory_space<semaphore_mem>>
        tpu.wait_indirect_dma semaphore(%dma_wait3A_413 : memref<!tpu.dma_semaphore, #tpu.memory_space<semaphore_mem>>) src(%dma_wait3A_411 : memref<65536x768xf32, #tpu.memory_space<hbm>>) dst(%dma_wait3A_405 : memref<16x768xf32, #tpu.memory_space<vmem>>)
        %dma_start3A = arith.constant 5 : i32
        %dma_start3A_414 = arith.constant 5 : i32
        %dma_start3A_415 = arith.constant 0 : i32
        %dma_start3A_416 = arith.constant 0 : i32
        %dma_start3A_417 = tpu.memref_slice %arg12[%dma_start3A, %dma_start3A_415, %dma_start3A_416] : memref<6x16x768xf32, #tpu.memory_space<vmem>> -> memref<1x16x768xf32, #tpu.memory_space<vmem>>
        %dma_start3A_418 = tpu.memref_squeeze %dma_start3A_417 : memref<1x16x768xf32, #tpu.memory_space<vmem>> -> memref<16x768xf32, #tpu.memory_space<vmem>>
        %dma_start3A_419 = arith.constant 0 : i32
        %dma_start3A_420 = tpu.memref_slice %arg9[%sub3A_354, %dma_start3A_419] : memref<129x16xi32, #tpu.memory_space<vmem>> -> memref<1x16xi32, #tpu.memory_space<vmem>>
        %dma_start3A_421 = tpu.memref_squeeze %dma_start3A_420 : memref<1x16xi32, #tpu.memory_space<vmem>> -> memref<16xi32, #tpu.memory_space<vmem>>
        %dma_start3A_422 = arith.constant 0 : i32
        %dma_start3A_423 = arith.constant 0 : i32
        %dma_start3A_424 = tpu.memref_slice %arg5[%dma_start3A_422, %dma_start3A_423] : memref<65536x768xf32, #tpu.memory_space<hbm>> -> memref<65536x768xf32, #tpu.memory_space<hbm>>
        %dma_start3A_425 = tpu.memref_slice %arg14[%dma_start3A_414] : memref<6x!tpu.dma_semaphore, #tpu.memory_space<semaphore_mem>> -> memref<1x!tpu.dma_semaphore, #tpu.memory_space<semaphore_mem>>
        %dma_start3A_426 = tpu.memref_squeeze %dma_start3A_425 : memref<1x!tpu.dma_semaphore, #tpu.memory_space<semaphore_mem>> -> memref<!tpu.dma_semaphore, #tpu.memory_space<semaphore_mem>>
        tpu.enqueue_indirect_dma source(%dma_start3A_418 : memref<16x768xf32, #tpu.memory_space<vmem>>) target(%dma_start3A_424 : memref<65536x768xf32, #tpu.memory_space<hbm>>) offsets(%dma_start3A_421 : memref<16xi32, #tpu.memory_space<vmem>>) semaphore(%dma_start3A_426 : memref<!tpu.dma_semaphore, #tpu.memory_space<semaphore_mem>>)
      } else {
      }
      %lt3A_362 = arith.cmpi slt, %add3A_352, %select_n3A_80 : i32
      %convert_element_type3A_363 = arith.extui %lt3A_362 : i1 to i32
      %cond3A_364 = arith.constant 0 : i32
      %cond3A_365 = arith.cmpi ne, %convert_element_type3A_363, %cond3A_364 : i32
      scf.if %cond3A_365 {
        %ge3A_401 = arith.constant 6 : i32
        %ge3A_402 = arith.cmpi sge, %add3A_352, %ge3A_401 : i32
        %convert_element_type3A_403 = arith.extui %ge3A_402 : i1 to i32
        %cond3A_404 = arith.constant 0 : i32
        %cond3A_405 = arith.cmpi ne, %convert_element_type3A_403, %cond3A_404 : i32
        scf.if %cond3A_405 {
          %dma_wait3A = arith.constant 3 : i32
          %dma_wait3A_419 = arith.constant 0 : i32
          %dma_wait3A_420 = arith.constant 3 : i32
          %dma_wait3A_421 = arith.constant 0 : i32
          %dma_wait3A_422 = arith.constant 0 : i32
          %dma_wait3A_423 = tpu.memref_slice %arg12[%dma_wait3A, %dma_wait3A_421, %dma_wait3A_422] : memref<6x16x768xf32, #tpu.memory_space<vmem>> -> memref<1x16x768xf32, #tpu.memory_space<vmem>>
          %dma_wait3A_424 = tpu.memref_squeeze %dma_wait3A_423 : memref<1x16x768xf32, #tpu.memory_space<vmem>> -> memref<16x768xf32, #tpu.memory_space<vmem>>
          %dma_wait3A_425 = arith.constant 0 : i32
          %dma_wait3A_426 = tpu.memref_slice %arg9[%dma_wait3A_419, %dma_wait3A_425] : memref<129x16xi32, #tpu.memory_space<vmem>> -> memref<1x16xi32, #tpu.memory_space<vmem>>
          %dma_wait3A_427 = tpu.memref_squeeze %dma_wait3A_426 : memref<1x16xi32, #tpu.memory_space<vmem>> -> memref<16xi32, #tpu.memory_space<vmem>>
          %dma_wait3A_428 = arith.constant 0 : i32
          %dma_wait3A_429 = arith.constant 0 : i32
          %dma_wait3A_430 = tpu.memref_slice %arg5[%dma_wait3A_428, %dma_wait3A_429] : memref<65536x768xf32, #tpu.memory_space<hbm>> -> memref<65536x768xf32, #tpu.memory_space<hbm>>
          %dma_wait3A_431 = tpu.memref_slice %arg14[%dma_wait3A_420] : memref<6x!tpu.dma_semaphore, #tpu.memory_space<semaphore_mem>> -> memref<1x!tpu.dma_semaphore, #tpu.memory_space<semaphore_mem>>
          %dma_wait3A_432 = tpu.memref_squeeze %dma_wait3A_431 : memref<1x!tpu.dma_semaphore, #tpu.memory_space<semaphore_mem>> -> memref<!tpu.dma_semaphore, #tpu.memory_space<semaphore_mem>>
          tpu.wait_indirect_dma semaphore(%dma_wait3A_432 : memref<!tpu.dma_semaphore, #tpu.memory_space<semaphore_mem>>) src(%dma_wait3A_424 : memref<16x768xf32, #tpu.memory_space<vmem>>) dst(%dma_wait3A_430 : memref<65536x768xf32, #tpu.memory_space<hbm>>)
        } else {
        }
        %dma_start3A = arith.constant 3 : i32
        %dma_start3A_406 = arith.constant 3 : i32
        %dma_start3A_407 = arith.constant 0 : i32
        %dma_start3A_408 = arith.constant 0 : i32
        %dma_start3A_409 = tpu.memref_slice %arg12[%dma_start3A, %dma_start3A_407, %dma_start3A_408] : memref<6x16x768xf32, #tpu.memory_space<vmem>> -> memref<1x16x768xf32, #tpu.memory_space<vmem>>
        %dma_start3A_410 = tpu.memref_squeeze %dma_start3A_409 : memref<1x16x768xf32, #tpu.memory_space<vmem>> -> memref<16x768xf32, #tpu.memory_space<vmem>>
        %dma_start3A_411 = arith.constant 0 : i32
        %dma_start3A_412 = tpu.memref_slice %arg9[%add3A_352, %dma_start3A_411] : memref<129x16xi32, #tpu.memory_space<vmem>> -> memref<1x16xi32, #tpu.memory_space<vmem>>
        %dma_start3A_413 = tpu.memref_squeeze %dma_start3A_412 : memref<1x16xi32, #tpu.memory_space<vmem>> -> memref<16xi32, #tpu.memory_space<vmem>>
        %dma_start3A_414 = arith.constant 0 : i32
        %dma_start3A_415 = arith.constant 0 : i32
        %dma_start3A_416 = tpu.memref_slice %arg2[%dma_start3A_414, %dma_start3A_415] : memref<65536x768xf32, #tpu.memory_space<hbm>> -> memref<65536x768xf32, #tpu.memory_space<hbm>>
        %dma_start3A_417 = tpu.memref_slice %arg13[%dma_start3A_406] : memref<6x!tpu.dma_semaphore, #tpu.memory_space<semaphore_mem>> -> memref<1x!tpu.dma_semaphore, #tpu.memory_space<semaphore_mem>>
        %dma_start3A_418 = tpu.memref_squeeze %dma_start3A_417 : memref<1x!tpu.dma_semaphore, #tpu.memory_space<semaphore_mem>> -> memref<!tpu.dma_semaphore, #tpu.memory_space<semaphore_mem>>
        tpu.enqueue_indirect_dma source(%dma_start3A_416 : memref<65536x768xf32, #tpu.memory_space<hbm>>) target(%dma_start3A_410 : memref<16x768xf32, #tpu.memory_space<vmem>>) offsets(%dma_start3A_413 : memref<16xi32, #tpu.memory_space<vmem>>) semaphore(%dma_start3A_418 : memref<!tpu.dma_semaphore, #tpu.memory_space<semaphore_mem>>)
      } else {
      }
      %mul3A_366 = arith.constant 6 : i32
      %mul3A_367 = arith.muli %while3A_298, %mul3A_366 : i32
      %add3A_368 = arith.constant 4 : i32
      %add3A_369 = arith.addi %mul3A_367, %add3A_368 : i32
      %sub3A_370 = arith.constant 4 : i32
      %sub3A_371 = arith.subi %add3A_369, %sub3A_370 : i32
      %ge3A_372 = arith.constant 0 : i32
      %ge3A_373 = arith.cmpi sge, %sub3A_371, %ge3A_372 : i32
      %lt3A_374 = arith.cmpi slt, %sub3A_371, %select_n3A_80 : i32
      %and3A_375 = arith.andi %ge3A_373, %lt3A_374 : i1
      %convert_element_type3A_376 = arith.extui %and3A_375 : i1 to i32
      %cond3A_377 = arith.constant 0 : i32
      %cond3A_378 = arith.cmpi ne, %convert_element_type3A_376, %cond3A_377 : i32
      scf.if %cond3A_378 {
        %dma_wait3A = arith.constant 0 : i32
        %dma_wait3A_401 = arith.constant 0 : i32
        %dma_wait3A_402 = arith.constant 0 : i32
        %dma_wait3A_403 = arith.constant 0 : i32
        %dma_wait3A_404 = tpu.memref_slice %arg12[%dma_wait3A, %dma_wait3A_402, %dma_wait3A_403] : memref<6x16x768xf32, #tpu.memory_space<vmem>> -> memref<1x16x768xf32, #tpu.memory_space<vmem>>
        %dma_wait3A_405 = tpu.memref_squeeze %dma_wait3A_404 : memref<1x16x768xf32, #tpu.memory_space<vmem>> -> memref<16x768xf32, #tpu.memory_space<vmem>>
        %dma_wait3A_406 = arith.constant 0 : i32
        %dma_wait3A_407 = tpu.memref_slice %arg9[%sub3A_371, %dma_wait3A_406] : memref<129x16xi32, #tpu.memory_space<vmem>> -> memref<1x16xi32, #tpu.memory_space<vmem>>
        %dma_wait3A_408 = tpu.memref_squeeze %dma_wait3A_407 : memref<1x16xi32, #tpu.memory_space<vmem>> -> memref<16xi32, #tpu.memory_space<vmem>>
        %dma_wait3A_409 = arith.constant 0 : i32
        %dma_wait3A_410 = arith.constant 0 : i32
        %dma_wait3A_411 = tpu.memref_slice %arg2[%dma_wait3A_409, %dma_wait3A_410] : memref<65536x768xf32, #tpu.memory_space<hbm>> -> memref<65536x768xf32, #tpu.memory_space<hbm>>
        %dma_wait3A_412 = tpu.memref_slice %arg13[%dma_wait3A_401] : memref<6x!tpu.dma_semaphore, #tpu.memory_space<semaphore_mem>> -> memref<1x!tpu.dma_semaphore, #tpu.memory_space<semaphore_mem>>
        %dma_wait3A_413 = tpu.memref_squeeze %dma_wait3A_412 : memref<1x!tpu.dma_semaphore, #tpu.memory_space<semaphore_mem>> -> memref<!tpu.dma_semaphore, #tpu.memory_space<semaphore_mem>>
        tpu.wait_indirect_dma semaphore(%dma_wait3A_413 : memref<!tpu.dma_semaphore, #tpu.memory_space<semaphore_mem>>) src(%dma_wait3A_411 : memref<65536x768xf32, #tpu.memory_space<hbm>>) dst(%dma_wait3A_405 : memref<16x768xf32, #tpu.memory_space<vmem>>)
        %dma_start3A = arith.constant 0 : i32
        %dma_start3A_414 = arith.constant 0 : i32
        %dma_start3A_415 = arith.constant 0 : i32
        %dma_start3A_416 = arith.constant 0 : i32
        %dma_start3A_417 = tpu.memref_slice %arg12[%dma_start3A, %dma_start3A_415, %dma_start3A_416] : memref<6x16x768xf32, #tpu.memory_space<vmem>> -> memref<1x16x768xf32, #tpu.memory_space<vmem>>
        %dma_start3A_418 = tpu.memref_squeeze %dma_start3A_417 : memref<1x16x768xf32, #tpu.memory_space<vmem>> -> memref<16x768xf32, #tpu.memory_space<vmem>>
        %dma_start3A_419 = arith.constant 0 : i32
        %dma_start3A_420 = tpu.memref_slice %arg9[%sub3A_371, %dma_start3A_419] : memref<129x16xi32, #tpu.memory_space<vmem>> -> memref<1x16xi32, #tpu.memory_space<vmem>>
        %dma_start3A_421 = tpu.memref_squeeze %dma_start3A_420 : memref<1x16xi32, #tpu.memory_space<vmem>> -> memref<16xi32, #tpu.memory_space<vmem>>
        %dma_start3A_422 = arith.constant 0 : i32
        %dma_start3A_423 = arith.constant 0 : i32
        %dma_start3A_424 = tpu.memref_slice %arg5[%dma_start3A_422, %dma_start3A_423] : memref<65536x768xf32, #tpu.memory_space<hbm>> -> memref<65536x768xf32, #tpu.memory_space<hbm>>
        %dma_start3A_425 = tpu.memref_slice %arg14[%dma_start3A_414] : memref<6x!tpu.dma_semaphore, #tpu.memory_space<semaphore_mem>> -> memref<1x!tpu.dma_semaphore, #tpu.memory_space<semaphore_mem>>
        %dma_start3A_426 = tpu.memref_squeeze %dma_start3A_425 : memref<1x!tpu.dma_semaphore, #tpu.memory_space<semaphore_mem>> -> memref<!tpu.dma_semaphore, #tpu.memory_space<semaphore_mem>>
        tpu.enqueue_indirect_dma source(%dma_start3A_418 : memref<16x768xf32, #tpu.memory_space<vmem>>) target(%dma_start3A_424 : memref<65536x768xf32, #tpu.memory_space<hbm>>) offsets(%dma_start3A_421 : memref<16xi32, #tpu.memory_space<vmem>>) semaphore(%dma_start3A_426 : memref<!tpu.dma_semaphore, #tpu.memory_space<semaphore_mem>>)
      } else {
      }
      %lt3A_379 = arith.cmpi slt, %add3A_369, %select_n3A_80 : i32
      %convert_element_type3A_380 = arith.extui %lt3A_379 : i1 to i32
      %cond3A_381 = arith.constant 0 : i32
      %cond3A_382 = arith.cmpi ne, %convert_element_type3A_380, %cond3A_381 : i32
      scf.if %cond3A_382 {
        %ge3A_401 = arith.constant 6 : i32
        %ge3A_402 = arith.cmpi sge, %add3A_369, %ge3A_401 : i32
        %convert_element_type3A_403 = arith.extui %ge3A_402 : i1 to i32
        %cond3A_404 = arith.constant 0 : i32
        %cond3A_405 = arith.cmpi ne, %convert_element_type3A_403, %cond3A_404 : i32
        scf.if %cond3A_405 {
          %dma_wait3A = arith.constant 4 : i32
          %dma_wait3A_419 = arith.constant 0 : i32
          %dma_wait3A_420 = arith.constant 4 : i32
          %dma_wait3A_421 = arith.constant 0 : i32
          %dma_wait3A_422 = arith.constant 0 : i32
          %dma_wait3A_423 = tpu.memref_slice %arg12[%dma_wait3A, %dma_wait3A_421, %dma_wait3A_422] : memref<6x16x768xf32, #tpu.memory_space<vmem>> -> memref<1x16x768xf32, #tpu.memory_space<vmem>>
          %dma_wait3A_424 = tpu.memref_squeeze %dma_wait3A_423 : memref<1x16x768xf32, #tpu.memory_space<vmem>> -> memref<16x768xf32, #tpu.memory_space<vmem>>
          %dma_wait3A_425 = arith.constant 0 : i32
          %dma_wait3A_426 = tpu.memref_slice %arg9[%dma_wait3A_419, %dma_wait3A_425] : memref<129x16xi32, #tpu.memory_space<vmem>> -> memref<1x16xi32, #tpu.memory_space<vmem>>
          %dma_wait3A_427 = tpu.memref_squeeze %dma_wait3A_426 : memref<1x16xi32, #tpu.memory_space<vmem>> -> memref<16xi32, #tpu.memory_space<vmem>>
          %dma_wait3A_428 = arith.constant 0 : i32
          %dma_wait3A_429 = arith.constant 0 : i32
          %dma_wait3A_430 = tpu.memref_slice %arg5[%dma_wait3A_428, %dma_wait3A_429] : memref<65536x768xf32, #tpu.memory_space<hbm>> -> memref<65536x768xf32, #tpu.memory_space<hbm>>
          %dma_wait3A_431 = tpu.memref_slice %arg14[%dma_wait3A_420] : memref<6x!tpu.dma_semaphore, #tpu.memory_space<semaphore_mem>> -> memref<1x!tpu.dma_semaphore, #tpu.memory_space<semaphore_mem>>
          %dma_wait3A_432 = tpu.memref_squeeze %dma_wait3A_431 : memref<1x!tpu.dma_semaphore, #tpu.memory_space<semaphore_mem>> -> memref<!tpu.dma_semaphore, #tpu.memory_space<semaphore_mem>>
          tpu.wait_indirect_dma semaphore(%dma_wait3A_432 : memref<!tpu.dma_semaphore, #tpu.memory_space<semaphore_mem>>) src(%dma_wait3A_424 : memref<16x768xf32, #tpu.memory_space<vmem>>) dst(%dma_wait3A_430 : memref<65536x768xf32, #tpu.memory_space<hbm>>)
        } else {
        }
        %dma_start3A = arith.constant 4 : i32
        %dma_start3A_406 = arith.constant 4 : i32
        %dma_start3A_407 = arith.constant 0 : i32
        %dma_start3A_408 = arith.constant 0 : i32
        %dma_start3A_409 = tpu.memref_slice %arg12[%dma_start3A, %dma_start3A_407, %dma_start3A_408] : memref<6x16x768xf32, #tpu.memory_space<vmem>> -> memref<1x16x768xf32, #tpu.memory_space<vmem>>
        %dma_start3A_410 = tpu.memref_squeeze %dma_start3A_409 : memref<1x16x768xf32, #tpu.memory_space<vmem>> -> memref<16x768xf32, #tpu.memory_space<vmem>>
        %dma_start3A_411 = arith.constant 0 : i32
        %dma_start3A_412 = tpu.memref_slice %arg9[%add3A_369, %dma_start3A_411] : memref<129x16xi32, #tpu.memory_space<vmem>> -> memref<1x16xi32, #tpu.memory_space<vmem>>
        %dma_start3A_413 = tpu.memref_squeeze %dma_start3A_412 : memref<1x16xi32, #tpu.memory_space<vmem>> -> memref<16xi32, #tpu.memory_space<vmem>>
        %dma_start3A_414 = arith.constant 0 : i32
        %dma_start3A_415 = arith.constant 0 : i32
        %dma_start3A_416 = tpu.memref_slice %arg2[%dma_start3A_414, %dma_start3A_415] : memref<65536x768xf32, #tpu.memory_space<hbm>> -> memref<65536x768xf32, #tpu.memory_space<hbm>>
        %dma_start3A_417 = tpu.memref_slice %arg13[%dma_start3A_406] : memref<6x!tpu.dma_semaphore, #tpu.memory_space<semaphore_mem>> -> memref<1x!tpu.dma_semaphore, #tpu.memory_space<semaphore_mem>>
        %dma_start3A_418 = tpu.memref_squeeze %dma_start3A_417 : memref<1x!tpu.dma_semaphore, #tpu.memory_space<semaphore_mem>> -> memref<!tpu.dma_semaphore, #tpu.memory_space<semaphore_mem>>
        tpu.enqueue_indirect_dma source(%dma_start3A_416 : memref<65536x768xf32, #tpu.memory_space<hbm>>) target(%dma_start3A_410 : memref<16x768xf32, #tpu.memory_space<vmem>>) offsets(%dma_start3A_413 : memref<16xi32, #tpu.memory_space<vmem>>) semaphore(%dma_start3A_418 : memref<!tpu.dma_semaphore, #tpu.memory_space<semaphore_mem>>)
      } else {
      }
      %mul3A_383 = arith.constant 6 : i32
      %mul3A_384 = arith.muli %while3A_298, %mul3A_383 : i32
      %add3A_385 = arith.constant 5 : i32
      %add3A_386 = arith.addi %mul3A_384, %add3A_385 : i32
      %sub3A_387 = arith.constant 4 : i32
      %sub3A_388 = arith.subi %add3A_386, %sub3A_387 : i32
      %ge3A_389 = arith.constant 0 : i32
      %ge3A_390 = arith.cmpi sge, %sub3A_388, %ge3A_389 : i32
      %lt3A_391 = arith.cmpi slt, %sub3A_388, %select_n3A_80 : i32
      %and3A_392 = arith.andi %ge3A_390, %lt3A_391 : i1
      %convert_element_type3A_393 = arith.extui %and3A_392 : i1 to i32
      %cond3A_394 = arith.constant 0 : i32
      %cond3A_395 = arith.cmpi ne, %convert_element_type3A_393, %cond3A_394 : i32
      scf.if %cond3A_395 {
        %dma_wait3A = arith.constant 1 : i32
        %dma_wait3A_401 = arith.constant 1 : i32
        %dma_wait3A_402 = arith.constant 0 : i32
        %dma_wait3A_403 = arith.constant 0 : i32
        %dma_wait3A_404 = tpu.memref_slice %arg12[%dma_wait3A, %dma_wait3A_402, %dma_wait3A_403] : memref<6x16x768xf32, #tpu.memory_space<vmem>> -> memref<1x16x768xf32, #tpu.memory_space<vmem>>
        %dma_wait3A_405 = tpu.memref_squeeze %dma_wait3A_404 : memref<1x16x768xf32, #tpu.memory_space<vmem>> -> memref<16x768xf32, #tpu.memory_space<vmem>>
        %dma_wait3A_406 = arith.constant 0 : i32
        %dma_wait3A_407 = tpu.memref_slice %arg9[%sub3A_388, %dma_wait3A_406] : memref<129x16xi32, #tpu.memory_space<vmem>> -> memref<1x16xi32, #tpu.memory_space<vmem>>
        %dma_wait3A_408 = tpu.memref_squeeze %dma_wait3A_407 : memref<1x16xi32, #tpu.memory_space<vmem>> -> memref<16xi32, #tpu.memory_space<vmem>>
        %dma_wait3A_409 = arith.constant 0 : i32
        %dma_wait3A_410 = arith.constant 0 : i32
        %dma_wait3A_411 = tpu.memref_slice %arg2[%dma_wait3A_409, %dma_wait3A_410] : memref<65536x768xf32, #tpu.memory_space<hbm>> -> memref<65536x768xf32, #tpu.memory_space<hbm>>
        %dma_wait3A_412 = tpu.memref_slice %arg13[%dma_wait3A_401] : memref<6x!tpu.dma_semaphore, #tpu.memory_space<semaphore_mem>> -> memref<1x!tpu.dma_semaphore, #tpu.memory_space<semaphore_mem>>
        %dma_wait3A_413 = tpu.memref_squeeze %dma_wait3A_412 : memref<1x!tpu.dma_semaphore, #tpu.memory_space<semaphore_mem>> -> memref<!tpu.dma_semaphore, #tpu.memory_space<semaphore_mem>>
        tpu.wait_indirect_dma semaphore(%dma_wait3A_413 : memref<!tpu.dma_semaphore, #tpu.memory_space<semaphore_mem>>) src(%dma_wait3A_411 : memref<65536x768xf32, #tpu.memory_space<hbm>>) dst(%dma_wait3A_405 : memref<16x768xf32, #tpu.memory_space<vmem>>)
        %dma_start3A = arith.constant 1 : i32
        %dma_start3A_414 = arith.constant 1 : i32
        %dma_start3A_415 = arith.constant 0 : i32
        %dma_start3A_416 = arith.constant 0 : i32
        %dma_start3A_417 = tpu.memref_slice %arg12[%dma_start3A, %dma_start3A_415, %dma_start3A_416] : memref<6x16x768xf32, #tpu.memory_space<vmem>> -> memref<1x16x768xf32, #tpu.memory_space<vmem>>
        %dma_start3A_418 = tpu.memref_squeeze %dma_start3A_417 : memref<1x16x768xf32, #tpu.memory_space<vmem>> -> memref<16x768xf32, #tpu.memory_space<vmem>>
        %dma_start3A_419 = arith.constant 0 : i32
        %dma_start3A_420 = tpu.memref_slice %arg9[%sub3A_388, %dma_start3A_419] : memref<129x16xi32, #tpu.memory_space<vmem>> -> memref<1x16xi32, #tpu.memory_space<vmem>>
        %dma_start3A_421 = tpu.memref_squeeze %dma_start3A_420 : memref<1x16xi32, #tpu.memory_space<vmem>> -> memref<16xi32, #tpu.memory_space<vmem>>
        %dma_start3A_422 = arith.constant 0 : i32
        %dma_start3A_423 = arith.constant 0 : i32
        %dma_start3A_424 = tpu.memref_slice %arg5[%dma_start3A_422, %dma_start3A_423] : memref<65536x768xf32, #tpu.memory_space<hbm>> -> memref<65536x768xf32, #tpu.memory_space<hbm>>
        %dma_start3A_425 = tpu.memref_slice %arg14[%dma_start3A_414] : memref<6x!tpu.dma_semaphore, #tpu.memory_space<semaphore_mem>> -> memref<1x!tpu.dma_semaphore, #tpu.memory_space<semaphore_mem>>
        %dma_start3A_426 = tpu.memref_squeeze %dma_start3A_425 : memref<1x!tpu.dma_semaphore, #tpu.memory_space<semaphore_mem>> -> memref<!tpu.dma_semaphore, #tpu.memory_space<semaphore_mem>>
        tpu.enqueue_indirect_dma source(%dma_start3A_418 : memref<16x768xf32, #tpu.memory_space<vmem>>) target(%dma_start3A_424 : memref<65536x768xf32, #tpu.memory_space<hbm>>) offsets(%dma_start3A_421 : memref<16xi32, #tpu.memory_space<vmem>>) semaphore(%dma_start3A_426 : memref<!tpu.dma_semaphore, #tpu.memory_space<semaphore_mem>>)
      } else {
      }
      %lt3A_396 = arith.cmpi slt, %add3A_386, %select_n3A_80 : i32
      %convert_element_type3A_397 = arith.extui %lt3A_396 : i1 to i32
      %cond3A_398 = arith.constant 0 : i32
      %cond3A_399 = arith.cmpi ne, %convert_element_type3A_397, %cond3A_398 : i32
      scf.if %cond3A_399 {
        %ge3A_401 = arith.constant 6 : i32
        %ge3A_402 = arith.cmpi sge, %add3A_386, %ge3A_401 : i32
        %convert_element_type3A_403 = arith.extui %ge3A_402 : i1 to i32
        %cond3A_404 = arith.constant 0 : i32
        %cond3A_405 = arith.cmpi ne, %convert_element_type3A_403, %cond3A_404 : i32
        scf.if %cond3A_405 {
          %dma_wait3A = arith.constant 5 : i32
          %dma_wait3A_419 = arith.constant 0 : i32
          %dma_wait3A_420 = arith.constant 5 : i32
          %dma_wait3A_421 = arith.constant 0 : i32
          %dma_wait3A_422 = arith.constant 0 : i32
          %dma_wait3A_423 = tpu.memref_slice %arg12[%dma_wait3A, %dma_wait3A_421, %dma_wait3A_422] : memref<6x16x768xf32, #tpu.memory_space<vmem>> -> memref<1x16x768xf32, #tpu.memory_space<vmem>>
          %dma_wait3A_424 = tpu.memref_squeeze %dma_wait3A_423 : memref<1x16x768xf32, #tpu.memory_space<vmem>> -> memref<16x768xf32, #tpu.memory_space<vmem>>
          %dma_wait3A_425 = arith.constant 0 : i32
          %dma_wait3A_426 = tpu.memref_slice %arg9[%dma_wait3A_419, %dma_wait3A_425] : memref<129x16xi32, #tpu.memory_space<vmem>> -> memref<1x16xi32, #tpu.memory_space<vmem>>
          %dma_wait3A_427 = tpu.memref_squeeze %dma_wait3A_426 : memref<1x16xi32, #tpu.memory_space<vmem>> -> memref<16xi32, #tpu.memory_space<vmem>>
          %dma_wait3A_428 = arith.constant 0 : i32
          %dma_wait3A_429 = arith.constant 0 : i32
          %dma_wait3A_430 = tpu.memref_slice %arg5[%dma_wait3A_428, %dma_wait3A_429] : memref<65536x768xf32, #tpu.memory_space<hbm>> -> memref<65536x768xf32, #tpu.memory_space<hbm>>
          %dma_wait3A_431 = tpu.memref_slice %arg14[%dma_wait3A_420] : memref<6x!tpu.dma_semaphore, #tpu.memory_space<semaphore_mem>> -> memref<1x!tpu.dma_semaphore, #tpu.memory_space<semaphore_mem>>
          %dma_wait3A_432 = tpu.memref_squeeze %dma_wait3A_431 : memref<1x!tpu.dma_semaphore, #tpu.memory_space<semaphore_mem>> -> memref<!tpu.dma_semaphore, #tpu.memory_space<semaphore_mem>>
          tpu.wait_indirect_dma semaphore(%dma_wait3A_432 : memref<!tpu.dma_semaphore, #tpu.memory_space<semaphore_mem>>) src(%dma_wait3A_424 : memref<16x768xf32, #tpu.memory_space<vmem>>) dst(%dma_wait3A_430 : memref<65536x768xf32, #tpu.memory_space<hbm>>)
        } else {
        }
        %dma_start3A = arith.constant 5 : i32
        %dma_start3A_406 = arith.constant 5 : i32
        %dma_start3A_407 = arith.constant 0 : i32
        %dma_start3A_408 = arith.constant 0 : i32
        %dma_start3A_409 = tpu.memref_slice %arg12[%dma_start3A, %dma_start3A_407, %dma_start3A_408] : memref<6x16x768xf32, #tpu.memory_space<vmem>> -> memref<1x16x768xf32, #tpu.memory_space<vmem>>
        %dma_start3A_410 = tpu.memref_squeeze %dma_start3A_409 : memref<1x16x768xf32, #tpu.memory_space<vmem>> -> memref<16x768xf32, #tpu.memory_space<vmem>>
        %dma_start3A_411 = arith.constant 0 : i32
        %dma_start3A_412 = tpu.memref_slice %arg9[%add3A_386, %dma_start3A_411] : memref<129x16xi32, #tpu.memory_space<vmem>> -> memref<1x16xi32, #tpu.memory_space<vmem>>
        %dma_start3A_413 = tpu.memref_squeeze %dma_start3A_412 : memref<1x16xi32, #tpu.memory_space<vmem>> -> memref<16xi32, #tpu.memory_space<vmem>>
        %dma_start3A_414 = arith.constant 0 : i32
        %dma_start3A_415 = arith.constant 0 : i32
        %dma_start3A_416 = tpu.memref_slice %arg2[%dma_start3A_414, %dma_start3A_415] : memref<65536x768xf32, #tpu.memory_space<hbm>> -> memref<65536x768xf32, #tpu.memory_space<hbm>>
        %dma_start3A_417 = tpu.memref_slice %arg13[%dma_start3A_406] : memref<6x!tpu.dma_semaphore, #tpu.memory_space<semaphore_mem>> -> memref<1x!tpu.dma_semaphore, #tpu.memory_space<semaphore_mem>>
        %dma_start3A_418 = tpu.memref_squeeze %dma_start3A_417 : memref<1x!tpu.dma_semaphore, #tpu.memory_space<semaphore_mem>> -> memref<!tpu.dma_semaphore, #tpu.memory_space<semaphore_mem>>
        tpu.enqueue_indirect_dma source(%dma_start3A_416 : memref<65536x768xf32, #tpu.memory_space<hbm>>) target(%dma_start3A_410 : memref<16x768xf32, #tpu.memory_space<vmem>>) offsets(%dma_start3A_413 : memref<16xi32, #tpu.memory_space<vmem>>) semaphore(%dma_start3A_418 : memref<!tpu.dma_semaphore, #tpu.memory_space<semaphore_mem>>)
      } else {
      }
      %while3A_400 = arith.constant 0 : i32
      scf.yield %while3A_400 : i32
    }
    %gt3A_190 = arith.constant 0 : i32
    %gt3A_191 = arith.cmpi sgt, %select_n3A_80, %gt3A_190 : i32
    %convert_element_type3A = arith.extui %gt3A_191 : i1 to i32
    %cond3A = arith.constant 0 : i32
    %cond3A_192 = arith.cmpi ne, %convert_element_type3A, %cond3A : i32
    scf.if %cond3A_192 {
      %dma_wait3A = arith.constant 0 : i32
      %dma_wait3A_298 = arith.constant 0 : i32
      %dma_wait3A_299 = arith.constant 0 : i32
      %dma_wait3A_300 = arith.constant 0 : i32
      %dma_wait3A_301 = arith.constant 0 : i32
      %dma_wait3A_302 = tpu.memref_slice %arg12[%dma_wait3A, %dma_wait3A_300, %dma_wait3A_301] : memref<6x16x768xf32, #tpu.memory_space<vmem>> -> memref<1x16x768xf32, #tpu.memory_space<vmem>>
      %dma_wait3A_303 = tpu.memref_squeeze %dma_wait3A_302 : memref<1x16x768xf32, #tpu.memory_space<vmem>> -> memref<16x768xf32, #tpu.memory_space<vmem>>
      %dma_wait3A_304 = arith.constant 0 : i32
      %dma_wait3A_305 = tpu.memref_slice %arg9[%dma_wait3A_298, %dma_wait3A_304] : memref<129x16xi32, #tpu.memory_space<vmem>> -> memref<1x16xi32, #tpu.memory_space<vmem>>
      %dma_wait3A_306 = tpu.memref_squeeze %dma_wait3A_305 : memref<1x16xi32, #tpu.memory_space<vmem>> -> memref<16xi32, #tpu.memory_space<vmem>>
      %dma_wait3A_307 = arith.constant 0 : i32
      %dma_wait3A_308 = arith.constant 0 : i32
      %dma_wait3A_309 = tpu.memref_slice %arg5[%dma_wait3A_307, %dma_wait3A_308] : memref<65536x768xf32, #tpu.memory_space<hbm>> -> memref<65536x768xf32, #tpu.memory_space<hbm>>
      %dma_wait3A_310 = tpu.memref_slice %arg14[%dma_wait3A_299] : memref<6x!tpu.dma_semaphore, #tpu.memory_space<semaphore_mem>> -> memref<1x!tpu.dma_semaphore, #tpu.memory_space<semaphore_mem>>
      %dma_wait3A_311 = tpu.memref_squeeze %dma_wait3A_310 : memref<1x!tpu.dma_semaphore, #tpu.memory_space<semaphore_mem>> -> memref<!tpu.dma_semaphore, #tpu.memory_space<semaphore_mem>>
      tpu.wait_indirect_dma semaphore(%dma_wait3A_311 : memref<!tpu.dma_semaphore, #tpu.memory_space<semaphore_mem>>) src(%dma_wait3A_303 : memref<16x768xf32, #tpu.memory_space<vmem>>) dst(%dma_wait3A_309 : memref<65536x768xf32, #tpu.memory_space<hbm>>)
    } else {
    }
    %gt3A_193 = arith.constant 1 : i32
    %gt3A_194 = arith.cmpi sgt, %select_n3A_80, %gt3A_193 : i32
    %convert_element_type3A_195 = arith.extui %gt3A_194 : i1 to i32
    %cond3A_196 = arith.constant 0 : i32
    %cond3A_197 = arith.cmpi ne, %convert_element_type3A_195, %cond3A_196 : i32
    scf.if %cond3A_197 {
      %dma_wait3A = arith.constant 1 : i32
      %dma_wait3A_298 = arith.constant 0 : i32
      %dma_wait3A_299 = arith.constant 1 : i32
      %dma_wait3A_300 = arith.constant 0 : i32
      %dma_wait3A_301 = arith.constant 0 : i32
      %dma_wait3A_302 = tpu.memref_slice %arg12[%dma_wait3A, %dma_wait3A_300, %dma_wait3A_301] : memref<6x16x768xf32, #tpu.memory_space<vmem>> -> memref<1x16x768xf32, #tpu.memory_space<vmem>>
      %dma_wait3A_303 = tpu.memref_squeeze %dma_wait3A_302 : memref<1x16x768xf32, #tpu.memory_space<vmem>> -> memref<16x768xf32, #tpu.memory_space<vmem>>
      %dma_wait3A_304 = arith.constant 0 : i32
      %dma_wait3A_305 = tpu.memref_slice %arg9[%dma_wait3A_298, %dma_wait3A_304] : memref<129x16xi32, #tpu.memory_space<vmem>> -> memref<1x16xi32, #tpu.memory_space<vmem>>
      %dma_wait3A_306 = tpu.memref_squeeze %dma_wait3A_305 : memref<1x16xi32, #tpu.memory_space<vmem>> -> memref<16xi32, #tpu.memory_space<vmem>>
      %dma_wait3A_307 = arith.constant 0 : i32
      %dma_wait3A_308 = arith.constant 0 : i32
      %dma_wait3A_309 = tpu.memref_slice %arg5[%dma_wait3A_307, %dma_wait3A_308] : memref<65536x768xf32, #tpu.memory_space<hbm>> -> memref<65536x768xf32, #tpu.memory_space<hbm>>
      %dma_wait3A_310 = tpu.memref_slice %arg14[%dma_wait3A_299] : memref<6x!tpu.dma_semaphore, #tpu.memory_space<semaphore_mem>> -> memref<1x!tpu.dma_semaphore, #tpu.memory_space<semaphore_mem>>
      %dma_wait3A_311 = tpu.memref_squeeze %dma_wait3A_310 : memref<1x!tpu.dma_semaphore, #tpu.memory_space<semaphore_mem>> -> memref<!tpu.dma_semaphore, #tpu.memory_space<semaphore_mem>>
      tpu.wait_indirect_dma semaphore(%dma_wait3A_311 : memref<!tpu.dma_semaphore, #tpu.memory_space<semaphore_mem>>) src(%dma_wait3A_303 : memref<16x768xf32, #tpu.memory_space<vmem>>) dst(%dma_wait3A_309 : memref<65536x768xf32, #tpu.memory_space<hbm>>)
    } else {
    }
    %gt3A_198 = arith.constant 2 : i32
    %gt3A_199 = arith.cmpi sgt, %select_n3A_80, %gt3A_198 : i32
    %convert_element_type3A_200 = arith.extui %gt3A_199 : i1 to i32
    %cond3A_201 = arith.constant 0 : i32
    %cond3A_202 = arith.cmpi ne, %convert_element_type3A_200, %cond3A_201 : i32
    scf.if %cond3A_202 {
      %dma_wait3A = arith.constant 2 : i32
      %dma_wait3A_298 = arith.constant 0 : i32
      %dma_wait3A_299 = arith.constant 2 : i32
      %dma_wait3A_300 = arith.constant 0 : i32
      %dma_wait3A_301 = arith.constant 0 : i32
      %dma_wait3A_302 = tpu.memref_slice %arg12[%dma_wait3A, %dma_wait3A_300, %dma_wait3A_301] : memref<6x16x768xf32, #tpu.memory_space<vmem>> -> memref<1x16x768xf32, #tpu.memory_space<vmem>>
      %dma_wait3A_303 = tpu.memref_squeeze %dma_wait3A_302 : memref<1x16x768xf32, #tpu.memory_space<vmem>> -> memref<16x768xf32, #tpu.memory_space<vmem>>
      %dma_wait3A_304 = arith.constant 0 : i32
      %dma_wait3A_305 = tpu.memref_slice %arg9[%dma_wait3A_298, %dma_wait3A_304] : memref<129x16xi32, #tpu.memory_space<vmem>> -> memref<1x16xi32, #tpu.memory_space<vmem>>
      %dma_wait3A_306 = tpu.memref_squeeze %dma_wait3A_305 : memref<1x16xi32, #tpu.memory_space<vmem>> -> memref<16xi32, #tpu.memory_space<vmem>>
      %dma_wait3A_307 = arith.constant 0 : i32
      %dma_wait3A_308 = arith.constant 0 : i32
      %dma_wait3A_309 = tpu.memref_slice %arg5[%dma_wait3A_307, %dma_wait3A_308] : memref<65536x768xf32, #tpu.memory_space<hbm>> -> memref<65536x768xf32, #tpu.memory_space<hbm>>
      %dma_wait3A_310 = tpu.memref_slice %arg14[%dma_wait3A_299] : memref<6x!tpu.dma_semaphore, #tpu.memory_space<semaphore_mem>> -> memref<1x!tpu.dma_semaphore, #tpu.memory_space<semaphore_mem>>
      %dma_wait3A_311 = tpu.memref_squeeze %dma_wait3A_310 : memref<1x!tpu.dma_semaphore, #tpu.memory_space<semaphore_mem>> -> memref<!tpu.dma_semaphore, #tpu.memory_space<semaphore_mem>>
      tpu.wait_indirect_dma semaphore(%dma_wait3A_311 : memref<!tpu.dma_semaphore, #tpu.memory_space<semaphore_mem>>) src(%dma_wait3A_303 : memref<16x768xf32, #tpu.memory_space<vmem>>) dst(%dma_wait3A_309 : memref<65536x768xf32, #tpu.memory_space<hbm>>)
    } else {
    }
    %gt3A_203 = arith.constant 3 : i32
    %gt3A_204 = arith.cmpi sgt, %select_n3A_80, %gt3A_203 : i32
    %convert_element_type3A_205 = arith.extui %gt3A_204 : i1 to i32
    %cond3A_206 = arith.constant 0 : i32
    %cond3A_207 = arith.cmpi ne, %convert_element_type3A_205, %cond3A_206 : i32
    scf.if %cond3A_207 {
      %dma_wait3A = arith.constant 3 : i32
      %dma_wait3A_298 = arith.constant 0 : i32
      %dma_wait3A_299 = arith.constant 3 : i32
      %dma_wait3A_300 = arith.constant 0 : i32
      %dma_wait3A_301 = arith.constant 0 : i32
      %dma_wait3A_302 = tpu.memref_slice %arg12[%dma_wait3A, %dma_wait3A_300, %dma_wait3A_301] : memref<6x16x768xf32, #tpu.memory_space<vmem>> -> memref<1x16x768xf32, #tpu.memory_space<vmem>>
      %dma_wait3A_303 = tpu.memref_squeeze %dma_wait3A_302 : memref<1x16x768xf32, #tpu.memory_space<vmem>> -> memref<16x768xf32, #tpu.memory_space<vmem>>
      %dma_wait3A_304 = arith.constant 0 : i32
      %dma_wait3A_305 = tpu.memref_slice %arg9[%dma_wait3A_298, %dma_wait3A_304] : memref<129x16xi32, #tpu.memory_space<vmem>> -> memref<1x16xi32, #tpu.memory_space<vmem>>
      %dma_wait3A_306 = tpu.memref_squeeze %dma_wait3A_305 : memref<1x16xi32, #tpu.memory_space<vmem>> -> memref<16xi32, #tpu.memory_space<vmem>>
      %dma_wait3A_307 = arith.constant 0 : i32
      %dma_wait3A_308 = arith.constant 0 : i32
      %dma_wait3A_309 = tpu.memref_slice %arg5[%dma_wait3A_307, %dma_wait3A_308] : memref<65536x768xf32, #tpu.memory_space<hbm>> -> memref<65536x768xf32, #tpu.memory_space<hbm>>
      %dma_wait3A_310 = tpu.memref_slice %arg14[%dma_wait3A_299] : memref<6x!tpu.dma_semaphore, #tpu.memory_space<semaphore_mem>> -> memref<1x!tpu.dma_semaphore, #tpu.memory_space<semaphore_mem>>
      %dma_wait3A_311 = tpu.memref_squeeze %dma_wait3A_310 : memref<1x!tpu.dma_semaphore, #tpu.memory_space<semaphore_mem>> -> memref<!tpu.dma_semaphore, #tpu.memory_space<semaphore_mem>>
      tpu.wait_indirect_dma semaphore(%dma_wait3A_311 : memref<!tpu.dma_semaphore, #tpu.memory_space<semaphore_mem>>) src(%dma_wait3A_303 : memref<16x768xf32, #tpu.memory_space<vmem>>) dst(%dma_wait3A_309 : memref<65536x768xf32, #tpu.memory_space<hbm>>)
    } else {
    }
    %gt3A_208 = arith.constant 4 : i32
    %gt3A_209 = arith.cmpi sgt, %select_n3A_80, %gt3A_208 : i32
    %convert_element_type3A_210 = arith.extui %gt3A_209 : i1 to i32
    %cond3A_211 = arith.constant 0 : i32
    %cond3A_212 = arith.cmpi ne, %convert_element_type3A_210, %cond3A_211 : i32
    scf.if %cond3A_212 {
      %dma_wait3A = arith.constant 4 : i32
      %dma_wait3A_298 = arith.constant 0 : i32
      %dma_wait3A_299 = arith.constant 4 : i32
      %dma_wait3A_300 = arith.constant 0 : i32
      %dma_wait3A_301 = arith.constant 0 : i32
      %dma_wait3A_302 = tpu.memref_slice %arg12[%dma_wait3A, %dma_wait3A_300, %dma_wait3A_301] : memref<6x16x768xf32, #tpu.memory_space<vmem>> -> memref<1x16x768xf32, #tpu.memory_space<vmem>>
      %dma_wait3A_303 = tpu.memref_squeeze %dma_wait3A_302 : memref<1x16x768xf32, #tpu.memory_space<vmem>> -> memref<16x768xf32, #tpu.memory_space<vmem>>
      %dma_wait3A_304 = arith.constant 0 : i32
      %dma_wait3A_305 = tpu.memref_slice %arg9[%dma_wait3A_298, %dma_wait3A_304] : memref<129x16xi32, #tpu.memory_space<vmem>> -> memref<1x16xi32, #tpu.memory_space<vmem>>
      %dma_wait3A_306 = tpu.memref_squeeze %dma_wait3A_305 : memref<1x16xi32, #tpu.memory_space<vmem>> -> memref<16xi32, #tpu.memory_space<vmem>>
      %dma_wait3A_307 = arith.constant 0 : i32
      %dma_wait3A_308 = arith.constant 0 : i32
      %dma_wait3A_309 = tpu.memref_slice %arg5[%dma_wait3A_307, %dma_wait3A_308] : memref<65536x768xf32, #tpu.memory_space<hbm>> -> memref<65536x768xf32, #tpu.memory_space<hbm>>
      %dma_wait3A_310 = tpu.memref_slice %arg14[%dma_wait3A_299] : memref<6x!tpu.dma_semaphore, #tpu.memory_space<semaphore_mem>> -> memref<1x!tpu.dma_semaphore, #tpu.memory_space<semaphore_mem>>
      %dma_wait3A_311 = tpu.memref_squeeze %dma_wait3A_310 : memref<1x!tpu.dma_semaphore, #tpu.memory_space<semaphore_mem>> -> memref<!tpu.dma_semaphore, #tpu.memory_space<semaphore_mem>>
      tpu.wait_indirect_dma semaphore(%dma_wait3A_311 : memref<!tpu.dma_semaphore, #tpu.memory_space<semaphore_mem>>) src(%dma_wait3A_303 : memref<16x768xf32, #tpu.memory_space<vmem>>) dst(%dma_wait3A_309 : memref<65536x768xf32, #tpu.memory_space<hbm>>)
    } else {
    }
    %gt3A_213 = arith.constant 5 : i32
    %gt3A_214 = arith.cmpi sgt, %select_n3A_80, %gt3A_213 : i32
    %convert_element_type3A_215 = arith.extui %gt3A_214 : i1 to i32
    %cond3A_216 = arith.constant 0 : i32
    %cond3A_217 = arith.cmpi ne, %convert_element_type3A_215, %cond3A_216 : i32
    scf.if %cond3A_217 {
      %dma_wait3A = arith.constant 5 : i32
      %dma_wait3A_298 = arith.constant 0 : i32
      %dma_wait3A_299 = arith.constant 5 : i32
      %dma_wait3A_300 = arith.constant 0 : i32
      %dma_wait3A_301 = arith.constant 0 : i32
      %dma_wait3A_302 = tpu.memref_slice %arg12[%dma_wait3A, %dma_wait3A_300, %dma_wait3A_301] : memref<6x16x768xf32, #tpu.memory_space<vmem>> -> memref<1x16x768xf32, #tpu.memory_space<vmem>>
      %dma_wait3A_303 = tpu.memref_squeeze %dma_wait3A_302 : memref<1x16x768xf32, #tpu.memory_space<vmem>> -> memref<16x768xf32, #tpu.memory_space<vmem>>
      %dma_wait3A_304 = arith.constant 0 : i32
      %dma_wait3A_305 = tpu.memref_slice %arg9[%dma_wait3A_298, %dma_wait3A_304] : memref<129x16xi32, #tpu.memory_space<vmem>> -> memref<1x16xi32, #tpu.memory_space<vmem>>
      %dma_wait3A_306 = tpu.memref_squeeze %dma_wait3A_305 : memref<1x16xi32, #tpu.memory_space<vmem>> -> memref<16xi32, #tpu.memory_space<vmem>>
      %dma_wait3A_307 = arith.constant 0 : i32
      %dma_wait3A_308 = arith.constant 0 : i32
      %dma_wait3A_309 = tpu.memref_slice %arg5[%dma_wait3A_307, %dma_wait3A_308] : memref<65536x768xf32, #tpu.memory_space<hbm>> -> memref<65536x768xf32, #tpu.memory_space<hbm>>
      %dma_wait3A_310 = tpu.memref_slice %arg14[%dma_wait3A_299] : memref<6x!tpu.dma_semaphore, #tpu.memory_space<semaphore_mem>> -> memref<1x!tpu.dma_semaphore, #tpu.memory_space<semaphore_mem>>
      %dma_wait3A_311 = tpu.memref_squeeze %dma_wait3A_310 : memref<1x!tpu.dma_semaphore, #tpu.memory_space<semaphore_mem>> -> memref<!tpu.dma_semaphore, #tpu.memory_space<semaphore_mem>>
      tpu.wait_indirect_dma semaphore(%dma_wait3A_311 : memref<!tpu.dma_semaphore, #tpu.memory_space<semaphore_mem>>) src(%dma_wait3A_303 : memref<16x768xf32, #tpu.memory_space<vmem>>) dst(%dma_wait3A_309 : memref<65536x768xf32, #tpu.memory_space<hbm>>)
    } else {
    }
    %gt3A_218 = arith.constant 0 : i32
    %gt3A_219 = arith.cmpi sgt, %select_n3A_108, %gt3A_218 : i32
    %convert_element_type3A_220 = arith.extui %gt3A_219 : i1 to i32
    %cond3A_221 = arith.constant 0 : i32
    %cond3A_222 = arith.cmpi ne, %convert_element_type3A_220, %cond3A_221 : i32
    scf.if %cond3A_222 {
      %dma_wait3A = arith.constant 0 : i32
      %dma_wait3A_298 = arith.constant 0 : i32
      %dma_wait3A_299 = arith.constant 0 : i32
      %dma_wait3A_300 = tpu.memref_slice %arg10[%dma_wait3A, %dma_wait3A_299] : memref<129x16xi32, #tpu.memory_space<vmem>> -> memref<1x16xi32, #tpu.memory_space<vmem>>
      %dma_wait3A_301 = tpu.memref_squeeze %dma_wait3A_300 : memref<1x16xi32, #tpu.memory_space<vmem>> -> memref<16xi32, #tpu.memory_space<vmem>>
      %dma_wait3A_302 = arith.constant 0 : i32
      %dma_wait3A_303 = arith.constant 0 : i32
      %dma_wait3A_304 = tpu.memref_slice %arg5[%dma_wait3A_302, %dma_wait3A_303] : memref<65536x768xf32, #tpu.memory_space<hbm>> -> memref<65536x768xf32, #tpu.memory_space<hbm>>
      %dma_wait3A_305 = tpu.memref_slice %arg15[%dma_wait3A_298] : memref<16x!tpu.dma_semaphore, #tpu.memory_space<semaphore_mem>> -> memref<1x!tpu.dma_semaphore, #tpu.memory_space<semaphore_mem>>
      %dma_wait3A_306 = tpu.memref_squeeze %dma_wait3A_305 : memref<1x!tpu.dma_semaphore, #tpu.memory_space<semaphore_mem>> -> memref<!tpu.dma_semaphore, #tpu.memory_space<semaphore_mem>>
      tpu.wait_indirect_dma semaphore(%dma_wait3A_306 : memref<!tpu.dma_semaphore, #tpu.memory_space<semaphore_mem>>) src(%arg11 : memref<16x768xf32, #tpu.memory_space<vmem>>) dst(%dma_wait3A_304 : memref<65536x768xf32, #tpu.memory_space<hbm>>)
    } else {
    }
    %gt3A_223 = arith.constant 1 : i32
    %gt3A_224 = arith.cmpi sgt, %select_n3A_108, %gt3A_223 : i32
    %convert_element_type3A_225 = arith.extui %gt3A_224 : i1 to i32
    %cond3A_226 = arith.constant 0 : i32
    %cond3A_227 = arith.cmpi ne, %convert_element_type3A_225, %cond3A_226 : i32
    scf.if %cond3A_227 {
      %dma_wait3A = arith.constant 0 : i32
      %dma_wait3A_298 = arith.constant 1 : i32
      %dma_wait3A_299 = arith.constant 0 : i32
      %dma_wait3A_300 = tpu.memref_slice %arg10[%dma_wait3A, %dma_wait3A_299] : memref<129x16xi32, #tpu.memory_space<vmem>> -> memref<1x16xi32, #tpu.memory_space<vmem>>
      %dma_wait3A_301 = tpu.memref_squeeze %dma_wait3A_300 : memref<1x16xi32, #tpu.memory_space<vmem>> -> memref<16xi32, #tpu.memory_space<vmem>>
      %dma_wait3A_302 = arith.constant 0 : i32
      %dma_wait3A_303 = arith.constant 0 : i32
      %dma_wait3A_304 = tpu.memref_slice %arg5[%dma_wait3A_302, %dma_wait3A_303] : memref<65536x768xf32, #tpu.memory_space<hbm>> -> memref<65536x768xf32, #tpu.memory_space<hbm>>
      %dma_wait3A_305 = tpu.memref_slice %arg15[%dma_wait3A_298] : memref<16x!tpu.dma_semaphore, #tpu.memory_space<semaphore_mem>> -> memref<1x!tpu.dma_semaphore, #tpu.memory_space<semaphore_mem>>
      %dma_wait3A_306 = tpu.memref_squeeze %dma_wait3A_305 : memref<1x!tpu.dma_semaphore, #tpu.memory_space<semaphore_mem>> -> memref<!tpu.dma_semaphore, #tpu.memory_space<semaphore_mem>>
      tpu.wait_indirect_dma semaphore(%dma_wait3A_306 : memref<!tpu.dma_semaphore, #tpu.memory_space<semaphore_mem>>) src(%arg11 : memref<16x768xf32, #tpu.memory_space<vmem>>) dst(%dma_wait3A_304 : memref<65536x768xf32, #tpu.memory_space<hbm>>)
    } else {
    }
    %gt3A_228 = arith.constant 2 : i32
    %gt3A_229 = arith.cmpi sgt, %select_n3A_108, %gt3A_228 : i32
    %convert_element_type3A_230 = arith.extui %gt3A_229 : i1 to i32
    %cond3A_231 = arith.constant 0 : i32
    %cond3A_232 = arith.cmpi ne, %convert_element_type3A_230, %cond3A_231 : i32
    scf.if %cond3A_232 {
      %dma_wait3A = arith.constant 0 : i32
      %dma_wait3A_298 = arith.constant 2 : i32
      %dma_wait3A_299 = arith.constant 0 : i32
      %dma_wait3A_300 = tpu.memref_slice %arg10[%dma_wait3A, %dma_wait3A_299] : memref<129x16xi32, #tpu.memory_space<vmem>> -> memref<1x16xi32, #tpu.memory_space<vmem>>
      %dma_wait3A_301 = tpu.memref_squeeze %dma_wait3A_300 : memref<1x16xi32, #tpu.memory_space<vmem>> -> memref<16xi32, #tpu.memory_space<vmem>>
      %dma_wait3A_302 = arith.constant 0 : i32
      %dma_wait3A_303 = arith.constant 0 : i32
      %dma_wait3A_304 = tpu.memref_slice %arg5[%dma_wait3A_302, %dma_wait3A_303] : memref<65536x768xf32, #tpu.memory_space<hbm>> -> memref<65536x768xf32, #tpu.memory_space<hbm>>
      %dma_wait3A_305 = tpu.memref_slice %arg15[%dma_wait3A_298] : memref<16x!tpu.dma_semaphore, #tpu.memory_space<semaphore_mem>> -> memref<1x!tpu.dma_semaphore, #tpu.memory_space<semaphore_mem>>
      %dma_wait3A_306 = tpu.memref_squeeze %dma_wait3A_305 : memref<1x!tpu.dma_semaphore, #tpu.memory_space<semaphore_mem>> -> memref<!tpu.dma_semaphore, #tpu.memory_space<semaphore_mem>>
      tpu.wait_indirect_dma semaphore(%dma_wait3A_306 : memref<!tpu.dma_semaphore, #tpu.memory_space<semaphore_mem>>) src(%arg11 : memref<16x768xf32, #tpu.memory_space<vmem>>) dst(%dma_wait3A_304 : memref<65536x768xf32, #tpu.memory_space<hbm>>)
    } else {
    }
    %gt3A_233 = arith.constant 3 : i32
    %gt3A_234 = arith.cmpi sgt, %select_n3A_108, %gt3A_233 : i32
    %convert_element_type3A_235 = arith.extui %gt3A_234 : i1 to i32
    %cond3A_236 = arith.constant 0 : i32
    %cond3A_237 = arith.cmpi ne, %convert_element_type3A_235, %cond3A_236 : i32
    scf.if %cond3A_237 {
      %dma_wait3A = arith.constant 0 : i32
      %dma_wait3A_298 = arith.constant 3 : i32
      %dma_wait3A_299 = arith.constant 0 : i32
      %dma_wait3A_300 = tpu.memref_slice %arg10[%dma_wait3A, %dma_wait3A_299] : memref<129x16xi32, #tpu.memory_space<vmem>> -> memref<1x16xi32, #tpu.memory_space<vmem>>
      %dma_wait3A_301 = tpu.memref_squeeze %dma_wait3A_300 : memref<1x16xi32, #tpu.memory_space<vmem>> -> memref<16xi32, #tpu.memory_space<vmem>>
      %dma_wait3A_302 = arith.constant 0 : i32
      %dma_wait3A_303 = arith.constant 0 : i32
      %dma_wait3A_304 = tpu.memref_slice %arg5[%dma_wait3A_302, %dma_wait3A_303] : memref<65536x768xf32, #tpu.memory_space<hbm>> -> memref<65536x768xf32, #tpu.memory_space<hbm>>
      %dma_wait3A_305 = tpu.memref_slice %arg15[%dma_wait3A_298] : memref<16x!tpu.dma_semaphore, #tpu.memory_space<semaphore_mem>> -> memref<1x!tpu.dma_semaphore, #tpu.memory_space<semaphore_mem>>
      %dma_wait3A_306 = tpu.memref_squeeze %dma_wait3A_305 : memref<1x!tpu.dma_semaphore, #tpu.memory_space<semaphore_mem>> -> memref<!tpu.dma_semaphore, #tpu.memory_space<semaphore_mem>>
      tpu.wait_indirect_dma semaphore(%dma_wait3A_306 : memref<!tpu.dma_semaphore, #tpu.memory_space<semaphore_mem>>) src(%arg11 : memref<16x768xf32, #tpu.memory_space<vmem>>) dst(%dma_wait3A_304 : memref<65536x768xf32, #tpu.memory_space<hbm>>)
    } else {
    }
    %gt3A_238 = arith.constant 4 : i32
    %gt3A_239 = arith.cmpi sgt, %select_n3A_108, %gt3A_238 : i32
    %convert_element_type3A_240 = arith.extui %gt3A_239 : i1 to i32
    %cond3A_241 = arith.constant 0 : i32
    %cond3A_242 = arith.cmpi ne, %convert_element_type3A_240, %cond3A_241 : i32
    scf.if %cond3A_242 {
      %dma_wait3A = arith.constant 0 : i32
      %dma_wait3A_298 = arith.constant 4 : i32
      %dma_wait3A_299 = arith.constant 0 : i32
      %dma_wait3A_300 = tpu.memref_slice %arg10[%dma_wait3A, %dma_wait3A_299] : memref<129x16xi32, #tpu.memory_space<vmem>> -> memref<1x16xi32, #tpu.memory_space<vmem>>
      %dma_wait3A_301 = tpu.memref_squeeze %dma_wait3A_300 : memref<1x16xi32, #tpu.memory_space<vmem>> -> memref<16xi32, #tpu.memory_space<vmem>>
      %dma_wait3A_302 = arith.constant 0 : i32
      %dma_wait3A_303 = arith.constant 0 : i32
      %dma_wait3A_304 = tpu.memref_slice %arg5[%dma_wait3A_302, %dma_wait3A_303] : memref<65536x768xf32, #tpu.memory_space<hbm>> -> memref<65536x768xf32, #tpu.memory_space<hbm>>
      %dma_wait3A_305 = tpu.memref_slice %arg15[%dma_wait3A_298] : memref<16x!tpu.dma_semaphore, #tpu.memory_space<semaphore_mem>> -> memref<1x!tpu.dma_semaphore, #tpu.memory_space<semaphore_mem>>
      %dma_wait3A_306 = tpu.memref_squeeze %dma_wait3A_305 : memref<1x!tpu.dma_semaphore, #tpu.memory_space<semaphore_mem>> -> memref<!tpu.dma_semaphore, #tpu.memory_space<semaphore_mem>>
      tpu.wait_indirect_dma semaphore(%dma_wait3A_306 : memref<!tpu.dma_semaphore, #tpu.memory_space<semaphore_mem>>) src(%arg11 : memref<16x768xf32, #tpu.memory_space<vmem>>) dst(%dma_wait3A_304 : memref<65536x768xf32, #tpu.memory_space<hbm>>)
    } else {
    }
    %gt3A_243 = arith.constant 5 : i32
    %gt3A_244 = arith.cmpi sgt, %select_n3A_108, %gt3A_243 : i32
    %convert_element_type3A_245 = arith.extui %gt3A_244 : i1 to i32
    %cond3A_246 = arith.constant 0 : i32
    %cond3A_247 = arith.cmpi ne, %convert_element_type3A_245, %cond3A_246 : i32
    scf.if %cond3A_247 {
      %dma_wait3A = arith.constant 0 : i32
      %dma_wait3A_298 = arith.constant 5 : i32
      %dma_wait3A_299 = arith.constant 0 : i32
      %dma_wait3A_300 = tpu.memref_slice %arg10[%dma_wait3A, %dma_wait3A_299] : memref<129x16xi32, #tpu.memory_space<vmem>> -> memref<1x16xi32, #tpu.memory_space<vmem>>
      %dma_wait3A_301 = tpu.memref_squeeze %dma_wait3A_300 : memref<1x16xi32, #tpu.memory_space<vmem>> -> memref<16xi32, #tpu.memory_space<vmem>>
      %dma_wait3A_302 = arith.constant 0 : i32
      %dma_wait3A_303 = arith.constant 0 : i32
      %dma_wait3A_304 = tpu.memref_slice %arg5[%dma_wait3A_302, %dma_wait3A_303] : memref<65536x768xf32, #tpu.memory_space<hbm>> -> memref<65536x768xf32, #tpu.memory_space<hbm>>
      %dma_wait3A_305 = tpu.memref_slice %arg15[%dma_wait3A_298] : memref<16x!tpu.dma_semaphore, #tpu.memory_space<semaphore_mem>> -> memref<1x!tpu.dma_semaphore, #tpu.memory_space<semaphore_mem>>
      %dma_wait3A_306 = tpu.memref_squeeze %dma_wait3A_305 : memref<1x!tpu.dma_semaphore, #tpu.memory_space<semaphore_mem>> -> memref<!tpu.dma_semaphore, #tpu.memory_space<semaphore_mem>>
      tpu.wait_indirect_dma semaphore(%dma_wait3A_306 : memref<!tpu.dma_semaphore, #tpu.memory_space<semaphore_mem>>) src(%arg11 : memref<16x768xf32, #tpu.memory_space<vmem>>) dst(%dma_wait3A_304 : memref<65536x768xf32, #tpu.memory_space<hbm>>)
    } else {
    }
    %gt3A_248 = arith.constant 6 : i32
    %gt3A_249 = arith.cmpi sgt, %select_n3A_108, %gt3A_248 : i32
    %convert_element_type3A_250 = arith.extui %gt3A_249 : i1 to i32
    %cond3A_251 = arith.constant 0 : i32
    %cond3A_252 = arith.cmpi ne, %convert_element_type3A_250, %cond3A_251 : i32
    scf.if %cond3A_252 {
      %dma_wait3A = arith.constant 0 : i32
      %dma_wait3A_298 = arith.constant 6 : i32
      %dma_wait3A_299 = arith.constant 0 : i32
      %dma_wait3A_300 = tpu.memref_slice %arg10[%dma_wait3A, %dma_wait3A_299] : memref<129x16xi32, #tpu.memory_space<vmem>> -> memref<1x16xi32, #tpu.memory_space<vmem>>
      %dma_wait3A_301 = tpu.memref_squeeze %dma_wait3A_300 : memref<1x16xi32, #tpu.memory_space<vmem>> -> memref<16xi32, #tpu.memory_space<vmem>>
      %dma_wait3A_302 = arith.constant 0 : i32
      %dma_wait3A_303 = arith.constant 0 : i32
      %dma_wait3A_304 = tpu.memref_slice %arg5[%dma_wait3A_302, %dma_wait3A_303] : memref<65536x768xf32, #tpu.memory_space<hbm>> -> memref<65536x768xf32, #tpu.memory_space<hbm>>
      %dma_wait3A_305 = tpu.memref_slice %arg15[%dma_wait3A_298] : memref<16x!tpu.dma_semaphore, #tpu.memory_space<semaphore_mem>> -> memref<1x!tpu.dma_semaphore, #tpu.memory_space<semaphore_mem>>
      %dma_wait3A_306 = tpu.memref_squeeze %dma_wait3A_305 : memref<1x!tpu.dma_semaphore, #tpu.memory_space<semaphore_mem>> -> memref<!tpu.dma_semaphore, #tpu.memory_space<semaphore_mem>>
      tpu.wait_indirect_dma semaphore(%dma_wait3A_306 : memref<!tpu.dma_semaphore, #tpu.memory_space<semaphore_mem>>) src(%arg11 : memref<16x768xf32, #tpu.memory_space<vmem>>) dst(%dma_wait3A_304 : memref<65536x768xf32, #tpu.memory_space<hbm>>)
    } else {
    }
    %gt3A_253 = arith.constant 7 : i32
    %gt3A_254 = arith.cmpi sgt, %select_n3A_108, %gt3A_253 : i32
    %convert_element_type3A_255 = arith.extui %gt3A_254 : i1 to i32
    %cond3A_256 = arith.constant 0 : i32
    %cond3A_257 = arith.cmpi ne, %convert_element_type3A_255, %cond3A_256 : i32
    scf.if %cond3A_257 {
      %dma_wait3A = arith.constant 0 : i32
      %dma_wait3A_298 = arith.constant 7 : i32
      %dma_wait3A_299 = arith.constant 0 : i32
      %dma_wait3A_300 = tpu.memref_slice %arg10[%dma_wait3A, %dma_wait3A_299] : memref<129x16xi32, #tpu.memory_space<vmem>> -> memref<1x16xi32, #tpu.memory_space<vmem>>
      %dma_wait3A_301 = tpu.memref_squeeze %dma_wait3A_300 : memref<1x16xi32, #tpu.memory_space<vmem>> -> memref<16xi32, #tpu.memory_space<vmem>>
      %dma_wait3A_302 = arith.constant 0 : i32
      %dma_wait3A_303 = arith.constant 0 : i32
      %dma_wait3A_304 = tpu.memref_slice %arg5[%dma_wait3A_302, %dma_wait3A_303] : memref<65536x768xf32, #tpu.memory_space<hbm>> -> memref<65536x768xf32, #tpu.memory_space<hbm>>
      %dma_wait3A_305 = tpu.memref_slice %arg15[%dma_wait3A_298] : memref<16x!tpu.dma_semaphore, #tpu.memory_space<semaphore_mem>> -> memref<1x!tpu.dma_semaphore, #tpu.memory_space<semaphore_mem>>
      %dma_wait3A_306 = tpu.memref_squeeze %dma_wait3A_305 : memref<1x!tpu.dma_semaphore, #tpu.memory_space<semaphore_mem>> -> memref<!tpu.dma_semaphore, #tpu.memory_space<semaphore_mem>>
      tpu.wait_indirect_dma semaphore(%dma_wait3A_306 : memref<!tpu.dma_semaphore, #tpu.memory_space<semaphore_mem>>) src(%arg11 : memref<16x768xf32, #tpu.memory_space<vmem>>) dst(%dma_wait3A_304 : memref<65536x768xf32, #tpu.memory_space<hbm>>)
    } else {
    }
    %gt3A_258 = arith.constant 8 : i32
    %gt3A_259 = arith.cmpi sgt, %select_n3A_108, %gt3A_258 : i32
    %convert_element_type3A_260 = arith.extui %gt3A_259 : i1 to i32
    %cond3A_261 = arith.constant 0 : i32
    %cond3A_262 = arith.cmpi ne, %convert_element_type3A_260, %cond3A_261 : i32
    scf.if %cond3A_262 {
      %dma_wait3A = arith.constant 0 : i32
      %dma_wait3A_298 = arith.constant 8 : i32
      %dma_wait3A_299 = arith.constant 0 : i32
      %dma_wait3A_300 = tpu.memref_slice %arg10[%dma_wait3A, %dma_wait3A_299] : memref<129x16xi32, #tpu.memory_space<vmem>> -> memref<1x16xi32, #tpu.memory_space<vmem>>
      %dma_wait3A_301 = tpu.memref_squeeze %dma_wait3A_300 : memref<1x16xi32, #tpu.memory_space<vmem>> -> memref<16xi32, #tpu.memory_space<vmem>>
      %dma_wait3A_302 = arith.constant 0 : i32
      %dma_wait3A_303 = arith.constant 0 : i32
      %dma_wait3A_304 = tpu.memref_slice %arg5[%dma_wait3A_302, %dma_wait3A_303] : memref<65536x768xf32, #tpu.memory_space<hbm>> -> memref<65536x768xf32, #tpu.memory_space<hbm>>
      %dma_wait3A_305 = tpu.memref_slice %arg15[%dma_wait3A_298] : memref<16x!tpu.dma_semaphore, #tpu.memory_space<semaphore_mem>> -> memref<1x!tpu.dma_semaphore, #tpu.memory_space<semaphore_mem>>
      %dma_wait3A_306 = tpu.memref_squeeze %dma_wait3A_305 : memref<1x!tpu.dma_semaphore, #tpu.memory_space<semaphore_mem>> -> memref<!tpu.dma_semaphore, #tpu.memory_space<semaphore_mem>>
      tpu.wait_indirect_dma semaphore(%dma_wait3A_306 : memref<!tpu.dma_semaphore, #tpu.memory_space<semaphore_mem>>) src(%arg11 : memref<16x768xf32, #tpu.memory_space<vmem>>) dst(%dma_wait3A_304 : memref<65536x768xf32, #tpu.memory_space<hbm>>)
    } else {
    }
    %gt3A_263 = arith.constant 9 : i32
    %gt3A_264 = arith.cmpi sgt, %select_n3A_108, %gt3A_263 : i32
    %convert_element_type3A_265 = arith.extui %gt3A_264 : i1 to i32
    %cond3A_266 = arith.constant 0 : i32
    %cond3A_267 = arith.cmpi ne, %convert_element_type3A_265, %cond3A_266 : i32
    scf.if %cond3A_267 {
      %dma_wait3A = arith.constant 0 : i32
      %dma_wait3A_298 = arith.constant 9 : i32
      %dma_wait3A_299 = arith.constant 0 : i32
      %dma_wait3A_300 = tpu.memref_slice %arg10[%dma_wait3A, %dma_wait3A_299] : memref<129x16xi32, #tpu.memory_space<vmem>> -> memref<1x16xi32, #tpu.memory_space<vmem>>
      %dma_wait3A_301 = tpu.memref_squeeze %dma_wait3A_300 : memref<1x16xi32, #tpu.memory_space<vmem>> -> memref<16xi32, #tpu.memory_space<vmem>>
      %dma_wait3A_302 = arith.constant 0 : i32
      %dma_wait3A_303 = arith.constant 0 : i32
      %dma_wait3A_304 = tpu.memref_slice %arg5[%dma_wait3A_302, %dma_wait3A_303] : memref<65536x768xf32, #tpu.memory_space<hbm>> -> memref<65536x768xf32, #tpu.memory_space<hbm>>
      %dma_wait3A_305 = tpu.memref_slice %arg15[%dma_wait3A_298] : memref<16x!tpu.dma_semaphore, #tpu.memory_space<semaphore_mem>> -> memref<1x!tpu.dma_semaphore, #tpu.memory_space<semaphore_mem>>
      %dma_wait3A_306 = tpu.memref_squeeze %dma_wait3A_305 : memref<1x!tpu.dma_semaphore, #tpu.memory_space<semaphore_mem>> -> memref<!tpu.dma_semaphore, #tpu.memory_space<semaphore_mem>>
      tpu.wait_indirect_dma semaphore(%dma_wait3A_306 : memref<!tpu.dma_semaphore, #tpu.memory_space<semaphore_mem>>) src(%arg11 : memref<16x768xf32, #tpu.memory_space<vmem>>) dst(%dma_wait3A_304 : memref<65536x768xf32, #tpu.memory_space<hbm>>)
    } else {
    }
    %gt3A_268 = arith.constant 10 : i32
    %gt3A_269 = arith.cmpi sgt, %select_n3A_108, %gt3A_268 : i32
    %convert_element_type3A_270 = arith.extui %gt3A_269 : i1 to i32
    %cond3A_271 = arith.constant 0 : i32
    %cond3A_272 = arith.cmpi ne, %convert_element_type3A_270, %cond3A_271 : i32
    scf.if %cond3A_272 {
      %dma_wait3A = arith.constant 0 : i32
      %dma_wait3A_298 = arith.constant 10 : i32
      %dma_wait3A_299 = arith.constant 0 : i32
      %dma_wait3A_300 = tpu.memref_slice %arg10[%dma_wait3A, %dma_wait3A_299] : memref<129x16xi32, #tpu.memory_space<vmem>> -> memref<1x16xi32, #tpu.memory_space<vmem>>
      %dma_wait3A_301 = tpu.memref_squeeze %dma_wait3A_300 : memref<1x16xi32, #tpu.memory_space<vmem>> -> memref<16xi32, #tpu.memory_space<vmem>>
      %dma_wait3A_302 = arith.constant 0 : i32
      %dma_wait3A_303 = arith.constant 0 : i32
      %dma_wait3A_304 = tpu.memref_slice %arg5[%dma_wait3A_302, %dma_wait3A_303] : memref<65536x768xf32, #tpu.memory_space<hbm>> -> memref<65536x768xf32, #tpu.memory_space<hbm>>
      %dma_wait3A_305 = tpu.memref_slice %arg15[%dma_wait3A_298] : memref<16x!tpu.dma_semaphore, #tpu.memory_space<semaphore_mem>> -> memref<1x!tpu.dma_semaphore, #tpu.memory_space<semaphore_mem>>
      %dma_wait3A_306 = tpu.memref_squeeze %dma_wait3A_305 : memref<1x!tpu.dma_semaphore, #tpu.memory_space<semaphore_mem>> -> memref<!tpu.dma_semaphore, #tpu.memory_space<semaphore_mem>>
      tpu.wait_indirect_dma semaphore(%dma_wait3A_306 : memref<!tpu.dma_semaphore, #tpu.memory_space<semaphore_mem>>) src(%arg11 : memref<16x768xf32, #tpu.memory_space<vmem>>) dst(%dma_wait3A_304 : memref<65536x768xf32, #tpu.memory_space<hbm>>)
    } else {
    }
    %gt3A_273 = arith.constant 11 : i32
    %gt3A_274 = arith.cmpi sgt, %select_n3A_108, %gt3A_273 : i32
    %convert_element_type3A_275 = arith.extui %gt3A_274 : i1 to i32
    %cond3A_276 = arith.constant 0 : i32
    %cond3A_277 = arith.cmpi ne, %convert_element_type3A_275, %cond3A_276 : i32
    scf.if %cond3A_277 {
      %dma_wait3A = arith.constant 0 : i32
      %dma_wait3A_298 = arith.constant 11 : i32
      %dma_wait3A_299 = arith.constant 0 : i32
      %dma_wait3A_300 = tpu.memref_slice %arg10[%dma_wait3A, %dma_wait3A_299] : memref<129x16xi32, #tpu.memory_space<vmem>> -> memref<1x16xi32, #tpu.memory_space<vmem>>
      %dma_wait3A_301 = tpu.memref_squeeze %dma_wait3A_300 : memref<1x16xi32, #tpu.memory_space<vmem>> -> memref<16xi32, #tpu.memory_space<vmem>>
      %dma_wait3A_302 = arith.constant 0 : i32
      %dma_wait3A_303 = arith.constant 0 : i32
      %dma_wait3A_304 = tpu.memref_slice %arg5[%dma_wait3A_302, %dma_wait3A_303] : memref<65536x768xf32, #tpu.memory_space<hbm>> -> memref<65536x768xf32, #tpu.memory_space<hbm>>
      %dma_wait3A_305 = tpu.memref_slice %arg15[%dma_wait3A_298] : memref<16x!tpu.dma_semaphore, #tpu.memory_space<semaphore_mem>> -> memref<1x!tpu.dma_semaphore, #tpu.memory_space<semaphore_mem>>
      %dma_wait3A_306 = tpu.memref_squeeze %dma_wait3A_305 : memref<1x!tpu.dma_semaphore, #tpu.memory_space<semaphore_mem>> -> memref<!tpu.dma_semaphore, #tpu.memory_space<semaphore_mem>>
      tpu.wait_indirect_dma semaphore(%dma_wait3A_306 : memref<!tpu.dma_semaphore, #tpu.memory_space<semaphore_mem>>) src(%arg11 : memref<16x768xf32, #tpu.memory_space<vmem>>) dst(%dma_wait3A_304 : memref<65536x768xf32, #tpu.memory_space<hbm>>)
    } else {
    }
    %gt3A_278 = arith.constant 12 : i32
    %gt3A_279 = arith.cmpi sgt, %select_n3A_108, %gt3A_278 : i32
    %convert_element_type3A_280 = arith.extui %gt3A_279 : i1 to i32
    %cond3A_281 = arith.constant 0 : i32
    %cond3A_282 = arith.cmpi ne, %convert_element_type3A_280, %cond3A_281 : i32
    scf.if %cond3A_282 {
      %dma_wait3A = arith.constant 0 : i32
      %dma_wait3A_298 = arith.constant 12 : i32
      %dma_wait3A_299 = arith.constant 0 : i32
      %dma_wait3A_300 = tpu.memref_slice %arg10[%dma_wait3A, %dma_wait3A_299] : memref<129x16xi32, #tpu.memory_space<vmem>> -> memref<1x16xi32, #tpu.memory_space<vmem>>
      %dma_wait3A_301 = tpu.memref_squeeze %dma_wait3A_300 : memref<1x16xi32, #tpu.memory_space<vmem>> -> memref<16xi32, #tpu.memory_space<vmem>>
      %dma_wait3A_302 = arith.constant 0 : i32
      %dma_wait3A_303 = arith.constant 0 : i32
      %dma_wait3A_304 = tpu.memref_slice %arg5[%dma_wait3A_302, %dma_wait3A_303] : memref<65536x768xf32, #tpu.memory_space<hbm>> -> memref<65536x768xf32, #tpu.memory_space<hbm>>
      %dma_wait3A_305 = tpu.memref_slice %arg15[%dma_wait3A_298] : memref<16x!tpu.dma_semaphore, #tpu.memory_space<semaphore_mem>> -> memref<1x!tpu.dma_semaphore, #tpu.memory_space<semaphore_mem>>
      %dma_wait3A_306 = tpu.memref_squeeze %dma_wait3A_305 : memref<1x!tpu.dma_semaphore, #tpu.memory_space<semaphore_mem>> -> memref<!tpu.dma_semaphore, #tpu.memory_space<semaphore_mem>>
      tpu.wait_indirect_dma semaphore(%dma_wait3A_306 : memref<!tpu.dma_semaphore, #tpu.memory_space<semaphore_mem>>) src(%arg11 : memref<16x768xf32, #tpu.memory_space<vmem>>) dst(%dma_wait3A_304 : memref<65536x768xf32, #tpu.memory_space<hbm>>)
    } else {
    }
    %gt3A_283 = arith.constant 13 : i32
    %gt3A_284 = arith.cmpi sgt, %select_n3A_108, %gt3A_283 : i32
    %convert_element_type3A_285 = arith.extui %gt3A_284 : i1 to i32
    %cond3A_286 = arith.constant 0 : i32
    %cond3A_287 = arith.cmpi ne, %convert_element_type3A_285, %cond3A_286 : i32
    scf.if %cond3A_287 {
      %dma_wait3A = arith.constant 0 : i32
      %dma_wait3A_298 = arith.constant 13 : i32
      %dma_wait3A_299 = arith.constant 0 : i32
      %dma_wait3A_300 = tpu.memref_slice %arg10[%dma_wait3A, %dma_wait3A_299] : memref<129x16xi32, #tpu.memory_space<vmem>> -> memref<1x16xi32, #tpu.memory_space<vmem>>
      %dma_wait3A_301 = tpu.memref_squeeze %dma_wait3A_300 : memref<1x16xi32, #tpu.memory_space<vmem>> -> memref<16xi32, #tpu.memory_space<vmem>>
      %dma_wait3A_302 = arith.constant 0 : i32
      %dma_wait3A_303 = arith.constant 0 : i32
      %dma_wait3A_304 = tpu.memref_slice %arg5[%dma_wait3A_302, %dma_wait3A_303] : memref<65536x768xf32, #tpu.memory_space<hbm>> -> memref<65536x768xf32, #tpu.memory_space<hbm>>
      %dma_wait3A_305 = tpu.memref_slice %arg15[%dma_wait3A_298] : memref<16x!tpu.dma_semaphore, #tpu.memory_space<semaphore_mem>> -> memref<1x!tpu.dma_semaphore, #tpu.memory_space<semaphore_mem>>
      %dma_wait3A_306 = tpu.memref_squeeze %dma_wait3A_305 : memref<1x!tpu.dma_semaphore, #tpu.memory_space<semaphore_mem>> -> memref<!tpu.dma_semaphore, #tpu.memory_space<semaphore_mem>>
      tpu.wait_indirect_dma semaphore(%dma_wait3A_306 : memref<!tpu.dma_semaphore, #tpu.memory_space<semaphore_mem>>) src(%arg11 : memref<16x768xf32, #tpu.memory_space<vmem>>) dst(%dma_wait3A_304 : memref<65536x768xf32, #tpu.memory_space<hbm>>)
    } else {
    }
    %gt3A_288 = arith.constant 14 : i32
    %gt3A_289 = arith.cmpi sgt, %select_n3A_108, %gt3A_288 : i32
    %convert_element_type3A_290 = arith.extui %gt3A_289 : i1 to i32
    %cond3A_291 = arith.constant 0 : i32
    %cond3A_292 = arith.cmpi ne, %convert_element_type3A_290, %cond3A_291 : i32
    scf.if %cond3A_292 {
      %dma_wait3A = arith.constant 0 : i32
      %dma_wait3A_298 = arith.constant 14 : i32
      %dma_wait3A_299 = arith.constant 0 : i32
      %dma_wait3A_300 = tpu.memref_slice %arg10[%dma_wait3A, %dma_wait3A_299] : memref<129x16xi32, #tpu.memory_space<vmem>> -> memref<1x16xi32, #tpu.memory_space<vmem>>
      %dma_wait3A_301 = tpu.memref_squeeze %dma_wait3A_300 : memref<1x16xi32, #tpu.memory_space<vmem>> -> memref<16xi32, #tpu.memory_space<vmem>>
      %dma_wait3A_302 = arith.constant 0 : i32
      %dma_wait3A_303 = arith.constant 0 : i32
      %dma_wait3A_304 = tpu.memref_slice %arg5[%dma_wait3A_302, %dma_wait3A_303] : memref<65536x768xf32, #tpu.memory_space<hbm>> -> memref<65536x768xf32, #tpu.memory_space<hbm>>
      %dma_wait3A_305 = tpu.memref_slice %arg15[%dma_wait3A_298] : memref<16x!tpu.dma_semaphore, #tpu.memory_space<semaphore_mem>> -> memref<1x!tpu.dma_semaphore, #tpu.memory_space<semaphore_mem>>
      %dma_wait3A_306 = tpu.memref_squeeze %dma_wait3A_305 : memref<1x!tpu.dma_semaphore, #tpu.memory_space<semaphore_mem>> -> memref<!tpu.dma_semaphore, #tpu.memory_space<semaphore_mem>>
      tpu.wait_indirect_dma semaphore(%dma_wait3A_306 : memref<!tpu.dma_semaphore, #tpu.memory_space<semaphore_mem>>) src(%arg11 : memref<16x768xf32, #tpu.memory_space<vmem>>) dst(%dma_wait3A_304 : memref<65536x768xf32, #tpu.memory_space<hbm>>)
    } else {
    }
    %gt3A_293 = arith.constant 15 : i32
    %gt3A_294 = arith.cmpi sgt, %select_n3A_108, %gt3A_293 : i32
    %convert_element_type3A_295 = arith.extui %gt3A_294 : i1 to i32
    %cond3A_296 = arith.constant 0 : i32
    %cond3A_297 = arith.cmpi ne, %convert_element_type3A_295, %cond3A_296 : i32
    scf.if %cond3A_297 {
      %dma_wait3A = arith.constant 0 : i32
      %dma_wait3A_298 = arith.constant 15 : i32
      %dma_wait3A_299 = arith.constant 0 : i32
      %dma_wait3A_300 = tpu.memref_slice %arg10[%dma_wait3A, %dma_wait3A_299] : memref<129x16xi32, #tpu.memory_space<vmem>> -> memref<1x16xi32, #tpu.memory_space<vmem>>
      %dma_wait3A_301 = tpu.memref_squeeze %dma_wait3A_300 : memref<1x16xi32, #tpu.memory_space<vmem>> -> memref<16xi32, #tpu.memory_space<vmem>>
      %dma_wait3A_302 = arith.constant 0 : i32
      %dma_wait3A_303 = arith.constant 0 : i32
      %dma_wait3A_304 = tpu.memref_slice %arg5[%dma_wait3A_302, %dma_wait3A_303] : memref<65536x768xf32, #tpu.memory_space<hbm>> -> memref<65536x768xf32, #tpu.memory_space<hbm>>
      %dma_wait3A_305 = tpu.memref_slice %arg15[%dma_wait3A_298] : memref<16x!tpu.dma_semaphore, #tpu.memory_space<semaphore_mem>> -> memref<1x!tpu.dma_semaphore, #tpu.memory_space<semaphore_mem>>
      %dma_wait3A_306 = tpu.memref_squeeze %dma_wait3A_305 : memref<1x!tpu.dma_semaphore, #tpu.memory_space<semaphore_mem>> -> memref<!tpu.dma_semaphore, #tpu.memory_space<semaphore_mem>>
      tpu.wait_indirect_dma semaphore(%dma_wait3A_306 : memref<!tpu.dma_semaphore, #tpu.memory_space<semaphore_mem>>) src(%arg11 : memref<16x768xf32, #tpu.memory_space<vmem>>) dst(%dma_wait3A_304 : memref<65536x768xf32, #tpu.memory_space<hbm>>)
    } else {
    }
    return
  }
}

</mosaic_0001>

<sc_bundles>
// kernel: _sc_call.3.cloned.1.call-start
scs
__scs_entry_jumppad:
0x0: {  	(pc) =	sbr.rel $0x88, $3  }
0x1: {  	(tag) =	ssettag $0x0;
	lr =	simm.s32 $0x1  }
0x2: {  	[smem:$0x3F9E] =	sst lr;
	_ =	strace $0xD0000000  }
0x3: {  	_ = 	snop  }
0x4: {  	_ = 	snop  }
0x5: {  	_ = 	snop  }
0x6: {  	_ = 	snop  }
0x7: {  	_ = 	snop  }
__scs_overlays_trampoline_lowered:
0x8: {  	[smem:$0x3FAD] =	sst s0  }
0x9: {  	[smem:$0x3FAE] =	sst s1  }
0xa: {  	[smem:$0x3FAF] =	sst s2  }
0xb: {  	[smem:$0x3FB0] =	sst s3  }
0xc: {  	[smem:$0x3FB1] =	sst s4  }
0xd: {  	[smem:$0x3FB2] =	sst s5  }
0xe: {  	[smem:$0x3FB3] =	sst s6  }
0xf: {  	[smem:$0x3FB4] =	sst s7  }
0x10: {  	[smem:$0x3FB5] =	sst s8  }
0x11: {  	[smem:$0x3FB6] =	sst s9;
	s0 =	simm.s32 @!p0 $0x0  }
0x12: {  	s1 =	sld [smem:$0x3F9C];
	s0 =	simm.s32 @p0 $0x1  }
0x13: {  	[smem:$0x3FB7] =	sst s0;
	s0 =	simm.s32 @!p1 $0x0  }
0x14: {  	s2 =	sld [smem:$0x3F9B];
	s0 =	simm.s32 @p1 $0x1  }
0x15: {  	[smem:$0x3FB8] =	sst s0;
	s0 =	simm.s32 @!p2 $0x0  }
0x16: {  	s3 =	sld [smem:$0x3FDB];
	s0 =	simm.s32 @p2 $0x1  }
0x17: {  	s4 =	simm.s32 $0x1BF5;
	[smem:$0x3FBA] =	sst s0  }
0x18: {  	s0 =	sld [smem:$0x3F9D];
	_ =	swait.ge [sflag:s4], $0x0  }
0x19: {  	s7 =	sld [smem:$0x3F9E]  }
0x1a: {  	s8 =	sadd.s32 $0xFFFFE003, lr  }
0x1b: {  	s9 =	sadd.s32 $0xFFFFFEF7, lr;
	s5 =	simm.s32 $0xFFFFFFFF;
	p2 =	slt.u32 s8, $0xFFFFF086  }
0x1c: {  	p1 =	slt.u32 s9, $0xF7A;
	s5 =	simm.s32 @!p2 $0x0  }
0x1d: {  	s5 =	simm.s32 @p1 $0x1;
	p0 =	seq.s32 s7, s2  }
0x1e: {  	s7 =	smul.u32 @!p0 $0xF7A, s2;
	p2 =	seq.s32 @!p0 s5, $0x0  }
0x1f: {  	s9 =	smul.u32 $0xF7A, s1;
	s8 =	simm.s32 @!p0 $0x1BF5;
	p2 =	por !p2, p0  }
0x20: {  	[sflag:s8] =	ssyncset.s32 @!p0 $0xFFFFF086;
	s6 =	sadd.s32 @!p0 s3, s7;
	s7 =	simm.s32 @!p0 $0x108  }
0x21: {  	s3 =	sadd.s32 s3, s9;
	s6 =	sadd.s32 @!p0 $0x88, s6;
	s7 =	simm.s32 @p2 $0x1082  }
0x22: {  	[simem:s7], [sflag:s8] =	dma.local @!p0 [hbm:s6], $0xF7A  }
0x23: {  	s9 =	sor.u32 $0xD0000000, s2;
	s6 =	simm.s32 $0x108;
	_ =	swait.ge @!p0 [sflag:s8], $0x0  }
0x24: {  	s3 =	sadd.s32 $0x88, s3;
	s6 =	simm.s32 @!p1 $0x1082;
	[sflag:s4] =	ssyncset.s32 $0xFFFFF086  }
0x25: {  	[simem:s6], [sflag:s4] =	dma.local [hbm:s3], $0xF7A  }
0x26: {  	[smem:$0x3F9E] =	sst s1;
	(tag) =	ssettag s2;
	_ =	strace s9  }
0x27: {  	s1 =	sld [smem:$0x3FAE]  }
0x28: {  	s2 =	sld [smem:$0x3FAF]  }
0x29: {  	s4 =	sld [smem:$0x3FB1]  }
0x2a: {  	p0 =	seq.s32 s5, $0x0;
	s5 =	sld [smem:$0x3FB2]  }
0x2b: {  	s6 =	sld [smem:$0x3FB3]  }
0x2c: {  	s7 =	sld [smem:$0x3FB4]  }
0x2d: {  	s3 =	simm.s32 $0x108;
	s8 =	sld [smem:$0x3FB5]  }
0x2e: {  	s3 =	simm.s32 @!p0 $0x1082;
	s9 =	sld [smem:$0x3FB6]  }
0x2f: {  	lr =	sadd.s32 s0, s3;
	s0 =	sld [smem:$0x3FAD]  }
0x30: {  	s3 =	sld [smem:$0x3FB0]  }
0x31: {  	[smem:$0x3FB9] =	sst s10  }
0x32: {  	s10 =	sld [smem:$0x3FB7];
	_ =	sdelay $0x3  }
0x33: {  	p0 =	seq.s32 s10, $0x1;
	s10 =	sld [smem:$0x3FB9];
	_ =	sdelay $0x3  }
0x34: {  	[smem:$0x3FB9] =	sst s10  }
0x35: {  	s10 =	sld [smem:$0x3FB8];
	_ =	sdelay $0x3  }
0x36: {  	p1 =	seq.s32 s10, $0x1;
	s10 =	sld [smem:$0x3FB9];
	_ =	sdelay $0x3  }
0x37: {  	[smem:$0x3FB9] =	sst s10  }
0x38: {  	s10 =	sld [smem:$0x3FBA]  }
0x39: {  	_ = 	snop;
	(pc) =	sbr.ind lr, $3  }
0x3a: {  	_ = 	snop  }
0x3b: {  	_ = 	snop  }
0x3c: {  	p2 =	seq.s32 s10, $0x1;
	s10 =	sld [smem:$0x3FB9]  }
0x3d: {  	_ =	shalt  }
0x3e: {  	_ =	shalt  }
0x3f: {  	_ =	shalt  }
0x40: {  	_ =	shalt  }
0x41: {  	_ =	shalt  }
0x42: {  	_ =	shalt  }
0x43: {  	_ =	shalt  }
0x44: {  	_ =	shalt  }
0x45: {  	_ =	shalt  }
0x46: {  	_ =	shalt  }
0x47: {  	_ =	shalt  }
0x48: {  	_ =	shalt  }
0x49: {  	_ =	shalt  }
0x4a: {  	_ =	shalt  }
0x4b: {  	_ =	shalt  }
0x4c: {  	_ =	shalt  }
0x4d: {  	_ =	shalt  }
0x4e: {  	_ =	shalt  }
0x4f: {  	_ =	shalt  }
0x50: {  	_ =	shalt  }
0x51: {  	_ =	shalt  }
0x52: {  	_ =	shalt  }
0x53: {  	_ =	shalt  }
0x54: {  	_ =	shalt  }
0x55: {  	_ =	shalt  }
0x56: {  	_ =	shalt  }
0x57: {  	_ =	shalt  }
0x58: {  	_ =	shalt  }
0x59: {  	_ =	shalt  }
0x5a: {  	_ =	shalt  }
0x5b: {  	_ =	shalt  }
0x5c: {  	_ =	shalt  }
0x5d: {  	_ =	shalt  }
0x5e: {  	_ =	shalt  }
0x5f: {  	_ =	shalt  }
0x60: {  	_ =	shalt  }
0x61: {  	_ =	shalt  }
0x62: {  	_ =	shalt  }
0x63: {  	_ =	shalt  }
0x64: {  	_ =	shalt  }
0x65: {  	_ =	shalt  }
0x66: {  	_ =	shalt  }
0x67: {  	_ =	shalt  }
0x68: {  	_ =	shalt  }
0x69: {  	_ =	shalt  }
0x6a: {  	_ =	shalt  }
0x6b: {  	_ =	shalt  }
0x6c: {  	_ =	shalt  }
0x6d: {  	_ =	shalt  }
0x6e: {  	_ =	shalt  }
0x6f: {  	_ =	shalt  }
0x70: {  	_ =	shalt  }
0x71: {  	_ =	shalt  }
0x72: {  	_ =	shalt  }
0x73: {  	_ =	shalt  }
0x74: {  	_ =	shalt  }
0x75: {  	_ =	shalt  }
0x76: {  	_ =	shalt  }
0x77: {  	_ =	shalt  }
0x78: {  	_ =	shalt  }
0x79: {  	_ =	shalt  }
0x7a: {  	_ =	shalt  }
0x7b: {  	_ =	shalt  }
0x7c: {  	_ =	shalt  }
0x7d: {  	_ =	shalt  }
0x7e: {  	_ =	shalt  }
0x7f: {  	_ =	shalt  }
0x80: {  	_ =	shalt  }
0x81: {  	_ =	shalt  }
0x82: {  	_ =	shalt  }
0x83: {  	_ =	shalt  }
0x84: {  	_ =	shalt  }
0x85: {  	_ =	shalt  }
0x86: {  	_ =	shalt  }
0x87: {  	_ =	shalt  }
.Lfunc_end0:
.L_simem_size_0:
called_computation_lowered:
.L_overlay_start_0:
0x88: {  	s2 =	sld [smem:$0x3FD9]  }
0x89: {  	s3 =	sld [smem:$0x3FFE];
	_ =	sdelay $0x1  }
0x8a: {  	s1 =	srdreg.scid  }
0x8b: {  	s0 =	sand.u32 $0x1, s1  }
0x8c: {  	s18 =	sshll.u32 s0, $0xA;
	s2 =	sadd.s32 s3, s2  }
0x8d: {  	s2 =	sadd.s32 s2, s18  }
0x8e: {  	[smem:$0x3FC5] =	sst s2  }
0x8f: {  	_ = 	snop  }
0x90: {  	s2 =	sld [smem:$0x3FC9]  }
0x91: {  	s19 =	sld [smem:$0x3FC8]  }
0x92: {  	s4 =	sld [smem:$0x3FC7]  }
0x93: {  	s5 =	sld [smem:$0x3FD0];
	(tm) =	ssettm $0x1  }
0x94: {  	s6 =	sld [smem:$0x3FFB];
	_ =	sdelay $0x3  }
0x95: {  	_ =	strace s6  }
0x96: {  	s6 =	sld [smem:$0x3FFC];
	_ =	sdelay $0x3  }
0x97: {  	_ =	strace s6  }
0x98: {  	s6 =	sld [smem:$0x3FFD];
	_ =	sdelay $0x3  }
0x99: {  	_ =	strace s6  }
0x9a: {  	_ =	strace $0x8FFFFFFF  }
0x9b: {  	s20 =	sld [smem:$0x3FDB];
	_ =	sdelay $0x1  }
0x9c: {  	s7 =	simm.s32 $_scs_section_size  }
0x9d: {  	s8 =	simm.s32 $_size__tile_overlayer_lowered;
	s9 =	simm.s32 $_tile_overlayer_lowered  }
0x9e: {  	s23 =	simm.s32 $0x1BFF;
	s22 =	sshll.u32 s9, $0x1;
	s6 =	sadd.s32 s7, s20  }
0x9f: {  	s10 =	simm.s32 $0x0;
	s21 =	sshll.u32 s8, $0x1;
	s8 =	sadd.s32 s22, s6  }
0xa0: {  	[timem:s10], [sflag:s23] =	dma.local [hbm:s8], s21  }
0xa1: {  	_ =	swait.ge [sflag:s23], s21  }
0xa2: {  	s7 =	ssub.s32 $0x0, s21;
	[sflag:s23] =	ssyncset.done $0x0  }
0xa3: {  	[sflag:s23] =	ssyncadd.s32 s7;
	_ =	sdelay $0x1  }
0xa4: {  	s24 =	simm.s32 $0x1B8B  }
0xa5: {  	_ =	swait.ge [sflag:s24], $0x1  }
0xa6: {  	[sflag:s24] =	ssyncset.done $0x0  }
0xa7: {  	s25 =	simm.s32 $0x1B8E;
	[sflag:s24] =	ssyncadd.s32 $0xFFFFFFFF  }
0xa8: {  	s26 =	simm.s32 $execute0_lowered;
	[smem:$0x3FD2] =	sst s25  }
0xa9: {  	s7 =	sshll.u32 s26, $0x1;
	_ =	strace $0x80000046;
	[dreg:$0x1] =	wrdreg $0xFFFFFFFF  }
0xaa: {  	s28 =	simm.s32 $_size_execute0_lowered;
	s6 =	sadd.s32 s6, s7;
	[dreg:$0x0] =	wrdreg $0x0  }
0xab: {  	s7 =	sshll.u32 s28, $0x1;
	[dreg:$0x2] =	wrdreg s6  }
0xac: {  	[dreg:$0x3] =	wrdreg s7  }
0xad: {  	[dreg:$0x4] =	wrdreg $0xC0  }
0xae: {  	_ =	task [dreg:s10], $0x5FFFF  }
0xaf: {  	[dreg:$0x1] =	wrdreg $0xFFFFFFFF  }
0xb0: {  	[dreg:$0x0] =	wrdreg $0x60  }
0xb1: {  	[dreg:$0x2] =	wrdreg s2  }
0xb2: {  	[dreg:$0x3] =	wrdreg s19  }
0xb3: {  	[dreg:$0x4] =	wrdreg s4  }
0xb4: {  	[dreg:$0x5] =	wrdreg s5  }
0xb5: {  	[dreg:$0x6] =	wrdreg $0x9  }
0xb6: {  	_ =	task.clear_ibuf [dreg:s10], $0x7FFFF;
	_ =	strace $0x90000046  }
0xb7: {  	s29 =	simm.s32 $0x9;
	_ =	strace $0x80000048  }
0xb8: {  	_ =	swait.ge [sflag:s29], $0x1  }
0xb9: {  	[sflag:s29] =	ssyncadd.s32 $0xFFFFFFFF  }
0xba: {  	_ =	strace $0x90000048  }
0xbb: {  	_ =	sfence  }
0xbc: {  	s30 =	sld [smem:$0x0];
	_ =	sdelay $0x2  }
0xbd: {  	s31 =	sshll.u32 s1, $0xD;
	s1 =	sshrl.u32 s1, $0x2  }
0xbe: {  	s3 =	sand.u32 $0x4000, s31;
	s1 =	sadd.s32 s1, s30  }
0xbf: {  	s0 =	sor.u32 s3, s0;
	s1 =	sshll.u32 s1, $0x11  }
0xc0: {  	s0 =	sor.u32 s1, s0  }
0xc1: {  	s0 =	sadd.s32 $0x8F2B, s0  }
0xc2: {  	[sflag:s0] =	ssyncadd.remote.s32 $0x1  }
0xc3: {  	_ =	sfence.sel $0xFFFF  }
0xc4: {  	[dreg:$0x0] =	wrdreg $0xFFFFFFFF;
	(pc) =	sbr.abs _section_cstart, $3  }
0xc5: {  	[dreg:$0x1] =	wrdreg $0xFFFFFFFF  }
0xc6: {  	_ =	task.clear_ibuf [dreg:s10], $0x2FFFF;
	_ =	strace $0x9FFFFFFF  }
0xc7: {  	(tm) =	ssettm $0x7FFFFFFF  }
tec
execute0_lowered:
.L_overlay_start_1:
0x0: {  	(tag) =	ssettag $0x1  }
0x1: {  	s0 =	rddreg [dreg:$0x0]  }
0x2: {  	s1 =	rddreg [dreg:$0x1]  }
0x3: {  	s2 =	srdreg.scid;
	s4 =	rddreg [dreg:$0x3]  }
0x4: {  	s3 =	stileid.u32;
	s5 =	simm.s32 $0x0;
	s15 =	simm.s32 $0x1080  }
0x5: {  	s16 =	simm.s32 $0x800;
	s19 =	simm.s32 $0x0;
	s2 =	sand.u32 $0x1, s2  }
0x6: {  	s3 =	sshll.u32 s3, $0xC;
	[smem:$0x7FF] =	sst s5;
	s6 =	sshll.u32 s2, $0xB  }
.Ltmp0:
0x7: {  	s2 =	ssub.s32 $0x2, s2;
	s6 =	sor.u32 s6, s3;
	(pc) =	sbr.rel .LBB2_1-.Ltmp0, $4  }
0x8: {  	s8 =	sadd.s32 $0x100, s4;
	s30 =	sshrl.u32 s2, $0x1;
	s7 =	sshrl.u32 s6, $0x3  }
0x9: {  	s9 =	sadd.s32 $0x200, s4;
	s2 =	ssub.s32 s2, s30;
	s1 =	sadd.s32 s1, s7  }
0xa: {  	_ =	strace $0x80000047;
	s31 =	smax.u32 s2, $0x1;
	[dreg:$0x5] =	wrdreg s1  }
0xb: {  	v0 =	vimm.s32 $0x0;
	v1 =	vlaneseq.u32;
	vm0 =	vmmov $0x1;
	s10 =	sadd.s32 $0x100, s0;
	s11 =	sadd.s32 $0x200, s0;
	[dreg:$0x6] =	wrdreg s31  }
.LBB2_15:
0xc: {  	s19 =	sadd.s32 $0x1, s19;
	s1 =	rddreg [dreg:$0x6]  }
0xd: {  	p0 =	sne.s32 s19, s1  }
.Ltmp1:
0xe: {  	_ = 	snop;
	(pc) =	sbr.rel @!p0 .LBB2_16-.Ltmp1, $1  }
0xf: {  	_ =	sdelay $0x3  }
.LBB2_1:
0x10: {  	s2 =	simm.s32 $0x0;
	s1 =	rddreg [dreg:$0x5];
	s3 =	simm.s32 $0x1D  }
0x11: {  	[tilespmem:s2], [sflag:$0x1D] =	stream.linear.gather [hbm4b:s1+s2], $0x800, $0x38;
	[tilespmem:$0x1F100] =	vst v63  }
0x12: {  	_ =	swait.ge [sflag:s3], $0x800  }
0x13: {  	[sflag:s3] =	ssyncset.done $0x0  }
0x14: {  	[sflag:s3] =	ssyncadd.s32 $0xFFFFF800  }
0x15: {  	s5 =	simm.s32 $0xA100;
	s28 =	rddreg [dreg:$0x2]  }
0x16: {  	[tilespmem:s5], [sflag:$0x1D] =	stream.linear.gather [hbm4b:s28+s2], $0x3000, $0x38;
	[tilespmem:$0x1F100] =	vst v63  }
0x17: {  	_ =	swait.ge [sflag:s3], $0x3000  }
0x18: {  	[sflag:s3] =	ssyncset.done $0x0  }
0x19: {  	s29 =	simm.s32 $0x0;
	[sflag:s3] =	ssyncadd.s32 $0xFFFFD000  }
0x1a: {  	v2 =	vld [tilespmem:s29+$0x0];
	_ =	sdelay $0x4  }
0x1b: {  	vm1 =	vne.s32 v2, $0x0  }
0x1c: {  	v3 =	vsel vm1, $0x1, v0  }
0x1d: {  	(xrf0) =	vadd.scan.msk.s32 $0xffff, v3;
	_ =	sdelay $0x5  }
0x1e: {  	v3, _, _ =	vpop (xrf0)  }
0x1f: {  	v4 =	vxor.u32 $0x80000000, v3  }
0x20: {  	v5 =	vmov s2;
	(xrf0) =	vmax.scan.msk.u32 $0xffff, v4  }
0x21: {  	v4 =	vadd.s32 $0xFFFFFFFF, v5  }
0x22: {  	v4 =	vbroadcast v4, $0x0;
	_ =	sdelay $0x1  }
0x23: {  	vm2 =	veq.s32 v2, $0x0;
	v5 =	vsub.s32 s2, v3;
	v2 =	vadd.s32 v3, v4  }
0x24: {  	v3 =	vadd.s32 v1, v5  }
0x25: {  	v4, _, _ =	vpop (xrf0)  }
0x26: {  	(v2sf) =	vpush v4, $0xF  }
0x27: {  	v4 =	vor.u32 s6, v1  }
0x28: {  	[tilespmem:v2+s15+$0x0] =	vst.idx.msk vm1, v4  }
0x29: {  	s30 =	simm.s32 $0x10;
	[tilespmem:v3+s16+$0x0] =	vst.idx.msk vm2, v4  }
0x2a: {  	v2 =	vld [tilespmem:s30+$0x0];
	_ =	sdelay $0x4  }
0x2b: {  	vm1 =	vne.s32 v2, $0x0  }
0x2c: {  	v3 =	vsel vm1, $0x1, v0  }
0x2d: {  	(xrf0) =	vadd.scan.msk.s32 $0xffff, v3;
	_ =	sdelay $0x3  }
0x2e: {  	s31 =	spop (v2sf)  }
0x2f: {  	s3 =	simm.s32 $0x80;
	s1 =	sxor.u32 $0x80000000, s31  }
0x30: {  	s2 =	smov.u32 s6;
	v3, _, _ =	vpop (xrf0);
	s7 =	ssub.s32 $0x0, s1;
	s1 =	sadd.s32 $0x0, s1  }
.LBB2_2:
0x31: {  	s7 =	sadd.s32 $0x10, s7  }
0x32: {  	v4 =	vxor.u32 $0x80000000, v3;
	s2 =	sadd.s32 $0x10, s2;
	s12 =	smov.u32 s3;
	s14 =	sadd.s32 $0x40, s3  }
0x33: {  	p0 =	sne.s32 s3, $0x1FC0;
	v5 =	vmov s1;
	v6 =	vsub.s32 s7, v3;
	(xrf0) =	vmax.scan.msk.u32 $0xffff, v4  }
0x34: {  	v4 =	vadd.s32 $0xFFFFFFFF, v5  }
0x35: {  	v4 =	vbroadcast v4, $0x0;
	_ =	sdelay $0x1  }
0x36: {  	vm2 =	veq.s32 v2, $0x0;
	v2 =	vadd.s32 v3, v4  }
0x37: {  	v3 =	vadd.s32 v1, v6  }
0x38: {  	v4, _, _ =	vpop (xrf0)  }
0x39: {  	(v2sf) =	vpush v4, $0xF  }
0x3a: {  	v4 =	vor.u32 s2, v1  }
0x3b: {  	[tilespmem:v2+s15+$0x0] =	vst.idx.msk vm1, v4  }
0x3c: {  	s3 =	sshra.s32 s12, $0x2;
	[tilespmem:v3+s16+$0x0] =	vst.idx.msk vm2, v4  }
0x3d: {  	v2 =	vld [tilespmem:s3+$0x0];
	_ =	sdelay $0x4  }
0x3e: {  	vm1 =	vne.s32 v2, $0x0  }
0x3f: {  	v3 =	vsel vm1, $0x1, v0  }
0x40: {  	(xrf0) =	vadd.scan.msk.s32 $0xffff, v3;
	_ =	sdelay $0x1  }
.Ltmp2:
0x41: {  	(pc) =	sbr.rel @p0 .LBB2_2-.Ltmp2, $4  }
0x42: {  	_ = 	snop  }
0x43: {  	s3 =	spop (v2sf)  }
0x44: {  	s3 =	sxor.u32 $0x80000000, s3  }
0x45: {  	v3, _, _ =	vpop (xrf0);
	s7 =	ssub.s32 s7, s3;
	s1 =	sadd.s32 s1, s3;
	s3 =	smov.u32 s14  }
0x46: {  	v4 =	vmov s1  }
0x47: {  	v4 =	vadd.s32 $0xFFFFFFFF, v4  }
0x48: {  	v4 =	vbroadcast v4, $0x0  }
0x49: {  	s3 =	sadd.s32 $0x10, s7  }
0x4a: {  	vm2 =	veq.s32 v2, $0x0;
	v5 =	vsub.s32 s3, v3;
	v2 =	vadd.s32 v3, v4  }
0x4b: {  	v62 =	vadd.s32 v1, v5;
	_ =	sdelay $0x1  }
0x4c: {  	s2 =	sadd.s32 $0x10, s2  }
0x4d: {  	v63 =	vor.u32 s2, v1  }
0x4e: {  	[tilespmem:v2+s15+$0x0] =	vst.idx.msk vm1, v63  }
0x4f: {  	[tilespmem:v62+s16+$0x0] =	vst.idx.msk vm2, v63  }
0x50: {  	v2 =	vld [tilespmem:$0x800]  }
0x51: {  	v4 =	vld [tilespmem:$0x1080];
	_ =	sdelay $0x1  }
0x52: {  	v3 =	vxor.u32 $0x80000000, v3  }
0x53: {  	(xrf0) =	vmax.scan.msk.u32 $0xffff, v3  }
0x54: {  	v2 =	vnsel vm0, $0x40000000, v2  }
0x55: {  	v3 =	vnsel vm0, $0x40000000, v4;
	v2 =	vxor.u32 $0x80000000, v2  }
0x56: {  	(xrf0) =	vmin.scan.msk.u32 $0xffff, v2;
	v2 =	vxor.u32 $0x80000000, v3  }
0x57: {  	(xrf0) =	vmin.scan.msk.u32 $0xffff, v2;
	_ =	sdelay $0x1  }
0x58: {  	v2, _, _ =	vpop (xrf0)  }
0x59: {  	(v2sf) =	vpush v2, $0xF;
	_ =	sdelay $0x1  }
0x5a: {  	v2, _, _ =	vpop (xrf0)  }
0x5b: {  	(v2sf) =	vpush v2, $0xF;
	v2, _, _ =	vpop (xrf0)  }
0x5c: {  	(v2sf) =	vpush v2, $0xF;
	_ =	sdelay $0xa  }
0x5d: {  	s28 =	spop (v2sf)  }
0x5e: {  	s2 =	sxor.u32 $0x80000000, s28  }
0x5f: {  	s7 =	smov.u32 s6;
	s3 =	ssub.s32 s3, s2;
	s2 =	sadd.s32 s1, s2  }
0x60: {  	s29 =	spop (v2sf);
	s21 =	sadd.s32 $0x10, s3;
	s3 =	smov.u32 s6  }
0x61: {  	s1 =	sxor.u32 $0x80000000, s29;
	p0 =	sgt.s32 s21, $0x0;
	s30 =	spop (v2sf)  }
0x62: {  	s3 =	smov.u32 @p0 s1;
	s1 =	sxor.u32 $0x80000000, s30;
	p0 =	sgt.s32 s2, $0x0  }
0x63: {  	s7 =	smov.u32 @p0 s1;
	v2 =	vmov s3  }
0x64: {  	[tilespmem:s21+$0x800] =	vst v2;
	v2 =	vmov s7  }
0x65: {  	s31 =	simm.s32 $0x0;
	[tilespmem:s2+$0x1080] =	vst v2  }
0x66: {  	v2 =	vld [tilespmem:s31+$0x800];
	_ =	sdelay $0x3  }
0x67: {  	s3 =	simm.s32 $0x1900  }
0x68: {  	[tilespmem:s3+$0x0] =	vst v2  }
0x69: {  	v2 =	vld [tilespmem:s31+$0x1080];
	_ =	sdelay $0x3  }
0x6a: {  	s1 =	simm.s32 $0x5D00  }
0x6b: {  	s12 =	simm.s32 $0x80;
	s7 =	simm.s32 $0x10;
	[tilespmem:s1+$0x0] =	vst v2  }
.LBB2_4:
0x6c: {  	p0 =	sne.s32 s12, $0x2000;
	v2 =	vld [tilespmem:s7+$0x800];
	_ =	sdelay $0x3  }
0x6d: {  	s3 =	sadd.s32 $0x80, s3  }
0x6e: {  	[tilespmem:s3+$0x0] =	vst v2  }
0x6f: {  	v2 =	vld [tilespmem:s7+$0x1080]  }
.Ltmp3:
0x70: {  	(pc) =	sbr.rel @p0 .LBB2_4-.Ltmp3, $3  }
0x71: {  	_ =	sdelay $0x1  }
0x72: {  	s1 =	sadd.s32 $0x80, s1  }
0x73: {  	s7 =	sshra.s32 s12, $0x2;
	s12 =	sadd.s32 $0x40, s12;
	[tilespmem:s1+$0x0] =	vst v2  }
0x74: {  	s2 =	sadd.s32 $0xF, s2  }
0x75: {  	s12 =	sand.u32 $0xF, s2  }
0x76: {  	s14 =	sshra.s32 s2, $0x1F;
	p0 =	slt.s32 s2, $0x1;
	p1 =	sne.s32 s12, $0x0  }
0x77: {  	s29 =	sshrl.u32 s14, $0x1C;
	p0 =	por !p0, !p1  }
0x78: {  	s12 =	simm.s32 $0x1;
	s2 =	sadd.s32 s29, s2;
	p0 =	por !p0, !p0  }
0x79: {  	v2 =	vld [tilespmem:s7+$0x800];
	s2 =	sshra.s32 s2, $0x4;
	s12 =	simm.s32 @!p0 $0x0  }
0x7a: {  	s20 =	ssub.s32 s2, s12  }
0x7b: {  	s2 =	sadd.s32 $0xF, s20  }
0x7c: {  	s3 =	sadd.s32 $0x80, s3;
	s30 =	sand.u32 $0xF, s2  }
0x7d: {  	p6 =	slt.s32 s20, $0xFFFFFFF2;
	s31 =	sshra.s32 s2, $0x1F;
	p5 =	sne.s32 s30, $0x0  }
0x7e: {  	[tilespmem:s3+$0x0] =	vst v2;
	s3 =	sshrl.u32 s31, $0x1C;
	p0 =	por !p6, !p5  }
0x7f: {  	s2 =	sadd.s32 s3, s2;
	s3 =	simm.s32 $0x1;
	p0 =	por !p0, !p0  }
0x80: {  	s2 =	sshra.s32 s2, $0x4;
	s3 =	simm.s32 @!p0 $0x0  }
0x81: {  	s22 =	ssub.s32 s2, s3  }
0x82: {  	v2 =	vld [tilespmem:s7+$0x1080];
	p0 =	slt.s32 s22, $0x1  }
.Ltmp4:
0x83: {  	_ = 	snop;
	(pc) =	sbr.rel @p0 .LBB2_8-.Ltmp4, $3  }
0x84: {  	_ =	sdelay $0x1  }
0x85: {  	s1 =	sadd.s32 $0x80, s1  }
0x86: {  	[tilespmem:s1+$0x0] =	vst v2  }
0x87: {  	s23 =	simm.s32 $0xF;
	s24 =	simm.s32 $0x6100  }
.LBB2_7:
0x88: {  	s1 =	sadd.s32 $0xFFFFFFF1, s23  }
0x89: {  	p0 =	sge.s32 s1, s20  }
0x8a: {  	p1 =	seq.s32 @!p0 s23, $0xF  }
0x8b: {  	p1 =	por p1, p0  }
0x8c: {  	s1 =	simm.s32 @!p1 $0xD  }
0x8d: {  	_ =	swait.ge @!p1 [sflag:s1], $0x3000  }
0x8e: {  	[sflag:s1] =	ssyncset.done @!p1 $0x0  }
0x8f: {  	[sflag:s1] =	ssyncadd.s32 @!p1 $0xFFFFD000  }
0x90: {  	v2 =	vld @!p0 [tilespmem:s24+$0xFFFFFC00];
	_ =	sdelay $0x4  }
0x91: {  	v3 =	vshrl.u32 @!p0 v2, $0x3  }
0x92: {  	v3 =	vmul.u32 @!p0 $0x30, v3  }
0x93: {  	v4 =	vlaneseq.u32 @!p0;
	v2 =	vand.u32 @!p0 $0x7, v2  }
0x94: {  	v5 =	vshrl.u32 @!p0 v4, $0x3;
	v2 =	vor.u32 @!p0 v2, v3;
	v3 =	vand.u32 @!p0 $0x7, v4  }
0x95: {  	v5 =	vmul.u32 @!p0 $0x8, v5;
	v3 =	vperm.xlane @!p0 v2, v3;
	_ =	sdelay $0x1  }
0x96: {  	v3 =	vadd.s32 @!p0 v5, v3;
	_ =	sdelay $0x2  }
0x97: {  	v4 =	vor.u32 @!p0 $0x8, v4  }
0x98: {  	vm1 =	vmmov @!p0 $0xffff;
	s2 =	simm.s32 @!p0 $0xA100;
	s1 =	simm.s32 @!p0 $0x0;
	v2 =	vperm.xlane @!p0 v2, v4  }
0x99: {  	[hbm4b:s4+s1] =	stream.indirect_vreg.scatter @!p0 [tilespmem:s2], [sflag:$0xD], $0x80, v3, vm1, $0xb8;
	[tilespmem:$0x1F100] =	vst v63  }
0x9a: {  	v2 =	vadd.s32 @!p0 v5, v2;
	s2 =	simm.s32 @!p0 $0xA900  }
0x9b: {  	[hbm4b:s8+s1] =	stream.indirect_vreg.scatter @!p0 [tilespmem:s2], [sflag:$0xD], $0x80, v3, vm1, $0xb8;
	[tilespmem:$0x1F100] =	vst v63  }
0x9c: {  	s2 =	simm.s32 @!p0 $0xB100  }
0x9d: {  	[hbm4b:s9+s1] =	stream.indirect_vreg.scatter @!p0 [tilespmem:s2], [sflag:$0xD], $0x80, v3, vm1, $0xb8;
	[tilespmem:$0x1F100] =	vst v63  }
0x9e: {  	s2 =	simm.s32 @!p0 $0xB900  }
0x9f: {  	[hbm4b:s4+s1] =	stream.indirect_vreg.scatter @!p0 [tilespmem:s2], [sflag:$0xD], $0x80, v2, vm1, $0xb8;
	[tilespmem:$0x1F100] =	vst v63  }
0xa0: {  	s2 =	simm.s32 @!p0 $0xC100  }
0xa1: {  	[hbm4b:s8+s1] =	stream.indirect_vreg.scatter @!p0 [tilespmem:s2], [sflag:$0xD], $0x80, v2, vm1, $0xb8;
	[tilespmem:$0x1F100] =	vst v63  }
0xa2: {  	s3 =	sadd.s32 $0xFFFFFFF2, s23;
	s2 =	simm.s32 @!p0 $0xC900  }
0xa3: {  	[hbm4b:s9+s1] =	stream.indirect_vreg.scatter @!p0 [tilespmem:s2], [sflag:$0xD], $0x80, v2, vm1, $0xb8;
	[tilespmem:$0x1F100] =	vst v63  }
0xa4: {  	p0 =	sge.s32 s3, s20  }
0xa5: {  	p1 =	seq.s32 @!p0 s23, $0xF  }
0xa6: {  	p1 =	por p1, p0  }
0xa7: {  	s1 =	simm.s32 @!p1 $0xE  }
0xa8: {  	_ =	swait.ge @!p1 [sflag:s1], $0x3000  }
0xa9: {  	[sflag:s1] =	ssyncset.done @!p1 $0x0  }
0xaa: {  	[sflag:s1] =	ssyncadd.s32 @!p1 $0xFFFFD000  }
0xab: {  	v2 =	vld @!p0 [tilespmem:s24+$0xFFFFFC80];
	_ =	sdelay $0x4  }
0xac: {  	v3 =	vshrl.u32 @!p0 v2, $0x3  }
0xad: {  	v3 =	vmul.u32 @!p0 $0x30, v3  }
0xae: {  	v4 =	vlaneseq.u32 @!p0;
	v2 =	vand.u32 @!p0 $0x7, v2  }
0xaf: {  	v5 =	vshrl.u32 @!p0 v4, $0x3;
	v2 =	vor.u32 @!p0 v2, v3;
	v3 =	vand.u32 @!p0 $0x7, v4  }
0xb0: {  	v5 =	vmul.u32 @!p0 $0x8, v5;
	v3 =	vperm.xlane @!p0 v2, v3;
	_ =	sdelay $0x1  }
0xb1: {  	v3 =	vadd.s32 @!p0 v5, v3;
	_ =	sdelay $0x2  }
0xb2: {  	v4 =	vor.u32 @!p0 $0x8, v4  }
0xb3: {  	vm1 =	vmmov @!p0 $0xffff;
	s2 =	simm.s32 @!p0 $0xA100;
	s1 =	simm.s32 @!p0 $0x0;
	v2 =	vperm.xlane @!p0 v2, v4  }
0xb4: {  	[hbm4b:s4+s1] =	stream.indirect_vreg.scatter @!p0 [tilespmem:s2], [sflag:$0xE], $0x80, v3, vm1, $0xb8;
	[tilespmem:$0x1F100] =	vst v63  }
0xb5: {  	v2 =	vadd.s32 @!p0 v5, v2;
	s2 =	simm.s32 @!p0 $0xA900  }
0xb6: {  	[hbm4b:s8+s1] =	stream.indirect_vreg.scatter @!p0 [tilespmem:s2], [sflag:$0xE], $0x80, v3, vm1, $0xb8;
	[tilespmem:$0x1F100] =	vst v63  }
0xb7: {  	s2 =	simm.s32 @!p0 $0xB100  }
0xb8: {  	[hbm4b:s9+s1] =	stream.indirect_vreg.scatter @!p0 [tilespmem:s2], [sflag:$0xE], $0x80, v3, vm1, $0xb8;
	[tilespmem:$0x1F100] =	vst v63  }
0xb9: {  	s2 =	simm.s32 @!p0 $0xB900  }
0xba: {  	[hbm4b:s4+s1] =	stream.indirect_vreg.scatter @!p0 [tilespmem:s2], [sflag:$0xE], $0x80, v2, vm1, $0xb8;
	[tilespmem:$0x1F100] =	vst v63  }
0xbb: {  	s2 =	simm.s32 @!p0 $0xC100  }
0xbc: {  	[hbm4b:s8+s1] =	stream.indirect_vreg.scatter @!p0 [tilespmem:s2], [sflag:$0xE], $0x80, v2, vm1, $0xb8;
	[tilespmem:$0x1F100] =	vst v63  }
0xbd: {  	s5 =	sadd.s32 $0xFFFFFFF3, s23;
	s2 =	simm.s32 @!p0 $0xC900  }
0xbe: {  	[hbm4b:s9+s1] =	stream.indirect_vreg.scatter @!p0 [tilespmem:s2], [sflag:$0xE], $0x80, v2, vm1, $0xb8;
	[tilespmem:$0x1F100] =	vst v63  }
0xbf: {  	p0 =	sge.s32 s5, s20  }
0xc0: {  	p1 =	seq.s32 @!p0 s23, $0xF  }
0xc1: {  	p1 =	por p1, p0  }
0xc2: {  	s1 =	simm.s32 @!p1 $0xF  }
0xc3: {  	_ =	swait.ge @!p1 [sflag:s1], $0x3000  }
0xc4: {  	[sflag:s1] =	ssyncset.done @!p1 $0x0  }
0xc5: {  	[sflag:s1] =	ssyncadd.s32 @!p1 $0xFFFFD000  }
0xc6: {  	v2 =	vld @!p0 [tilespmem:s24+$0xFFFFFD00];
	_ =	sdelay $0x4  }
0xc7: {  	v3 =	vshrl.u32 @!p0 v2, $0x3  }
0xc8: {  	v3 =	vmul.u32 @!p0 $0x30, v3  }
0xc9: {  	v4 =	vlaneseq.u32 @!p0;
	v2 =	vand.u32 @!p0 $0x7, v2  }
0xca: {  	v5 =	vshrl.u32 @!p0 v4, $0x3;
	v2 =	vor.u32 @!p0 v2, v3;
	v3 =	vand.u32 @!p0 $0x7, v4  }
0xcb: {  	v5 =	vmul.u32 @!p0 $0x8, v5;
	v3 =	vperm.xlane @!p0 v2, v3;
	_ =	sdelay $0x1  }
0xcc: {  	v3 =	vadd.s32 @!p0 v5, v3;
	_ =	sdelay $0x2  }
0xcd: {  	v4 =	vor.u32 @!p0 $0x8, v4  }
0xce: {  	vm1 =	vmmov @!p0 $0xffff;
	s2 =	simm.s32 @!p0 $0xA100;
	s1 =	simm.s32 @!p0 $0x0;
	v2 =	vperm.xlane @!p0 v2, v4  }
0xcf: {  	[hbm4b:s4+s1] =	stream.indirect_vreg.scatter @!p0 [tilespmem:s2], [sflag:$0xF], $0x80, v3, vm1, $0xb8;
	[tilespmem:$0x1F100] =	vst v63  }
0xd0: {  	v2 =	vadd.s32 @!p0 v5, v2;
	s2 =	simm.s32 @!p0 $0xA900  }
0xd1: {  	[hbm4b:s8+s1] =	stream.indirect_vreg.scatter @!p0 [tilespmem:s2], [sflag:$0xF], $0x80, v3, vm1, $0xb8;
	[tilespmem:$0x1F100] =	vst v63  }
0xd2: {  	s2 =	simm.s32 @!p0 $0xB100  }
0xd3: {  	[hbm4b:s9+s1] =	stream.indirect_vreg.scatter @!p0 [tilespmem:s2], [sflag:$0xF], $0x80, v3, vm1, $0xb8;
	[tilespmem:$0x1F100] =	vst v63  }
0xd4: {  	s2 =	simm.s32 @!p0 $0xB900  }
0xd5: {  	[hbm4b:s4+s1] =	stream.indirect_vreg.scatter @!p0 [tilespmem:s2], [sflag:$0xF], $0x80, v2, vm1, $0xb8;
	[tilespmem:$0x1F100] =	vst v63  }
0xd6: {  	s2 =	simm.s32 @!p0 $0xC100  }
0xd7: {  	[hbm4b:s8+s1] =	stream.indirect_vreg.scatter @!p0 [tilespmem:s2], [sflag:$0xF], $0x80, v2, vm1, $0xb8;
	[tilespmem:$0x1F100] =	vst v63  }
0xd8: {  	s7 =	sadd.s32 $0xFFFFFFF4, s23;
	s2 =	simm.s32 @!p0 $0xC900  }
0xd9: {  	[hbm4b:s9+s1] =	stream.indirect_vreg.scatter @!p0 [tilespmem:s2], [sflag:$0xF], $0x80, v2, vm1, $0xb8;
	[tilespmem:$0x1F100] =	vst v63  }
0xda: {  	p0 =	sge.s32 s7, s20  }
0xdb: {  	p1 =	seq.s32 @!p0 s23, $0xF  }
0xdc: {  	p1 =	por p1, p0  }
0xdd: {  	s1 =	simm.s32 @!p1 $0x10  }
0xde: {  	_ =	swait.ge @!p1 [sflag:s1], $0x3000  }
0xdf: {  	[sflag:s1] =	ssyncset.done @!p1 $0x0  }
0xe0: {  	[sflag:s1] =	ssyncadd.s32 @!p1 $0xFFFFD000  }
0xe1: {  	v2 =	vld @!p0 [tilespmem:s24+$0xFFFFFD80];
	_ =	sdelay $0x4  }
0xe2: {  	v3 =	vshrl.u32 @!p0 v2, $0x3  }
0xe3: {  	v3 =	vmul.u32 @!p0 $0x30, v3  }
0xe4: {  	v4 =	vlaneseq.u32 @!p0;
	v2 =	vand.u32 @!p0 $0x7, v2  }
0xe5: {  	v5 =	vshrl.u32 @!p0 v4, $0x3;
	v2 =	vor.u32 @!p0 v2, v3;
	v3 =	vand.u32 @!p0 $0x7, v4  }
0xe6: {  	v5 =	vmul.u32 @!p0 $0x8, v5;
	v3 =	vperm.xlane @!p0 v2, v3;
	_ =	sdelay $0x1  }
0xe7: {  	v3 =	vadd.s32 @!p0 v5, v3;
	_ =	sdelay $0x2  }
0xe8: {  	v4 =	vor.u32 @!p0 $0x8, v4  }
0xe9: {  	vm1 =	vmmov @!p0 $0xffff;
	s2 =	simm.s32 @!p0 $0xA100;
	s1 =	simm.s32 @!p0 $0x0;
	v2 =	vperm.xlane @!p0 v2, v4  }
0xea: {  	[hbm4b:s4+s1] =	stream.indirect_vreg.scatter @!p0 [tilespmem:s2], [sflag:$0x10], $0x80, v3, vm1, $0xb8;
	[tilespmem:$0x1F100] =	vst v63  }
0xeb: {  	v2 =	vadd.s32 @!p0 v5, v2;
	s2 =	simm.s32 @!p0 $0xA900  }
0xec: {  	[hbm4b:s8+s1] =	stream.indirect_vreg.scatter @!p0 [tilespmem:s2], [sflag:$0x10], $0x80, v3, vm1, $0xb8;
	[tilespmem:$0x1F100] =	vst v63  }
0xed: {  	s2 =	simm.s32 @!p0 $0xB100  }
0xee: {  	[hbm4b:s9+s1] =	stream.indirect_vreg.scatter @!p0 [tilespmem:s2], [sflag:$0x10], $0x80, v3, vm1, $0xb8;
	[tilespmem:$0x1F100] =	vst v63  }
0xef: {  	s2 =	simm.s32 @!p0 $0xB900  }
0xf0: {  	[hbm4b:s4+s1] =	stream.indirect_vreg.scatter @!p0 [tilespmem:s2], [sflag:$0x10], $0x80, v2, vm1, $0xb8;
	[tilespmem:$0x1F100] =	vst v63  }
0xf1: {  	s2 =	simm.s32 @!p0 $0xC100  }
0xf2: {  	[hbm4b:s8+s1] =	stream.indirect_vreg.scatter @!p0 [tilespmem:s2], [sflag:$0x10], $0x80, v2, vm1, $0xb8;
	[tilespmem:$0x1F100] =	vst v63  }
0xf3: {  	s12 =	sadd.s32 $0xFFFFFFF5, s23;
	s2 =	simm.s32 @!p0 $0xC900  }
0xf4: {  	[hbm4b:s9+s1] =	stream.indirect_vreg.scatter @!p0 [tilespmem:s2], [sflag:$0x10], $0x80, v2, vm1, $0xb8;
	[tilespmem:$0x1F100] =	vst v63  }
0xf5: {  	p0 =	sge.s32 s12, s20  }
0xf6: {  	p1 =	seq.s32 @!p0 s23, $0xF  }
0xf7: {  	p1 =	por p1, p0  }
0xf8: {  	s1 =	simm.s32 @!p1 $0x11  }
0xf9: {  	_ =	swait.ge @!p1 [sflag:s1], $0x3000  }
0xfa: {  	[sflag:s1] =	ssyncset.done @!p1 $0x0  }
0xfb: {  	[sflag:s1] =	ssyncadd.s32 @!p1 $0xFFFFD000  }
0xfc: {  	v2 =	vld @!p0 [tilespmem:s24+$0xFFFFFE00];
	_ =	sdelay $0x4  }
0xfd: {  	v3 =	vshrl.u32 @!p0 v2, $0x3  }
0xfe: {  	v3 =	vmul.u32 @!p0 $0x30, v3  }
0xff: {  	v4 =	vlaneseq.u32 @!p0;
	v2 =	vand.u32 @!p0 $0x7, v2  }
0x100: {  	v5 =	vshrl.u32 @!p0 v4, $0x3;
	v2 =	vor.u32 @!p0 v2, v3;
	v3 =	vand.u32 @!p0 $0x7, v4  }
0x101: {  	v5 =	vmul.u32 @!p0 $0x8, v5;
	v3 =	vperm.xlane @!p0 v2, v3;
	_ =	sdelay $0x1  }
0x102: {  	v3 =	vadd.s32 @!p0 v5, v3;
	_ =	sdelay $0x2  }
0x103: {  	v4 =	vor.u32 @!p0 $0x8, v4  }
0x104: {  	vm1 =	vmmov @!p0 $0xffff;
	s2 =	simm.s32 @!p0 $0xA100;
	s1 =	simm.s32 @!p0 $0x0;
	v2 =	vperm.xlane @!p0 v2, v4  }
0x105: {  	[hbm4b:s4+s1] =	stream.indirect_vreg.scatter @!p0 [tilespmem:s2], [sflag:$0x11], $0x80, v3, vm1, $0xb8;
	[tilespmem:$0x1F100] =	vst v63  }
0x106: {  	v2 =	vadd.s32 @!p0 v5, v2;
	s2 =	simm.s32 @!p0 $0xA900  }
0x107: {  	[hbm4b:s8+s1] =	stream.indirect_vreg.scatter @!p0 [tilespmem:s2], [sflag:$0x11], $0x80, v3, vm1, $0xb8;
	[tilespmem:$0x1F100] =	vst v63  }
0x108: {  	s2 =	simm.s32 @!p0 $0xB100  }
0x109: {  	[hbm4b:s9+s1] =	stream.indirect_vreg.scatter @!p0 [tilespmem:s2], [sflag:$0x11], $0x80, v3, vm1, $0xb8;
	[tilespmem:$0x1F100] =	vst v63  }
0x10a: {  	s2 =	simm.s32 @!p0 $0xB900  }
0x10b: {  	[hbm4b:s4+s1] =	stream.indirect_vreg.scatter @!p0 [tilespmem:s2], [sflag:$0x11], $0x80, v2, vm1, $0xb8;
	[tilespmem:$0x1F100] =	vst v63  }
0x10c: {  	s2 =	simm.s32 @!p0 $0xC100  }
0x10d: {  	[hbm4b:s8+s1] =	stream.indirect_vreg.scatter @!p0 [tilespmem:s2], [sflag:$0x11], $0x80, v2, vm1, $0xb8;
	[tilespmem:$0x1F100] =	vst v63  }
0x10e: {  	s13 =	sadd.s32 $0xFFFFFFF6, s23;
	s2 =	simm.s32 @!p0 $0xC900  }
0x10f: {  	[hbm4b:s9+s1] =	stream.indirect_vreg.scatter @!p0 [tilespmem:s2], [sflag:$0x11], $0x80, v2, vm1, $0xb8;
	[tilespmem:$0x1F100] =	vst v63  }
0x110: {  	p0 =	sge.s32 s13, s20  }
0x111: {  	p1 =	seq.s32 @!p0 s23, $0xF  }
0x112: {  	p1 =	por p1, p0  }
0x113: {  	s1 =	simm.s32 @!p1 $0x12  }
0x114: {  	_ =	swait.ge @!p1 [sflag:s1], $0x3000  }
0x115: {  	[sflag:s1] =	ssyncset.done @!p1 $0x0  }
0x116: {  	[sflag:s1] =	ssyncadd.s32 @!p1 $0xFFFFD000  }
0x117: {  	v2 =	vld @!p0 [tilespmem:s24+$0xFFFFFE80];
	_ =	sdelay $0x4  }
0x118: {  	v3 =	vshrl.u32 @!p0 v2, $0x3  }
0x119: {  	v3 =	vmul.u32 @!p0 $0x30, v3  }
0x11a: {  	v4 =	vlaneseq.u32 @!p0;
	v2 =	vand.u32 @!p0 $0x7, v2  }
0x11b: {  	v5 =	vshrl.u32 @!p0 v4, $0x3;
	v2 =	vor.u32 @!p0 v2, v3;
	v3 =	vand.u32 @!p0 $0x7, v4  }
0x11c: {  	v5 =	vmul.u32 @!p0 $0x8, v5;
	v3 =	vperm.xlane @!p0 v2, v3;
	_ =	sdelay $0x1  }
0x11d: {  	v3 =	vadd.s32 @!p0 v5, v3;
	_ =	sdelay $0x2  }
0x11e: {  	v4 =	vor.u32 @!p0 $0x8, v4  }
0x11f: {  	vm1 =	vmmov @!p0 $0xffff;
	s2 =	simm.s32 @!p0 $0xA100;
	s1 =	simm.s32 @!p0 $0x0;
	v2 =	vperm.xlane @!p0 v2, v4  }
0x120: {  	[hbm4b:s4+s1] =	stream.indirect_vreg.scatter @!p0 [tilespmem:s2], [sflag:$0x12], $0x80, v3, vm1, $0xb8;
	[tilespmem:$0x1F100] =	vst v63  }
0x121: {  	v2 =	vadd.s32 @!p0 v5, v2;
	s2 =	simm.s32 @!p0 $0xA900  }
0x122: {  	[hbm4b:s8+s1] =	stream.indirect_vreg.scatter @!p0 [tilespmem:s2], [sflag:$0x12], $0x80, v3, vm1, $0xb8;
	[tilespmem:$0x1F100] =	vst v63  }
0x123: {  	s2 =	simm.s32 @!p0 $0xB100  }
0x124: {  	[hbm4b:s9+s1] =	stream.indirect_vreg.scatter @!p0 [tilespmem:s2], [sflag:$0x12], $0x80, v3, vm1, $0xb8;
	[tilespmem:$0x1F100] =	vst v63  }
0x125: {  	s2 =	simm.s32 @!p0 $0xB900  }
0x126: {  	[hbm4b:s4+s1] =	stream.indirect_vreg.scatter @!p0 [tilespmem:s2], [sflag:$0x12], $0x80, v2, vm1, $0xb8;
	[tilespmem:$0x1F100] =	vst v63  }
0x127: {  	s2 =	simm.s32 @!p0 $0xC100  }
0x128: {  	[hbm4b:s8+s1] =	stream.indirect_vreg.scatter @!p0 [tilespmem:s2], [sflag:$0x12], $0x80, v2, vm1, $0xb8;
	[tilespmem:$0x1F100] =	vst v63  }
0x129: {  	s14 =	sadd.s32 $0xFFFFFFF7, s23;
	s2 =	simm.s32 @!p0 $0xC900  }
0x12a: {  	[hbm4b:s9+s1] =	stream.indirect_vreg.scatter @!p0 [tilespmem:s2], [sflag:$0x12], $0x80, v2, vm1, $0xb8;
	[tilespmem:$0x1F100] =	vst v63  }
0x12b: {  	p0 =	sge.s32 s14, s20  }
0x12c: {  	p1 =	seq.s32 @!p0 s23, $0xF  }
0x12d: {  	p1 =	por p1, p0  }
0x12e: {  	s1 =	simm.s32 @!p1 $0x13  }
0x12f: {  	_ =	swait.ge @!p1 [sflag:s1], $0x3000  }
0x130: {  	[sflag:s1] =	ssyncset.done @!p1 $0x0  }
0x131: {  	[sflag:s1] =	ssyncadd.s32 @!p1 $0xFFFFD000  }
0x132: {  	v2 =	vld @!p0 [tilespmem:s24+$0xFFFFFF00];
	_ =	sdelay $0x4  }
0x133: {  	v3 =	vshrl.u32 @!p0 v2, $0x3  }
0x134: {  	v3 =	vmul.u32 @!p0 $0x30, v3  }
0x135: {  	v4 =	vlaneseq.u32 @!p0;
	v2 =	vand.u32 @!p0 $0x7, v2  }
0x136: {  	v5 =	vshrl.u32 @!p0 v4, $0x3;
	v2 =	vor.u32 @!p0 v2, v3;
	v3 =	vand.u32 @!p0 $0x7, v4  }
0x137: {  	v5 =	vmul.u32 @!p0 $0x8, v5;
	v3 =	vperm.xlane @!p0 v2, v3;
	_ =	sdelay $0x1  }
0x138: {  	v3 =	vadd.s32 @!p0 v5, v3;
	_ =	sdelay $0x2  }
0x139: {  	v4 =	vor.u32 @!p0 $0x8, v4  }
0x13a: {  	vm1 =	vmmov @!p0 $0xffff;
	s2 =	simm.s32 @!p0 $0xA100;
	s1 =	simm.s32 @!p0 $0x0;
	v2 =	vperm.xlane @!p0 v2, v4  }
0x13b: {  	[hbm4b:s4+s1] =	stream.indirect_vreg.scatter @!p0 [tilespmem:s2], [sflag:$0x13], $0x80, v3, vm1, $0xb8;
	[tilespmem:$0x1F100] =	vst v63  }
0x13c: {  	v2 =	vadd.s32 @!p0 v5, v2;
	s2 =	simm.s32 @!p0 $0xA900  }
0x13d: {  	[hbm4b:s8+s1] =	stream.indirect_vreg.scatter @!p0 [tilespmem:s2], [sflag:$0x13], $0x80, v3, vm1, $0xb8;
	[tilespmem:$0x1F100] =	vst v63  }
0x13e: {  	s2 =	simm.s32 @!p0 $0xB100  }
0x13f: {  	[hbm4b:s9+s1] =	stream.indirect_vreg.scatter @!p0 [tilespmem:s2], [sflag:$0x13], $0x80, v3, vm1, $0xb8;
	[tilespmem:$0x1F100] =	vst v63  }
0x140: {  	s2 =	simm.s32 @!p0 $0xB900  }
0x141: {  	[hbm4b:s4+s1] =	stream.indirect_vreg.scatter @!p0 [tilespmem:s2], [sflag:$0x13], $0x80, v2, vm1, $0xb8;
	[tilespmem:$0x1F100] =	vst v63  }
0x142: {  	s2 =	simm.s32 @!p0 $0xC100  }
0x143: {  	[hbm4b:s8+s1] =	stream.indirect_vreg.scatter @!p0 [tilespmem:s2], [sflag:$0x13], $0x80, v2, vm1, $0xb8;
	[tilespmem:$0x1F100] =	vst v63  }
0x144: {  	s17 =	sadd.s32 $0xFFFFFFF8, s23;
	s2 =	simm.s32 @!p0 $0xC900  }
0x145: {  	[hbm4b:s9+s1] =	stream.indirect_vreg.scatter @!p0 [tilespmem:s2], [sflag:$0x13], $0x80, v2, vm1, $0xb8;
	[tilespmem:$0x1F100] =	vst v63  }
0x146: {  	p0 =	sge.s32 s17, s20  }
0x147: {  	p1 =	seq.s32 @!p0 s23, $0xF  }
0x148: {  	p1 =	por p1, p0  }
0x149: {  	s1 =	simm.s32 @!p1 $0x14  }
0x14a: {  	_ =	swait.ge @!p1 [sflag:s1], $0x3000  }
0x14b: {  	[sflag:s1] =	ssyncset.done @!p1 $0x0  }
0x14c: {  	[sflag:s1] =	ssyncadd.s32 @!p1 $0xFFFFD000  }
0x14d: {  	v2 =	vld @!p0 [tilespmem:s24+$0xFFFFFF80];
	_ =	sdelay $0x4  }
0x14e: {  	v3 =	vshrl.u32 @!p0 v2, $0x3  }
0x14f: {  	v3 =	vmul.u32 @!p0 $0x30, v3  }
0x150: {  	v4 =	vlaneseq.u32 @!p0;
	v2 =	vand.u32 @!p0 $0x7, v2  }
0x151: {  	v5 =	vshrl.u32 @!p0 v4, $0x3;
	v2 =	vor.u32 @!p0 v2, v3;
	v3 =	vand.u32 @!p0 $0x7, v4  }
0x152: {  	v5 =	vmul.u32 @!p0 $0x8, v5;
	v3 =	vperm.xlane @!p0 v2, v3;
	_ =	sdelay $0x1  }
0x153: {  	v3 =	vadd.s32 @!p0 v5, v3;
	_ =	sdelay $0x2  }
0x154: {  	v4 =	vor.u32 @!p0 $0x8, v4  }
0x155: {  	vm1 =	vmmov @!p0 $0xffff;
	s2 =	simm.s32 @!p0 $0xA100;
	s1 =	simm.s32 @!p0 $0x0;
	v2 =	vperm.xlane @!p0 v2, v4  }
0x156: {  	[hbm4b:s4+s1] =	stream.indirect_vreg.scatter @!p0 [tilespmem:s2], [sflag:$0x14], $0x80, v3, vm1, $0xb8;
	[tilespmem:$0x1F100] =	vst v63  }
0x157: {  	v2 =	vadd.s32 @!p0 v5, v2;
	s2 =	simm.s32 @!p0 $0xA900  }
0x158: {  	[hbm4b:s8+s1] =	stream.indirect_vreg.scatter @!p0 [tilespmem:s2], [sflag:$0x14], $0x80, v3, vm1, $0xb8;
	[tilespmem:$0x1F100] =	vst v63  }
0x159: {  	s2 =	simm.s32 @!p0 $0xB100  }
0x15a: {  	[hbm4b:s9+s1] =	stream.indirect_vreg.scatter @!p0 [tilespmem:s2], [sflag:$0x14], $0x80, v3, vm1, $0xb8;
	[tilespmem:$0x1F100] =	vst v63  }
0x15b: {  	s2 =	simm.s32 @!p0 $0xB900  }
0x15c: {  	[hbm4b:s4+s1] =	stream.indirect_vreg.scatter @!p0 [tilespmem:s2], [sflag:$0x14], $0x80, v2, vm1, $0xb8;
	[tilespmem:$0x1F100] =	vst v63  }
0x15d: {  	s2 =	simm.s32 @!p0 $0xC100  }
0x15e: {  	[hbm4b:s8+s1] =	stream.indirect_vreg.scatter @!p0 [tilespmem:s2], [sflag:$0x14], $0x80, v2, vm1, $0xb8;
	[tilespmem:$0x1F100] =	vst v63  }
0x15f: {  	s18 =	sadd.s32 $0xFFFFFFF9, s23;
	s2 =	simm.s32 @!p0 $0xC900  }
0x160: {  	[hbm4b:s9+s1] =	stream.indirect_vreg.scatter @!p0 [tilespmem:s2], [sflag:$0x14], $0x80, v2, vm1, $0xb8;
	[tilespmem:$0x1F100] =	vst v63  }
0x161: {  	p0 =	sge.s32 s18, s20  }
0x162: {  	p1 =	seq.s32 @!p0 s23, $0xF  }
0x163: {  	p1 =	por p1, p0  }
0x164: {  	s1 =	simm.s32 @!p1 $0x15  }
0x165: {  	_ =	swait.ge @!p1 [sflag:s1], $0x3000  }
0x166: {  	[sflag:s1] =	ssyncset.done @!p1 $0x0  }
0x167: {  	[sflag:s1] =	ssyncadd.s32 @!p1 $0xFFFFD000  }
0x168: {  	v2 =	vld @!p0 [tilespmem:s24+$0x0];
	_ =	sdelay $0x4  }
0x169: {  	v3 =	vshrl.u32 @!p0 v2, $0x3  }
0x16a: {  	v3 =	vmul.u32 @!p0 $0x30, v3  }
0x16b: {  	v4 =	vlaneseq.u32 @!p0;
	v2 =	vand.u32 @!p0 $0x7, v2  }
0x16c: {  	v5 =	vshrl.u32 @!p0 v4, $0x3;
	v2 =	vor.u32 @!p0 v2, v3;
	v3 =	vand.u32 @!p0 $0x7, v4  }
0x16d: {  	v5 =	vmul.u32 @!p0 $0x8, v5;
	v3 =	vperm.xlane @!p0 v2, v3;
	_ =	sdelay $0x1  }
0x16e: {  	v3 =	vadd.s32 @!p0 v5, v3;
	_ =	sdelay $0x2  }
0x16f: {  	v4 =	vor.u32 @!p0 $0x8, v4  }
0x170: {  	vm1 =	vmmov @!p0 $0xffff;
	s2 =	simm.s32 @!p0 $0xA100;
	s1 =	simm.s32 @!p0 $0x0;
	v2 =	vperm.xlane @!p0 v2, v4  }
0x171: {  	[hbm4b:s4+s1] =	stream.indirect_vreg.scatter @!p0 [tilespmem:s2], [sflag:$0x15], $0x80, v3, vm1, $0xb8;
	[tilespmem:$0x1F100] =	vst v63  }
0x172: {  	v2 =	vadd.s32 @!p0 v5, v2;
	s2 =	simm.s32 @!p0 $0xA900  }
0x173: {  	[hbm4b:s8+s1] =	stream.indirect_vreg.scatter @!p0 [tilespmem:s2], [sflag:$0x15], $0x80, v3, vm1, $0xb8;
	[tilespmem:$0x1F100] =	vst v63  }
0x174: {  	s2 =	simm.s32 @!p0 $0xB100  }
0x175: {  	[hbm4b:s9+s1] =	stream.indirect_vreg.scatter @!p0 [tilespmem:s2], [sflag:$0x15], $0x80, v3, vm1, $0xb8;
	[tilespmem:$0x1F100] =	vst v63  }
0x176: {  	s2 =	simm.s32 @!p0 $0xB900  }
0x177: {  	[hbm4b:s4+s1] =	stream.indirect_vreg.scatter @!p0 [tilespmem:s2], [sflag:$0x15], $0x80, v2, vm1, $0xb8;
	[tilespmem:$0x1F100] =	vst v63  }
0x178: {  	s2 =	simm.s32 @!p0 $0xC100  }
0x179: {  	[hbm4b:s8+s1] =	stream.indirect_vreg.scatter @!p0 [tilespmem:s2], [sflag:$0x15], $0x80, v2, vm1, $0xb8;
	[tilespmem:$0x1F100] =	vst v63  }
0x17a: {  	s25 =	sadd.s32 $0xFFFFFFFA, s23;
	s2 =	simm.s32 @!p0 $0xC900  }
0x17b: {  	[hbm4b:s9+s1] =	stream.indirect_vreg.scatter @!p0 [tilespmem:s2], [sflag:$0x15], $0x80, v2, vm1, $0xb8;
	[tilespmem:$0x1F100] =	vst v63  }
0x17c: {  	p0 =	sge.s32 s25, s20  }
0x17d: {  	p1 =	seq.s32 @!p0 s23, $0xF  }
0x17e: {  	p1 =	por p1, p0  }
0x17f: {  	s1 =	simm.s32 @!p1 $0x16  }
0x180: {  	_ =	swait.ge @!p1 [sflag:s1], $0x3000  }
0x181: {  	[sflag:s1] =	ssyncset.done @!p1 $0x0  }
0x182: {  	[sflag:s1] =	ssyncadd.s32 @!p1 $0xFFFFD000  }
0x183: {  	v2 =	vld @!p0 [tilespmem:s24+$0x80];
	_ =	sdelay $0x4  }
0x184: {  	v3 =	vshrl.u32 @!p0 v2, $0x3  }
0x185: {  	v3 =	vmul.u32 @!p0 $0x30, v3  }
0x186: {  	v4 =	vlaneseq.u32 @!p0;
	v2 =	vand.u32 @!p0 $0x7, v2  }
0x187: {  	v5 =	vshrl.u32 @!p0 v4, $0x3;
	v2 =	vor.u32 @!p0 v2, v3;
	v3 =	vand.u32 @!p0 $0x7, v4  }
0x188: {  	v5 =	vmul.u32 @!p0 $0x8, v5;
	v3 =	vperm.xlane @!p0 v2, v3;
	_ =	sdelay $0x1  }
0x189: {  	v3 =	vadd.s32 @!p0 v5, v3;
	_ =	sdelay $0x2  }
0x18a: {  	v4 =	vor.u32 @!p0 $0x8, v4  }
0x18b: {  	vm1 =	vmmov @!p0 $0xffff;
	s2 =	simm.s32 @!p0 $0xA100;
	s1 =	simm.s32 @!p0 $0x0;
	v2 =	vperm.xlane @!p0 v2, v4  }
0x18c: {  	[hbm4b:s4+s1] =	stream.indirect_vreg.scatter @!p0 [tilespmem:s2], [sflag:$0x16], $0x80, v3, vm1, $0xb8;
	[tilespmem:$0x1F100] =	vst v63  }
0x18d: {  	v2 =	vadd.s32 @!p0 v5, v2;
	s2 =	simm.s32 @!p0 $0xA900  }
0x18e: {  	[hbm4b:s8+s1] =	stream.indirect_vreg.scatter @!p0 [tilespmem:s2], [sflag:$0x16], $0x80, v3, vm1, $0xb8;
	[tilespmem:$0x1F100] =	vst v63  }
0x18f: {  	s2 =	simm.s32 @!p0 $0xB100  }
0x190: {  	[hbm4b:s9+s1] =	stream.indirect_vreg.scatter @!p0 [tilespmem:s2], [sflag:$0x16], $0x80, v3, vm1, $0xb8;
	[tilespmem:$0x1F100] =	vst v63  }
0x191: {  	s2 =	simm.s32 @!p0 $0xB900  }
0x192: {  	[hbm4b:s4+s1] =	stream.indirect_vreg.scatter @!p0 [tilespmem:s2], [sflag:$0x16], $0x80, v2, vm1, $0xb8;
	[tilespmem:$0x1F100] =	vst v63  }
0x193: {  	s2 =	simm.s32 @!p0 $0xC100  }
0x194: {  	[hbm4b:s8+s1] =	stream.indirect_vreg.scatter @!p0 [tilespmem:s2], [sflag:$0x16], $0x80, v2, vm1, $0xb8;
	[tilespmem:$0x1F100] =	vst v63  }
0x195: {  	s26 =	sadd.s32 $0xFFFFFFFB, s23;
	s2 =	simm.s32 @!p0 $0xC900  }
0x196: {  	[hbm4b:s9+s1] =	stream.indirect_vreg.scatter @!p0 [tilespmem:s2], [sflag:$0x16], $0x80, v2, vm1, $0xb8;
	[tilespmem:$0x1F100] =	vst v63  }
0x197: {  	p0 =	sge.s32 s26, s20  }
0x198: {  	p1 =	seq.s32 @!p0 s23, $0xF  }
0x199: {  	p1 =	por p1, p0  }
0x19a: {  	s1 =	simm.s32 @!p1 $0x17  }
0x19b: {  	_ =	swait.ge @!p1 [sflag:s1], $0x3000  }
0x19c: {  	[sflag:s1] =	ssyncset.done @!p1 $0x0  }
0x19d: {  	[sflag:s1] =	ssyncadd.s32 @!p1 $0xFFFFD000  }
0x19e: {  	v2 =	vld @!p0 [tilespmem:s24+$0x100];
	_ =	sdelay $0x4  }
0x19f: {  	v3 =	vshrl.u32 @!p0 v2, $0x3  }
0x1a0: {  	v3 =	vmul.u32 @!p0 $0x30, v3  }
0x1a1: {  	v4 =	vlaneseq.u32 @!p0;
	v2 =	vand.u32 @!p0 $0x7, v2  }
0x1a2: {  	v5 =	vshrl.u32 @!p0 v4, $0x3;
	v2 =	vor.u32 @!p0 v2, v3;
	v3 =	vand.u32 @!p0 $0x7, v4  }
0x1a3: {  	v5 =	vmul.u32 @!p0 $0x8, v5;
	v3 =	vperm.xlane @!p0 v2, v3;
	_ =	sdelay $0x1  }
0x1a4: {  	v3 =	vadd.s32 @!p0 v5, v3;
	_ =	sdelay $0x2  }
0x1a5: {  	v4 =	vor.u32 @!p0 $0x8, v4  }
0x1a6: {  	vm1 =	vmmov @!p0 $0xffff;
	s2 =	simm.s32 @!p0 $0xA100;
	s1 =	simm.s32 @!p0 $0x0;
	v2 =	vperm.xlane @!p0 v2, v4  }
0x1a7: {  	[hbm4b:s4+s1] =	stream.indirect_vreg.scatter @!p0 [tilespmem:s2], [sflag:$0x17], $0x80, v3, vm1, $0xb8;
	[tilespmem:$0x1F100] =	vst v63  }
0x1a8: {  	v2 =	vadd.s32 @!p0 v5, v2;
	s2 =	simm.s32 @!p0 $0xA900  }
0x1a9: {  	[hbm4b:s8+s1] =	stream.indirect_vreg.scatter @!p0 [tilespmem:s2], [sflag:$0x17], $0x80, v3, vm1, $0xb8;
	[tilespmem:$0x1F100] =	vst v63  }
0x1aa: {  	s2 =	simm.s32 @!p0 $0xB100  }
0x1ab: {  	[hbm4b:s9+s1] =	stream.indirect_vreg.scatter @!p0 [tilespmem:s2], [sflag:$0x17], $0x80, v3, vm1, $0xb8;
	[tilespmem:$0x1F100] =	vst v63  }
0x1ac: {  	s2 =	simm.s32 @!p0 $0xB900  }
0x1ad: {  	[hbm4b:s4+s1] =	stream.indirect_vreg.scatter @!p0 [tilespmem:s2], [sflag:$0x17], $0x80, v2, vm1, $0xb8;
	[tilespmem:$0x1F100] =	vst v63  }
0x1ae: {  	s2 =	simm.s32 @!p0 $0xC100  }
0x1af: {  	[hbm4b:s8+s1] =	stream.indirect_vreg.scatter @!p0 [tilespmem:s2], [sflag:$0x17], $0x80, v2, vm1, $0xb8;
	[tilespmem:$0x1F100] =	vst v63  }
0x1b0: {  	s28 =	sadd.s32 $0xFFFFFFFC, s23;
	s2 =	simm.s32 @!p0 $0xC900  }
0x1b1: {  	[hbm4b:s9+s1] =	stream.indirect_vreg.scatter @!p0 [tilespmem:s2], [sflag:$0x17], $0x80, v2, vm1, $0xb8;
	[tilespmem:$0x1F100] =	vst v63  }
0x1b2: {  	p0 =	sge.s32 s28, s20  }
0x1b3: {  	p1 =	seq.s32 @!p0 s23, $0xF  }
0x1b4: {  	p1 =	por p1, p0  }
0x1b5: {  	s1 =	simm.s32 @!p1 $0x18  }
0x1b6: {  	_ =	swait.ge @!p1 [sflag:s1], $0x3000  }
0x1b7: {  	[sflag:s1] =	ssyncset.done @!p1 $0x0  }
0x1b8: {  	[sflag:s1] =	ssyncadd.s32 @!p1 $0xFFFFD000  }
0x1b9: {  	v2 =	vld @!p0 [tilespmem:s24+$0x180];
	_ =	sdelay $0x4  }
0x1ba: {  	v3 =	vshrl.u32 @!p0 v2, $0x3  }
0x1bb: {  	v3 =	vmul.u32 @!p0 $0x30, v3  }
0x1bc: {  	v4 =	vlaneseq.u32 @!p0;
	v2 =	vand.u32 @!p0 $0x7, v2  }
0x1bd: {  	v5 =	vshrl.u32 @!p0 v4, $0x3;
	v2 =	vor.u32 @!p0 v2, v3;
	v3 =	vand.u32 @!p0 $0x7, v4  }
0x1be: {  	v5 =	vmul.u32 @!p0 $0x8, v5;
	v3 =	vperm.xlane @!p0 v2, v3;
	_ =	sdelay $0x1  }
0x1bf: {  	v3 =	vadd.s32 @!p0 v5, v3;
	_ =	sdelay $0x2  }
0x1c0: {  	v4 =	vor.u32 @!p0 $0x8, v4  }
0x1c1: {  	vm1 =	vmmov @!p0 $0xffff;
	s2 =	simm.s32 @!p0 $0xA100;
	s1 =	simm.s32 @!p0 $0x0;
	v2 =	vperm.xlane @!p0 v2, v4  }
0x1c2: {  	[hbm4b:s4+s1] =	stream.indirect_vreg.scatter @!p0 [tilespmem:s2], [sflag:$0x18], $0x80, v3, vm1, $0xb8;
	[tilespmem:$0x1F100] =	vst v63  }
0x1c3: {  	v2 =	vadd.s32 @!p0 v5, v2;
	s2 =	simm.s32 @!p0 $0xA900  }
0x1c4: {  	[hbm4b:s8+s1] =	stream.indirect_vreg.scatter @!p0 [tilespmem:s2], [sflag:$0x18], $0x80, v3, vm1, $0xb8;
	[tilespmem:$0x1F100] =	vst v63  }
0x1c5: {  	s2 =	simm.s32 @!p0 $0xB100  }
0x1c6: {  	[hbm4b:s9+s1] =	stream.indirect_vreg.scatter @!p0 [tilespmem:s2], [sflag:$0x18], $0x80, v3, vm1, $0xb8;
	[tilespmem:$0x1F100] =	vst v63  }
0x1c7: {  	s2 =	simm.s32 @!p0 $0xB900  }
0x1c8: {  	[hbm4b:s4+s1] =	stream.indirect_vreg.scatter @!p0 [tilespmem:s2], [sflag:$0x18], $0x80, v2, vm1, $0xb8;
	[tilespmem:$0x1F100] =	vst v63  }
0x1c9: {  	s2 =	simm.s32 @!p0 $0xC100  }
0x1ca: {  	[hbm4b:s8+s1] =	stream.indirect_vreg.scatter @!p0 [tilespmem:s2], [sflag:$0x18], $0x80, v2, vm1, $0xb8;
	[tilespmem:$0x1F100] =	vst v63  }
0x1cb: {  	s29 =	sadd.s32 $0xFFFFFFFD, s23;
	s2 =	simm.s32 @!p0 $0xC900  }
0x1cc: {  	[hbm4b:s9+s1] =	stream.indirect_vreg.scatter @!p0 [tilespmem:s2], [sflag:$0x18], $0x80, v2, vm1, $0xb8;
	[tilespmem:$0x1F100] =	vst v63  }
0x1cd: {  	p0 =	sge.s32 s29, s20  }
0x1ce: {  	p1 =	seq.s32 @!p0 s23, $0xF  }
0x1cf: {  	p1 =	por p1, p0  }
0x1d0: {  	s1 =	simm.s32 @!p1 $0x19  }
0x1d1: {  	_ =	swait.ge @!p1 [sflag:s1], $0x3000  }
0x1d2: {  	[sflag:s1] =	ssyncset.done @!p1 $0x0  }
0x1d3: {  	[sflag:s1] =	ssyncadd.s32 @!p1 $0xFFFFD000  }
0x1d4: {  	v2 =	vld @!p0 [tilespmem:s24+$0x200];
	_ =	sdelay $0x4  }
0x1d5: {  	v3 =	vshrl.u32 @!p0 v2, $0x3  }
0x1d6: {  	v3 =	vmul.u32 @!p0 $0x30, v3  }
0x1d7: {  	v4 =	vlaneseq.u32 @!p0;
	v2 =	vand.u32 @!p0 $0x7, v2  }
0x1d8: {  	v5 =	vshrl.u32 @!p0 v4, $0x3;
	v2 =	vor.u32 @!p0 v2, v3;
	v3 =	vand.u32 @!p0 $0x7, v4  }
0x1d9: {  	v5 =	vmul.u32 @!p0 $0x8, v5;
	v3 =	vperm.xlane @!p0 v2, v3;
	_ =	sdelay $0x1  }
0x1da: {  	v3 =	vadd.s32 @!p0 v5, v3;
	_ =	sdelay $0x2  }
0x1db: {  	v4 =	vor.u32 @!p0 $0x8, v4  }
0x1dc: {  	vm1 =	vmmov @!p0 $0xffff;
	s2 =	simm.s32 @!p0 $0xA100;
	s1 =	simm.s32 @!p0 $0x0;
	v2 =	vperm.xlane @!p0 v2, v4  }
0x1dd: {  	[hbm4b:s4+s1] =	stream.indirect_vreg.scatter @!p0 [tilespmem:s2], [sflag:$0x19], $0x80, v3, vm1, $0xb8;
	[tilespmem:$0x1F100] =	vst v63  }
0x1de: {  	v2 =	vadd.s32 @!p0 v5, v2;
	s2 =	simm.s32 @!p0 $0xA900  }
0x1df: {  	[hbm4b:s8+s1] =	stream.indirect_vreg.scatter @!p0 [tilespmem:s2], [sflag:$0x19], $0x80, v3, vm1, $0xb8;
	[tilespmem:$0x1F100] =	vst v63  }
0x1e0: {  	s2 =	simm.s32 @!p0 $0xB100  }
0x1e1: {  	[hbm4b:s9+s1] =	stream.indirect_vreg.scatter @!p0 [tilespmem:s2], [sflag:$0x19], $0x80, v3, vm1, $0xb8;
	[tilespmem:$0x1F100] =	vst v63  }
0x1e2: {  	s2 =	simm.s32 @!p0 $0xB900  }
0x1e3: {  	[hbm4b:s4+s1] =	stream.indirect_vreg.scatter @!p0 [tilespmem:s2], [sflag:$0x19], $0x80, v2, vm1, $0xb8;
	[tilespmem:$0x1F100] =	vst v63  }
0x1e4: {  	s2 =	simm.s32 @!p0 $0xC100  }
0x1e5: {  	[hbm4b:s8+s1] =	stream.indirect_vreg.scatter @!p0 [tilespmem:s2], [sflag:$0x19], $0x80, v2, vm1, $0xb8;
	[tilespmem:$0x1F100] =	vst v63  }
0x1e6: {  	s30 =	sadd.s32 $0xFFFFFFFE, s23;
	s2 =	simm.s32 @!p0 $0xC900  }
0x1e7: {  	[hbm4b:s9+s1] =	stream.indirect_vreg.scatter @!p0 [tilespmem:s2], [sflag:$0x19], $0x80, v2, vm1, $0xb8;
	[tilespmem:$0x1F100] =	vst v63  }
0x1e8: {  	p0 =	sge.s32 s30, s20  }
0x1e9: {  	p1 =	seq.s32 @!p0 s23, $0xF  }
0x1ea: {  	p1 =	por p1, p0  }
0x1eb: {  	s1 =	simm.s32 @!p1 $0x1A  }
0x1ec: {  	_ =	swait.ge @!p1 [sflag:s1], $0x3000  }
0x1ed: {  	[sflag:s1] =	ssyncset.done @!p1 $0x0  }
0x1ee: {  	[sflag:s1] =	ssyncadd.s32 @!p1 $0xFFFFD000  }
0x1ef: {  	v2 =	vld @!p0 [tilespmem:s24+$0x280];
	_ =	sdelay $0x4  }
0x1f0: {  	v3 =	vshrl.u32 @!p0 v2, $0x3  }
0x1f1: {  	v3 =	vmul.u32 @!p0 $0x30, v3  }
0x1f2: {  	v4 =	vlaneseq.u32 @!p0;
	v2 =	vand.u32 @!p0 $0x7, v2  }
0x1f3: {  	v5 =	vshrl.u32 @!p0 v4, $0x3;
	v2 =	vor.u32 @!p0 v2, v3;
	v3 =	vand.u32 @!p0 $0x7, v4  }
0x1f4: {  	v5 =	vmul.u32 @!p0 $0x8, v5;
	v3 =	vperm.xlane @!p0 v2, v3;
	_ =	sdelay $0x1  }
0x1f5: {  	v3 =	vadd.s32 @!p0 v5, v3;
	_ =	sdelay $0x2  }
0x1f6: {  	v4 =	vor.u32 @!p0 $0x8, v4  }
0x1f7: {  	vm1 =	vmmov @!p0 $0xffff;
	s2 =	simm.s32 @!p0 $0xA100;
	s1 =	simm.s32 @!p0 $0x0;
	v2 =	vperm.xlane @!p0 v2, v4  }
0x1f8: {  	[hbm4b:s4+s1] =	stream.indirect_vreg.scatter @!p0 [tilespmem:s2], [sflag:$0x1A], $0x80, v3, vm1, $0xb8;
	[tilespmem:$0x1F100] =	vst v63  }
0x1f9: {  	v2 =	vadd.s32 @!p0 v5, v2;
	s2 =	simm.s32 @!p0 $0xA900  }
0x1fa: {  	[hbm4b:s8+s1] =	stream.indirect_vreg.scatter @!p0 [tilespmem:s2], [sflag:$0x1A], $0x80, v3, vm1, $0xb8;
	[tilespmem:$0x1F100] =	vst v63  }
0x1fb: {  	s2 =	simm.s32 @!p0 $0xB100  }
0x1fc: {  	[hbm4b:s9+s1] =	stream.indirect_vreg.scatter @!p0 [tilespmem:s2], [sflag:$0x1A], $0x80, v3, vm1, $0xb8;
	[tilespmem:$0x1F100] =	vst v63  }
0x1fd: {  	s2 =	simm.s32 @!p0 $0xB900  }
0x1fe: {  	[hbm4b:s4+s1] =	stream.indirect_vreg.scatter @!p0 [tilespmem:s2], [sflag:$0x1A], $0x80, v2, vm1, $0xb8;
	[tilespmem:$0x1F100] =	vst v63  }
0x1ff: {  	s2 =	simm.s32 @!p0 $0xC100  }
0x200: {  	[hbm4b:s8+s1] =	stream.indirect_vreg.scatter @!p0 [tilespmem:s2], [sflag:$0x1A], $0x80, v2, vm1, $0xb8;
	[tilespmem:$0x1F100] =	vst v63  }
0x201: {  	s31 =	sadd.s32 $0xFFFFFFFF, s23;
	s2 =	simm.s32 @!p0 $0xC900  }
0x202: {  	[hbm4b:s9+s1] =	stream.indirect_vreg.scatter @!p0 [tilespmem:s2], [sflag:$0x1A], $0x80, v2, vm1, $0xb8;
	[tilespmem:$0x1F100] =	vst v63  }
0x203: {  	p0 =	sge.s32 s31, s20  }
0x204: {  	p1 =	seq.s32 @!p0 s23, $0xF  }
0x205: {  	p1 =	por p1, p0  }
0x206: {  	s1 =	simm.s32 @!p1 $0x1B  }
0x207: {  	_ =	swait.ge @!p1 [sflag:s1], $0x3000  }
0x208: {  	[sflag:s1] =	ssyncset.done @!p1 $0x0  }
0x209: {  	[sflag:s1] =	ssyncadd.s32 @!p1 $0xFFFFD000  }
0x20a: {  	v2 =	vld @!p0 [tilespmem:s24+$0x300];
	_ =	sdelay $0x4  }
0x20b: {  	v3 =	vshrl.u32 @!p0 v2, $0x3  }
0x20c: {  	v3 =	vmul.u32 @!p0 $0x30, v3  }
0x20d: {  	v4 =	vlaneseq.u32 @!p0;
	v2 =	vand.u32 @!p0 $0x7, v2  }
0x20e: {  	v5 =	vshrl.u32 @!p0 v4, $0x3;
	v2 =	vor.u32 @!p0 v2, v3;
	v3 =	vand.u32 @!p0 $0x7, v4  }
0x20f: {  	v5 =	vmul.u32 @!p0 $0x8, v5;
	v3 =	vperm.xlane @!p0 v2, v3;
	_ =	sdelay $0x1  }
0x210: {  	v3 =	vadd.s32 @!p0 v5, v3;
	_ =	sdelay $0x2  }
0x211: {  	v4 =	vor.u32 @!p0 $0x8, v4  }
0x212: {  	vm1 =	vmmov @!p0 $0xffff;
	s2 =	simm.s32 @!p0 $0xA100;
	s1 =	simm.s32 @!p0 $0x0;
	v2 =	vperm.xlane @!p0 v2, v4  }
0x213: {  	[hbm4b:s4+s1] =	stream.indirect_vreg.scatter @!p0 [tilespmem:s2], [sflag:$0x1B], $0x80, v3, vm1, $0xb8;
	[tilespmem:$0x1F100] =	vst v63  }
0x214: {  	v2 =	vadd.s32 @!p0 v5, v2;
	s2 =	simm.s32 @!p0 $0xA900  }
0x215: {  	[hbm4b:s8+s1] =	stream.indirect_vreg.scatter @!p0 [tilespmem:s2], [sflag:$0x1B], $0x80, v3, vm1, $0xb8;
	[tilespmem:$0x1F100] =	vst v63  }
0x216: {  	s2 =	simm.s32 @!p0 $0xB100  }
0x217: {  	[hbm4b:s9+s1] =	stream.indirect_vreg.scatter @!p0 [tilespmem:s2], [sflag:$0x1B], $0x80, v3, vm1, $0xb8;
	[tilespmem:$0x1F100] =	vst v63  }
0x218: {  	s2 =	simm.s32 @!p0 $0xB900  }
0x219: {  	[hbm4b:s4+s1] =	stream.indirect_vreg.scatter @!p0 [tilespmem:s2], [sflag:$0x1B], $0x80, v2, vm1, $0xb8;
	[tilespmem:$0x1F100] =	vst v63  }
0x21a: {  	s2 =	simm.s32 @!p0 $0xC100  }
0x21b: {  	[hbm4b:s8+s1] =	stream.indirect_vreg.scatter @!p0 [tilespmem:s2], [sflag:$0x1B], $0x80, v2, vm1, $0xb8;
	[tilespmem:$0x1F100] =	vst v63  }
0x21c: {  	s2 =	simm.s32 @!p0 $0xC900  }
0x21d: {  	[hbm4b:s9+s1] =	stream.indirect_vreg.scatter @!p0 [tilespmem:s2], [sflag:$0x1B], $0x80, v2, vm1, $0xb8;
	[tilespmem:$0x1F100] =	vst v63  }
0x21e: {  	p0 =	sge.s32 s23, s20  }
0x21f: {  	p1 =	seq.s32 @!p0 s23, $0xF  }
0x220: {  	p1 =	por p1, p0  }
0x221: {  	s1 =	simm.s32 @!p1 $0x1C  }
0x222: {  	_ =	swait.ge @!p1 [sflag:s1], $0x3000  }
0x223: {  	[sflag:s1] =	ssyncset.done @!p1 $0x0  }
0x224: {  	[sflag:s1] =	ssyncadd.s32 @!p1 $0xFFFFD000  }
0x225: {  	v2 =	vld @!p0 [tilespmem:s24+$0x380];
	_ =	sdelay $0x4  }
0x226: {  	v3 =	vshrl.u32 @!p0 v2, $0x3  }
0x227: {  	v3 =	vmul.u32 @!p0 $0x30, v3  }
0x228: {  	v4 =	vlaneseq.u32 @!p0;
	v2 =	vand.u32 @!p0 $0x7, v2  }
0x229: {  	v5 =	vshrl.u32 @!p0 v4, $0x3;
	v2 =	vor.u32 @!p0 v2, v3;
	v3 =	vand.u32 @!p0 $0x7, v4  }
0x22a: {  	v5 =	vmul.u32 @!p0 $0x8, v5;
	v3 =	vperm.xlane @!p0 v2, v3;
	_ =	sdelay $0x1  }
0x22b: {  	v3 =	vadd.s32 @!p0 v5, v3;
	_ =	sdelay $0x2  }
0x22c: {  	v4 =	vor.u32 @!p0 $0x8, v4  }
0x22d: {  	vm1 =	vmmov @!p0 $0xffff;
	s2 =	simm.s32 @!p0 $0xA100;
	s1 =	simm.s32 @!p0 $0x0;
	v2 =	vperm.xlane @!p0 v2, v4  }
0x22e: {  	[hbm4b:s4+s1] =	stream.indirect_vreg.scatter @!p0 [tilespmem:s2], [sflag:$0x1C], $0x80, v3, vm1, $0xb8;
	[tilespmem:$0x1F100] =	vst v63  }
0x22f: {  	v2 =	vadd.s32 @!p0 v5, v2;
	s2 =	simm.s32 @!p0 $0xA900  }
0x230: {  	[hbm4b:s8+s1] =	stream.indirect_vreg.scatter @!p0 [tilespmem:s2], [sflag:$0x1C], $0x80, v3, vm1, $0xb8;
	[tilespmem:$0x1F100] =	vst v63  }
0x231: {  	s2 =	simm.s32 @!p0 $0xB100  }
0x232: {  	[hbm4b:s9+s1] =	stream.indirect_vreg.scatter @!p0 [tilespmem:s2], [sflag:$0x1C], $0x80, v3, vm1, $0xb8;
	[tilespmem:$0x1F100] =	vst v63  }
0x233: {  	s2 =	simm.s32 @!p0 $0xB900  }
0x234: {  	[hbm4b:s4+s1] =	stream.indirect_vreg.scatter @!p0 [tilespmem:s2], [sflag:$0x1C], $0x80, v2, vm1, $0xb8;
	[tilespmem:$0x1F100] =	vst v63  }
0x235: {  	s2 =	simm.s32 @!p0 $0xC100  }
0x236: {  	[hbm4b:s8+s1] =	stream.indirect_vreg.scatter @!p0 [tilespmem:s2], [sflag:$0x1C], $0x80, v2, vm1, $0xb8;
	[tilespmem:$0x1F100] =	vst v63  }
0x237: {  	s22 =	sadd.s32 $0xFFFFFFFF, s22;
	s2 =	simm.s32 @!p0 $0xC900  }
0x238: {  	[hbm4b:s9+s1] =	stream.indirect_vreg.scatter @!p0 [tilespmem:s2], [sflag:$0x1C], $0x80, v2, vm1, $0xb8;
	[tilespmem:$0x1F100] =	vst v63  }
0x239: {  	p0 =	sne.s32 s22, $0x0  }
.Ltmp5:
0x23a: {  	_ = 	snop;
	(pc) =	sbr.rel @p0 .LBB2_7-.Ltmp5, $2  }
0x23b: {  	_ =	sdelay $0x2  }
0x23c: {  	s23 =	sadd.s32 $0x10, s23;
	s24 =	sadd.s32 $0x800, s24  }
.LBB2_8:
0x23d: {  	s1 =	sadd.s32 $0xF, s21  }
0x23e: {  	s2 =	sand.u32 $0xF, s1  }
0x23f: {  	s3 =	sshra.s32 s1, $0x1F;
	p0 =	slt.s32 s1, $0x1;
	p1 =	sne.s32 s2, $0x0  }
0x240: {  	s29 =	sshrl.u32 s3, $0x1C;
	p0 =	por !p0, !p1  }
0x241: {  	s2 =	simm.s32 $0x1;
	s1 =	sadd.s32 s29, s1;
	p0 =	por !p0, !p0  }
0x242: {  	s1 =	sshra.s32 s1, $0x4;
	s2 =	simm.s32 @!p0 $0x0  }
0x243: {  	s21 =	ssub.s32 s1, s2  }
0x244: {  	s1 =	sadd.s32 $0x9, s21  }
0x245: {  	s30 =	smulhi.u32 $0x2AAAAAAB, s1;
	s1 =	sshra.s32 s1, $0x1F  }
0x246: {  	s1 =	smul.u32 $0x2AAAAAAB, s1;
	_ =	sdelay $0x1  }
0x247: {  	s1 =	sadd.s32 s1, s30  }
0x248: {  	s2 =	sshrl.u32 s1, $0x1F  }
0x249: {  	s1 =	sadd.s32 s2, s1  }
0x24a: {  	s2 =	smul.u32 $0xFFFFFFFA, s1  }
0x24b: {  	s31 =	ssub.s32 $0xFFFFFFF7, s21  }
0x24c: {  	p5 =	slt.s32 s21, $0xFFFFFFF8;
	p6 =	sne.s32 s2, s31  }
0x24d: {  	p0 =	por !p5, !p6  }
0x24e: {  	s2 =	simm.s32 $0x1;
	p0 =	por !p0, !p0  }
0x24f: {  	s2 =	simm.s32 @!p0 $0x0  }
0x250: {  	s22 =	ssub.s32 s1, s2  }
0x251: {  	p0 =	slt.s32 s22, $0x1  }
.Ltmp6:
0x252: {  	_ = 	snop;
	(pc) =	sbr.rel @p0 .LBB2_11-.Ltmp6, $1  }
0x253: {  	_ =	sdelay $0x3  }
0x254: {  	s23 =	simm.s32 $0x0;
	s24 =	simm.s32 $0x1980  }
.LBB2_10:
0x255: {  	s1 =	sadd.s32 $0xFFFFFFFC, s23;
	p2 =	seq.s32 s23, $0x0  }
0x256: {  	p0 =	sge.s32 @!p2 s1, s21  }
0x257: {  	p0 =	por p0, p2  }
0x258: {  	s1 =	simm.s32 @!p0 $0x3  }
0x259: {  	_ =	swait.ge @!p0 [sflag:s1], $0x3000  }
0x25a: {  	[sflag:s1] =	ssyncset.done @!p0 $0x0  }
0x25b: {  	[sflag:s1] =	ssyncadd.s32 @!p0 $0xFFFFD000  }
0x25c: {  	v2 =	vld @!p0 [tilespmem:s24+$0xFFFFFD80];
	_ =	sdelay $0x4  }
0x25d: {  	v3 =	vshrl.u32 @!p0 v2, $0x3  }
0x25e: {  	v3 =	vmul.u32 @!p0 $0x30, v3  }
0x25f: {  	v4 =	vlaneseq.u32 @!p0;
	v2 =	vand.u32 @!p0 $0x7, v2  }
0x260: {  	v5 =	vshrl.u32 @!p0 v4, $0x3;
	v2 =	vor.u32 @!p0 v2, v3;
	v3 =	vand.u32 @!p0 $0x7, v4  }
0x261: {  	v5 =	vmul.u32 @!p0 $0x8, v5;
	v3 =	vperm.xlane @!p0 v2, v3;
	_ =	sdelay $0x1  }
0x262: {  	v3 =	vadd.s32 @!p0 v5, v3;
	_ =	sdelay $0x2  }
0x263: {  	v4 =	vor.u32 @!p0 $0x8, v4  }
0x264: {  	vm1 =	vmmov @!p0 $0xffff;
	s2 =	simm.s32 @!p0 $0x13100;
	s1 =	simm.s32 @!p0 $0x0;
	v2 =	vperm.xlane @!p0 v2, v4  }
0x265: {  	[hbm4b:s4+s1] =	stream.indirect_vreg.scatter @!p0 [tilespmem:s2], [sflag:$0x9], $0x80, v3, vm1, $0xb8;
	[tilespmem:$0x1F100] =	vst v63  }
0x266: {  	v2 =	vadd.s32 @!p0 v5, v2;
	s2 =	simm.s32 @!p0 $0x13900  }
0x267: {  	[hbm4b:s8+s1] =	stream.indirect_vreg.scatter @!p0 [tilespmem:s2], [sflag:$0x9], $0x80, v3, vm1, $0xb8;
	[tilespmem:$0x1F100] =	vst v63  }
0x268: {  	s2 =	simm.s32 @!p0 $0x14100  }
0x269: {  	[hbm4b:s9+s1] =	stream.indirect_vreg.scatter @!p0 [tilespmem:s2], [sflag:$0x9], $0x80, v3, vm1, $0xb8;
	[tilespmem:$0x1F100] =	vst v63  }
0x26a: {  	s2 =	simm.s32 @!p0 $0x14900  }
0x26b: {  	[hbm4b:s4+s1] =	stream.indirect_vreg.scatter @!p0 [tilespmem:s2], [sflag:$0x9], $0x80, v2, vm1, $0xb8;
	[tilespmem:$0x1F100] =	vst v63  }
0x26c: {  	s2 =	simm.s32 @!p0 $0x15100  }
0x26d: {  	[hbm4b:s8+s1] =	stream.indirect_vreg.scatter @!p0 [tilespmem:s2], [sflag:$0x9], $0x80, v2, vm1, $0xb8;
	[tilespmem:$0x1F100] =	vst v63  }
0x26e: {  	s2 =	simm.s32 @!p0 $0x15900  }
0x26f: {  	[hbm4b:s9+s1] =	stream.indirect_vreg.scatter @!p0 [tilespmem:s2], [sflag:$0x9], $0x80, v2, vm1, $0xb8;
	[tilespmem:$0x1F100] =	vst v63  }
0x270: {  	p0 =	sge.s32 s23, s21  }
0x271: {  	p1 =	seq.s32 @!p0 s23, $0x0  }
0x272: {  	p1 =	por p1, p0  }
0x273: {  	s1 =	simm.s32 @!p1 $0x7  }
0x274: {  	_ =	swait.ge @!p1 [sflag:s1], $0x3000  }
0x275: {  	[sflag:s1] =	ssyncset.done @!p1 $0x0  }
0x276: {  	[sflag:s1] =	ssyncadd.s32 @!p1 $0xFFFFD000  }
0x277: {  	v2 =	vld @!p0 [tilespmem:s24+$0xFFFFFF80];
	_ =	sdelay $0x4  }
0x278: {  	v3 =	vshrl.u32 @!p0 v2, $0x3  }
0x279: {  	v3 =	vmul.u32 @!p0 $0x30, v3  }
0x27a: {  	v4 =	vlaneseq.u32 @!p0;
	v2 =	vand.u32 @!p0 $0x7, v2  }
0x27b: {  	v5 =	vor.u32 @!p0 v2, v3;
	v3 =	vand.u32 @!p0 $0x7, v4;
	v2 =	vshrl.u32 @!p0 v4, $0x3  }
0x27c: {  	v6 =	vperm.xlane @!p0 v5, v3;
	v2 =	vmul.u32 @!p0 $0x8, v2;
	_ =	sdelay $0x1  }
0x27d: {  	v6 =	vadd.s32 @!p0 v2, v6;
	_ =	sdelay $0x2  }
0x27e: {  	v4 =	vor.u32 @!p0 $0x8, v4  }
0x27f: {  	vm1 =	vmmov @!p0 $0xffff;
	s25 =	simm.s32 @!p0 $0x0;
	s26 =	simm.s32 @!p0 $0xD100;
	v5 =	vperm.xlane @!p0 v5, v4  }
0x280: {  	[tilespmem:s26], [sflag:$0x1] =	stream.indirect_vreg.gather @!p0 [hbm4b:s0+s25], $0x80, v6, vm1, $0xb8;
	[tilespmem:$0x1F100] =	vst v63  }
0x281: {  	s28 =	simm.s32 @!p0 $0xD900;
	v5 =	vadd.s32 @!p0 v2, v5  }
0x282: {  	[tilespmem:s28], [sflag:$0x1] =	stream.indirect_vreg.gather @!p0 [hbm4b:s10+s25], $0x80, v6, vm1, $0xb8;
	[tilespmem:$0x1F100] =	vst v63  }
0x283: {  	s2 =	sadd.s32 $0xFFFFFFFD, s23;
	s29 =	simm.s32 @!p0 $0xE100  }
0x284: {  	[tilespmem:s29], [sflag:$0x1] =	stream.indirect_vreg.gather @!p0 [hbm4b:s11+s25], $0x80, v6, vm1, $0xb8;
	[tilespmem:$0x1F100] =	vst v63  }
0x285: {  	s30 =	simm.s32 @!p0 $0xE900;
	p1 =	sge.s32 @!p2 s2, s21  }
0x286: {  	[tilespmem:s30], [sflag:$0x1] =	stream.indirect_vreg.gather @!p0 [hbm4b:s0+s25], $0x80, v5, vm1, $0xb8;
	[tilespmem:$0x1F100] =	vst v63  }
0x287: {  	s31 =	simm.s32 @!p0 $0xF100;
	p1 =	por p1, p2  }
0x288: {  	[tilespmem:s31], [sflag:$0x1] =	stream.indirect_vreg.gather @!p0 [hbm4b:s10+s25], $0x80, v5, vm1, $0xb8;
	[tilespmem:$0x1F100] =	vst v63  }
0x289: {  	s1 =	simm.s32 @!p0 $0xF900;
	s2 =	simm.s32 @!p1 $0x4  }
0x28a: {  	[tilespmem:s1], [sflag:$0x1] =	stream.indirect_vreg.gather @!p0 [hbm4b:s11+s25], $0x80, v5, vm1, $0xb8;
	[tilespmem:$0x1F100] =	vst v63  }
0x28b: {  	_ =	swait.ge @!p1 [sflag:s2], $0x3000  }
0x28c: {  	[sflag:s2] =	ssyncset.done @!p1 $0x0  }
0x28d: {  	[sflag:s2] =	ssyncadd.s32 @!p1 $0xFFFFD000  }
0x28e: {  	v5 =	vld @!p1 [tilespmem:s24+$0xFFFFFE00];
	_ =	sdelay $0x4  }
0x28f: {  	v6 =	vshrl.u32 @!p1 v5, $0x3  }
0x290: {  	v6 =	vmul.u32 @!p1 $0x30, v6  }
0x291: {  	v7 =	vlaneseq.u32 @!p1;
	v5 =	vand.u32 @!p1 $0x7, v5  }
0x292: {  	v8 =	vshrl.u32 @!p1 v7, $0x3;
	v5 =	vor.u32 @!p1 v5, v6;
	v6 =	vand.u32 @!p1 $0x7, v7  }
0x293: {  	v8 =	vmul.u32 @!p1 $0x8, v8;
	v6 =	vperm.xlane @!p1 v5, v6;
	_ =	sdelay $0x1  }
0x294: {  	v6 =	vadd.s32 @!p1 v8, v6;
	_ =	sdelay $0x2  }
0x295: {  	v7 =	vor.u32 @!p1 $0x8, v7  }
0x296: {  	vm2 =	vmmov @!p1 $0xffff;
	s3 =	simm.s32 @!p1 $0x16100;
	s2 =	simm.s32 @!p1 $0x0;
	v5 =	vperm.xlane @!p1 v5, v7  }
0x297: {  	[hbm4b:s4+s2] =	stream.indirect_vreg.scatter @!p1 [tilespmem:s3], [sflag:$0xA], $0x80, v6, vm2, $0xb8;
	[tilespmem:$0x1F100] =	vst v63  }
0x298: {  	v5 =	vadd.s32 @!p1 v8, v5;
	s3 =	simm.s32 @!p1 $0x16900  }
0x299: {  	[hbm4b:s8+s2] =	stream.indirect_vreg.scatter @!p1 [tilespmem:s3], [sflag:$0xA], $0x80, v6, vm2, $0xb8;
	[tilespmem:$0x1F100] =	vst v63  }
0x29a: {  	s3 =	simm.s32 @!p1 $0x17100  }
0x29b: {  	[hbm4b:s9+s2] =	stream.indirect_vreg.scatter @!p1 [tilespmem:s3], [sflag:$0xA], $0x80, v6, vm2, $0xb8;
	[tilespmem:$0x1F100] =	vst v63  }
0x29c: {  	s3 =	simm.s32 @!p1 $0x17900  }
0x29d: {  	[hbm4b:s4+s2] =	stream.indirect_vreg.scatter @!p1 [tilespmem:s3], [sflag:$0xA], $0x80, v5, vm2, $0xb8;
	[tilespmem:$0x1F100] =	vst v63  }
0x29e: {  	s3 =	simm.s32 @!p1 $0x18100  }
0x29f: {  	[hbm4b:s8+s2] =	stream.indirect_vreg.scatter @!p1 [tilespmem:s3], [sflag:$0xA], $0x80, v5, vm2, $0xb8;
	[tilespmem:$0x1F100] =	vst v63  }
0x2a0: {  	s12 =	sadd.s32 $0x1, s23;
	s7 =	simm.s32 @!p1 $0x18900  }
0x2a1: {  	[hbm4b:s9+s2] =	stream.indirect_vreg.scatter @!p1 [tilespmem:s7], [sflag:$0xA], $0x80, v5, vm2, $0xb8;
	[tilespmem:$0x1F100] =	vst v63  }
0x2a2: {  	p1 =	sge.s32 s12, s21  }
0x2a3: {  	p3 =	seq.s32 @!p1 s23, $0x0  }
0x2a4: {  	p3 =	por p3, p1  }
0x2a5: {  	s2 =	simm.s32 @!p3 $0x8  }
0x2a6: {  	_ =	swait.ge @!p3 [sflag:s2], $0x3000  }
0x2a7: {  	[sflag:s2] =	ssyncset.done @!p3 $0x0  }
0x2a8: {  	[sflag:s2] =	ssyncadd.s32 @!p3 $0xFFFFD000  }
0x2a9: {  	v5 =	vld @!p1 [tilespmem:s24+$0x0];
	_ =	sdelay $0x4  }
0x2aa: {  	v6 =	vshrl.u32 @!p1 v5, $0x3  }
0x2ab: {  	v6 =	vmul.u32 @!p1 $0x30, v6  }
0x2ac: {  	v7 =	vlaneseq.u32 @!p1;
	v5 =	vand.u32 @!p1 $0x7, v5  }
0x2ad: {  	v8 =	vor.u32 @!p1 v5, v6;
	v6 =	vand.u32 @!p1 $0x7, v7;
	v5 =	vshrl.u32 @!p1 v7, $0x3  }
0x2ae: {  	v9 =	vperm.xlane @!p1 v8, v6;
	v5 =	vmul.u32 @!p1 $0x8, v5;
	_ =	sdelay $0x1  }
0x2af: {  	v9 =	vadd.s32 @!p1 v5, v9;
	_ =	sdelay $0x2  }
0x2b0: {  	v7 =	vor.u32 @!p1 $0x8, v7  }
0x2b1: {  	vm2 =	vmmov @!p1 $0xffff;
	s3 =	simm.s32 @!p1 $0x10100;
	s2 =	simm.s32 @!p1 $0x0;
	v8 =	vperm.xlane @!p1 v8, v7  }
0x2b2: {  	[tilespmem:s3], [sflag:$0x2] =	stream.indirect_vreg.gather @!p1 [hbm4b:s0+s2], $0x80, v9, vm2, $0xb8;
	[tilespmem:$0x1F100] =	vst v63  }
0x2b3: {  	s14 =	simm.s32 @!p1 $0x10900;
	v8 =	vadd.s32 @!p1 v5, v8  }
0x2b4: {  	[tilespmem:s14], [sflag:$0x2] =	stream.indirect_vreg.gather @!p1 [hbm4b:s10+s2], $0x80, v9, vm2, $0xb8;
	[tilespmem:$0x1F100] =	vst v63  }
0x2b5: {  	s5 =	sadd.s32 $0xFFFFFFFE, s23;
	s18 =	simm.s32 @!p1 $0x11100  }
0x2b6: {  	[tilespmem:s18], [sflag:$0x2] =	stream.indirect_vreg.gather @!p1 [hbm4b:s11+s2], $0x80, v9, vm2, $0xb8;
	[tilespmem:$0x1F100] =	vst v63  }
0x2b7: {  	s17 =	simm.s32 @!p1 $0x11900;
	p3 =	sge.s32 @!p2 s5, s21  }
0x2b8: {  	[tilespmem:s17], [sflag:$0x2] =	stream.indirect_vreg.gather @!p1 [hbm4b:s0+s2], $0x80, v8, vm2, $0xb8;
	[tilespmem:$0x1F100] =	vst v63  }
0x2b9: {  	s7 =	simm.s32 @!p1 $0x12100;
	p3 =	por p3, p2  }
0x2ba: {  	[tilespmem:s7], [sflag:$0x2] =	stream.indirect_vreg.gather @!p1 [hbm4b:s10+s2], $0x80, v8, vm2, $0xb8;
	[tilespmem:$0x1F100] =	vst v63  }
0x2bb: {  	s12 =	simm.s32 @!p1 $0x12900;
	s5 =	simm.s32 @!p3 $0x5  }
0x2bc: {  	[tilespmem:s12], [sflag:$0x2] =	stream.indirect_vreg.gather @!p1 [hbm4b:s11+s2], $0x80, v8, vm2, $0xb8;
	[tilespmem:$0x1F100] =	vst v63  }
0x2bd: {  	_ =	swait.ge @!p3 [sflag:s5], $0x3000  }
0x2be: {  	[sflag:s5] =	ssyncset.done @!p3 $0x0  }
0x2bf: {  	[sflag:s5] =	ssyncadd.s32 @!p3 $0xFFFFD000  }
0x2c0: {  	v8 =	vld @!p3 [tilespmem:s24+$0xFFFFFE80];
	_ =	sdelay $0x4  }
0x2c1: {  	v9 =	vshrl.u32 @!p3 v8, $0x3  }
0x2c2: {  	v9 =	vmul.u32 @!p3 $0x30, v9  }
0x2c3: {  	v10 =	vlaneseq.u32 @!p3;
	v8 =	vand.u32 @!p3 $0x7, v8  }
0x2c4: {  	v11 =	vshrl.u32 @!p3 v10, $0x3;
	v8 =	vor.u32 @!p3 v8, v9;
	v9 =	vand.u32 @!p3 $0x7, v10  }
0x2c5: {  	v11 =	vmul.u32 @!p3 $0x8, v11;
	v9 =	vperm.xlane @!p3 v8, v9;
	_ =	sdelay $0x1  }
0x2c6: {  	v9 =	vadd.s32 @!p3 v11, v9;
	_ =	sdelay $0x2  }
0x2c7: {  	v10 =	vor.u32 @!p3 $0x8, v10  }
0x2c8: {  	vm3 =	vmmov @!p3 $0xffff;
	s13 =	simm.s32 @!p3 $0x19100;
	s5 =	simm.s32 @!p3 $0x0;
	v8 =	vperm.xlane @!p3 v8, v10  }
0x2c9: {  	[hbm4b:s4+s5] =	stream.indirect_vreg.scatter @!p3 [tilespmem:s13], [sflag:$0xB], $0x80, v9, vm3, $0xb8;
	[tilespmem:$0x1F100] =	vst v63  }
0x2ca: {  	v8 =	vadd.s32 @!p3 v11, v8;
	s13 =	simm.s32 @!p3 $0x19900  }
0x2cb: {  	[hbm4b:s8+s5] =	stream.indirect_vreg.scatter @!p3 [tilespmem:s13], [sflag:$0xB], $0x80, v9, vm3, $0xb8;
	[tilespmem:$0x1F100] =	vst v63  }
0x2cc: {  	s13 =	simm.s32 @!p3 $0x1A100  }
0x2cd: {  	[hbm4b:s9+s5] =	stream.indirect_vreg.scatter @!p3 [tilespmem:s13], [sflag:$0xB], $0x80, v9, vm3, $0xb8;
	[tilespmem:$0x1F100] =	vst v63  }
0x2ce: {  	s13 =	simm.s32 @!p3 $0x1A900  }
0x2cf: {  	[hbm4b:s4+s5] =	stream.indirect_vreg.scatter @!p3 [tilespmem:s13], [sflag:$0xB], $0x80, v8, vm3, $0xb8;
	[tilespmem:$0x1F100] =	vst v63  }
0x2d0: {  	s13 =	simm.s32 @!p3 $0x1B100  }
0x2d1: {  	[hbm4b:s8+s5] =	stream.indirect_vreg.scatter @!p3 [tilespmem:s13], [sflag:$0xB], $0x80, v8, vm3, $0xb8;
	[tilespmem:$0x1F100] =	vst v63  }
0x2d2: {  	s13 =	simm.s32 @!p3 $0x1B900  }
0x2d3: {  	[hbm4b:s9+s5] =	stream.indirect_vreg.scatter @!p3 [tilespmem:s13], [sflag:$0xB], $0x80, v8, vm3, $0xb8;
	[tilespmem:$0x1F100] =	vst v63  }
0x2d4: {  	s13 =	sadd.s32 $0x2, s23  }
0x2d5: {  	p3 =	sge.s32 s13, s21  }
0x2d6: {  	p4 =	seq.s32 @!p3 s23, $0x0  }
0x2d7: {  	p4 =	por p4, p3  }
0x2d8: {  	s5 =	simm.s32 @!p4 $0x9  }
0x2d9: {  	_ =	swait.ge @!p4 [sflag:s5], $0x3000  }
0x2da: {  	[sflag:s5] =	ssyncset.done @!p4 $0x0  }
0x2db: {  	[sflag:s5] =	ssyncadd.s32 @!p4 $0xFFFFD000  }
0x2dc: {  	v8 =	vld @!p3 [tilespmem:s24+$0x80];
	_ =	sdelay $0x4  }
0x2dd: {  	v9 =	vshrl.u32 @!p3 v8, $0x3  }
0x2de: {  	v9 =	vmul.u32 @!p3 $0x30, v9  }
0x2df: {  	v10 =	vlaneseq.u32 @!p3;
	v8 =	vand.u32 @!p3 $0x7, v8  }
0x2e0: {  	v11 =	vshrl.u32 @!p3 v10, $0x3;
	v8 =	vor.u32 @!p3 v8, v9;
	v9 =	vand.u32 @!p3 $0x7, v10  }
0x2e1: {  	v11 =	vmul.u32 @!p3 $0x8, v11;
	v9 =	vperm.xlane @!p3 v8, v9;
	_ =	sdelay $0x1  }
0x2e2: {  	v9 =	vadd.s32 @!p3 v11, v9;
	_ =	sdelay $0x2  }
0x2e3: {  	v10 =	vor.u32 @!p3 $0x8, v10  }
0x2e4: {  	vm3 =	vmmov @!p3 $0xffff;
	s13 =	simm.s32 @!p3 $0x13100;
	s5 =	simm.s32 @!p3 $0x0;
	v8 =	vperm.xlane @!p3 v8, v10  }
0x2e5: {  	[tilespmem:s13], [sflag:$0x3] =	stream.indirect_vreg.gather @!p3 [hbm4b:s0+s5], $0x80, v9, vm3, $0xb8;
	[tilespmem:$0x1F100] =	vst v63  }
0x2e6: {  	v8 =	vadd.s32 @!p3 v11, v8;
	s13 =	simm.s32 @!p3 $0x13900  }
0x2e7: {  	[tilespmem:s13], [sflag:$0x3] =	stream.indirect_vreg.gather @!p3 [hbm4b:s10+s5], $0x80, v9, vm3, $0xb8;
	[tilespmem:$0x1F100] =	vst v63  }
0x2e8: {  	s13 =	simm.s32 @!p3 $0x14100  }
0x2e9: {  	[tilespmem:s13], [sflag:$0x3] =	stream.indirect_vreg.gather @!p3 [hbm4b:s11+s5], $0x80, v9, vm3, $0xb8;
	[tilespmem:$0x1F100] =	vst v63  }
0x2ea: {  	s13 =	simm.s32 @!p3 $0x14900  }
0x2eb: {  	[tilespmem:s13], [sflag:$0x3] =	stream.indirect_vreg.gather @!p3 [hbm4b:s0+s5], $0x80, v8, vm3, $0xb8;
	[tilespmem:$0x1F100] =	vst v63  }
0x2ec: {  	s13 =	simm.s32 @!p3 $0x15100  }
0x2ed: {  	[tilespmem:s13], [sflag:$0x3] =	stream.indirect_vreg.gather @!p3 [hbm4b:s10+s5], $0x80, v8, vm3, $0xb8;
	[tilespmem:$0x1F100] =	vst v63  }
0x2ee: {  	s13 =	simm.s32 @!p3 $0x15900  }
0x2ef: {  	[tilespmem:s13], [sflag:$0x3] =	stream.indirect_vreg.gather @!p3 [hbm4b:s11+s5], $0x80, v8, vm3, $0xb8;
	[tilespmem:$0x1F100] =	vst v63  }
0x2f0: {  	p3 =	sgt.s32 @!p2 s23, s21  }
0x2f1: {  	p2 =	por p3, p2  }
0x2f2: {  	s5 =	simm.s32 @!p2 $0x6  }
0x2f3: {  	_ =	swait.ge @!p2 [sflag:s5], $0x3000  }
0x2f4: {  	[sflag:s5] =	ssyncset.done @!p2 $0x0  }
0x2f5: {  	[sflag:s5] =	ssyncadd.s32 @!p2 $0xFFFFD000  }
0x2f6: {  	v8 =	vld @!p2 [tilespmem:s24+$0xFFFFFF00];
	_ =	sdelay $0x4  }
0x2f7: {  	v9 =	vshrl.u32 @!p2 v8, $0x3  }
0x2f8: {  	v9 =	vmul.u32 @!p2 $0x30, v9  }
0x2f9: {  	v10 =	vlaneseq.u32 @!p2;
	v8 =	vand.u32 @!p2 $0x7, v8  }
0x2fa: {  	v11 =	vshrl.u32 @!p2 v10, $0x3;
	v8 =	vor.u32 @!p2 v8, v9;
	v9 =	vand.u32 @!p2 $0x7, v10  }
0x2fb: {  	v11 =	vmul.u32 @!p2 $0x8, v11;
	v9 =	vperm.xlane @!p2 v8, v9;
	_ =	sdelay $0x1  }
0x2fc: {  	v9 =	vadd.s32 @!p2 v11, v9;
	_ =	sdelay $0x2  }
0x2fd: {  	v10 =	vor.u32 @!p2 $0x8, v10  }
0x2fe: {  	vm3 =	vmmov @!p2 $0xffff;
	s13 =	simm.s32 @!p2 $0x1C100;
	s5 =	simm.s32 @!p2 $0x0;
	v8 =	vperm.xlane @!p2 v8, v10  }
0x2ff: {  	[hbm4b:s4+s5] =	stream.indirect_vreg.scatter @!p2 [tilespmem:s13], [sflag:$0xC], $0x80, v9, vm3, $0xb8;
	[tilespmem:$0x1F100] =	vst v63  }
0x300: {  	v8 =	vadd.s32 @!p2 v11, v8;
	s13 =	simm.s32 @!p2 $0x1C900  }
0x301: {  	[hbm4b:s8+s5] =	stream.indirect_vreg.scatter @!p2 [tilespmem:s13], [sflag:$0xC], $0x80, v9, vm3, $0xb8;
	[tilespmem:$0x1F100] =	vst v63  }
0x302: {  	s13 =	simm.s32 @!p2 $0x1D100  }
0x303: {  	[hbm4b:s9+s5] =	stream.indirect_vreg.scatter @!p2 [tilespmem:s13], [sflag:$0xC], $0x80, v9, vm3, $0xb8;
	[tilespmem:$0x1F100] =	vst v63  }
0x304: {  	s13 =	simm.s32 @!p2 $0x1D900  }
0x305: {  	[hbm4b:s4+s5] =	stream.indirect_vreg.scatter @!p2 [tilespmem:s13], [sflag:$0xC], $0x80, v8, vm3, $0xb8;
	[tilespmem:$0x1F100] =	vst v63  }
0x306: {  	s13 =	simm.s32 @!p2 $0x1E100  }
0x307: {  	[hbm4b:s8+s5] =	stream.indirect_vreg.scatter @!p2 [tilespmem:s13], [sflag:$0xC], $0x80, v8, vm3, $0xb8;
	[tilespmem:$0x1F100] =	vst v63  }
0x308: {  	s13 =	simm.s32 @!p2 $0x1E900  }
0x309: {  	[hbm4b:s9+s5] =	stream.indirect_vreg.scatter @!p2 [tilespmem:s13], [sflag:$0xC], $0x80, v8, vm3, $0xb8;
	[tilespmem:$0x1F100] =	vst v63  }
0x30a: {  	s13 =	sadd.s32 $0x3, s23  }
0x30b: {  	p2 =	sge.s32 s13, s21  }
0x30c: {  	p3 =	seq.s32 @!p2 s23, $0x0  }
0x30d: {  	p3 =	por p3, p2  }
0x30e: {  	s5 =	simm.s32 @!p3 $0xA  }
0x30f: {  	_ =	swait.ge @!p3 [sflag:s5], $0x3000  }
0x310: {  	[sflag:s5] =	ssyncset.done @!p3 $0x0  }
0x311: {  	[sflag:s5] =	ssyncadd.s32 @!p3 $0xFFFFD000  }
0x312: {  	v8 =	vld @!p2 [tilespmem:s24+$0x100];
	_ =	sdelay $0x4  }
0x313: {  	v9 =	vshrl.u32 @!p2 v8, $0x3  }
0x314: {  	v9 =	vmul.u32 @!p2 $0x30, v9  }
0x315: {  	v10 =	vlaneseq.u32 @!p2;
	v8 =	vand.u32 @!p2 $0x7, v8  }
0x316: {  	v11 =	vshrl.u32 @!p2 v10, $0x3;
	v8 =	vor.u32 @!p2 v8, v9;
	v9 =	vand.u32 @!p2 $0x7, v10  }
0x317: {  	v11 =	vmul.u32 @!p2 $0x8, v11;
	v9 =	vperm.xlane @!p2 v8, v9;
	_ =	sdelay $0x1  }
0x318: {  	v9 =	vadd.s32 @!p2 v11, v9;
	_ =	sdelay $0x2  }
0x319: {  	v10 =	vor.u32 @!p2 $0x8, v10  }
0x31a: {  	vm3 =	vmmov @!p2 $0xffff;
	s13 =	simm.s32 @!p2 $0x16100;
	s5 =	simm.s32 @!p2 $0x0;
	v8 =	vperm.xlane @!p2 v8, v10  }
0x31b: {  	[tilespmem:s13], [sflag:$0x4] =	stream.indirect_vreg.gather @!p2 [hbm4b:s0+s5], $0x80, v9, vm3, $0xb8;
	[tilespmem:$0x1F100] =	vst v63  }
0x31c: {  	v8 =	vadd.s32 @!p2 v11, v8;
	s13 =	simm.s32 @!p2 $0x16900  }
0x31d: {  	[tilespmem:s13], [sflag:$0x4] =	stream.indirect_vreg.gather @!p2 [hbm4b:s10+s5], $0x80, v9, vm3, $0xb8;
	[tilespmem:$0x1F100] =	vst v63  }
0x31e: {  	s13 =	simm.s32 @!p2 $0x17100  }
0x31f: {  	[tilespmem:s13], [sflag:$0x4] =	stream.indirect_vreg.gather @!p2 [hbm4b:s11+s5], $0x80, v9, vm3, $0xb8;
	[tilespmem:$0x1F100] =	vst v63  }
0x320: {  	s13 =	simm.s32 @!p2 $0x17900  }
0x321: {  	[tilespmem:s13], [sflag:$0x4] =	stream.indirect_vreg.gather @!p2 [hbm4b:s0+s5], $0x80, v8, vm3, $0xb8;
	[tilespmem:$0x1F100] =	vst v63  }
0x322: {  	s13 =	simm.s32 @!p2 $0x18100  }
0x323: {  	[tilespmem:s13], [sflag:$0x4] =	stream.indirect_vreg.gather @!p2 [hbm4b:s10+s5], $0x80, v8, vm3, $0xb8;
	[tilespmem:$0x1F100] =	vst v63  }
0x324: {  	s13 =	simm.s32 @!p2 $0x18900  }
0x325: {  	[tilespmem:s13], [sflag:$0x4] =	stream.indirect_vreg.gather @!p2 [hbm4b:s11+s5], $0x80, v8, vm3, $0xb8;
	[tilespmem:$0x1F100] =	vst v63  }
0x326: {  	s5 =	simm.s32 @!p0 $0x1  }
0x327: {  	_ =	swait.ge @!p0 [sflag:s5], $0x3000  }
0x328: {  	[sflag:s5] =	ssyncset.done @!p0 $0x0  }
0x329: {  	[sflag:s5] =	ssyncadd.s32 @!p0 $0xFFFFD000  }
0x32a: {  	v8 =	vld @!p0 [tilespmem:s24+$0xFFFFFF80];
	_ =	sdelay $0x4  }
0x32b: {  	v9 =	vshrl.u32 @!p0 v8, $0x3  }
0x32c: {  	v9 =	vmul.u32 @!p0 $0x30, v9  }
0x32d: {  	v8 =	vand.u32 @!p0 $0x7, v8  }
0x32e: {  	v8 =	vor.u32 @!p0 v8, v9  }
0x32f: {  	v3 =	vperm.xlane @!p0 v8, v3;
	_ =	sdelay $0x1  }
0x330: {  	v3 =	vadd.s32 @!p0 v2, v3;
	_ =	sdelay $0x3  }
0x331: {  	v4 =	vperm.xlane @!p0 v8, v4  }
0x332: {  	[hbm4b:s4+s25] =	stream.indirect_vreg.scatter @!p0 [tilespmem:s26], [sflag:$0x7], $0x80, v3, vm1, $0xb8;
	[tilespmem:$0x1F100] =	vst v63  }
0x333: {  	v2 =	vadd.s32 @!p0 v2, v4  }
0x334: {  	[hbm4b:s8+s25] =	stream.indirect_vreg.scatter @!p0 [tilespmem:s28], [sflag:$0x7], $0x80, v3, vm1, $0xb8;
	[tilespmem:$0x1F100] =	vst v63  }
0x335: {  	_ = 	snop  }
0x336: {  	[hbm4b:s9+s25] =	stream.indirect_vreg.scatter @!p0 [tilespmem:s29], [sflag:$0x7], $0x80, v3, vm1, $0xb8;
	[tilespmem:$0x1F100] =	vst v63  }
0x337: {  	_ = 	snop  }
0x338: {  	[hbm4b:s4+s25] =	stream.indirect_vreg.scatter @!p0 [tilespmem:s30], [sflag:$0x7], $0x80, v2, vm1, $0xb8;
	[tilespmem:$0x1F100] =	vst v63  }
0x339: {  	_ = 	snop  }
0x33a: {  	[hbm4b:s8+s25] =	stream.indirect_vreg.scatter @!p0 [tilespmem:s31], [sflag:$0x7], $0x80, v2, vm1, $0xb8;
	[tilespmem:$0x1F100] =	vst v63  }
0x33b: {  	s30 =	sadd.s32 $0x4, s23  }
0x33c: {  	[hbm4b:s9+s25] =	stream.indirect_vreg.scatter @!p0 [tilespmem:s1], [sflag:$0x7], $0x80, v2, vm1, $0xb8;
	[tilespmem:$0x1F100] =	vst v63  }
0x33d: {  	p0 =	sge.s32 s30, s21  }
0x33e: {  	p2 =	seq.s32 @!p0 s23, $0x0  }
0x33f: {  	p2 =	por p2, p0  }
0x340: {  	s1 =	simm.s32 @!p2 $0xB  }
0x341: {  	_ =	swait.ge @!p2 [sflag:s1], $0x3000  }
0x342: {  	[sflag:s1] =	ssyncset.done @!p2 $0x0  }
0x343: {  	[sflag:s1] =	ssyncadd.s32 @!p2 $0xFFFFD000  }
0x344: {  	v2 =	vld @!p0 [tilespmem:s24+$0x180];
	_ =	sdelay $0x4  }
0x345: {  	v3 =	vshrl.u32 @!p0 v2, $0x3  }
0x346: {  	v3 =	vmul.u32 @!p0 $0x30, v3  }
0x347: {  	v4 =	vlaneseq.u32 @!p0;
	v2 =	vand.u32 @!p0 $0x7, v2  }
0x348: {  	v8 =	vshrl.u32 @!p0 v4, $0x3;
	v2 =	vor.u32 @!p0 v2, v3;
	v3 =	vand.u32 @!p0 $0x7, v4  }
0x349: {  	v8 =	vmul.u32 @!p0 $0x8, v8;
	v3 =	vperm.xlane @!p0 v2, v3;
	_ =	sdelay $0x1  }
0x34a: {  	v3 =	vadd.s32 @!p0 v8, v3;
	_ =	sdelay $0x2  }
0x34b: {  	v4 =	vor.u32 @!p0 $0x8, v4  }
0x34c: {  	vm1 =	vmmov @!p0 $0xffff;
	s5 =	simm.s32 @!p0 $0x19100;
	s1 =	simm.s32 @!p0 $0x0;
	v2 =	vperm.xlane @!p0 v2, v4  }
0x34d: {  	[tilespmem:s5], [sflag:$0x5] =	stream.indirect_vreg.gather @!p0 [hbm4b:s0+s1], $0x80, v3, vm1, $0xb8;
	[tilespmem:$0x1F100] =	vst v63  }
0x34e: {  	v2 =	vadd.s32 @!p0 v8, v2;
	s5 =	simm.s32 @!p0 $0x19900  }
0x34f: {  	[tilespmem:s5], [sflag:$0x5] =	stream.indirect_vreg.gather @!p0 [hbm4b:s10+s1], $0x80, v3, vm1, $0xb8;
	[tilespmem:$0x1F100] =	vst v63  }
0x350: {  	s5 =	simm.s32 @!p0 $0x1A100  }
0x351: {  	[tilespmem:s5], [sflag:$0x5] =	stream.indirect_vreg.gather @!p0 [hbm4b:s11+s1], $0x80, v3, vm1, $0xb8;
	[tilespmem:$0x1F100] =	vst v63  }
0x352: {  	s5 =	simm.s32 @!p0 $0x1A900  }
0x353: {  	[tilespmem:s5], [sflag:$0x5] =	stream.indirect_vreg.gather @!p0 [hbm4b:s0+s1], $0x80, v2, vm1, $0xb8;
	[tilespmem:$0x1F100] =	vst v63  }
0x354: {  	s5 =	simm.s32 @!p0 $0x1B100  }
0x355: {  	[tilespmem:s5], [sflag:$0x5] =	stream.indirect_vreg.gather @!p0 [hbm4b:s10+s1], $0x80, v2, vm1, $0xb8;
	[tilespmem:$0x1F100] =	vst v63  }
0x356: {  	s5 =	simm.s32 @!p0 $0x1B900  }
0x357: {  	[tilespmem:s5], [sflag:$0x5] =	stream.indirect_vreg.gather @!p0 [hbm4b:s11+s1], $0x80, v2, vm1, $0xb8;
	[tilespmem:$0x1F100] =	vst v63  }
0x358: {  	s1 =	simm.s32 @!p1 $0x2  }
0x359: {  	_ =	swait.ge @!p1 [sflag:s1], $0x3000  }
0x35a: {  	[sflag:s1] =	ssyncset.done @!p1 $0x0  }
0x35b: {  	[sflag:s1] =	ssyncadd.s32 @!p1 $0xFFFFD000  }
0x35c: {  	v2 =	vld @!p1 [tilespmem:s24+$0x0];
	_ =	sdelay $0x4  }
0x35d: {  	v3 =	vshrl.u32 @!p1 v2, $0x3  }
0x35e: {  	v3 =	vmul.u32 @!p1 $0x30, v3  }
0x35f: {  	v2 =	vand.u32 @!p1 $0x7, v2  }
0x360: {  	v2 =	vor.u32 @!p1 v2, v3  }
0x361: {  	v3 =	vperm.xlane @!p1 v2, v6;
	_ =	sdelay $0x1  }
0x362: {  	v3 =	vadd.s32 @!p1 v5, v3;
	_ =	sdelay $0x3  }
0x363: {  	v2 =	vperm.xlane @!p1 v2, v7  }
0x364: {  	[hbm4b:s4+s2] =	stream.indirect_vreg.scatter @!p1 [tilespmem:s3], [sflag:$0x8], $0x80, v3, vm2, $0xb8;
	[tilespmem:$0x1F100] =	vst v63  }
0x365: {  	v2 =	vadd.s32 @!p1 v5, v2  }
0x366: {  	[hbm4b:s8+s2] =	stream.indirect_vreg.scatter @!p1 [tilespmem:s14], [sflag:$0x8], $0x80, v3, vm2, $0xb8;
	[tilespmem:$0x1F100] =	vst v63  }
0x367: {  	_ = 	snop  }
0x368: {  	[hbm4b:s9+s2] =	stream.indirect_vreg.scatter @!p1 [tilespmem:s18], [sflag:$0x8], $0x80, v3, vm2, $0xb8;
	[tilespmem:$0x1F100] =	vst v63  }
0x369: {  	_ = 	snop  }
0x36a: {  	[hbm4b:s4+s2] =	stream.indirect_vreg.scatter @!p1 [tilespmem:s17], [sflag:$0x8], $0x80, v2, vm2, $0xb8;
	[tilespmem:$0x1F100] =	vst v63  }
0x36b: {  	s31 =	sadd.s32 $0x5, s23  }
0x36c: {  	[hbm4b:s8+s2] =	stream.indirect_vreg.scatter @!p1 [tilespmem:s7], [sflag:$0x8], $0x80, v2, vm2, $0xb8;
	[tilespmem:$0x1F100] =	vst v63  }
0x36d: {  	p0 =	sge.s32 s31, s21  }
0x36e: {  	[hbm4b:s9+s2] =	stream.indirect_vreg.scatter @!p1 [tilespmem:s12], [sflag:$0x8], $0x80, v2, vm2, $0xb8;
	[tilespmem:$0x1F100] =	vst v63  }
0x36f: {  	p1 =	seq.s32 @!p0 s23, $0x0  }
0x370: {  	p1 =	por p1, p0  }
0x371: {  	s1 =	simm.s32 @!p1 $0xC  }
0x372: {  	_ =	swait.ge @!p1 [sflag:s1], $0x3000  }
0x373: {  	[sflag:s1] =	ssyncset.done @!p1 $0x0  }
0x374: {  	[sflag:s1] =	ssyncadd.s32 @!p1 $0xFFFFD000  }
0x375: {  	v2 =	vld @!p0 [tilespmem:s24+$0x200];
	_ =	sdelay $0x4  }
0x376: {  	v3 =	vshrl.u32 @!p0 v2, $0x3  }
0x377: {  	v3 =	vmul.u32 @!p0 $0x30, v3  }
0x378: {  	v4 =	vlaneseq.u32 @!p0;
	v2 =	vand.u32 @!p0 $0x7, v2  }
0x379: {  	v5 =	vshrl.u32 @!p0 v4, $0x3;
	v2 =	vor.u32 @!p0 v2, v3;
	v3 =	vand.u32 @!p0 $0x7, v4  }
0x37a: {  	v5 =	vmul.u32 @!p0 $0x8, v5;
	v3 =	vperm.xlane @!p0 v2, v3;
	_ =	sdelay $0x1  }
0x37b: {  	v3 =	vadd.s32 @!p0 v5, v3;
	_ =	sdelay $0x2  }
0x37c: {  	v4 =	vor.u32 @!p0 $0x8, v4  }
0x37d: {  	vm1 =	vmmov @!p0 $0xffff;
	s2 =	simm.s32 @!p0 $0x1C100;
	s1 =	simm.s32 @!p0 $0x0;
	v2 =	vperm.xlane @!p0 v2, v4  }
0x37e: {  	[tilespmem:s2], [sflag:$0x6] =	stream.indirect_vreg.gather @!p0 [hbm4b:s0+s1], $0x80, v3, vm1, $0xb8;
	[tilespmem:$0x1F100] =	vst v63  }
0x37f: {  	v2 =	vadd.s32 @!p0 v5, v2;
	s2 =	simm.s32 @!p0 $0x1C900  }
0x380: {  	[tilespmem:s2], [sflag:$0x6] =	stream.indirect_vreg.gather @!p0 [hbm4b:s10+s1], $0x80, v3, vm1, $0xb8;
	[tilespmem:$0x1F100] =	vst v63  }
0x381: {  	s2 =	simm.s32 @!p0 $0x1D100  }
0x382: {  	[tilespmem:s2], [sflag:$0x6] =	stream.indirect_vreg.gather @!p0 [hbm4b:s11+s1], $0x80, v3, vm1, $0xb8;
	[tilespmem:$0x1F100] =	vst v63  }
0x383: {  	s2 =	simm.s32 @!p0 $0x1D900  }
0x384: {  	[tilespmem:s2], [sflag:$0x6] =	stream.indirect_vreg.gather @!p0 [hbm4b:s0+s1], $0x80, v2, vm1, $0xb8;
	[tilespmem:$0x1F100] =	vst v63  }
0x385: {  	s2 =	simm.s32 @!p0 $0x1E100  }
0x386: {  	[tilespmem:s2], [sflag:$0x6] =	stream.indirect_vreg.gather @!p0 [hbm4b:s10+s1], $0x80, v2, vm1, $0xb8;
	[tilespmem:$0x1F100] =	vst v63  }
0x387: {  	s22 =	sadd.s32 $0xFFFFFFFF, s22;
	s2 =	simm.s32 @!p0 $0x1E900  }
0x388: {  	[tilespmem:s2], [sflag:$0x6] =	stream.indirect_vreg.gather @!p0 [hbm4b:s11+s1], $0x80, v2, vm1, $0xb8;
	[tilespmem:$0x1F100] =	vst v63  }
0x389: {  	p0 =	sne.s32 s22, $0x0  }
.Ltmp7:
0x38a: {  	_ = 	snop;
	(pc) =	sbr.rel @p0 .LBB2_10-.Ltmp7, $2  }
0x38b: {  	_ =	sdelay $0x2  }
0x38c: {  	s23 =	sadd.s32 $0x6, s23;
	s24 =	sadd.s32 $0x300, s24  }
.LBB2_11:
0x38d: {  	p0 =	slt.s32 s21, $0x1  }
.Ltmp8:
0x38e: {  	_ = 	snop;
	(pc) =	sbr.rel @p0 .LBB2_13-.Ltmp8, $1  }
0x38f: {  	_ =	sdelay $0x3  }
0x390: {  	p0 =	seq.s32 s21, $0x1  }
0x391: {  	p1 =	slt.u32 @!p0 s21, $0x3  }
0x392: {  	s1 =	simm.s32 $0x7;
	p2 =	por p1, p0  }
0x393: {  	_ =	swait.ge [sflag:s1], $0x3000;
	p3 =	seq.s32 @!p2 s21, $0x3  }
0x394: {  	[sflag:s1] =	ssyncset.done $0x0;
	s2 =	simm.s32 @!p3 $0x0;
	p4 =	por @!p0 p3, p1  }
0x395: {  	[sflag:s1] =	ssyncadd.s32 $0xFFFFD000;
	s2 =	simm.s32 @p3 $0x1;
	p4 =	por p4, p0  }
0x396: {  	s1 =	simm.s32 @!p0 $0x8;
	[smem:$0x7FD] =	sst s2;
	p5 =	slt.u32 @!p4 s21, $0x5  }
0x397: {  	_ =	swait.ge @!p0 [sflag:s1], $0x3000;
	s2 =	simm.s32 @!p5 $0x0  }
0x398: {  	[sflag:s1] =	ssyncset.done @!p0 $0x0;
	s2 =	simm.s32 @p5 $0x1  }
0x399: {  	[sflag:s1] =	ssyncadd.s32 @!p0 $0xFFFFD000;
	s1 =	simm.s32 @!p2 $0x9;
	[smem:$0x7FC] =	sst s2  }
0x39a: {  	_ =	swait.ge @!p2 [sflag:s1], $0x3000  }
0x39b: {  	[sflag:s1] =	ssyncset.done @!p2 $0x0  }
0x39c: {  	[sflag:s1] =	ssyncadd.s32 @!p2 $0xFFFFD000;
	s1 =	simm.s32 @!p4 $0xA  }
0x39d: {  	_ =	swait.ge @!p4 [sflag:s1], $0x3000  }
0x39e: {  	p6 =	por @!p2 p5, p3;
	s30 =	sld [smem:$0x7FC]  }
0x39f: {  	p6 =	por @!p0 p6, p1;
	s31 =	sld [smem:$0x7FD]  }
0x3a0: {  	p6 =	por p6, p0  }
0x3a1: {  	p5 =	seq.s32 @!p6 s21, $0x5;
	p3 =	seq.s32 s30, $0x1  }
0x3a2: {  	[sflag:s1] =	ssyncset.done @!p4 $0x0;
	p5 =	por @!p4 p5, p3;
	p3 =	seq.s32 s31, $0x1  }
0x3a3: {  	[sflag:s1] =	ssyncadd.s32 @!p4 $0xFFFFD000;
	s1 =	simm.s32 @!p6 $0xB;
	p2 =	por @!p2 p5, p3  }
0x3a4: {  	_ =	swait.ge @!p6 [sflag:s1], $0x3000;
	p1 =	por @!p0 p2, p1  }
0x3a5: {  	[sflag:s1] =	ssyncset.done @!p6 $0x0;
	p0 =	por p1, p0  }
0x3a6: {  	[sflag:s1] =	ssyncadd.s32 @!p6 $0xFFFFD000;
	s1 =	simm.s32 @!p0 $0xC  }
0x3a7: {  	_ =	swait.ge @!p0 [sflag:s1], $0x3000  }
0x3a8: {  	[sflag:s1] =	ssyncset.done @!p0 $0x0  }
0x3a9: {  	[sflag:s1] =	ssyncadd.s32 @!p0 $0xFFFFD000  }
.LBB2_13:
0x3aa: {  	p0 =	slt.s32 s20, $0x1  }
0x3ab: {  	s1 =	simm.s32 @!p0 $0xD  }
0x3ac: {  	p1 =	seq.s32 @!p0 s20, $0x1;
	_ =	swait.ge @!p0 [sflag:s1], $0x3000  }
0x3ad: {  	p1 =	por p0, p1;
	[sflag:s1] =	ssyncset.done @!p0 $0x0  }
0x3ae: {  	[sflag:s1] =	ssyncadd.s32 @!p0 $0xFFFFD000;
	s1 =	simm.s32 @!p1 $0xE  }
0x3af: {  	p0 =	slt.u32 @!p1 s20, $0x3;
	_ =	swait.ge @!p1 [sflag:s1], $0x3000  }
0x3b0: {  	p0 =	por p1, p0;
	[sflag:s1] =	ssyncset.done @!p1 $0x0  }
0x3b1: {  	[sflag:s1] =	ssyncadd.s32 @!p1 $0xFFFFD000;
	s1 =	simm.s32 @!p0 $0xF  }
0x3b2: {  	p1 =	seq.s32 @!p0 s20, $0x3;
	_ =	swait.ge @!p0 [sflag:s1], $0x3000  }
0x3b3: {  	p1 =	por p0, p1;
	[sflag:s1] =	ssyncset.done @!p0 $0x0  }
0x3b4: {  	[sflag:s1] =	ssyncadd.s32 @!p0 $0xFFFFD000;
	s1 =	simm.s32 @!p1 $0x10  }
0x3b5: {  	p0 =	slt.u32 @!p1 s20, $0x5;
	_ =	swait.ge @!p1 [sflag:s1], $0x3000  }
0x3b6: {  	p0 =	por p1, p0;
	[sflag:s1] =	ssyncset.done @!p1 $0x0  }
0x3b7: {  	[sflag:s1] =	ssyncadd.s32 @!p1 $0xFFFFD000;
	s1 =	simm.s32 @!p0 $0x11  }
0x3b8: {  	p1 =	seq.s32 @!p0 s20, $0x5;
	_ =	swait.ge @!p0 [sflag:s1], $0x3000  }
0x3b9: {  	p1 =	por p0, p1;
	[sflag:s1] =	ssyncset.done @!p0 $0x0  }
0x3ba: {  	[sflag:s1] =	ssyncadd.s32 @!p0 $0xFFFFD000;
	s1 =	simm.s32 @!p1 $0x12  }
0x3bb: {  	p0 =	slt.u32 @!p1 s20, $0x7;
	_ =	swait.ge @!p1 [sflag:s1], $0x3000  }
0x3bc: {  	p0 =	por p1, p0;
	[sflag:s1] =	ssyncset.done @!p1 $0x0  }
0x3bd: {  	[sflag:s1] =	ssyncadd.s32 @!p1 $0xFFFFD000;
	s1 =	simm.s32 @!p0 $0x13  }
0x3be: {  	p1 =	seq.s32 @!p0 s20, $0x7;
	_ =	swait.ge @!p0 [sflag:s1], $0x3000  }
0x3bf: {  	p1 =	por p0, p1;
	[sflag:s1] =	ssyncset.done @!p0 $0x0  }
0x3c0: {  	[sflag:s1] =	ssyncadd.s32 @!p0 $0xFFFFD000;
	s1 =	simm.s32 @!p1 $0x14  }
0x3c1: {  	p0 =	slt.u32 @!p1 s20, $0x9;
	_ =	swait.ge @!p1 [sflag:s1], $0x3000  }
0x3c2: {  	p0 =	por p1, p0;
	[sflag:s1] =	ssyncset.done @!p1 $0x0  }
0x3c3: {  	[sflag:s1] =	ssyncadd.s32 @!p1 $0xFFFFD000;
	s1 =	simm.s32 @!p0 $0x15  }
0x3c4: {  	p1 =	seq.s32 @!p0 s20, $0x9;
	_ =	swait.ge @!p0 [sflag:s1], $0x3000  }
0x3c5: {  	p1 =	por p0, p1;
	[sflag:s1] =	ssyncset.done @!p0 $0x0  }
0x3c6: {  	[sflag:s1] =	ssyncadd.s32 @!p0 $0xFFFFD000;
	p0 =	slt.u32 @!p1 s20, $0xB  }
0x3c7: {  	p0 =	por p1, p0  }
.Ltmp9:
0x3c8: {  	_ = 	snop;
	(pc) =	sbr.rel @p0 .LBB2_15-.Ltmp9, $4  }
0x3c9: {  	s1 =	simm.s32 @!p1 $0x16  }
0x3ca: {  	_ =	swait.ge @!p1 [sflag:s1], $0x3000  }
0x3cb: {  	[sflag:s1] =	ssyncset.done @!p1 $0x0  }
0x3cc: {  	[sflag:s1] =	ssyncadd.s32 @!p1 $0xFFFFD000  }
0x3cd: {  	p0 =	seq.s32 s20, $0xB  }
0x3ce: {  	p1 =	slt.u32 @!p0 s20, $0xD  }
0x3cf: {  	s1 =	simm.s32 $0x17;
	p2 =	por p1, p0  }
0x3d0: {  	_ =	swait.ge [sflag:s1], $0x3000;
	p3 =	seq.s32 @!p2 s20, $0xD  }
0x3d1: {  	[sflag:s1] =	ssyncset.done $0x0;
	s2 =	simm.s32 @!p3 $0x0;
	p4 =	por @!p0 p3, p1  }
0x3d2: {  	[sflag:s1] =	ssyncadd.s32 $0xFFFFD000;
	s2 =	simm.s32 @p3 $0x1;
	p4 =	por p4, p0  }
0x3d3: {  	s1 =	simm.s32 @!p0 $0x18;
	[smem:$0x7FB] =	sst s2;
	p5 =	slt.u32 @!p4 s20, $0xF  }
0x3d4: {  	_ =	swait.ge @!p0 [sflag:s1], $0x3000;
	s2 =	simm.s32 @!p5 $0x0  }
0x3d5: {  	[sflag:s1] =	ssyncset.done @!p0 $0x0;
	s2 =	simm.s32 @p5 $0x1  }
0x3d6: {  	[sflag:s1] =	ssyncadd.s32 @!p0 $0xFFFFD000;
	s1 =	simm.s32 @!p2 $0x19;
	[smem:$0x7FA] =	sst s2  }
0x3d7: {  	_ =	swait.ge @!p2 [sflag:s1], $0x3000  }
0x3d8: {  	[sflag:s1] =	ssyncset.done @!p2 $0x0  }
0x3d9: {  	[sflag:s1] =	ssyncadd.s32 @!p2 $0xFFFFD000;
	s1 =	simm.s32 @!p4 $0x1A  }
0x3da: {  	_ =	swait.ge @!p4 [sflag:s1], $0x3000  }
0x3db: {  	p6 =	por @!p2 p5, p3;
	s30 =	sld [smem:$0x7FA]  }
0x3dc: {  	p6 =	por @!p0 p6, p1;
	s31 =	sld [smem:$0x7FB]  }
0x3dd: {  	p6 =	por p6, p0  }
0x3de: {  	p5 =	seq.s32 @!p6 s20, $0xF;
	p3 =	seq.s32 s30, $0x1  }
0x3df: {  	[sflag:s1] =	ssyncset.done @!p4 $0x0;
	p5 =	por @!p4 p5, p3;
	p3 =	seq.s32 s31, $0x1  }
0x3e0: {  	[sflag:s1] =	ssyncadd.s32 @!p4 $0xFFFFD000;
	s1 =	simm.s32 @!p6 $0x1B;
	p2 =	por @!p2 p5, p3  }
0x3e1: {  	_ =	swait.ge @!p6 [sflag:s1], $0x3000;
	p1 =	por @!p0 p2, p1  }
.Ltmp10:
0x3e2: {  	[sflag:s1] =	ssyncset.done @!p6 $0x0;
	p0 =	por p1, p0;
	(pc) =	sbr.rel .LBB2_15-.Ltmp10, $4  }
0x3e3: {  	[sflag:s1] =	ssyncadd.s32 @!p6 $0xFFFFD000;
	s1 =	simm.s32 @!p0 $0x1C  }
0x3e4: {  	_ =	swait.ge @!p0 [sflag:s1], $0x3000  }
0x3e5: {  	[sflag:s1] =	ssyncset.done @!p0 $0x0  }
0x3e6: {  	[sflag:s1] =	ssyncadd.s32 @!p0 $0xFFFFD000  }
.LBB2_16:
0x3e7: {  	_ =	sfence.sel $0x180000  }
0x3e8: {  	[bflag:$0x0] =	sbarrier.arrive $0xFFFF  }
0x3e9: {  	_ =	strace $0x90000047  }
0x3ea: {  	s0 =	stileid.u32;
	[bflag:$0x2] =	sbarrier.arrive $0xFFFF  }
0x3eb: {  	p0 =	sne.s32 s0, $0x0;
	s0 =	rddreg [dreg:$0x4]  }
0x3ec: {  	s0 =	sadd.s32 @!p0 $0x100000, s0  }
0x3ed: {  	[sflag:s0] =	ssyncadd.tile.s32 @!p0 $0x1;
	_ =	shalt  }
.Lfunc_end2:
_tile_overlayer_lowered:
.L_overlay_start_2:
0x3ee: {  	(tag) =	ssettag $0x2  }
0x3ef: {  	s0 =	rddreg [dreg:$0x0];
	s2 =	stileid.u32  }
0x3f0: {  	s1 =	rddreg [dreg:$0x1];
	p0 =	sne.s32 s2, $0x0  }
0x3f1: {  	s3 =	rddreg [dreg:$0x2];
	[bflag:$0x3] =	sbarrier.arrive $0xFFFF;
	s2 =	simm.s32 @!p0 $0x1C1D  }
0x3f2: {  	[timem:s3], [sflag:s2] =	dma.local @!p0 [hbm:s0], s1  }
0x3f3: {  	s0 =	simm.s32 @!p0 $0x1D  }
0x3f4: {  	_ =	swait.ge @!p0 [sflag:s0], s1  }
0x3f5: {  	s1 =	ssub.s32 @!p0 $0x0, s1;
	[sflag:s0] =	ssyncset.done @!p0 $0x0  }
0x3f6: {  	[sflag:s0] =	ssyncadd.s32 @!p0 s1  }
0x3f7: {  	[bflag:$0x3] =	sbarrier.arrive $0xFFFF  }
0x3f8: {  	_ =	shalt  }

</sc_bundles>
